<compile_context>
chip_gen: v7x
topology: tpu7x:2x2x1
jax: 0.10.2.dev20260603
libtpu: 0.0.44.dev20260713+nightly
codegen_flags: <defaults>
</compile_context>

<pallas_src>
import jax
import jax.numpy as jnp
from jax.experimental import pallas as pl
from jax.experimental.pallas import tpu as pltpu
from jax.experimental.pallas import tpu_sc as plsc

_E = 64
_D = 768
_H = 128
_S = 2048
_A = 6

_NSUB = 16
_EPT = _E // _NSUB
_L = 16


def _sc_router_body(x_hbm, rwt_hbm, out_hbm, xv, wv, resv, gatv, outv, allv,
                    sem_x, sem_w):
    cid = jax.lax.axis_index("c")
    sid = jax.lax.axis_index("s")
    ii = jax.lax.iota(jnp.int32, _L)

    def lane_all(v, op):
        for k in range(4):
            perm = jax.lax.bitwise_xor(ii, 1 << k)
            v = op(v, v.at[perm].get(mode="promise_in_bounds"))
        return v

    @pl.when(cid == 0)
    def _():
        cp_x = pltpu.make_async_copy(x_hbm.at[0], xv, sem_x)
        cp_w = pltpu.make_async_copy(
            rwt_hbm.at[pl.ds(sid * _EPT, _EPT), :], wv, sem_w)
        cp_x.start()
        cp_w.start()
        cp_x.wait()
        cp_w.wait()
        res = jnp.zeros((_L,), jnp.float32)
        for el in range(_EPT):
            acc = jnp.zeros((_L,), jnp.float32)
            for c in range(_D // _L):
                acc = acc + xv[pl.ds(c * _L, _L)] * wv[el, pl.ds(c * _L, _L)]
            res = jnp.where(ii == el, lane_all(acc, jnp.add), res)
        resv[...] = res
        pltpu.sync_copy(resv, allv.at[pl.ds(sid * _L, _L)])

    plsc.subcore_barrier()

    @pl.when((cid == 0) & (sid == 0))
    def _():
        pltpu.sync_copy(allv, gatv)
        neg = jnp.float32(-3.4e38)
        valid = ii < _EPT
        rows = []
        mx = jnp.full((_L,), neg)
        for i in range(_NSUB):
            row = jnp.where(valid, gatv[pl.ds(i * _L, _L)], neg)
            rows.append(row)
            mx = jnp.maximum(mx, row)
        gmax = lane_all(mx, jnp.maximum)
        pv = jnp.zeros((_L,), jnp.float32)
        probs = []
        for i in range(_NSUB):
            p = jnp.where(valid, jnp.exp(rows[i] - gmax), 0.0)
            probs.append(p)
            pv = jnp.maximum(pv, p)
        pmax = lane_all(pv, jnp.maximum)
        bestv = jnp.full((_L,), _E, jnp.int32)
        for i in range(_NSUB):
            ids = jnp.where((probs[i] >= pmax) & valid, _EPT * i + ii, _E)
            bestv = jnp.minimum(bestv, ids)
        best = lane_all(bestv, jnp.minimum)
        outv[...] = jnp.where(ii == 0, best, 0)
        pltpu.sync_copy(outv, out_hbm)


def _sc_router(x, router_W):
    rwt = jnp.swapaxes(router_W, 0, 1)
    mesh = plsc.VectorSubcoreMesh(core_axis_name="c", subcore_axis_name="s")
    run = pl.kernel(
        _sc_router_body,
        out_type=jax.ShapeDtypeStruct((_L,), jnp.int32),
        mesh=mesh,
        scratch_types=[
            pltpu.VMEM((_D,), jnp.float32),
            pltpu.VMEM((_EPT, _D), jnp.float32),
            pltpu.VMEM((_L,), jnp.float32),
            pltpu.VMEM((_NSUB * _L,), jnp.float32),
            pltpu.VMEM((_L,), jnp.int32),
            pltpu.VMEM_SHARED((_NSUB * _L,), jnp.float32),
            pltpu.SemaphoreType.DMA,
            pltpu.SemaphoreType.DMA,
        ],
    )
    return run(x, rwt)


def _main_body(e_ref, hid_ref, x_ref, df_ref, wemb_ref, bemb_ref, wi_ref,
               wh_ref, bi_ref, bh_ref, wa1_ref, ba1_ref, wa2_ref, ba2_ref,
               wc1_ref, bc1_ref, wc2_ref, bc2_ref,
               nh_ref, pi_ref, val_ref, gi_ref, y_ref):
    e = e_ref[0]

    emb = jnp.maximum(
        jnp.dot(x_ref[...], wemb_ref[0], preferred_element_type=jnp.float32)
        + bemb_ref[pl.ds(e, 1), :],
        0.0,
    )
    col = jax.lax.broadcasted_iota(jnp.int32, (1, 3 * _H), 1)
    scale = jnp.where(col < 2 * _H, 0.5, 1.0)
    gi_ref[...] = (
        jnp.dot(emb, wi_ref[0], preferred_element_type=jnp.float32)
        + bi_ref[pl.ds(e, 1), :]
    ) * scale

    wh = wh_ref[0]
    bh05 = 0.5 * bh_ref[pl.ds(e, 1), :]
    h0 = hid_ref[pl.ds(e, 1), 0, :]

    def step(t, h):
        k = 1.0 - df_ref[0, t]
        c = 0.5 * k
        hu2 = c * h
        hc = jnp.reshape(h, (_H, 1))
        m = jnp.sum(hc * wh, axis=0, keepdims=True)
        gh2 = m * c + bh05
        a = gi_ref[pl.ds(t, 1), :] + gh2
        t_rz = jnp.tanh(a[:, :2 * _H])
        tz = t_rz[:, _H:]
        acc = hu2 * (1.0 + tz)
        wn = 0.5 * (1.0 - tz)
        n = jnp.tanh(a[:, 2 * _H:] + t_rz[:, :_H] * gh2[:, 2 * _H:])
        hn = acc + n * wn
        y_ref[pl.ds(t, 1), :] = hn
        return hn

    hT = jax.lax.fori_loop(0, _S, step, h0, unroll=8)

    y = y_ref[...]
    am = jnp.maximum(
        jnp.dot(y, wa1_ref[0], preferred_element_type=jnp.float32)
        + ba1_ref[pl.ds(e, 1), :],
        0.0,
    )
    pi_ref[...] = (
        jax.lax.dot_general(am, wa2_ref[0], (((1,), (1,)), ((), ())),
                            preferred_element_type=jnp.float32)
        + ba2_ref[pl.ds(e, 1), :]
    )
    cm = jnp.maximum(
        jnp.dot(y, wc1_ref[0], preferred_element_type=jnp.float32)
        + bc1_ref[pl.ds(e, 1), :],
        0.0,
    )
    val_ref[...] = (
        jnp.dot(cm, wc2_ref[pl.ds(e, 1), :, :][0],
                preferred_element_type=jnp.float32)
        + bc2_ref[e, 0]
    )

    nh_ref[...] = hid_ref[...]
    nh_ref[pl.ds(e, 1), 0, :] = hT


def kernel(hiddens, x, dones, router_W, W_emb, b_emb, Wi, Wh, bi, bh,
           Wa1, ba1, Wa2, ba2, Wc1, bc1, Wc2, bc2):
    e_idx = _sc_router(x, router_W)

    df = dones.astype(jnp.float32).reshape(1, _S)

    grid_spec = pltpu.PrefetchScalarGridSpec(
        num_scalar_prefetch=1,
        grid=(1,),
        in_specs=[
            pl.BlockSpec((_E, 1, _H), lambda i, e: (0, 0, 0)),
            pl.BlockSpec((_S, _D), lambda i, e: (0, 0)),
            pl.BlockSpec(memory_space=pltpu.SMEM),
            pl.BlockSpec((1, _D, _H), lambda i, e: (e[0], 0, 0)),
            pl.BlockSpec((_E, _H), lambda i, e: (0, 0)),
            pl.BlockSpec((1, _H, 3 * _H), lambda i, e: (e[0], 0, 0)),
            pl.BlockSpec((1, _H, 3 * _H), lambda i, e: (e[0], 0, 0)),
            pl.BlockSpec((_E, 3 * _H), lambda i, e: (0, 0)),
            pl.BlockSpec((_E, 3 * _H), lambda i, e: (0, 0)),
            pl.BlockSpec((1, _H, _H), lambda i, e: (e[0], 0, 0)),
            pl.BlockSpec((_E, _H), lambda i, e: (0, 0)),
            pl.BlockSpec((1, _A, _H), lambda i, e: (e[0], 0, 0)),
            pl.BlockSpec((_E, _A), lambda i, e: (0, 0)),
            pl.BlockSpec((1, _H, _H), lambda i, e: (e[0], 0, 0)),
            pl.BlockSpec((_E, _H), lambda i, e: (0, 0)),
            pl.BlockSpec((_E, _H, 1), lambda i, e: (0, 0, 0)),
            pl.BlockSpec(memory_space=pltpu.SMEM),
        ],
        out_specs=[
            pl.BlockSpec((_E, 1, _H), lambda i, e: (0, 0, 0)),
            pl.BlockSpec((_S, _A), lambda i, e: (0, 0)),
            pl.BlockSpec((_S, 1), lambda i, e: (0, 0)),
        ],
        scratch_shapes=[
            pltpu.VMEM((_S, 3 * _H), jnp.float32),
            pltpu.VMEM((_S, _H), jnp.float32),
        ],
    )

    new_hiddens, pi_logits, value2d = pl.pallas_call(
        _main_body,
        grid_spec=grid_spec,
        out_shape=[
            jax.ShapeDtypeStruct((_E, 1, _H), jnp.float32),
            jax.ShapeDtypeStruct((_S, _A), jnp.float32),
            jax.ShapeDtypeStruct((_S, 1), jnp.float32),
        ],
    )(e_idx, hiddens, x, df, W_emb, b_emb, Wi, Wh, bi, bh,
      Wa1, ba1, jnp.swapaxes(Wa2, 1, 2), ba2, Wc1, bc1, Wc2, bc2)

    return new_hiddens, pi_logits, value2d[:, 0]

# --- scband reference (transcript-rebuilt; emitter-appended) ---
"""Pipeline reference for scband-actor-critic-mo-e-15092515078724 (READ-ONLY COPY).

The authoritative reference and input builder live on the scoring server;
editing this copy changes nothing except your own understanding.
"""

import jax, jax.numpy as jnp
import numpy as np

E = 64
D = 768
H = 128
S = 2048
A = 6
K = 1

def setup_inputs(seed: int = 0):
    key = jax.random.key(seed)
    ks = jax.random.split(key, 16)
    s = 0.02
    return {
        "hiddens": jnp.zeros((E, 1, H), jnp.float32),
        "x": jax.random.normal(ks[0], (S, D), jnp.float32),
        "dones": jnp.zeros((S, 1), dtype=bool),
        "router_W": jax.random.normal(ks[1], (D, E), jnp.float32) * s,
        "W_emb": jax.random.normal(ks[2], (E, D, H), jnp.float32) * s,
        "b_emb": jnp.zeros((E, H), jnp.float32),
        "Wi": jax.random.normal(ks[3], (E, H, 3 * H), jnp.float32) * s,
        "Wh": jax.random.normal(ks[4], (E, H, 3 * H), jnp.float32) * s,
        "bi": jnp.zeros((E, 3 * H), jnp.float32),
        "bh": jnp.zeros((E, 3 * H), jnp.float32),
        "Wa1": jax.random.normal(ks[5], (E, H, H), jnp.float32) * s,
        "ba1": jnp.zeros((E, H), jnp.float32),
        "Wa2": jax.random.normal(ks[6], (E, H, A), jnp.float32) * s,
        "ba2": jnp.zeros((E, A), jnp.float32),
        "Wc1": jax.random.normal(ks[7], (E, H, H), jnp.float32) * s,
        "bc1": jnp.zeros((E, H), jnp.float32),
        "Wc2": jax.random.normal(ks[8], (E, H, 1), jnp.float32) * s,
        "bc2": jnp.zeros((E, 1), jnp.float32),
    }

def reference(hiddens, x, dones, router_W, W_emb, b_emb, Wi, Wh, bi, bh, Wa1, ba1, Wa2, ba2, Wc1, bc1, Wc2, bc2):
    # TopKRouter: linear projection -> softmax -> top_k
    logits = x @ router_W
    probs = jax.nn.softmax(logits, axis=-1)
    top_w, top_e = jax.lax.top_k(probs, K)
    # original picks the top expert of the first token for the whole sequence
    e = top_e[0, 0]
    # selected ActorCriticRNN expert (params gathered from stacked expert params)
    emb = jax.nn.relu(x @ W_emb[e] + b_emb[e])
    obs = emb[:, None, :]  # (S, 1, H): time-major, batch=1
    h0 = hiddens[e]        # (1, H)
    wi, wh, bii, bhh = Wi[e], Wh[e], bi[e], bh[e]
    def step(h, inp):
        ins, reset = inp
        h = jnp.where(reset[:, None], jnp.zeros_like(h), h)  # re-init carry on done
        gi = ins @ wi + bii
        gh = h @ wh + bhh
        r = jax.nn.sigmoid(gi[:, :H] + gh[:, :H])
        z = jax.nn.sigmoid(gi[:, H:2 * H] + gh[:, H:2 * H])
        n = jnp.tanh(gi[:, 2 * H:] + r * gh[:, 2 * H:])
        hn = (1.0 - z) * n + z * h
        return hn, hn
    hT, ys = jax.lax.scan(step, h0, (obs, dones))
    y = ys[:, 0, :]
    am = jax.nn.relu(y @ Wa1[e] + ba1[e])
    pi_logits = am @ Wa2[e] + ba2[e]
    cm = jax.nn.relu(y @ Wc1[e] + bc1[e])
    value = jnp.squeeze(cm @ Wc2[e] + bc2[e], axis=-1)
    new_hiddens = hiddens.at[e].set(hT)
    return new_hiddens, pi_logits, value

if __name__ == "__main__":
    import jax
    _d = setup_inputs()
    print(jax.jit(kernel)(*tuple(_d.values())))

</pallas_src>

<mosaic_0001>
#map = affine_map<(d0, d1) -> (0, 0)>
#map1 = affine_map<(d0, d1) -> (0)>
module attributes {stable_mosaic.version = 14 : i64} {
  func.func @_sc_router_body(%arg0: i32, %arg1: i32, %arg2: memref<2048x768xf32, #tpu.memory_space<hbm>>, %arg3: memref<64x768xf32, #tpu.memory_space<hbm>>, %arg4: memref<16xi32, #tpu.memory_space<hbm>>, %arg5: memref<768xf32, #tpu.memory_space<vmem>>, %arg6: memref<4x768xf32, #tpu.memory_space<vmem>>, %arg7: memref<16xf32, #tpu.memory_space<vmem>>, %arg8: memref<256xf32, #tpu.memory_space<vmem>>, %arg9: memref<16xi32, #tpu.memory_space<vmem>>, %arg10: memref<256xf32, #tpu.memory_space<vmem_shared>>, %arg11: memref<!tpu.dma_semaphore, #tpu.memory_space<semaphore_mem>>, %arg12: memref<!tpu.dma_semaphore, #tpu.memory_space<semaphore_mem>>) attributes {dimension_semantics = [#tpu.dimension_semantics<core_parallel>, #tpu.dimension_semantics<subcore_parallel>], iteration_bounds = array<i64: 2, 16>, scalar_prefetch = 0 : i64, scratch_operands = 8 : i64, tpu.core_type = #tpu.core_type<sc_vector_subcore>, window_params = [{transform_indices = #map}, {transform_indices = #map}, {transform_indices = #map1}]} {
    %iota3A = tpu.iota {dimensions = array<i32: 0>} : vector<16xi32>
    %eq3A = arith.constant 0 : i32
    %eq3A_0 = arith.cmpi eq, %arg0, %eq3A : i32
    %convert_element_type3A = arith.extui %eq3A_0 : i1 to i32
    %cond3A = arith.constant 0 : i32
    %cond3A_1 = arith.cmpi ne, %convert_element_type3A, %cond3A : i32
    scf.if %cond3A_1 {
      %mul3A = arith.constant 4 : i32
      %mul3A_9 = arith.muli %arg1, %mul3A : i32
      %dma_start3A = arith.constant 0 : i32
      %dma_start3A_10 = arith.constant 0 : i32
      %dma_start3A_11 = tpu.memref_slice %arg2[%dma_start3A, %dma_start3A_10] : memref<2048x768xf32, #tpu.memory_space<hbm>> -> memref<1x768xf32, #tpu.memory_space<hbm>>
      %dma_start3A_12 = tpu.memref_squeeze %dma_start3A_11 : memref<1x768xf32, #tpu.memory_space<hbm>> -> memref<768xf32, #tpu.memory_space<hbm>>
      %dma_start3A_13 = arith.constant 0 : i32
      %dma_start3A_14 = tpu.memref_slice %arg2[%dma_start3A, %dma_start3A_13] : memref<2048x768xf32, #tpu.memory_space<hbm>> -> memref<1x768xf32, #tpu.memory_space<hbm>>
      %dma_start3A_15 = tpu.memref_squeeze %dma_start3A_14 : memref<1x768xf32, #tpu.memory_space<hbm>> -> memref<768xf32, #tpu.memory_space<hbm>>
      tpu.enqueue_dma source(%dma_start3A_15 : memref<768xf32, #tpu.memory_space<hbm>>) target(%arg5 : memref<768xf32, #tpu.memory_space<vmem>>) target_semaphore(%arg11 : memref<!tpu.dma_semaphore, #tpu.memory_space<semaphore_mem>>)
      %dma_start3A_16 = arith.constant 0 : i32
      %dma_start3A_17 = tpu.memref_slice %arg3[%mul3A_9, %dma_start3A_16] : memref<64x768xf32, #tpu.memory_space<hbm>> -> memref<4x768xf32, #tpu.memory_space<hbm>>
      %dma_start3A_18 = arith.constant 0 : i32
      %dma_start3A_19 = tpu.memref_slice %arg3[%mul3A_9, %dma_start3A_18] : memref<64x768xf32, #tpu.memory_space<hbm>> -> memref<4x768xf32, #tpu.memory_space<hbm>>
      tpu.enqueue_dma source(%dma_start3A_19 : memref<4x768xf32, #tpu.memory_space<hbm>>) target(%arg6 : memref<4x768xf32, #tpu.memory_space<vmem>>) target_semaphore(%arg12 : memref<!tpu.dma_semaphore, #tpu.memory_space<semaphore_mem>>)
      %dma_wait3A = arith.constant 0 : i32
      %dma_wait3A_20 = arith.constant 0 : i32
      %dma_wait3A_21 = tpu.memref_slice %arg2[%dma_wait3A, %dma_wait3A_20] : memref<2048x768xf32, #tpu.memory_space<hbm>> -> memref<1x768xf32, #tpu.memory_space<hbm>>
      %dma_wait3A_22 = tpu.memref_squeeze %dma_wait3A_21 : memref<1x768xf32, #tpu.memory_space<hbm>> -> memref<768xf32, #tpu.memory_space<hbm>>
      %dma_wait3A_23 = arith.constant 0 : i32
      %dma_wait3A_24 = tpu.memref_slice %arg2[%dma_wait3A, %dma_wait3A_23] : memref<2048x768xf32, #tpu.memory_space<hbm>> -> memref<1x768xf32, #tpu.memory_space<hbm>>
      %dma_wait3A_25 = tpu.memref_squeeze %dma_wait3A_24 : memref<1x768xf32, #tpu.memory_space<hbm>> -> memref<768xf32, #tpu.memory_space<hbm>>
      tpu.wait_dma2 semaphore(%arg11 : memref<!tpu.dma_semaphore, #tpu.memory_space<semaphore_mem>>) src(%dma_wait3A_25 : memref<768xf32, #tpu.memory_space<hbm>>) dst(%arg5 : memref<768xf32, #tpu.memory_space<vmem>>)
      %dma_wait3A_26 = arith.constant 0 : i32
      %dma_wait3A_27 = tpu.memref_slice %arg3[%mul3A_9, %dma_wait3A_26] : memref<64x768xf32, #tpu.memory_space<hbm>> -> memref<4x768xf32, #tpu.memory_space<hbm>>
      %dma_wait3A_28 = arith.constant 0 : i32
      %dma_wait3A_29 = tpu.memref_slice %arg3[%mul3A_9, %dma_wait3A_28] : memref<64x768xf32, #tpu.memory_space<hbm>> -> memref<4x768xf32, #tpu.memory_space<hbm>>
      tpu.wait_dma2 semaphore(%arg12 : memref<!tpu.dma_semaphore, #tpu.memory_space<semaphore_mem>>) src(%dma_wait3A_29 : memref<4x768xf32, #tpu.memory_space<hbm>>) dst(%arg6 : memref<4x768xf32, #tpu.memory_space<vmem>>)
      %broadcast_in_dim3A = arith.constant 0.000000e+00 : f32
      %broadcast_in_dim3A_30 = vector.broadcast %broadcast_in_dim3A : f32 to vector<16xf32>
      %broadcast_in_dim3A_31 = arith.constant 0.000000e+00 : f32
      %broadcast_in_dim3A_32 = vector.broadcast %broadcast_in_dim3A_31 : f32 to vector<16xf32>
      %get3A = arith.constant 0 : index
      %get3A_33 = tpu.vector_load %arg5[%get3A] {strides = array<i32>} : memref<768xf32, #tpu.memory_space<vmem>>, vector<16xf32>,
      %get3A_34 = vector.shape_cast %get3A_33 : vector<16xf32> to vector<16xf32>
      %get3A_35 = arith.constant 0 : i32
      %get3A_36 = arith.index_cast %get3A_35 : i32 to index
      %get3A_37 = arith.constant 0 : index
      %get3A_38 = tpu.vector_load %arg6[%get3A_36, %get3A_37] {strides = array<i32>} : memref<4x768xf32, #tpu.memory_space<vmem>>, vector<1x16xf32>,
      %get3A_39 = vector.shape_cast %get3A_38 : vector<1x16xf32> to vector<16xf32>
      %mul3A_40 = arith.mulf %get3A_34, %get3A_39 : vector<16xf32>
      %add3A = arith.addf %broadcast_in_dim3A_32, %mul3A_40 : vector<16xf32>
      %get3A_41 = arith.constant 16 : index
      %get3A_42 = tpu.vector_load %arg5[%get3A_41] {strides = array<i32>} : memref<768xf32, #tpu.memory_space<vmem>>, vector<16xf32>,
      %get3A_43 = vector.shape_cast %get3A_42 : vector<16xf32> to vector<16xf32>
      %get3A_44 = arith.constant 0 : i32
      %get3A_45 = arith.index_cast %get3A_44 : i32 to index
      %get3A_46 = arith.constant 16 : index
      %get3A_47 = tpu.vector_load %arg6[%get3A_45, %get3A_46] {strides = array<i32>} : memref<4x768xf32, #tpu.memory_space<vmem>>, vector<1x16xf32>,
      %get3A_48 = vector.shape_cast %get3A_47 : vector<1x16xf32> to vector<16xf32>
      %mul3A_49 = arith.mulf %get3A_43, %get3A_48 : vector<16xf32>
      %add3A_50 = arith.addf %add3A, %mul3A_49 : vector<16xf32>
      %get3A_51 = arith.constant 32 : index
      %get3A_52 = tpu.vector_load %arg5[%get3A_51] {strides = array<i32>} : memref<768xf32, #tpu.memory_space<vmem>>, vector<16xf32>,
      %get3A_53 = vector.shape_cast %get3A_52 : vector<16xf32> to vector<16xf32>
      %get3A_54 = arith.constant 0 : i32
      %get3A_55 = arith.index_cast %get3A_54 : i32 to index
      %get3A_56 = arith.constant 32 : index
      %get3A_57 = tpu.vector_load %arg6[%get3A_55, %get3A_56] {strides = array<i32>} : memref<4x768xf32, #tpu.memory_space<vmem>>, vector<1x16xf32>,
      %get3A_58 = vector.shape_cast %get3A_57 : vector<1x16xf32> to vector<16xf32>
      %mul3A_59 = arith.mulf %get3A_53, %get3A_58 : vector<16xf32>
      %add3A_60 = arith.addf %add3A_50, %mul3A_59 : vector<16xf32>
      %get3A_61 = arith.constant 48 : index
      %get3A_62 = tpu.vector_load %arg5[%get3A_61] {strides = array<i32>} : memref<768xf32, #tpu.memory_space<vmem>>, vector<16xf32>,
      %get3A_63 = vector.shape_cast %get3A_62 : vector<16xf32> to vector<16xf32>
      %get3A_64 = arith.constant 0 : i32
      %get3A_65 = arith.index_cast %get3A_64 : i32 to index
      %get3A_66 = arith.constant 48 : index
      %get3A_67 = tpu.vector_load %arg6[%get3A_65, %get3A_66] {strides = array<i32>} : memref<4x768xf32, #tpu.memory_space<vmem>>, vector<1x16xf32>,
      %get3A_68 = vector.shape_cast %get3A_67 : vector<1x16xf32> to vector<16xf32>
      %mul3A_69 = arith.mulf %get3A_63, %get3A_68 : vector<16xf32>
      %add3A_70 = arith.addf %add3A_60, %mul3A_69 : vector<16xf32>
      %get3A_71 = arith.constant 64 : index
      %get3A_72 = tpu.vector_load %arg5[%get3A_71] {strides = array<i32>} : memref<768xf32, #tpu.memory_space<vmem>>, vector<16xf32>,
      %get3A_73 = vector.shape_cast %get3A_72 : vector<16xf32> to vector<16xf32>
      %get3A_74 = arith.constant 0 : i32
      %get3A_75 = arith.index_cast %get3A_74 : i32 to index
      %get3A_76 = arith.constant 64 : index
      %get3A_77 = tpu.vector_load %arg6[%get3A_75, %get3A_76] {strides = array<i32>} : memref<4x768xf32, #tpu.memory_space<vmem>>, vector<1x16xf32>,
      %get3A_78 = vector.shape_cast %get3A_77 : vector<1x16xf32> to vector<16xf32>
      %mul3A_79 = arith.mulf %get3A_73, %get3A_78 : vector<16xf32>
      %add3A_80 = arith.addf %add3A_70, %mul3A_79 : vector<16xf32>
      %get3A_81 = arith.constant 80 : index
      %get3A_82 = tpu.vector_load %arg5[%get3A_81] {strides = array<i32>} : memref<768xf32, #tpu.memory_space<vmem>>, vector<16xf32>,
      %get3A_83 = vector.shape_cast %get3A_82 : vector<16xf32> to vector<16xf32>
      %get3A_84 = arith.constant 0 : i32
      %get3A_85 = arith.index_cast %get3A_84 : i32 to index
      %get3A_86 = arith.constant 80 : index
      %get3A_87 = tpu.vector_load %arg6[%get3A_85, %get3A_86] {strides = array<i32>} : memref<4x768xf32, #tpu.memory_space<vmem>>, vector<1x16xf32>,
      %get3A_88 = vector.shape_cast %get3A_87 : vector<1x16xf32> to vector<16xf32>
      %mul3A_89 = arith.mulf %get3A_83, %get3A_88 : vector<16xf32>
      %add3A_90 = arith.addf %add3A_80, %mul3A_89 : vector<16xf32>
      %get3A_91 = arith.constant 96 : index
      %get3A_92 = tpu.vector_load %arg5[%get3A_91] {strides = array<i32>} : memref<768xf32, #tpu.memory_space<vmem>>, vector<16xf32>,
      %get3A_93 = vector.shape_cast %get3A_92 : vector<16xf32> to vector<16xf32>
      %get3A_94 = arith.constant 0 : i32
      %get3A_95 = arith.index_cast %get3A_94 : i32 to index
      %get3A_96 = arith.constant 96 : index
      %get3A_97 = tpu.vector_load %arg6[%get3A_95, %get3A_96] {strides = array<i32>} : memref<4x768xf32, #tpu.memory_space<vmem>>, vector<1x16xf32>,
      %get3A_98 = vector.shape_cast %get3A_97 : vector<1x16xf32> to vector<16xf32>
      %mul3A_99 = arith.mulf %get3A_93, %get3A_98 : vector<16xf32>
      %add3A_100 = arith.addf %add3A_90, %mul3A_99 : vector<16xf32>
      %get3A_101 = arith.constant 112 : index
      %get3A_102 = tpu.vector_load %arg5[%get3A_101] {strides = array<i32>} : memref<768xf32, #tpu.memory_space<vmem>>, vector<16xf32>,
      %get3A_103 = vector.shape_cast %get3A_102 : vector<16xf32> to vector<16xf32>
      %get3A_104 = arith.constant 0 : i32
      %get3A_105 = arith.index_cast %get3A_104 : i32 to index
      %get3A_106 = arith.constant 112 : index
      %get3A_107 = tpu.vector_load %arg6[%get3A_105, %get3A_106] {strides = array<i32>} : memref<4x768xf32, #tpu.memory_space<vmem>>, vector<1x16xf32>,
      %get3A_108 = vector.shape_cast %get3A_107 : vector<1x16xf32> to vector<16xf32>
      %mul3A_109 = arith.mulf %get3A_103, %get3A_108 : vector<16xf32>
      %add3A_110 = arith.addf %add3A_100, %mul3A_109 : vector<16xf32>
      %get3A_111 = arith.constant 128 : index
      %get3A_112 = tpu.vector_load %arg5[%get3A_111] {strides = array<i32>} : memref<768xf32, #tpu.memory_space<vmem>>, vector<16xf32>,
      %get3A_113 = vector.shape_cast %get3A_112 : vector<16xf32> to vector<16xf32>
      %get3A_114 = arith.constant 0 : i32
      %get3A_115 = arith.index_cast %get3A_114 : i32 to index
      %get3A_116 = arith.constant 128 : index
      %get3A_117 = tpu.vector_load %arg6[%get3A_115, %get3A_116] {strides = array<i32>} : memref<4x768xf32, #tpu.memory_space<vmem>>, vector<1x16xf32>,
      %get3A_118 = vector.shape_cast %get3A_117 : vector<1x16xf32> to vector<16xf32>
      %mul3A_119 = arith.mulf %get3A_113, %get3A_118 : vector<16xf32>
      %add3A_120 = arith.addf %add3A_110, %mul3A_119 : vector<16xf32>
      %get3A_121 = arith.constant 144 : index
      %get3A_122 = tpu.vector_load %arg5[%get3A_121] {strides = array<i32>} : memref<768xf32, #tpu.memory_space<vmem>>, vector<16xf32>,
      %get3A_123 = vector.shape_cast %get3A_122 : vector<16xf32> to vector<16xf32>
      %get3A_124 = arith.constant 0 : i32
      %get3A_125 = arith.index_cast %get3A_124 : i32 to index
      %get3A_126 = arith.constant 144 : index
      %get3A_127 = tpu.vector_load %arg6[%get3A_125, %get3A_126] {strides = array<i32>} : memref<4x768xf32, #tpu.memory_space<vmem>>, vector<1x16xf32>,
      %get3A_128 = vector.shape_cast %get3A_127 : vector<1x16xf32> to vector<16xf32>
      %mul3A_129 = arith.mulf %get3A_123, %get3A_128 : vector<16xf32>
      %add3A_130 = arith.addf %add3A_120, %mul3A_129 : vector<16xf32>
      %get3A_131 = arith.constant 160 : index
      %get3A_132 = tpu.vector_load %arg5[%get3A_131] {strides = array<i32>} : memref<768xf32, #tpu.memory_space<vmem>>, vector<16xf32>,
      %get3A_133 = vector.shape_cast %get3A_132 : vector<16xf32> to vector<16xf32>
      %get3A_134 = arith.constant 0 : i32
      %get3A_135 = arith.index_cast %get3A_134 : i32 to index
      %get3A_136 = arith.constant 160 : index
      %get3A_137 = tpu.vector_load %arg6[%get3A_135, %get3A_136] {strides = array<i32>} : memref<4x768xf32, #tpu.memory_space<vmem>>, vector<1x16xf32>,
      %get3A_138 = vector.shape_cast %get3A_137 : vector<1x16xf32> to vector<16xf32>
      %mul3A_139 = arith.mulf %get3A_133, %get3A_138 : vector<16xf32>
      %add3A_140 = arith.addf %add3A_130, %mul3A_139 : vector<16xf32>
      %get3A_141 = arith.constant 176 : index
      %get3A_142 = tpu.vector_load %arg5[%get3A_141] {strides = array<i32>} : memref<768xf32, #tpu.memory_space<vmem>>, vector<16xf32>,
      %get3A_143 = vector.shape_cast %get3A_142 : vector<16xf32> to vector<16xf32>
      %get3A_144 = arith.constant 0 : i32
      %get3A_145 = arith.index_cast %get3A_144 : i32 to index
      %get3A_146 = arith.constant 176 : index
      %get3A_147 = tpu.vector_load %arg6[%get3A_145, %get3A_146] {strides = array<i32>} : memref<4x768xf32, #tpu.memory_space<vmem>>, vector<1x16xf32>,
      %get3A_148 = vector.shape_cast %get3A_147 : vector<1x16xf32> to vector<16xf32>
      %mul3A_149 = arith.mulf %get3A_143, %get3A_148 : vector<16xf32>
      %add3A_150 = arith.addf %add3A_140, %mul3A_149 : vector<16xf32>
      %get3A_151 = arith.constant 192 : index
      %get3A_152 = tpu.vector_load %arg5[%get3A_151] {strides = array<i32>} : memref<768xf32, #tpu.memory_space<vmem>>, vector<16xf32>,
      %get3A_153 = vector.shape_cast %get3A_152 : vector<16xf32> to vector<16xf32>
      %get3A_154 = arith.constant 0 : i32
      %get3A_155 = arith.index_cast %get3A_154 : i32 to index
      %get3A_156 = arith.constant 192 : index
      %get3A_157 = tpu.vector_load %arg6[%get3A_155, %get3A_156] {strides = array<i32>} : memref<4x768xf32, #tpu.memory_space<vmem>>, vector<1x16xf32>,
      %get3A_158 = vector.shape_cast %get3A_157 : vector<1x16xf32> to vector<16xf32>
      %mul3A_159 = arith.mulf %get3A_153, %get3A_158 : vector<16xf32>
      %add3A_160 = arith.addf %add3A_150, %mul3A_159 : vector<16xf32>
      %get3A_161 = arith.constant 208 : index
      %get3A_162 = tpu.vector_load %arg5[%get3A_161] {strides = array<i32>} : memref<768xf32, #tpu.memory_space<vmem>>, vector<16xf32>,
      %get3A_163 = vector.shape_cast %get3A_162 : vector<16xf32> to vector<16xf32>
      %get3A_164 = arith.constant 0 : i32
      %get3A_165 = arith.index_cast %get3A_164 : i32 to index
      %get3A_166 = arith.constant 208 : index
      %get3A_167 = tpu.vector_load %arg6[%get3A_165, %get3A_166] {strides = array<i32>} : memref<4x768xf32, #tpu.memory_space<vmem>>, vector<1x16xf32>,
      %get3A_168 = vector.shape_cast %get3A_167 : vector<1x16xf32> to vector<16xf32>
      %mul3A_169 = arith.mulf %get3A_163, %get3A_168 : vector<16xf32>
      %add3A_170 = arith.addf %add3A_160, %mul3A_169 : vector<16xf32>
      %get3A_171 = arith.constant 224 : index
      %get3A_172 = tpu.vector_load %arg5[%get3A_171] {strides = array<i32>} : memref<768xf32, #tpu.memory_space<vmem>>, vector<16xf32>,
      %get3A_173 = vector.shape_cast %get3A_172 : vector<16xf32> to vector<16xf32>
      %get3A_174 = arith.constant 0 : i32
      %get3A_175 = arith.index_cast %get3A_174 : i32 to index
      %get3A_176 = arith.constant 224 : index
      %get3A_177 = tpu.vector_load %arg6[%get3A_175, %get3A_176] {strides = array<i32>} : memref<4x768xf32, #tpu.memory_space<vmem>>, vector<1x16xf32>,
      %get3A_178 = vector.shape_cast %get3A_177 : vector<1x16xf32> to vector<16xf32>
      %mul3A_179 = arith.mulf %get3A_173, %get3A_178 : vector<16xf32>
      %add3A_180 = arith.addf %add3A_170, %mul3A_179 : vector<16xf32>
      %get3A_181 = arith.constant 240 : index
      %get3A_182 = tpu.vector_load %arg5[%get3A_181] {strides = array<i32>} : memref<768xf32, #tpu.memory_space<vmem>>, vector<16xf32>,
      %get3A_183 = vector.shape_cast %get3A_182 : vector<16xf32> to vector<16xf32>
      %get3A_184 = arith.constant 0 : i32
      %get3A_185 = arith.index_cast %get3A_184 : i32 to index
      %get3A_186 = arith.constant 240 : index
      %get3A_187 = tpu.vector_load %arg6[%get3A_185, %get3A_186] {strides = array<i32>} : memref<4x768xf32, #tpu.memory_space<vmem>>, vector<1x16xf32>,
      %get3A_188 = vector.shape_cast %get3A_187 : vector<1x16xf32> to vector<16xf32>
      %mul3A_189 = arith.mulf %get3A_183, %get3A_188 : vector<16xf32>
      %add3A_190 = arith.addf %add3A_180, %mul3A_189 : vector<16xf32>
      %get3A_191 = arith.constant 256 : index
      %get3A_192 = tpu.vector_load %arg5[%get3A_191] {strides = array<i32>} : memref<768xf32, #tpu.memory_space<vmem>>, vector<16xf32>,
      %get3A_193 = vector.shape_cast %get3A_192 : vector<16xf32> to vector<16xf32>
      %get3A_194 = arith.constant 0 : i32
      %get3A_195 = arith.index_cast %get3A_194 : i32 to index
      %get3A_196 = arith.constant 256 : index
      %get3A_197 = tpu.vector_load %arg6[%get3A_195, %get3A_196] {strides = array<i32>} : memref<4x768xf32, #tpu.memory_space<vmem>>, vector<1x16xf32>,
      %get3A_198 = vector.shape_cast %get3A_197 : vector<1x16xf32> to vector<16xf32>
      %mul3A_199 = arith.mulf %get3A_193, %get3A_198 : vector<16xf32>
      %add3A_200 = arith.addf %add3A_190, %mul3A_199 : vector<16xf32>
      %get3A_201 = arith.constant 272 : index
      %get3A_202 = tpu.vector_load %arg5[%get3A_201] {strides = array<i32>} : memref<768xf32, #tpu.memory_space<vmem>>, vector<16xf32>,
      %get3A_203 = vector.shape_cast %get3A_202 : vector<16xf32> to vector<16xf32>
      %get3A_204 = arith.constant 0 : i32
      %get3A_205 = arith.index_cast %get3A_204 : i32 to index
      %get3A_206 = arith.constant 272 : index
      %get3A_207 = tpu.vector_load %arg6[%get3A_205, %get3A_206] {strides = array<i32>} : memref<4x768xf32, #tpu.memory_space<vmem>>, vector<1x16xf32>,
      %get3A_208 = vector.shape_cast %get3A_207 : vector<1x16xf32> to vector<16xf32>
      %mul3A_209 = arith.mulf %get3A_203, %get3A_208 : vector<16xf32>
      %add3A_210 = arith.addf %add3A_200, %mul3A_209 : vector<16xf32>
      %get3A_211 = arith.constant 288 : index
      %get3A_212 = tpu.vector_load %arg5[%get3A_211] {strides = array<i32>} : memref<768xf32, #tpu.memory_space<vmem>>, vector<16xf32>,
      %get3A_213 = vector.shape_cast %get3A_212 : vector<16xf32> to vector<16xf32>
      %get3A_214 = arith.constant 0 : i32
      %get3A_215 = arith.index_cast %get3A_214 : i32 to index
      %get3A_216 = arith.constant 288 : index
      %get3A_217 = tpu.vector_load %arg6[%get3A_215, %get3A_216] {strides = array<i32>} : memref<4x768xf32, #tpu.memory_space<vmem>>, vector<1x16xf32>,
      %get3A_218 = vector.shape_cast %get3A_217 : vector<1x16xf32> to vector<16xf32>
      %mul3A_219 = arith.mulf %get3A_213, %get3A_218 : vector<16xf32>
      %add3A_220 = arith.addf %add3A_210, %mul3A_219 : vector<16xf32>
      %get3A_221 = arith.constant 304 : index
      %get3A_222 = tpu.vector_load %arg5[%get3A_221] {strides = array<i32>} : memref<768xf32, #tpu.memory_space<vmem>>, vector<16xf32>,
      %get3A_223 = vector.shape_cast %get3A_222 : vector<16xf32> to vector<16xf32>
      %get3A_224 = arith.constant 0 : i32
      %get3A_225 = arith.index_cast %get3A_224 : i32 to index
      %get3A_226 = arith.constant 304 : index
      %get3A_227 = tpu.vector_load %arg6[%get3A_225, %get3A_226] {strides = array<i32>} : memref<4x768xf32, #tpu.memory_space<vmem>>, vector<1x16xf32>,
      %get3A_228 = vector.shape_cast %get3A_227 : vector<1x16xf32> to vector<16xf32>
      %mul3A_229 = arith.mulf %get3A_223, %get3A_228 : vector<16xf32>
      %add3A_230 = arith.addf %add3A_220, %mul3A_229 : vector<16xf32>
      %get3A_231 = arith.constant 320 : index
      %get3A_232 = tpu.vector_load %arg5[%get3A_231] {strides = array<i32>} : memref<768xf32, #tpu.memory_space<vmem>>, vector<16xf32>,
      %get3A_233 = vector.shape_cast %get3A_232 : vector<16xf32> to vector<16xf32>
      %get3A_234 = arith.constant 0 : i32
      %get3A_235 = arith.index_cast %get3A_234 : i32 to index
      %get3A_236 = arith.constant 320 : index
      %get3A_237 = tpu.vector_load %arg6[%get3A_235, %get3A_236] {strides = array<i32>} : memref<4x768xf32, #tpu.memory_space<vmem>>, vector<1x16xf32>,
      %get3A_238 = vector.shape_cast %get3A_237 : vector<1x16xf32> to vector<16xf32>
      %mul3A_239 = arith.mulf %get3A_233, %get3A_238 : vector<16xf32>
      %add3A_240 = arith.addf %add3A_230, %mul3A_239 : vector<16xf32>
      %get3A_241 = arith.constant 336 : index
      %get3A_242 = tpu.vector_load %arg5[%get3A_241] {strides = array<i32>} : memref<768xf32, #tpu.memory_space<vmem>>, vector<16xf32>,
      %get3A_243 = vector.shape_cast %get3A_242 : vector<16xf32> to vector<16xf32>
      %get3A_244 = arith.constant 0 : i32
      %get3A_245 = arith.index_cast %get3A_244 : i32 to index
      %get3A_246 = arith.constant 336 : index
      %get3A_247 = tpu.vector_load %arg6[%get3A_245, %get3A_246] {strides = array<i32>} : memref<4x768xf32, #tpu.memory_space<vmem>>, vector<1x16xf32>,
      %get3A_248 = vector.shape_cast %get3A_247 : vector<1x16xf32> to vector<16xf32>
      %mul3A_249 = arith.mulf %get3A_243, %get3A_248 : vector<16xf32>
      %add3A_250 = arith.addf %add3A_240, %mul3A_249 : vector<16xf32>
      %get3A_251 = arith.constant 352 : index
      %get3A_252 = tpu.vector_load %arg5[%get3A_251] {strides = array<i32>} : memref<768xf32, #tpu.memory_space<vmem>>, vector<16xf32>,
      %get3A_253 = vector.shape_cast %get3A_252 : vector<16xf32> to vector<16xf32>
      %get3A_254 = arith.constant 0 : i32
      %get3A_255 = arith.index_cast %get3A_254 : i32 to index
      %get3A_256 = arith.constant 352 : index
      %get3A_257 = tpu.vector_load %arg6[%get3A_255, %get3A_256] {strides = array<i32>} : memref<4x768xf32, #tpu.memory_space<vmem>>, vector<1x16xf32>,
      %get3A_258 = vector.shape_cast %get3A_257 : vector<1x16xf32> to vector<16xf32>
      %mul3A_259 = arith.mulf %get3A_253, %get3A_258 : vector<16xf32>
      %add3A_260 = arith.addf %add3A_250, %mul3A_259 : vector<16xf32>
      %get3A_261 = arith.constant 368 : index
      %get3A_262 = tpu.vector_load %arg5[%get3A_261] {strides = array<i32>} : memref<768xf32, #tpu.memory_space<vmem>>, vector<16xf32>,
      %get3A_263 = vector.shape_cast %get3A_262 : vector<16xf32> to vector<16xf32>
      %get3A_264 = arith.constant 0 : i32
      %get3A_265 = arith.index_cast %get3A_264 : i32 to index
      %get3A_266 = arith.constant 368 : index
      %get3A_267 = tpu.vector_load %arg6[%get3A_265, %get3A_266] {strides = array<i32>} : memref<4x768xf32, #tpu.memory_space<vmem>>, vector<1x16xf32>,
      %get3A_268 = vector.shape_cast %get3A_267 : vector<1x16xf32> to vector<16xf32>
      %mul3A_269 = arith.mulf %get3A_263, %get3A_268 : vector<16xf32>
      %add3A_270 = arith.addf %add3A_260, %mul3A_269 : vector<16xf32>
      %get3A_271 = arith.constant 384 : index
      %get3A_272 = tpu.vector_load %arg5[%get3A_271] {strides = array<i32>} : memref<768xf32, #tpu.memory_space<vmem>>, vector<16xf32>,
      %get3A_273 = vector.shape_cast %get3A_272 : vector<16xf32> to vector<16xf32>
      %get3A_274 = arith.constant 0 : i32
      %get3A_275 = arith.index_cast %get3A_274 : i32 to index
      %get3A_276 = arith.constant 384 : index
      %get3A_277 = tpu.vector_load %arg6[%get3A_275, %get3A_276] {strides = array<i32>} : memref<4x768xf32, #tpu.memory_space<vmem>>, vector<1x16xf32>,
      %get3A_278 = vector.shape_cast %get3A_277 : vector<1x16xf32> to vector<16xf32>
      %mul3A_279 = arith.mulf %get3A_273, %get3A_278 : vector<16xf32>
      %add3A_280 = arith.addf %add3A_270, %mul3A_279 : vector<16xf32>
      %get3A_281 = arith.constant 400 : index
      %get3A_282 = tpu.vector_load %arg5[%get3A_281] {strides = array<i32>} : memref<768xf32, #tpu.memory_space<vmem>>, vector<16xf32>,
      %get3A_283 = vector.shape_cast %get3A_282 : vector<16xf32> to vector<16xf32>
      %get3A_284 = arith.constant 0 : i32
      %get3A_285 = arith.index_cast %get3A_284 : i32 to index
      %get3A_286 = arith.constant 400 : index
      %get3A_287 = tpu.vector_load %arg6[%get3A_285, %get3A_286] {strides = array<i32>} : memref<4x768xf32, #tpu.memory_space<vmem>>, vector<1x16xf32>,
      %get3A_288 = vector.shape_cast %get3A_287 : vector<1x16xf32> to vector<16xf32>
      %mul3A_289 = arith.mulf %get3A_283, %get3A_288 : vector<16xf32>
      %add3A_290 = arith.addf %add3A_280, %mul3A_289 : vector<16xf32>
      %get3A_291 = arith.constant 416 : index
      %get3A_292 = tpu.vector_load %arg5[%get3A_291] {strides = array<i32>} : memref<768xf32, #tpu.memory_space<vmem>>, vector<16xf32>,
      %get3A_293 = vector.shape_cast %get3A_292 : vector<16xf32> to vector<16xf32>
      %get3A_294 = arith.constant 0 : i32
      %get3A_295 = arith.index_cast %get3A_294 : i32 to index
      %get3A_296 = arith.constant 416 : index
      %get3A_297 = tpu.vector_load %arg6[%get3A_295, %get3A_296] {strides = array<i32>} : memref<4x768xf32, #tpu.memory_space<vmem>>, vector<1x16xf32>,
      %get3A_298 = vector.shape_cast %get3A_297 : vector<1x16xf32> to vector<16xf32>
      %mul3A_299 = arith.mulf %get3A_293, %get3A_298 : vector<16xf32>
      %add3A_300 = arith.addf %add3A_290, %mul3A_299 : vector<16xf32>
      %get3A_301 = arith.constant 432 : index
      %get3A_302 = tpu.vector_load %arg5[%get3A_301] {strides = array<i32>} : memref<768xf32, #tpu.memory_space<vmem>>, vector<16xf32>,
      %get3A_303 = vector.shape_cast %get3A_302 : vector<16xf32> to vector<16xf32>
      %get3A_304 = arith.constant 0 : i32
      %get3A_305 = arith.index_cast %get3A_304 : i32 to index
      %get3A_306 = arith.constant 432 : index
      %get3A_307 = tpu.vector_load %arg6[%get3A_305, %get3A_306] {strides = array<i32>} : memref<4x768xf32, #tpu.memory_space<vmem>>, vector<1x16xf32>,
      %get3A_308 = vector.shape_cast %get3A_307 : vector<1x16xf32> to vector<16xf32>
      %mul3A_309 = arith.mulf %get3A_303, %get3A_308 : vector<16xf32>
      %add3A_310 = arith.addf %add3A_300, %mul3A_309 : vector<16xf32>
      %get3A_311 = arith.constant 448 : index
      %get3A_312 = tpu.vector_load %arg5[%get3A_311] {strides = array<i32>} : memref<768xf32, #tpu.memory_space<vmem>>, vector<16xf32>,
      %get3A_313 = vector.shape_cast %get3A_312 : vector<16xf32> to vector<16xf32>
      %get3A_314 = arith.constant 0 : i32
      %get3A_315 = arith.index_cast %get3A_314 : i32 to index
      %get3A_316 = arith.constant 448 : index
      %get3A_317 = tpu.vector_load %arg6[%get3A_315, %get3A_316] {strides = array<i32>} : memref<4x768xf32, #tpu.memory_space<vmem>>, vector<1x16xf32>,
      %get3A_318 = vector.shape_cast %get3A_317 : vector<1x16xf32> to vector<16xf32>
      %mul3A_319 = arith.mulf %get3A_313, %get3A_318 : vector<16xf32>
      %add3A_320 = arith.addf %add3A_310, %mul3A_319 : vector<16xf32>
      %get3A_321 = arith.constant 464 : index
      %get3A_322 = tpu.vector_load %arg5[%get3A_321] {strides = array<i32>} : memref<768xf32, #tpu.memory_space<vmem>>, vector<16xf32>,
      %get3A_323 = vector.shape_cast %get3A_322 : vector<16xf32> to vector<16xf32>
      %get3A_324 = arith.constant 0 : i32
      %get3A_325 = arith.index_cast %get3A_324 : i32 to index
      %get3A_326 = arith.constant 464 : index
      %get3A_327 = tpu.vector_load %arg6[%get3A_325, %get3A_326] {strides = array<i32>} : memref<4x768xf32, #tpu.memory_space<vmem>>, vector<1x16xf32>,
      %get3A_328 = vector.shape_cast %get3A_327 : vector<1x16xf32> to vector<16xf32>
      %mul3A_329 = arith.mulf %get3A_323, %get3A_328 : vector<16xf32>
      %add3A_330 = arith.addf %add3A_320, %mul3A_329 : vector<16xf32>
      %get3A_331 = arith.constant 480 : index
      %get3A_332 = tpu.vector_load %arg5[%get3A_331] {strides = array<i32>} : memref<768xf32, #tpu.memory_space<vmem>>, vector<16xf32>,
      %get3A_333 = vector.shape_cast %get3A_332 : vector<16xf32> to vector<16xf32>
      %get3A_334 = arith.constant 0 : i32
      %get3A_335 = arith.index_cast %get3A_334 : i32 to index
      %get3A_336 = arith.constant 480 : index
      %get3A_337 = tpu.vector_load %arg6[%get3A_335, %get3A_336] {strides = array<i32>} : memref<4x768xf32, #tpu.memory_space<vmem>>, vector<1x16xf32>,
      %get3A_338 = vector.shape_cast %get3A_337 : vector<1x16xf32> to vector<16xf32>
      %mul3A_339 = arith.mulf %get3A_333, %get3A_338 : vector<16xf32>
      %add3A_340 = arith.addf %add3A_330, %mul3A_339 : vector<16xf32>
      %get3A_341 = arith.constant 496 : index
      %get3A_342 = tpu.vector_load %arg5[%get3A_341] {strides = array<i32>} : memref<768xf32, #tpu.memory_space<vmem>>, vector<16xf32>,
      %get3A_343 = vector.shape_cast %get3A_342 : vector<16xf32> to vector<16xf32>
      %get3A_344 = arith.constant 0 : i32
      %get3A_345 = arith.index_cast %get3A_344 : i32 to index
      %get3A_346 = arith.constant 496 : index
      %get3A_347 = tpu.vector_load %arg6[%get3A_345, %get3A_346] {strides = array<i32>} : memref<4x768xf32, #tpu.memory_space<vmem>>, vector<1x16xf32>,
      %get3A_348 = vector.shape_cast %get3A_347 : vector<1x16xf32> to vector<16xf32>
      %mul3A_349 = arith.mulf %get3A_343, %get3A_348 : vector<16xf32>
      %add3A_350 = arith.addf %add3A_340, %mul3A_349 : vector<16xf32>
      %get3A_351 = arith.constant 512 : index
      %get3A_352 = tpu.vector_load %arg5[%get3A_351] {strides = array<i32>} : memref<768xf32, #tpu.memory_space<vmem>>, vector<16xf32>,
      %get3A_353 = vector.shape_cast %get3A_352 : vector<16xf32> to vector<16xf32>
      %get3A_354 = arith.constant 0 : i32
      %get3A_355 = arith.index_cast %get3A_354 : i32 to index
      %get3A_356 = arith.constant 512 : index
      %get3A_357 = tpu.vector_load %arg6[%get3A_355, %get3A_356] {strides = array<i32>} : memref<4x768xf32, #tpu.memory_space<vmem>>, vector<1x16xf32>,
      %get3A_358 = vector.shape_cast %get3A_357 : vector<1x16xf32> to vector<16xf32>
      %mul3A_359 = arith.mulf %get3A_353, %get3A_358 : vector<16xf32>
      %add3A_360 = arith.addf %add3A_350, %mul3A_359 : vector<16xf32>
      %get3A_361 = arith.constant 528 : index
      %get3A_362 = tpu.vector_load %arg5[%get3A_361] {strides = array<i32>} : memref<768xf32, #tpu.memory_space<vmem>>, vector<16xf32>,
      %get3A_363 = vector.shape_cast %get3A_362 : vector<16xf32> to vector<16xf32>
      %get3A_364 = arith.constant 0 : i32
      %get3A_365 = arith.index_cast %get3A_364 : i32 to index
      %get3A_366 = arith.constant 528 : index
      %get3A_367 = tpu.vector_load %arg6[%get3A_365, %get3A_366] {strides = array<i32>} : memref<4x768xf32, #tpu.memory_space<vmem>>, vector<1x16xf32>,
      %get3A_368 = vector.shape_cast %get3A_367 : vector<1x16xf32> to vector<16xf32>
      %mul3A_369 = arith.mulf %get3A_363, %get3A_368 : vector<16xf32>
      %add3A_370 = arith.addf %add3A_360, %mul3A_369 : vector<16xf32>
      %get3A_371 = arith.constant 544 : index
      %get3A_372 = tpu.vector_load %arg5[%get3A_371] {strides = array<i32>} : memref<768xf32, #tpu.memory_space<vmem>>, vector<16xf32>,
      %get3A_373 = vector.shape_cast %get3A_372 : vector<16xf32> to vector<16xf32>
      %get3A_374 = arith.constant 0 : i32
      %get3A_375 = arith.index_cast %get3A_374 : i32 to index
      %get3A_376 = arith.constant 544 : index
      %get3A_377 = tpu.vector_load %arg6[%get3A_375, %get3A_376] {strides = array<i32>} : memref<4x768xf32, #tpu.memory_space<vmem>>, vector<1x16xf32>,
      %get3A_378 = vector.shape_cast %get3A_377 : vector<1x16xf32> to vector<16xf32>
      %mul3A_379 = arith.mulf %get3A_373, %get3A_378 : vector<16xf32>
      %add3A_380 = arith.addf %add3A_370, %mul3A_379 : vector<16xf32>
      %get3A_381 = arith.constant 560 : index
      %get3A_382 = tpu.vector_load %arg5[%get3A_381] {strides = array<i32>} : memref<768xf32, #tpu.memory_space<vmem>>, vector<16xf32>,
      %get3A_383 = vector.shape_cast %get3A_382 : vector<16xf32> to vector<16xf32>
      %get3A_384 = arith.constant 0 : i32
      %get3A_385 = arith.index_cast %get3A_384 : i32 to index
      %get3A_386 = arith.constant 560 : index
      %get3A_387 = tpu.vector_load %arg6[%get3A_385, %get3A_386] {strides = array<i32>} : memref<4x768xf32, #tpu.memory_space<vmem>>, vector<1x16xf32>,
      %get3A_388 = vector.shape_cast %get3A_387 : vector<1x16xf32> to vector<16xf32>
      %mul3A_389 = arith.mulf %get3A_383, %get3A_388 : vector<16xf32>
      %add3A_390 = arith.addf %add3A_380, %mul3A_389 : vector<16xf32>
      %get3A_391 = arith.constant 576 : index
      %get3A_392 = tpu.vector_load %arg5[%get3A_391] {strides = array<i32>} : memref<768xf32, #tpu.memory_space<vmem>>, vector<16xf32>,
      %get3A_393 = vector.shape_cast %get3A_392 : vector<16xf32> to vector<16xf32>
      %get3A_394 = arith.constant 0 : i32
      %get3A_395 = arith.index_cast %get3A_394 : i32 to index
      %get3A_396 = arith.constant 576 : index
      %get3A_397 = tpu.vector_load %arg6[%get3A_395, %get3A_396] {strides = array<i32>} : memref<4x768xf32, #tpu.memory_space<vmem>>, vector<1x16xf32>,
      %get3A_398 = vector.shape_cast %get3A_397 : vector<1x16xf32> to vector<16xf32>
      %mul3A_399 = arith.mulf %get3A_393, %get3A_398 : vector<16xf32>
      %add3A_400 = arith.addf %add3A_390, %mul3A_399 : vector<16xf32>
      %get3A_401 = arith.constant 592 : index
      %get3A_402 = tpu.vector_load %arg5[%get3A_401] {strides = array<i32>} : memref<768xf32, #tpu.memory_space<vmem>>, vector<16xf32>,
      %get3A_403 = vector.shape_cast %get3A_402 : vector<16xf32> to vector<16xf32>
      %get3A_404 = arith.constant 0 : i32
      %get3A_405 = arith.index_cast %get3A_404 : i32 to index
      %get3A_406 = arith.constant 592 : index
      %get3A_407 = tpu.vector_load %arg6[%get3A_405, %get3A_406] {strides = array<i32>} : memref<4x768xf32, #tpu.memory_space<vmem>>, vector<1x16xf32>,
      %get3A_408 = vector.shape_cast %get3A_407 : vector<1x16xf32> to vector<16xf32>
      %mul3A_409 = arith.mulf %get3A_403, %get3A_408 : vector<16xf32>
      %add3A_410 = arith.addf %add3A_400, %mul3A_409 : vector<16xf32>
      %get3A_411 = arith.constant 608 : index
      %get3A_412 = tpu.vector_load %arg5[%get3A_411] {strides = array<i32>} : memref<768xf32, #tpu.memory_space<vmem>>, vector<16xf32>,
      %get3A_413 = vector.shape_cast %get3A_412 : vector<16xf32> to vector<16xf32>
      %get3A_414 = arith.constant 0 : i32
      %get3A_415 = arith.index_cast %get3A_414 : i32 to index
      %get3A_416 = arith.constant 608 : index
      %get3A_417 = tpu.vector_load %arg6[%get3A_415, %get3A_416] {strides = array<i32>} : memref<4x768xf32, #tpu.memory_space<vmem>>, vector<1x16xf32>,
      %get3A_418 = vector.shape_cast %get3A_417 : vector<1x16xf32> to vector<16xf32>
      %mul3A_419 = arith.mulf %get3A_413, %get3A_418 : vector<16xf32>
      %add3A_420 = arith.addf %add3A_410, %mul3A_419 : vector<16xf32>
      %get3A_421 = arith.constant 624 : index
      %get3A_422 = tpu.vector_load %arg5[%get3A_421] {strides = array<i32>} : memref<768xf32, #tpu.memory_space<vmem>>, vector<16xf32>,
      %get3A_423 = vector.shape_cast %get3A_422 : vector<16xf32> to vector<16xf32>
      %get3A_424 = arith.constant 0 : i32
      %get3A_425 = arith.index_cast %get3A_424 : i32 to index
      %get3A_426 = arith.constant 624 : index
      %get3A_427 = tpu.vector_load %arg6[%get3A_425, %get3A_426] {strides = array<i32>} : memref<4x768xf32, #tpu.memory_space<vmem>>, vector<1x16xf32>,
      %get3A_428 = vector.shape_cast %get3A_427 : vector<1x16xf32> to vector<16xf32>
      %mul3A_429 = arith.mulf %get3A_423, %get3A_428 : vector<16xf32>
      %add3A_430 = arith.addf %add3A_420, %mul3A_429 : vector<16xf32>
      %get3A_431 = arith.constant 640 : index
      %get3A_432 = tpu.vector_load %arg5[%get3A_431] {strides = array<i32>} : memref<768xf32, #tpu.memory_space<vmem>>, vector<16xf32>,
      %get3A_433 = vector.shape_cast %get3A_432 : vector<16xf32> to vector<16xf32>
      %get3A_434 = arith.constant 0 : i32
      %get3A_435 = arith.index_cast %get3A_434 : i32 to index
      %get3A_436 = arith.constant 640 : index
      %get3A_437 = tpu.vector_load %arg6[%get3A_435, %get3A_436] {strides = array<i32>} : memref<4x768xf32, #tpu.memory_space<vmem>>, vector<1x16xf32>,
      %get3A_438 = vector.shape_cast %get3A_437 : vector<1x16xf32> to vector<16xf32>
      %mul3A_439 = arith.mulf %get3A_433, %get3A_438 : vector<16xf32>
      %add3A_440 = arith.addf %add3A_430, %mul3A_439 : vector<16xf32>
      %get3A_441 = arith.constant 656 : index
      %get3A_442 = tpu.vector_load %arg5[%get3A_441] {strides = array<i32>} : memref<768xf32, #tpu.memory_space<vmem>>, vector<16xf32>,
      %get3A_443 = vector.shape_cast %get3A_442 : vector<16xf32> to vector<16xf32>
      %get3A_444 = arith.constant 0 : i32
      %get3A_445 = arith.index_cast %get3A_444 : i32 to index
      %get3A_446 = arith.constant 656 : index
      %get3A_447 = tpu.vector_load %arg6[%get3A_445, %get3A_446] {strides = array<i32>} : memref<4x768xf32, #tpu.memory_space<vmem>>, vector<1x16xf32>,
      %get3A_448 = vector.shape_cast %get3A_447 : vector<1x16xf32> to vector<16xf32>
      %mul3A_449 = arith.mulf %get3A_443, %get3A_448 : vector<16xf32>
      %add3A_450 = arith.addf %add3A_440, %mul3A_449 : vector<16xf32>
      %get3A_451 = arith.constant 672 : index
      %get3A_452 = tpu.vector_load %arg5[%get3A_451] {strides = array<i32>} : memref<768xf32, #tpu.memory_space<vmem>>, vector<16xf32>,
      %get3A_453 = vector.shape_cast %get3A_452 : vector<16xf32> to vector<16xf32>
      %get3A_454 = arith.constant 0 : i32
      %get3A_455 = arith.index_cast %get3A_454 : i32 to index
      %get3A_456 = arith.constant 672 : index
      %get3A_457 = tpu.vector_load %arg6[%get3A_455, %get3A_456] {strides = array<i32>} : memref<4x768xf32, #tpu.memory_space<vmem>>, vector<1x16xf32>,
      %get3A_458 = vector.shape_cast %get3A_457 : vector<1x16xf32> to vector<16xf32>
      %mul3A_459 = arith.mulf %get3A_453, %get3A_458 : vector<16xf32>
      %add3A_460 = arith.addf %add3A_450, %mul3A_459 : vector<16xf32>
      %get3A_461 = arith.constant 688 : index
      %get3A_462 = tpu.vector_load %arg5[%get3A_461] {strides = array<i32>} : memref<768xf32, #tpu.memory_space<vmem>>, vector<16xf32>,
      %get3A_463 = vector.shape_cast %get3A_462 : vector<16xf32> to vector<16xf32>
      %get3A_464 = arith.constant 0 : i32
      %get3A_465 = arith.index_cast %get3A_464 : i32 to index
      %get3A_466 = arith.constant 688 : index
      %get3A_467 = tpu.vector_load %arg6[%get3A_465, %get3A_466] {strides = array<i32>} : memref<4x768xf32, #tpu.memory_space<vmem>>, vector<1x16xf32>,
      %get3A_468 = vector.shape_cast %get3A_467 : vector<1x16xf32> to vector<16xf32>
      %mul3A_469 = arith.mulf %get3A_463, %get3A_468 : vector<16xf32>
      %add3A_470 = arith.addf %add3A_460, %mul3A_469 : vector<16xf32>
      %get3A_471 = arith.constant 704 : index
      %get3A_472 = tpu.vector_load %arg5[%get3A_471] {strides = array<i32>} : memref<768xf32, #tpu.memory_space<vmem>>, vector<16xf32>,
      %get3A_473 = vector.shape_cast %get3A_472 : vector<16xf32> to vector<16xf32>
      %get3A_474 = arith.constant 0 : i32
      %get3A_475 = arith.index_cast %get3A_474 : i32 to index
      %get3A_476 = arith.constant 704 : index
      %get3A_477 = tpu.vector_load %arg6[%get3A_475, %get3A_476] {strides = array<i32>} : memref<4x768xf32, #tpu.memory_space<vmem>>, vector<1x16xf32>,
      %get3A_478 = vector.shape_cast %get3A_477 : vector<1x16xf32> to vector<16xf32>
      %mul3A_479 = arith.mulf %get3A_473, %get3A_478 : vector<16xf32>
      %add3A_480 = arith.addf %add3A_470, %mul3A_479 : vector<16xf32>
      %get3A_481 = arith.constant 720 : index
      %get3A_482 = tpu.vector_load %arg5[%get3A_481] {strides = array<i32>} : memref<768xf32, #tpu.memory_space<vmem>>, vector<16xf32>,
      %get3A_483 = vector.shape_cast %get3A_482 : vector<16xf32> to vector<16xf32>
      %get3A_484 = arith.constant 0 : i32
      %get3A_485 = arith.index_cast %get3A_484 : i32 to index
      %get3A_486 = arith.constant 720 : index
      %get3A_487 = tpu.vector_load %arg6[%get3A_485, %get3A_486] {strides = array<i32>} : memref<4x768xf32, #tpu.memory_space<vmem>>, vector<1x16xf32>,
      %get3A_488 = vector.shape_cast %get3A_487 : vector<1x16xf32> to vector<16xf32>
      %mul3A_489 = arith.mulf %get3A_483, %get3A_488 : vector<16xf32>
      %add3A_490 = arith.addf %add3A_480, %mul3A_489 : vector<16xf32>
      %get3A_491 = arith.constant 736 : index
      %get3A_492 = tpu.vector_load %arg5[%get3A_491] {strides = array<i32>} : memref<768xf32, #tpu.memory_space<vmem>>, vector<16xf32>,
      %get3A_493 = vector.shape_cast %get3A_492 : vector<16xf32> to vector<16xf32>
      %get3A_494 = arith.constant 0 : i32
      %get3A_495 = arith.index_cast %get3A_494 : i32 to index
      %get3A_496 = arith.constant 736 : index
      %get3A_497 = tpu.vector_load %arg6[%get3A_495, %get3A_496] {strides = array<i32>} : memref<4x768xf32, #tpu.memory_space<vmem>>, vector<1x16xf32>,
      %get3A_498 = vector.shape_cast %get3A_497 : vector<1x16xf32> to vector<16xf32>
      %mul3A_499 = arith.mulf %get3A_493, %get3A_498 : vector<16xf32>
      %add3A_500 = arith.addf %add3A_490, %mul3A_499 : vector<16xf32>
      %get3A_501 = arith.constant 752 : index
      %get3A_502 = tpu.vector_load %arg5[%get3A_501] {strides = array<i32>} : memref<768xf32, #tpu.memory_space<vmem>>, vector<16xf32>,
      %get3A_503 = vector.shape_cast %get3A_502 : vector<16xf32> to vector<16xf32>
      %get3A_504 = arith.constant 0 : i32
      %get3A_505 = arith.index_cast %get3A_504 : i32 to index
      %get3A_506 = arith.constant 752 : index
      %get3A_507 = tpu.vector_load %arg6[%get3A_505, %get3A_506] {strides = array<i32>} : memref<4x768xf32, #tpu.memory_space<vmem>>, vector<1x16xf32>,
      %get3A_508 = vector.shape_cast %get3A_507 : vector<1x16xf32> to vector<16xf32>
      %mul3A_509 = arith.mulf %get3A_503, %get3A_508 : vector<16xf32>
      %add3A_510 = arith.addf %add3A_500, %mul3A_509 : vector<16xf32>
      %eq3A_511 = arith.constant 0 : i32
      %eq3A_512 = vector.broadcast %eq3A_511 : i32 to vector<16xi32>
      %eq3A_513 = arith.cmpi eq, %iota3A, %eq3A_512 : vector<16xi32>
      %xor3A = arith.constant 1 : i32
      %xor3A_514 = vector.broadcast %xor3A : i32 to vector<16xi32>
      %xor3A_515 = arith.xori %iota3A, %xor3A_514 : vector<16xi32>
      %lt3A = arith.constant 0 : i32
      %lt3A_516 = vector.broadcast %lt3A : i32 to vector<16xi32>
      %lt3A_517 = arith.cmpi slt, %xor3A_515, %lt3A_516 : vector<16xi32>
      %add3A_518 = arith.constant 16 : i32
      %add3A_519 = vector.broadcast %add3A_518 : i32 to vector<16xi32>
      %add3A_520 = arith.addi %xor3A_515, %add3A_519 : vector<16xi32>
      %select_n3A = arith.select %lt3A_517, %add3A_520, %xor3A_515 : vector<16xi1>, vector<16xi32>
      %broadcast_in_dim3A_521 = vector.shape_cast %select_n3A : vector<16xi32> to vector<16x1xi32>
      %gather3A = vector.shape_cast %broadcast_in_dim3A_521 : vector<16x1xi32> to vector<16xi32>
      %gather3A_522 = tpu.dynamic_gather %add3A_510[%gather3A] in [0] : vector<16xf32>, vector<16xi32> -> vector<16xf32>
      %add3A_523 = arith.addf %add3A_510, %gather3A_522 : vector<16xf32>
      %xor3A_524 = arith.constant 2 : i32
      %xor3A_525 = vector.broadcast %xor3A_524 : i32 to vector<16xi32>
      %xor3A_526 = arith.xori %iota3A, %xor3A_525 : vector<16xi32>
      %lt3A_527 = arith.constant 0 : i32
      %lt3A_528 = vector.broadcast %lt3A_527 : i32 to vector<16xi32>
      %lt3A_529 = arith.cmpi slt, %xor3A_526, %lt3A_528 : vector<16xi32>
      %add3A_530 = arith.constant 16 : i32
      %add3A_531 = vector.broadcast %add3A_530 : i32 to vector<16xi32>
      %add3A_532 = arith.addi %xor3A_526, %add3A_531 : vector<16xi32>
      %select_n3A_533 = arith.select %lt3A_529, %add3A_532, %xor3A_526 : vector<16xi1>, vector<16xi32>
      %broadcast_in_dim3A_534 = vector.shape_cast %select_n3A_533 : vector<16xi32> to vector<16x1xi32>
      %gather3A_535 = vector.shape_cast %broadcast_in_dim3A_534 : vector<16x1xi32> to vector<16xi32>
      %gather3A_536 = tpu.dynamic_gather %add3A_523[%gather3A_535] in [0] : vector<16xf32>, vector<16xi32> -> vector<16xf32>
      %add3A_537 = arith.addf %add3A_523, %gather3A_536 : vector<16xf32>
      %xor3A_538 = arith.constant 4 : i32
      %xor3A_539 = vector.broadcast %xor3A_538 : i32 to vector<16xi32>
      %xor3A_540 = arith.xori %iota3A, %xor3A_539 : vector<16xi32>
      %lt3A_541 = arith.constant 0 : i32
      %lt3A_542 = vector.broadcast %lt3A_541 : i32 to vector<16xi32>
      %lt3A_543 = arith.cmpi slt, %xor3A_540, %lt3A_542 : vector<16xi32>
      %add3A_544 = arith.constant 16 : i32
      %add3A_545 = vector.broadcast %add3A_544 : i32 to vector<16xi32>
      %add3A_546 = arith.addi %xor3A_540, %add3A_545 : vector<16xi32>
      %select_n3A_547 = arith.select %lt3A_543, %add3A_546, %xor3A_540 : vector<16xi1>, vector<16xi32>
      %broadcast_in_dim3A_548 = vector.shape_cast %select_n3A_547 : vector<16xi32> to vector<16x1xi32>
      %gather3A_549 = vector.shape_cast %broadcast_in_dim3A_548 : vector<16x1xi32> to vector<16xi32>
      %gather3A_550 = tpu.dynamic_gather %add3A_537[%gather3A_549] in [0] : vector<16xf32>, vector<16xi32> -> vector<16xf32>
      %add3A_551 = arith.addf %add3A_537, %gather3A_550 : vector<16xf32>
      %xor3A_552 = arith.constant 8 : i32
      %xor3A_553 = vector.broadcast %xor3A_552 : i32 to vector<16xi32>
      %xor3A_554 = arith.xori %iota3A, %xor3A_553 : vector<16xi32>
      %lt3A_555 = arith.constant 0 : i32
      %lt3A_556 = vector.broadcast %lt3A_555 : i32 to vector<16xi32>
      %lt3A_557 = arith.cmpi slt, %xor3A_554, %lt3A_556 : vector<16xi32>
      %add3A_558 = arith.constant 16 : i32
      %add3A_559 = vector.broadcast %add3A_558 : i32 to vector<16xi32>
      %add3A_560 = arith.addi %xor3A_554, %add3A_559 : vector<16xi32>
      %select_n3A_561 = arith.select %lt3A_557, %add3A_560, %xor3A_554 : vector<16xi1>, vector<16xi32>
      %broadcast_in_dim3A_562 = vector.shape_cast %select_n3A_561 : vector<16xi32> to vector<16x1xi32>
      %gather3A_563 = vector.shape_cast %broadcast_in_dim3A_562 : vector<16x1xi32> to vector<16xi32>
      %gather3A_564 = tpu.dynamic_gather %add3A_551[%gather3A_563] in [0] : vector<16xf32>, vector<16xi32> -> vector<16xf32>
      %add3A_565 = arith.addf %add3A_551, %gather3A_564 : vector<16xf32>
      %select_n3A_566 = arith.select %eq3A_513, %add3A_565, %broadcast_in_dim3A_30 : vector<16xi1>, vector<16xf32>
      %broadcast_in_dim3A_567 = arith.constant 0.000000e+00 : f32
      %broadcast_in_dim3A_568 = vector.broadcast %broadcast_in_dim3A_567 : f32 to vector<16xf32>
      %get3A_569 = arith.constant 0 : index
      %get3A_570 = tpu.vector_load %arg5[%get3A_569] {strides = array<i32>} : memref<768xf32, #tpu.memory_space<vmem>>, vector<16xf32>,
      %get3A_571 = vector.shape_cast %get3A_570 : vector<16xf32> to vector<16xf32>
      %get3A_572 = arith.constant 1 : i32
      %get3A_573 = arith.index_cast %get3A_572 : i32 to index
      %get3A_574 = arith.constant 0 : index
      %get3A_575 = tpu.vector_load %arg6[%get3A_573, %get3A_574] {strides = array<i32>} : memref<4x768xf32, #tpu.memory_space<vmem>>, vector<1x16xf32>,
      %get3A_576 = vector.shape_cast %get3A_575 : vector<1x16xf32> to vector<16xf32>
      %mul3A_577 = arith.mulf %get3A_571, %get3A_576 : vector<16xf32>
      %add3A_578 = arith.addf %broadcast_in_dim3A_568, %mul3A_577 : vector<16xf32>
      %get3A_579 = arith.constant 16 : index
      %get3A_580 = tpu.vector_load %arg5[%get3A_579] {strides = array<i32>} : memref<768xf32, #tpu.memory_space<vmem>>, vector<16xf32>,
      %get3A_581 = vector.shape_cast %get3A_580 : vector<16xf32> to vector<16xf32>
      %get3A_582 = arith.constant 1 : i32
      %get3A_583 = arith.index_cast %get3A_582 : i32 to index
      %get3A_584 = arith.constant 16 : index
      %get3A_585 = tpu.vector_load %arg6[%get3A_583, %get3A_584] {strides = array<i32>} : memref<4x768xf32, #tpu.memory_space<vmem>>, vector<1x16xf32>,
      %get3A_586 = vector.shape_cast %get3A_585 : vector<1x16xf32> to vector<16xf32>
      %mul3A_587 = arith.mulf %get3A_581, %get3A_586 : vector<16xf32>
      %add3A_588 = arith.addf %add3A_578, %mul3A_587 : vector<16xf32>
      %get3A_589 = arith.constant 32 : index
      %get3A_590 = tpu.vector_load %arg5[%get3A_589] {strides = array<i32>} : memref<768xf32, #tpu.memory_space<vmem>>, vector<16xf32>,
      %get3A_591 = vector.shape_cast %get3A_590 : vector<16xf32> to vector<16xf32>
      %get3A_592 = arith.constant 1 : i32
      %get3A_593 = arith.index_cast %get3A_592 : i32 to index
      %get3A_594 = arith.constant 32 : index
      %get3A_595 = tpu.vector_load %arg6[%get3A_593, %get3A_594] {strides = array<i32>} : memref<4x768xf32, #tpu.memory_space<vmem>>, vector<1x16xf32>,
      %get3A_596 = vector.shape_cast %get3A_595 : vector<1x16xf32> to vector<16xf32>
      %mul3A_597 = arith.mulf %get3A_591, %get3A_596 : vector<16xf32>
      %add3A_598 = arith.addf %add3A_588, %mul3A_597 : vector<16xf32>
      %get3A_599 = arith.constant 48 : index
      %get3A_600 = tpu.vector_load %arg5[%get3A_599] {strides = array<i32>} : memref<768xf32, #tpu.memory_space<vmem>>, vector<16xf32>,
      %get3A_601 = vector.shape_cast %get3A_600 : vector<16xf32> to vector<16xf32>
      %get3A_602 = arith.constant 1 : i32
      %get3A_603 = arith.index_cast %get3A_602 : i32 to index
      %get3A_604 = arith.constant 48 : index
      %get3A_605 = tpu.vector_load %arg6[%get3A_603, %get3A_604] {strides = array<i32>} : memref<4x768xf32, #tpu.memory_space<vmem>>, vector<1x16xf32>,
      %get3A_606 = vector.shape_cast %get3A_605 : vector<1x16xf32> to vector<16xf32>
      %mul3A_607 = arith.mulf %get3A_601, %get3A_606 : vector<16xf32>
      %add3A_608 = arith.addf %add3A_598, %mul3A_607 : vector<16xf32>
      %get3A_609 = arith.constant 64 : index
      %get3A_610 = tpu.vector_load %arg5[%get3A_609] {strides = array<i32>} : memref<768xf32, #tpu.memory_space<vmem>>, vector<16xf32>,
      %get3A_611 = vector.shape_cast %get3A_610 : vector<16xf32> to vector<16xf32>
      %get3A_612 = arith.constant 1 : i32
      %get3A_613 = arith.index_cast %get3A_612 : i32 to index
      %get3A_614 = arith.constant 64 : index
      %get3A_615 = tpu.vector_load %arg6[%get3A_613, %get3A_614] {strides = array<i32>} : memref<4x768xf32, #tpu.memory_space<vmem>>, vector<1x16xf32>,
      %get3A_616 = vector.shape_cast %get3A_615 : vector<1x16xf32> to vector<16xf32>
      %mul3A_617 = arith.mulf %get3A_611, %get3A_616 : vector<16xf32>
      %add3A_618 = arith.addf %add3A_608, %mul3A_617 : vector<16xf32>
      %get3A_619 = arith.constant 80 : index
      %get3A_620 = tpu.vector_load %arg5[%get3A_619] {strides = array<i32>} : memref<768xf32, #tpu.memory_space<vmem>>, vector<16xf32>,
      %get3A_621 = vector.shape_cast %get3A_620 : vector<16xf32> to vector<16xf32>
      %get3A_622 = arith.constant 1 : i32
      %get3A_623 = arith.index_cast %get3A_622 : i32 to index
      %get3A_624 = arith.constant 80 : index
      %get3A_625 = tpu.vector_load %arg6[%get3A_623, %get3A_624] {strides = array<i32>} : memref<4x768xf32, #tpu.memory_space<vmem>>, vector<1x16xf32>,
      %get3A_626 = vector.shape_cast %get3A_625 : vector<1x16xf32> to vector<16xf32>
      %mul3A_627 = arith.mulf %get3A_621, %get3A_626 : vector<16xf32>
      %add3A_628 = arith.addf %add3A_618, %mul3A_627 : vector<16xf32>
      %get3A_629 = arith.constant 96 : index
      %get3A_630 = tpu.vector_load %arg5[%get3A_629] {strides = array<i32>} : memref<768xf32, #tpu.memory_space<vmem>>, vector<16xf32>,
      %get3A_631 = vector.shape_cast %get3A_630 : vector<16xf32> to vector<16xf32>
      %get3A_632 = arith.constant 1 : i32
      %get3A_633 = arith.index_cast %get3A_632 : i32 to index
      %get3A_634 = arith.constant 96 : index
      %get3A_635 = tpu.vector_load %arg6[%get3A_633, %get3A_634] {strides = array<i32>} : memref<4x768xf32, #tpu.memory_space<vmem>>, vector<1x16xf32>,
      %get3A_636 = vector.shape_cast %get3A_635 : vector<1x16xf32> to vector<16xf32>
      %mul3A_637 = arith.mulf %get3A_631, %get3A_636 : vector<16xf32>
      %add3A_638 = arith.addf %add3A_628, %mul3A_637 : vector<16xf32>
      %get3A_639 = arith.constant 112 : index
      %get3A_640 = tpu.vector_load %arg5[%get3A_639] {strides = array<i32>} : memref<768xf32, #tpu.memory_space<vmem>>, vector<16xf32>,
      %get3A_641 = vector.shape_cast %get3A_640 : vector<16xf32> to vector<16xf32>
      %get3A_642 = arith.constant 1 : i32
      %get3A_643 = arith.index_cast %get3A_642 : i32 to index
      %get3A_644 = arith.constant 112 : index
      %get3A_645 = tpu.vector_load %arg6[%get3A_643, %get3A_644] {strides = array<i32>} : memref<4x768xf32, #tpu.memory_space<vmem>>, vector<1x16xf32>,
      %get3A_646 = vector.shape_cast %get3A_645 : vector<1x16xf32> to vector<16xf32>
      %mul3A_647 = arith.mulf %get3A_641, %get3A_646 : vector<16xf32>
      %add3A_648 = arith.addf %add3A_638, %mul3A_647 : vector<16xf32>
      %get3A_649 = arith.constant 128 : index
      %get3A_650 = tpu.vector_load %arg5[%get3A_649] {strides = array<i32>} : memref<768xf32, #tpu.memory_space<vmem>>, vector<16xf32>,
      %get3A_651 = vector.shape_cast %get3A_650 : vector<16xf32> to vector<16xf32>
      %get3A_652 = arith.constant 1 : i32
      %get3A_653 = arith.index_cast %get3A_652 : i32 to index
      %get3A_654 = arith.constant 128 : index
      %get3A_655 = tpu.vector_load %arg6[%get3A_653, %get3A_654] {strides = array<i32>} : memref<4x768xf32, #tpu.memory_space<vmem>>, vector<1x16xf32>,
      %get3A_656 = vector.shape_cast %get3A_655 : vector<1x16xf32> to vector<16xf32>
      %mul3A_657 = arith.mulf %get3A_651, %get3A_656 : vector<16xf32>
      %add3A_658 = arith.addf %add3A_648, %mul3A_657 : vector<16xf32>
      %get3A_659 = arith.constant 144 : index
      %get3A_660 = tpu.vector_load %arg5[%get3A_659] {strides = array<i32>} : memref<768xf32, #tpu.memory_space<vmem>>, vector<16xf32>,
      %get3A_661 = vector.shape_cast %get3A_660 : vector<16xf32> to vector<16xf32>
      %get3A_662 = arith.constant 1 : i32
      %get3A_663 = arith.index_cast %get3A_662 : i32 to index
      %get3A_664 = arith.constant 144 : index
      %get3A_665 = tpu.vector_load %arg6[%get3A_663, %get3A_664] {strides = array<i32>} : memref<4x768xf32, #tpu.memory_space<vmem>>, vector<1x16xf32>,
      %get3A_666 = vector.shape_cast %get3A_665 : vector<1x16xf32> to vector<16xf32>
      %mul3A_667 = arith.mulf %get3A_661, %get3A_666 : vector<16xf32>
      %add3A_668 = arith.addf %add3A_658, %mul3A_667 : vector<16xf32>
      %get3A_669 = arith.constant 160 : index
      %get3A_670 = tpu.vector_load %arg5[%get3A_669] {strides = array<i32>} : memref<768xf32, #tpu.memory_space<vmem>>, vector<16xf32>,
      %get3A_671 = vector.shape_cast %get3A_670 : vector<16xf32> to vector<16xf32>
      %get3A_672 = arith.constant 1 : i32
      %get3A_673 = arith.index_cast %get3A_672 : i32 to index
      %get3A_674 = arith.constant 160 : index
      %get3A_675 = tpu.vector_load %arg6[%get3A_673, %get3A_674] {strides = array<i32>} : memref<4x768xf32, #tpu.memory_space<vmem>>, vector<1x16xf32>,
      %get3A_676 = vector.shape_cast %get3A_675 : vector<1x16xf32> to vector<16xf32>
      %mul3A_677 = arith.mulf %get3A_671, %get3A_676 : vector<16xf32>
      %add3A_678 = arith.addf %add3A_668, %mul3A_677 : vector<16xf32>
      %get3A_679 = arith.constant 176 : index
      %get3A_680 = tpu.vector_load %arg5[%get3A_679] {strides = array<i32>} : memref<768xf32, #tpu.memory_space<vmem>>, vector<16xf32>,
      %get3A_681 = vector.shape_cast %get3A_680 : vector<16xf32> to vector<16xf32>
      %get3A_682 = arith.constant 1 : i32
      %get3A_683 = arith.index_cast %get3A_682 : i32 to index
      %get3A_684 = arith.constant 176 : index
      %get3A_685 = tpu.vector_load %arg6[%get3A_683, %get3A_684] {strides = array<i32>} : memref<4x768xf32, #tpu.memory_space<vmem>>, vector<1x16xf32>,
      %get3A_686 = vector.shape_cast %get3A_685 : vector<1x16xf32> to vector<16xf32>
      %mul3A_687 = arith.mulf %get3A_681, %get3A_686 : vector<16xf32>
      %add3A_688 = arith.addf %add3A_678, %mul3A_687 : vector<16xf32>
      %get3A_689 = arith.constant 192 : index
      %get3A_690 = tpu.vector_load %arg5[%get3A_689] {strides = array<i32>} : memref<768xf32, #tpu.memory_space<vmem>>, vector<16xf32>,
      %get3A_691 = vector.shape_cast %get3A_690 : vector<16xf32> to vector<16xf32>
      %get3A_692 = arith.constant 1 : i32
      %get3A_693 = arith.index_cast %get3A_692 : i32 to index
      %get3A_694 = arith.constant 192 : index
      %get3A_695 = tpu.vector_load %arg6[%get3A_693, %get3A_694] {strides = array<i32>} : memref<4x768xf32, #tpu.memory_space<vmem>>, vector<1x16xf32>,
      %get3A_696 = vector.shape_cast %get3A_695 : vector<1x16xf32> to vector<16xf32>
      %mul3A_697 = arith.mulf %get3A_691, %get3A_696 : vector<16xf32>
      %add3A_698 = arith.addf %add3A_688, %mul3A_697 : vector<16xf32>
      %get3A_699 = arith.constant 208 : index
      %get3A_700 = tpu.vector_load %arg5[%get3A_699] {strides = array<i32>} : memref<768xf32, #tpu.memory_space<vmem>>, vector<16xf32>,
      %get3A_701 = vector.shape_cast %get3A_700 : vector<16xf32> to vector<16xf32>
      %get3A_702 = arith.constant 1 : i32
      %get3A_703 = arith.index_cast %get3A_702 : i32 to index
      %get3A_704 = arith.constant 208 : index
      %get3A_705 = tpu.vector_load %arg6[%get3A_703, %get3A_704] {strides = array<i32>} : memref<4x768xf32, #tpu.memory_space<vmem>>, vector<1x16xf32>,
      %get3A_706 = vector.shape_cast %get3A_705 : vector<1x16xf32> to vector<16xf32>
      %mul3A_707 = arith.mulf %get3A_701, %get3A_706 : vector<16xf32>
      %add3A_708 = arith.addf %add3A_698, %mul3A_707 : vector<16xf32>
      %get3A_709 = arith.constant 224 : index
      %get3A_710 = tpu.vector_load %arg5[%get3A_709] {strides = array<i32>} : memref<768xf32, #tpu.memory_space<vmem>>, vector<16xf32>,
      %get3A_711 = vector.shape_cast %get3A_710 : vector<16xf32> to vector<16xf32>
      %get3A_712 = arith.constant 1 : i32
      %get3A_713 = arith.index_cast %get3A_712 : i32 to index
      %get3A_714 = arith.constant 224 : index
      %get3A_715 = tpu.vector_load %arg6[%get3A_713, %get3A_714] {strides = array<i32>} : memref<4x768xf32, #tpu.memory_space<vmem>>, vector<1x16xf32>,
      %get3A_716 = vector.shape_cast %get3A_715 : vector<1x16xf32> to vector<16xf32>
      %mul3A_717 = arith.mulf %get3A_711, %get3A_716 : vector<16xf32>
      %add3A_718 = arith.addf %add3A_708, %mul3A_717 : vector<16xf32>
      %get3A_719 = arith.constant 240 : index
      %get3A_720 = tpu.vector_load %arg5[%get3A_719] {strides = array<i32>} : memref<768xf32, #tpu.memory_space<vmem>>, vector<16xf32>,
      %get3A_721 = vector.shape_cast %get3A_720 : vector<16xf32> to vector<16xf32>
      %get3A_722 = arith.constant 1 : i32
      %get3A_723 = arith.index_cast %get3A_722 : i32 to index
      %get3A_724 = arith.constant 240 : index
      %get3A_725 = tpu.vector_load %arg6[%get3A_723, %get3A_724] {strides = array<i32>} : memref<4x768xf32, #tpu.memory_space<vmem>>, vector<1x16xf32>,
      %get3A_726 = vector.shape_cast %get3A_725 : vector<1x16xf32> to vector<16xf32>
      %mul3A_727 = arith.mulf %get3A_721, %get3A_726 : vector<16xf32>
      %add3A_728 = arith.addf %add3A_718, %mul3A_727 : vector<16xf32>
      %get3A_729 = arith.constant 256 : index
      %get3A_730 = tpu.vector_load %arg5[%get3A_729] {strides = array<i32>} : memref<768xf32, #tpu.memory_space<vmem>>, vector<16xf32>,
      %get3A_731 = vector.shape_cast %get3A_730 : vector<16xf32> to vector<16xf32>
      %get3A_732 = arith.constant 1 : i32
      %get3A_733 = arith.index_cast %get3A_732 : i32 to index
      %get3A_734 = arith.constant 256 : index
      %get3A_735 = tpu.vector_load %arg6[%get3A_733, %get3A_734] {strides = array<i32>} : memref<4x768xf32, #tpu.memory_space<vmem>>, vector<1x16xf32>,
      %get3A_736 = vector.shape_cast %get3A_735 : vector<1x16xf32> to vector<16xf32>
      %mul3A_737 = arith.mulf %get3A_731, %get3A_736 : vector<16xf32>
      %add3A_738 = arith.addf %add3A_728, %mul3A_737 : vector<16xf32>
      %get3A_739 = arith.constant 272 : index
      %get3A_740 = tpu.vector_load %arg5[%get3A_739] {strides = array<i32>} : memref<768xf32, #tpu.memory_space<vmem>>, vector<16xf32>,
      %get3A_741 = vector.shape_cast %get3A_740 : vector<16xf32> to vector<16xf32>
      %get3A_742 = arith.constant 1 : i32
      %get3A_743 = arith.index_cast %get3A_742 : i32 to index
      %get3A_744 = arith.constant 272 : index
      %get3A_745 = tpu.vector_load %arg6[%get3A_743, %get3A_744] {strides = array<i32>} : memref<4x768xf32, #tpu.memory_space<vmem>>, vector<1x16xf32>,
      %get3A_746 = vector.shape_cast %get3A_745 : vector<1x16xf32> to vector<16xf32>
      %mul3A_747 = arith.mulf %get3A_741, %get3A_746 : vector<16xf32>
      %add3A_748 = arith.addf %add3A_738, %mul3A_747 : vector<16xf32>
      %get3A_749 = arith.constant 288 : index
      %get3A_750 = tpu.vector_load %arg5[%get3A_749] {strides = array<i32>} : memref<768xf32, #tpu.memory_space<vmem>>, vector<16xf32>,
      %get3A_751 = vector.shape_cast %get3A_750 : vector<16xf32> to vector<16xf32>
      %get3A_752 = arith.constant 1 : i32
      %get3A_753 = arith.index_cast %get3A_752 : i32 to index
      %get3A_754 = arith.constant 288 : index
      %get3A_755 = tpu.vector_load %arg6[%get3A_753, %get3A_754] {strides = array<i32>} : memref<4x768xf32, #tpu.memory_space<vmem>>, vector<1x16xf32>,
      %get3A_756 = vector.shape_cast %get3A_755 : vector<1x16xf32> to vector<16xf32>
      %mul3A_757 = arith.mulf %get3A_751, %get3A_756 : vector<16xf32>
      %add3A_758 = arith.addf %add3A_748, %mul3A_757 : vector<16xf32>
      %get3A_759 = arith.constant 304 : index
      %get3A_760 = tpu.vector_load %arg5[%get3A_759] {strides = array<i32>} : memref<768xf32, #tpu.memory_space<vmem>>, vector<16xf32>,
      %get3A_761 = vector.shape_cast %get3A_760 : vector<16xf32> to vector<16xf32>
      %get3A_762 = arith.constant 1 : i32
      %get3A_763 = arith.index_cast %get3A_762 : i32 to index
      %get3A_764 = arith.constant 304 : index
      %get3A_765 = tpu.vector_load %arg6[%get3A_763, %get3A_764] {strides = array<i32>} : memref<4x768xf32, #tpu.memory_space<vmem>>, vector<1x16xf32>,
      %get3A_766 = vector.shape_cast %get3A_765 : vector<1x16xf32> to vector<16xf32>
      %mul3A_767 = arith.mulf %get3A_761, %get3A_766 : vector<16xf32>
      %add3A_768 = arith.addf %add3A_758, %mul3A_767 : vector<16xf32>
      %get3A_769 = arith.constant 320 : index
      %get3A_770 = tpu.vector_load %arg5[%get3A_769] {strides = array<i32>} : memref<768xf32, #tpu.memory_space<vmem>>, vector<16xf32>,
      %get3A_771 = vector.shape_cast %get3A_770 : vector<16xf32> to vector<16xf32>
      %get3A_772 = arith.constant 1 : i32
      %get3A_773 = arith.index_cast %get3A_772 : i32 to index
      %get3A_774 = arith.constant 320 : index
      %get3A_775 = tpu.vector_load %arg6[%get3A_773, %get3A_774] {strides = array<i32>} : memref<4x768xf32, #tpu.memory_space<vmem>>, vector<1x16xf32>,
      %get3A_776 = vector.shape_cast %get3A_775 : vector<1x16xf32> to vector<16xf32>
      %mul3A_777 = arith.mulf %get3A_771, %get3A_776 : vector<16xf32>
      %add3A_778 = arith.addf %add3A_768, %mul3A_777 : vector<16xf32>
      %get3A_779 = arith.constant 336 : index
      %get3A_780 = tpu.vector_load %arg5[%get3A_779] {strides = array<i32>} : memref<768xf32, #tpu.memory_space<vmem>>, vector<16xf32>,
      %get3A_781 = vector.shape_cast %get3A_780 : vector<16xf32> to vector<16xf32>
      %get3A_782 = arith.constant 1 : i32
      %get3A_783 = arith.index_cast %get3A_782 : i32 to index
      %get3A_784 = arith.constant 336 : index
      %get3A_785 = tpu.vector_load %arg6[%get3A_783, %get3A_784] {strides = array<i32>} : memref<4x768xf32, #tpu.memory_space<vmem>>, vector<1x16xf32>,
      %get3A_786 = vector.shape_cast %get3A_785 : vector<1x16xf32> to vector<16xf32>
      %mul3A_787 = arith.mulf %get3A_781, %get3A_786 : vector<16xf32>
      %add3A_788 = arith.addf %add3A_778, %mul3A_787 : vector<16xf32>
      %get3A_789 = arith.constant 352 : index
      %get3A_790 = tpu.vector_load %arg5[%get3A_789] {strides = array<i32>} : memref<768xf32, #tpu.memory_space<vmem>>, vector<16xf32>,
      %get3A_791 = vector.shape_cast %get3A_790 : vector<16xf32> to vector<16xf32>
      %get3A_792 = arith.constant 1 : i32
      %get3A_793 = arith.index_cast %get3A_792 : i32 to index
      %get3A_794 = arith.constant 352 : index
      %get3A_795 = tpu.vector_load %arg6[%get3A_793, %get3A_794] {strides = array<i32>} : memref<4x768xf32, #tpu.memory_space<vmem>>, vector<1x16xf32>,
      %get3A_796 = vector.shape_cast %get3A_795 : vector<1x16xf32> to vector<16xf32>
      %mul3A_797 = arith.mulf %get3A_791, %get3A_796 : vector<16xf32>
      %add3A_798 = arith.addf %add3A_788, %mul3A_797 : vector<16xf32>
      %get3A_799 = arith.constant 368 : index
      %get3A_800 = tpu.vector_load %arg5[%get3A_799] {strides = array<i32>} : memref<768xf32, #tpu.memory_space<vmem>>, vector<16xf32>,
      %get3A_801 = vector.shape_cast %get3A_800 : vector<16xf32> to vector<16xf32>
      %get3A_802 = arith.constant 1 : i32
      %get3A_803 = arith.index_cast %get3A_802 : i32 to index
      %get3A_804 = arith.constant 368 : index
      %get3A_805 = tpu.vector_load %arg6[%get3A_803, %get3A_804] {strides = array<i32>} : memref<4x768xf32, #tpu.memory_space<vmem>>, vector<1x16xf32>,
      %get3A_806 = vector.shape_cast %get3A_805 : vector<1x16xf32> to vector<16xf32>
      %mul3A_807 = arith.mulf %get3A_801, %get3A_806 : vector<16xf32>
      %add3A_808 = arith.addf %add3A_798, %mul3A_807 : vector<16xf32>
      %get3A_809 = arith.constant 384 : index
      %get3A_810 = tpu.vector_load %arg5[%get3A_809] {strides = array<i32>} : memref<768xf32, #tpu.memory_space<vmem>>, vector<16xf32>,
      %get3A_811 = vector.shape_cast %get3A_810 : vector<16xf32> to vector<16xf32>
      %get3A_812 = arith.constant 1 : i32
      %get3A_813 = arith.index_cast %get3A_812 : i32 to index
      %get3A_814 = arith.constant 384 : index
      %get3A_815 = tpu.vector_load %arg6[%get3A_813, %get3A_814] {strides = array<i32>} : memref<4x768xf32, #tpu.memory_space<vmem>>, vector<1x16xf32>,
      %get3A_816 = vector.shape_cast %get3A_815 : vector<1x16xf32> to vector<16xf32>
      %mul3A_817 = arith.mulf %get3A_811, %get3A_816 : vector<16xf32>
      %add3A_818 = arith.addf %add3A_808, %mul3A_817 : vector<16xf32>
      %get3A_819 = arith.constant 400 : index
      %get3A_820 = tpu.vector_load %arg5[%get3A_819] {strides = array<i32>} : memref<768xf32, #tpu.memory_space<vmem>>, vector<16xf32>,
      %get3A_821 = vector.shape_cast %get3A_820 : vector<16xf32> to vector<16xf32>
      %get3A_822 = arith.constant 1 : i32
      %get3A_823 = arith.index_cast %get3A_822 : i32 to index
      %get3A_824 = arith.constant 400 : index
      %get3A_825 = tpu.vector_load %arg6[%get3A_823, %get3A_824] {strides = array<i32>} : memref<4x768xf32, #tpu.memory_space<vmem>>, vector<1x16xf32>,
      %get3A_826 = vector.shape_cast %get3A_825 : vector<1x16xf32> to vector<16xf32>
      %mul3A_827 = arith.mulf %get3A_821, %get3A_826 : vector<16xf32>
      %add3A_828 = arith.addf %add3A_818, %mul3A_827 : vector<16xf32>
      %get3A_829 = arith.constant 416 : index
      %get3A_830 = tpu.vector_load %arg5[%get3A_829] {strides = array<i32>} : memref<768xf32, #tpu.memory_space<vmem>>, vector<16xf32>,
      %get3A_831 = vector.shape_cast %get3A_830 : vector<16xf32> to vector<16xf32>
      %get3A_832 = arith.constant 1 : i32
      %get3A_833 = arith.index_cast %get3A_832 : i32 to index
      %get3A_834 = arith.constant 416 : index
      %get3A_835 = tpu.vector_load %arg6[%get3A_833, %get3A_834] {strides = array<i32>} : memref<4x768xf32, #tpu.memory_space<vmem>>, vector<1x16xf32>,
      %get3A_836 = vector.shape_cast %get3A_835 : vector<1x16xf32> to vector<16xf32>
      %mul3A_837 = arith.mulf %get3A_831, %get3A_836 : vector<16xf32>
      %add3A_838 = arith.addf %add3A_828, %mul3A_837 : vector<16xf32>
      %get3A_839 = arith.constant 432 : index
      %get3A_840 = tpu.vector_load %arg5[%get3A_839] {strides = array<i32>} : memref<768xf32, #tpu.memory_space<vmem>>, vector<16xf32>,
      %get3A_841 = vector.shape_cast %get3A_840 : vector<16xf32> to vector<16xf32>
      %get3A_842 = arith.constant 1 : i32
      %get3A_843 = arith.index_cast %get3A_842 : i32 to index
      %get3A_844 = arith.constant 432 : index
      %get3A_845 = tpu.vector_load %arg6[%get3A_843, %get3A_844] {strides = array<i32>} : memref<4x768xf32, #tpu.memory_space<vmem>>, vector<1x16xf32>,
      %get3A_846 = vector.shape_cast %get3A_845 : vector<1x16xf32> to vector<16xf32>
      %mul3A_847 = arith.mulf %get3A_841, %get3A_846 : vector<16xf32>
      %add3A_848 = arith.addf %add3A_838, %mul3A_847 : vector<16xf32>
      %get3A_849 = arith.constant 448 : index
      %get3A_850 = tpu.vector_load %arg5[%get3A_849] {strides = array<i32>} : memref<768xf32, #tpu.memory_space<vmem>>, vector<16xf32>,
      %get3A_851 = vector.shape_cast %get3A_850 : vector<16xf32> to vector<16xf32>
      %get3A_852 = arith.constant 1 : i32
      %get3A_853 = arith.index_cast %get3A_852 : i32 to index
      %get3A_854 = arith.constant 448 : index
      %get3A_855 = tpu.vector_load %arg6[%get3A_853, %get3A_854] {strides = array<i32>} : memref<4x768xf32, #tpu.memory_space<vmem>>, vector<1x16xf32>,
      %get3A_856 = vector.shape_cast %get3A_855 : vector<1x16xf32> to vector<16xf32>
      %mul3A_857 = arith.mulf %get3A_851, %get3A_856 : vector<16xf32>
      %add3A_858 = arith.addf %add3A_848, %mul3A_857 : vector<16xf32>
      %get3A_859 = arith.constant 464 : index
      %get3A_860 = tpu.vector_load %arg5[%get3A_859] {strides = array<i32>} : memref<768xf32, #tpu.memory_space<vmem>>, vector<16xf32>,
      %get3A_861 = vector.shape_cast %get3A_860 : vector<16xf32> to vector<16xf32>
      %get3A_862 = arith.constant 1 : i32
      %get3A_863 = arith.index_cast %get3A_862 : i32 to index
      %get3A_864 = arith.constant 464 : index
      %get3A_865 = tpu.vector_load %arg6[%get3A_863, %get3A_864] {strides = array<i32>} : memref<4x768xf32, #tpu.memory_space<vmem>>, vector<1x16xf32>,
      %get3A_866 = vector.shape_cast %get3A_865 : vector<1x16xf32> to vector<16xf32>
      %mul3A_867 = arith.mulf %get3A_861, %get3A_866 : vector<16xf32>
      %add3A_868 = arith.addf %add3A_858, %mul3A_867 : vector<16xf32>
      %get3A_869 = arith.constant 480 : index
      %get3A_870 = tpu.vector_load %arg5[%get3A_869] {strides = array<i32>} : memref<768xf32, #tpu.memory_space<vmem>>, vector<16xf32>,
      %get3A_871 = vector.shape_cast %get3A_870 : vector<16xf32> to vector<16xf32>
      %get3A_872 = arith.constant 1 : i32
      %get3A_873 = arith.index_cast %get3A_872 : i32 to index
      %get3A_874 = arith.constant 480 : index
      %get3A_875 = tpu.vector_load %arg6[%get3A_873, %get3A_874] {strides = array<i32>} : memref<4x768xf32, #tpu.memory_space<vmem>>, vector<1x16xf32>,
      %get3A_876 = vector.shape_cast %get3A_875 : vector<1x16xf32> to vector<16xf32>
      %mul3A_877 = arith.mulf %get3A_871, %get3A_876 : vector<16xf32>
      %add3A_878 = arith.addf %add3A_868, %mul3A_877 : vector<16xf32>
      %get3A_879 = arith.constant 496 : index
      %get3A_880 = tpu.vector_load %arg5[%get3A_879] {strides = array<i32>} : memref<768xf32, #tpu.memory_space<vmem>>, vector<16xf32>,
      %get3A_881 = vector.shape_cast %get3A_880 : vector<16xf32> to vector<16xf32>
      %get3A_882 = arith.constant 1 : i32
      %get3A_883 = arith.index_cast %get3A_882 : i32 to index
      %get3A_884 = arith.constant 496 : index
      %get3A_885 = tpu.vector_load %arg6[%get3A_883, %get3A_884] {strides = array<i32>} : memref<4x768xf32, #tpu.memory_space<vmem>>, vector<1x16xf32>,
      %get3A_886 = vector.shape_cast %get3A_885 : vector<1x16xf32> to vector<16xf32>
      %mul3A_887 = arith.mulf %get3A_881, %get3A_886 : vector<16xf32>
      %add3A_888 = arith.addf %add3A_878, %mul3A_887 : vector<16xf32>
      %get3A_889 = arith.constant 512 : index
      %get3A_890 = tpu.vector_load %arg5[%get3A_889] {strides = array<i32>} : memref<768xf32, #tpu.memory_space<vmem>>, vector<16xf32>,
      %get3A_891 = vector.shape_cast %get3A_890 : vector<16xf32> to vector<16xf32>
      %get3A_892 = arith.constant 1 : i32
      %get3A_893 = arith.index_cast %get3A_892 : i32 to index
      %get3A_894 = arith.constant 512 : index
      %get3A_895 = tpu.vector_load %arg6[%get3A_893, %get3A_894] {strides = array<i32>} : memref<4x768xf32, #tpu.memory_space<vmem>>, vector<1x16xf32>,
      %get3A_896 = vector.shape_cast %get3A_895 : vector<1x16xf32> to vector<16xf32>
      %mul3A_897 = arith.mulf %get3A_891, %get3A_896 : vector<16xf32>
      %add3A_898 = arith.addf %add3A_888, %mul3A_897 : vector<16xf32>
      %get3A_899 = arith.constant 528 : index
      %get3A_900 = tpu.vector_load %arg5[%get3A_899] {strides = array<i32>} : memref<768xf32, #tpu.memory_space<vmem>>, vector<16xf32>,
      %get3A_901 = vector.shape_cast %get3A_900 : vector<16xf32> to vector<16xf32>
      %get3A_902 = arith.constant 1 : i32
      %get3A_903 = arith.index_cast %get3A_902 : i32 to index
      %get3A_904 = arith.constant 528 : index
      %get3A_905 = tpu.vector_load %arg6[%get3A_903, %get3A_904] {strides = array<i32>} : memref<4x768xf32, #tpu.memory_space<vmem>>, vector<1x16xf32>,
      %get3A_906 = vector.shape_cast %get3A_905 : vector<1x16xf32> to vector<16xf32>
      %mul3A_907 = arith.mulf %get3A_901, %get3A_906 : vector<16xf32>
      %add3A_908 = arith.addf %add3A_898, %mul3A_907 : vector<16xf32>
      %get3A_909 = arith.constant 544 : index
      %get3A_910 = tpu.vector_load %arg5[%get3A_909] {strides = array<i32>} : memref<768xf32, #tpu.memory_space<vmem>>, vector<16xf32>,
      %get3A_911 = vector.shape_cast %get3A_910 : vector<16xf32> to vector<16xf32>
      %get3A_912 = arith.constant 1 : i32
      %get3A_913 = arith.index_cast %get3A_912 : i32 to index
      %get3A_914 = arith.constant 544 : index
      %get3A_915 = tpu.vector_load %arg6[%get3A_913, %get3A_914] {strides = array<i32>} : memref<4x768xf32, #tpu.memory_space<vmem>>, vector<1x16xf32>,
      %get3A_916 = vector.shape_cast %get3A_915 : vector<1x16xf32> to vector<16xf32>
      %mul3A_917 = arith.mulf %get3A_911, %get3A_916 : vector<16xf32>
      %add3A_918 = arith.addf %add3A_908, %mul3A_917 : vector<16xf32>
      %get3A_919 = arith.constant 560 : index
      %get3A_920 = tpu.vector_load %arg5[%get3A_919] {strides = array<i32>} : memref<768xf32, #tpu.memory_space<vmem>>, vector<16xf32>,
      %get3A_921 = vector.shape_cast %get3A_920 : vector<16xf32> to vector<16xf32>
      %get3A_922 = arith.constant 1 : i32
      %get3A_923 = arith.index_cast %get3A_922 : i32 to index
      %get3A_924 = arith.constant 560 : index
      %get3A_925 = tpu.vector_load %arg6[%get3A_923, %get3A_924] {strides = array<i32>} : memref<4x768xf32, #tpu.memory_space<vmem>>, vector<1x16xf32>,
      %get3A_926 = vector.shape_cast %get3A_925 : vector<1x16xf32> to vector<16xf32>
      %mul3A_927 = arith.mulf %get3A_921, %get3A_926 : vector<16xf32>
      %add3A_928 = arith.addf %add3A_918, %mul3A_927 : vector<16xf32>
      %get3A_929 = arith.constant 576 : index
      %get3A_930 = tpu.vector_load %arg5[%get3A_929] {strides = array<i32>} : memref<768xf32, #tpu.memory_space<vmem>>, vector<16xf32>,
      %get3A_931 = vector.shape_cast %get3A_930 : vector<16xf32> to vector<16xf32>
      %get3A_932 = arith.constant 1 : i32
      %get3A_933 = arith.index_cast %get3A_932 : i32 to index
      %get3A_934 = arith.constant 576 : index
      %get3A_935 = tpu.vector_load %arg6[%get3A_933, %get3A_934] {strides = array<i32>} : memref<4x768xf32, #tpu.memory_space<vmem>>, vector<1x16xf32>,
      %get3A_936 = vector.shape_cast %get3A_935 : vector<1x16xf32> to vector<16xf32>
      %mul3A_937 = arith.mulf %get3A_931, %get3A_936 : vector<16xf32>
      %add3A_938 = arith.addf %add3A_928, %mul3A_937 : vector<16xf32>
      %get3A_939 = arith.constant 592 : index
      %get3A_940 = tpu.vector_load %arg5[%get3A_939] {strides = array<i32>} : memref<768xf32, #tpu.memory_space<vmem>>, vector<16xf32>,
      %get3A_941 = vector.shape_cast %get3A_940 : vector<16xf32> to vector<16xf32>
      %get3A_942 = arith.constant 1 : i32
      %get3A_943 = arith.index_cast %get3A_942 : i32 to index
      %get3A_944 = arith.constant 592 : index
      %get3A_945 = tpu.vector_load %arg6[%get3A_943, %get3A_944] {strides = array<i32>} : memref<4x768xf32, #tpu.memory_space<vmem>>, vector<1x16xf32>,
      %get3A_946 = vector.shape_cast %get3A_945 : vector<1x16xf32> to vector<16xf32>
      %mul3A_947 = arith.mulf %get3A_941, %get3A_946 : vector<16xf32>
      %add3A_948 = arith.addf %add3A_938, %mul3A_947 : vector<16xf32>
      %get3A_949 = arith.constant 608 : index
      %get3A_950 = tpu.vector_load %arg5[%get3A_949] {strides = array<i32>} : memref<768xf32, #tpu.memory_space<vmem>>, vector<16xf32>,
      %get3A_951 = vector.shape_cast %get3A_950 : vector<16xf32> to vector<16xf32>
      %get3A_952 = arith.constant 1 : i32
      %get3A_953 = arith.index_cast %get3A_952 : i32 to index
      %get3A_954 = arith.constant 608 : index
      %get3A_955 = tpu.vector_load %arg6[%get3A_953, %get3A_954] {strides = array<i32>} : memref<4x768xf32, #tpu.memory_space<vmem>>, vector<1x16xf32>,
      %get3A_956 = vector.shape_cast %get3A_955 : vector<1x16xf32> to vector<16xf32>
      %mul3A_957 = arith.mulf %get3A_951, %get3A_956 : vector<16xf32>
      %add3A_958 = arith.addf %add3A_948, %mul3A_957 : vector<16xf32>
      %get3A_959 = arith.constant 624 : index
      %get3A_960 = tpu.vector_load %arg5[%get3A_959] {strides = array<i32>} : memref<768xf32, #tpu.memory_space<vmem>>, vector<16xf32>,
      %get3A_961 = vector.shape_cast %get3A_960 : vector<16xf32> to vector<16xf32>
      %get3A_962 = arith.constant 1 : i32
      %get3A_963 = arith.index_cast %get3A_962 : i32 to index
      %get3A_964 = arith.constant 624 : index
      %get3A_965 = tpu.vector_load %arg6[%get3A_963, %get3A_964] {strides = array<i32>} : memref<4x768xf32, #tpu.memory_space<vmem>>, vector<1x16xf32>,
      %get3A_966 = vector.shape_cast %get3A_965 : vector<1x16xf32> to vector<16xf32>
      %mul3A_967 = arith.mulf %get3A_961, %get3A_966 : vector<16xf32>
      %add3A_968 = arith.addf %add3A_958, %mul3A_967 : vector<16xf32>
      %get3A_969 = arith.constant 640 : index
      %get3A_970 = tpu.vector_load %arg5[%get3A_969] {strides = array<i32>} : memref<768xf32, #tpu.memory_space<vmem>>, vector<16xf32>,
      %get3A_971 = vector.shape_cast %get3A_970 : vector<16xf32> to vector<16xf32>
      %get3A_972 = arith.constant 1 : i32
      %get3A_973 = arith.index_cast %get3A_972 : i32 to index
      %get3A_974 = arith.constant 640 : index
      %get3A_975 = tpu.vector_load %arg6[%get3A_973, %get3A_974] {strides = array<i32>} : memref<4x768xf32, #tpu.memory_space<vmem>>, vector<1x16xf32>,
      %get3A_976 = vector.shape_cast %get3A_975 : vector<1x16xf32> to vector<16xf32>
      %mul3A_977 = arith.mulf %get3A_971, %get3A_976 : vector<16xf32>
      %add3A_978 = arith.addf %add3A_968, %mul3A_977 : vector<16xf32>
      %get3A_979 = arith.constant 656 : index
      %get3A_980 = tpu.vector_load %arg5[%get3A_979] {strides = array<i32>} : memref<768xf32, #tpu.memory_space<vmem>>, vector<16xf32>,
      %get3A_981 = vector.shape_cast %get3A_980 : vector<16xf32> to vector<16xf32>
      %get3A_982 = arith.constant 1 : i32
      %get3A_983 = arith.index_cast %get3A_982 : i32 to index
      %get3A_984 = arith.constant 656 : index
      %get3A_985 = tpu.vector_load %arg6[%get3A_983, %get3A_984] {strides = array<i32>} : memref<4x768xf32, #tpu.memory_space<vmem>>, vector<1x16xf32>,
      %get3A_986 = vector.shape_cast %get3A_985 : vector<1x16xf32> to vector<16xf32>
      %mul3A_987 = arith.mulf %get3A_981, %get3A_986 : vector<16xf32>
      %add3A_988 = arith.addf %add3A_978, %mul3A_987 : vector<16xf32>
      %get3A_989 = arith.constant 672 : index
      %get3A_990 = tpu.vector_load %arg5[%get3A_989] {strides = array<i32>} : memref<768xf32, #tpu.memory_space<vmem>>, vector<16xf32>,
      %get3A_991 = vector.shape_cast %get3A_990 : vector<16xf32> to vector<16xf32>
      %get3A_992 = arith.constant 1 : i32
      %get3A_993 = arith.index_cast %get3A_992 : i32 to index
      %get3A_994 = arith.constant 672 : index
      %get3A_995 = tpu.vector_load %arg6[%get3A_993, %get3A_994] {strides = array<i32>} : memref<4x768xf32, #tpu.memory_space<vmem>>, vector<1x16xf32>,
      %get3A_996 = vector.shape_cast %get3A_995 : vector<1x16xf32> to vector<16xf32>
      %mul3A_997 = arith.mulf %get3A_991, %get3A_996 : vector<16xf32>
      %add3A_998 = arith.addf %add3A_988, %mul3A_997 : vector<16xf32>
      %get3A_999 = arith.constant 688 : index
      %get3A_1000 = tpu.vector_load %arg5[%get3A_999] {strides = array<i32>} : memref<768xf32, #tpu.memory_space<vmem>>, vector<16xf32>,
      %get3A_1001 = vector.shape_cast %get3A_1000 : vector<16xf32> to vector<16xf32>
      %get3A_1002 = arith.constant 1 : i32
      %get3A_1003 = arith.index_cast %get3A_1002 : i32 to index
      %get3A_1004 = arith.constant 688 : index
      %get3A_1005 = tpu.vector_load %arg6[%get3A_1003, %get3A_1004] {strides = array<i32>} : memref<4x768xf32, #tpu.memory_space<vmem>>, vector<1x16xf32>,
      %get3A_1006 = vector.shape_cast %get3A_1005 : vector<1x16xf32> to vector<16xf32>
      %mul3A_1007 = arith.mulf %get3A_1001, %get3A_1006 : vector<16xf32>
      %add3A_1008 = arith.addf %add3A_998, %mul3A_1007 : vector<16xf32>
      %get3A_1009 = arith.constant 704 : index
      %get3A_1010 = tpu.vector_load %arg5[%get3A_1009] {strides = array<i32>} : memref<768xf32, #tpu.memory_space<vmem>>, vector<16xf32>,
      %get3A_1011 = vector.shape_cast %get3A_1010 : vector<16xf32> to vector<16xf32>
      %get3A_1012 = arith.constant 1 : i32
      %get3A_1013 = arith.index_cast %get3A_1012 : i32 to index
      %get3A_1014 = arith.constant 704 : index
      %get3A_1015 = tpu.vector_load %arg6[%get3A_1013, %get3A_1014] {strides = array<i32>} : memref<4x768xf32, #tpu.memory_space<vmem>>, vector<1x16xf32>,
      %get3A_1016 = vector.shape_cast %get3A_1015 : vector<1x16xf32> to vector<16xf32>
      %mul3A_1017 = arith.mulf %get3A_1011, %get3A_1016 : vector<16xf32>
      %add3A_1018 = arith.addf %add3A_1008, %mul3A_1017 : vector<16xf32>
      %get3A_1019 = arith.constant 720 : index
      %get3A_1020 = tpu.vector_load %arg5[%get3A_1019] {strides = array<i32>} : memref<768xf32, #tpu.memory_space<vmem>>, vector<16xf32>,
      %get3A_1021 = vector.shape_cast %get3A_1020 : vector<16xf32> to vector<16xf32>
      %get3A_1022 = arith.constant 1 : i32
      %get3A_1023 = arith.index_cast %get3A_1022 : i32 to index
      %get3A_1024 = arith.constant 720 : index
      %get3A_1025 = tpu.vector_load %arg6[%get3A_1023, %get3A_1024] {strides = array<i32>} : memref<4x768xf32, #tpu.memory_space<vmem>>, vector<1x16xf32>,
      %get3A_1026 = vector.shape_cast %get3A_1025 : vector<1x16xf32> to vector<16xf32>
      %mul3A_1027 = arith.mulf %get3A_1021, %get3A_1026 : vector<16xf32>
      %add3A_1028 = arith.addf %add3A_1018, %mul3A_1027 : vector<16xf32>
      %get3A_1029 = arith.constant 736 : index
      %get3A_1030 = tpu.vector_load %arg5[%get3A_1029] {strides = array<i32>} : memref<768xf32, #tpu.memory_space<vmem>>, vector<16xf32>,
      %get3A_1031 = vector.shape_cast %get3A_1030 : vector<16xf32> to vector<16xf32>
      %get3A_1032 = arith.constant 1 : i32
      %get3A_1033 = arith.index_cast %get3A_1032 : i32 to index
      %get3A_1034 = arith.constant 736 : index
      %get3A_1035 = tpu.vector_load %arg6[%get3A_1033, %get3A_1034] {strides = array<i32>} : memref<4x768xf32, #tpu.memory_space<vmem>>, vector<1x16xf32>,
      %get3A_1036 = vector.shape_cast %get3A_1035 : vector<1x16xf32> to vector<16xf32>
      %mul3A_1037 = arith.mulf %get3A_1031, %get3A_1036 : vector<16xf32>
      %add3A_1038 = arith.addf %add3A_1028, %mul3A_1037 : vector<16xf32>
      %get3A_1039 = arith.constant 752 : index
      %get3A_1040 = tpu.vector_load %arg5[%get3A_1039] {strides = array<i32>} : memref<768xf32, #tpu.memory_space<vmem>>, vector<16xf32>,
      %get3A_1041 = vector.shape_cast %get3A_1040 : vector<16xf32> to vector<16xf32>
      %get3A_1042 = arith.constant 1 : i32
      %get3A_1043 = arith.index_cast %get3A_1042 : i32 to index
      %get3A_1044 = arith.constant 752 : index
      %get3A_1045 = tpu.vector_load %arg6[%get3A_1043, %get3A_1044] {strides = array<i32>} : memref<4x768xf32, #tpu.memory_space<vmem>>, vector<1x16xf32>,
      %get3A_1046 = vector.shape_cast %get3A_1045 : vector<1x16xf32> to vector<16xf32>
      %mul3A_1047 = arith.mulf %get3A_1041, %get3A_1046 : vector<16xf32>
      %add3A_1048 = arith.addf %add3A_1038, %mul3A_1047 : vector<16xf32>
      %eq3A_1049 = arith.constant 1 : i32
      %eq3A_1050 = vector.broadcast %eq3A_1049 : i32 to vector<16xi32>
      %eq3A_1051 = arith.cmpi eq, %iota3A, %eq3A_1050 : vector<16xi32>
      %xor3A_1052 = arith.constant 1 : i32
      %xor3A_1053 = vector.broadcast %xor3A_1052 : i32 to vector<16xi32>
      %xor3A_1054 = arith.xori %iota3A, %xor3A_1053 : vector<16xi32>
      %lt3A_1055 = arith.constant 0 : i32
      %lt3A_1056 = vector.broadcast %lt3A_1055 : i32 to vector<16xi32>
      %lt3A_1057 = arith.cmpi slt, %xor3A_1054, %lt3A_1056 : vector<16xi32>
      %add3A_1058 = arith.constant 16 : i32
      %add3A_1059 = vector.broadcast %add3A_1058 : i32 to vector<16xi32>
      %add3A_1060 = arith.addi %xor3A_1054, %add3A_1059 : vector<16xi32>
      %select_n3A_1061 = arith.select %lt3A_1057, %add3A_1060, %xor3A_1054 : vector<16xi1>, vector<16xi32>
      %broadcast_in_dim3A_1062 = vector.shape_cast %select_n3A_1061 : vector<16xi32> to vector<16x1xi32>
      %gather3A_1063 = vector.shape_cast %broadcast_in_dim3A_1062 : vector<16x1xi32> to vector<16xi32>
      %gather3A_1064 = tpu.dynamic_gather %add3A_1048[%gather3A_1063] in [0] : vector<16xf32>, vector<16xi32> -> vector<16xf32>
      %add3A_1065 = arith.addf %add3A_1048, %gather3A_1064 : vector<16xf32>
      %xor3A_1066 = arith.constant 2 : i32
      %xor3A_1067 = vector.broadcast %xor3A_1066 : i32 to vector<16xi32>
      %xor3A_1068 = arith.xori %iota3A, %xor3A_1067 : vector<16xi32>
      %lt3A_1069 = arith.constant 0 : i32
      %lt3A_1070 = vector.broadcast %lt3A_1069 : i32 to vector<16xi32>
      %lt3A_1071 = arith.cmpi slt, %xor3A_1068, %lt3A_1070 : vector<16xi32>
      %add3A_1072 = arith.constant 16 : i32
      %add3A_1073 = vector.broadcast %add3A_1072 : i32 to vector<16xi32>
      %add3A_1074 = arith.addi %xor3A_1068, %add3A_1073 : vector<16xi32>
      %select_n3A_1075 = arith.select %lt3A_1071, %add3A_1074, %xor3A_1068 : vector<16xi1>, vector<16xi32>
      %broadcast_in_dim3A_1076 = vector.shape_cast %select_n3A_1075 : vector<16xi32> to vector<16x1xi32>
      %gather3A_1077 = vector.shape_cast %broadcast_in_dim3A_1076 : vector<16x1xi32> to vector<16xi32>
      %gather3A_1078 = tpu.dynamic_gather %add3A_1065[%gather3A_1077] in [0] : vector<16xf32>, vector<16xi32> -> vector<16xf32>
      %add3A_1079 = arith.addf %add3A_1065, %gather3A_1078 : vector<16xf32>
      %xor3A_1080 = arith.constant 4 : i32
      %xor3A_1081 = vector.broadcast %xor3A_1080 : i32 to vector<16xi32>
      %xor3A_1082 = arith.xori %iota3A, %xor3A_1081 : vector<16xi32>
      %lt3A_1083 = arith.constant 0 : i32
      %lt3A_1084 = vector.broadcast %lt3A_1083 : i32 to vector<16xi32>
      %lt3A_1085 = arith.cmpi slt, %xor3A_1082, %lt3A_1084 : vector<16xi32>
      %add3A_1086 = arith.constant 16 : i32
      %add3A_1087 = vector.broadcast %add3A_1086 : i32 to vector<16xi32>
      %add3A_1088 = arith.addi %xor3A_1082, %add3A_1087 : vector<16xi32>
      %select_n3A_1089 = arith.select %lt3A_1085, %add3A_1088, %xor3A_1082 : vector<16xi1>, vector<16xi32>
      %broadcast_in_dim3A_1090 = vector.shape_cast %select_n3A_1089 : vector<16xi32> to vector<16x1xi32>
      %gather3A_1091 = vector.shape_cast %broadcast_in_dim3A_1090 : vector<16x1xi32> to vector<16xi32>
      %gather3A_1092 = tpu.dynamic_gather %add3A_1079[%gather3A_1091] in [0] : vector<16xf32>, vector<16xi32> -> vector<16xf32>
      %add3A_1093 = arith.addf %add3A_1079, %gather3A_1092 : vector<16xf32>
      %xor3A_1094 = arith.constant 8 : i32
      %xor3A_1095 = vector.broadcast %xor3A_1094 : i32 to vector<16xi32>
      %xor3A_1096 = arith.xori %iota3A, %xor3A_1095 : vector<16xi32>
      %lt3A_1097 = arith.constant 0 : i32
      %lt3A_1098 = vector.broadcast %lt3A_1097 : i32 to vector<16xi32>
      %lt3A_1099 = arith.cmpi slt, %xor3A_1096, %lt3A_1098 : vector<16xi32>
      %add3A_1100 = arith.constant 16 : i32
      %add3A_1101 = vector.broadcast %add3A_1100 : i32 to vector<16xi32>
      %add3A_1102 = arith.addi %xor3A_1096, %add3A_1101 : vector<16xi32>
      %select_n3A_1103 = arith.select %lt3A_1099, %add3A_1102, %xor3A_1096 : vector<16xi1>, vector<16xi32>
      %broadcast_in_dim3A_1104 = vector.shape_cast %select_n3A_1103 : vector<16xi32> to vector<16x1xi32>
      %gather3A_1105 = vector.shape_cast %broadcast_in_dim3A_1104 : vector<16x1xi32> to vector<16xi32>
      %gather3A_1106 = tpu.dynamic_gather %add3A_1093[%gather3A_1105] in [0] : vector<16xf32>, vector<16xi32> -> vector<16xf32>
      %add3A_1107 = arith.addf %add3A_1093, %gather3A_1106 : vector<16xf32>
      %select_n3A_1108 = arith.select %eq3A_1051, %add3A_1107, %select_n3A_566 : vector<16xi1>, vector<16xf32>
      %broadcast_in_dim3A_1109 = arith.constant 0.000000e+00 : f32
      %broadcast_in_dim3A_1110 = vector.broadcast %broadcast_in_dim3A_1109 : f32 to vector<16xf32>
      %get3A_1111 = arith.constant 0 : index
      %get3A_1112 = tpu.vector_load %arg5[%get3A_1111] {strides = array<i32>} : memref<768xf32, #tpu.memory_space<vmem>>, vector<16xf32>,
      %get3A_1113 = vector.shape_cast %get3A_1112 : vector<16xf32> to vector<16xf32>
      %get3A_1114 = arith.constant 2 : i32
      %get3A_1115 = arith.index_cast %get3A_1114 : i32 to index
      %get3A_1116 = arith.constant 0 : index
      %get3A_1117 = tpu.vector_load %arg6[%get3A_1115, %get3A_1116] {strides = array<i32>} : memref<4x768xf32, #tpu.memory_space<vmem>>, vector<1x16xf32>,
      %get3A_1118 = vector.shape_cast %get3A_1117 : vector<1x16xf32> to vector<16xf32>
      %mul3A_1119 = arith.mulf %get3A_1113, %get3A_1118 : vector<16xf32>
      %add3A_1120 = arith.addf %broadcast_in_dim3A_1110, %mul3A_1119 : vector<16xf32>
      %get3A_1121 = arith.constant 16 : index
      %get3A_1122 = tpu.vector_load %arg5[%get3A_1121] {strides = array<i32>} : memref<768xf32, #tpu.memory_space<vmem>>, vector<16xf32>,
      %get3A_1123 = vector.shape_cast %get3A_1122 : vector<16xf32> to vector<16xf32>
      %get3A_1124 = arith.constant 2 : i32
      %get3A_1125 = arith.index_cast %get3A_1124 : i32 to index
      %get3A_1126 = arith.constant 16 : index
      %get3A_1127 = tpu.vector_load %arg6[%get3A_1125, %get3A_1126] {strides = array<i32>} : memref<4x768xf32, #tpu.memory_space<vmem>>, vector<1x16xf32>,
      %get3A_1128 = vector.shape_cast %get3A_1127 : vector<1x16xf32> to vector<16xf32>
      %mul3A_1129 = arith.mulf %get3A_1123, %get3A_1128 : vector<16xf32>
      %add3A_1130 = arith.addf %add3A_1120, %mul3A_1129 : vector<16xf32>
      %get3A_1131 = arith.constant 32 : index
      %get3A_1132 = tpu.vector_load %arg5[%get3A_1131] {strides = array<i32>} : memref<768xf32, #tpu.memory_space<vmem>>, vector<16xf32>,
      %get3A_1133 = vector.shape_cast %get3A_1132 : vector<16xf32> to vector<16xf32>
      %get3A_1134 = arith.constant 2 : i32
      %get3A_1135 = arith.index_cast %get3A_1134 : i32 to index
      %get3A_1136 = arith.constant 32 : index
      %get3A_1137 = tpu.vector_load %arg6[%get3A_1135, %get3A_1136] {strides = array<i32>} : memref<4x768xf32, #tpu.memory_space<vmem>>, vector<1x16xf32>,
      %get3A_1138 = vector.shape_cast %get3A_1137 : vector<1x16xf32> to vector<16xf32>
      %mul3A_1139 = arith.mulf %get3A_1133, %get3A_1138 : vector<16xf32>
      %add3A_1140 = arith.addf %add3A_1130, %mul3A_1139 : vector<16xf32>
      %get3A_1141 = arith.constant 48 : index
      %get3A_1142 = tpu.vector_load %arg5[%get3A_1141] {strides = array<i32>} : memref<768xf32, #tpu.memory_space<vmem>>, vector<16xf32>,
      %get3A_1143 = vector.shape_cast %get3A_1142 : vector<16xf32> to vector<16xf32>
      %get3A_1144 = arith.constant 2 : i32
      %get3A_1145 = arith.index_cast %get3A_1144 : i32 to index
      %get3A_1146 = arith.constant 48 : index
      %get3A_1147 = tpu.vector_load %arg6[%get3A_1145, %get3A_1146] {strides = array<i32>} : memref<4x768xf32, #tpu.memory_space<vmem>>, vector<1x16xf32>,
      %get3A_1148 = vector.shape_cast %get3A_1147 : vector<1x16xf32> to vector<16xf32>
      %mul3A_1149 = arith.mulf %get3A_1143, %get3A_1148 : vector<16xf32>
      %add3A_1150 = arith.addf %add3A_1140, %mul3A_1149 : vector<16xf32>
      %get3A_1151 = arith.constant 64 : index
      %get3A_1152 = tpu.vector_load %arg5[%get3A_1151] {strides = array<i32>} : memref<768xf32, #tpu.memory_space<vmem>>, vector<16xf32>,
      %get3A_1153 = vector.shape_cast %get3A_1152 : vector<16xf32> to vector<16xf32>
      %get3A_1154 = arith.constant 2 : i32
      %get3A_1155 = arith.index_cast %get3A_1154 : i32 to index
      %get3A_1156 = arith.constant 64 : index
      %get3A_1157 = tpu.vector_load %arg6[%get3A_1155, %get3A_1156] {strides = array<i32>} : memref<4x768xf32, #tpu.memory_space<vmem>>, vector<1x16xf32>,
      %get3A_1158 = vector.shape_cast %get3A_1157 : vector<1x16xf32> to vector<16xf32>
      %mul3A_1159 = arith.mulf %get3A_1153, %get3A_1158 : vector<16xf32>
      %add3A_1160 = arith.addf %add3A_1150, %mul3A_1159 : vector<16xf32>
      %get3A_1161 = arith.constant 80 : index
      %get3A_1162 = tpu.vector_load %arg5[%get3A_1161] {strides = array<i32>} : memref<768xf32, #tpu.memory_space<vmem>>, vector<16xf32>,
      %get3A_1163 = vector.shape_cast %get3A_1162 : vector<16xf32> to vector<16xf32>
      %get3A_1164 = arith.constant 2 : i32
      %get3A_1165 = arith.index_cast %get3A_1164 : i32 to index
      %get3A_1166 = arith.constant 80 : index
      %get3A_1167 = tpu.vector_load %arg6[%get3A_1165, %get3A_1166] {strides = array<i32>} : memref<4x768xf32, #tpu.memory_space<vmem>>, vector<1x16xf32>,
      %get3A_1168 = vector.shape_cast %get3A_1167 : vector<1x16xf32> to vector<16xf32>
      %mul3A_1169 = arith.mulf %get3A_1163, %get3A_1168 : vector<16xf32>
      %add3A_1170 = arith.addf %add3A_1160, %mul3A_1169 : vector<16xf32>
      %get3A_1171 = arith.constant 96 : index
      %get3A_1172 = tpu.vector_load %arg5[%get3A_1171] {strides = array<i32>} : memref<768xf32, #tpu.memory_space<vmem>>, vector<16xf32>,
      %get3A_1173 = vector.shape_cast %get3A_1172 : vector<16xf32> to vector<16xf32>
      %get3A_1174 = arith.constant 2 : i32
      %get3A_1175 = arith.index_cast %get3A_1174 : i32 to index
      %get3A_1176 = arith.constant 96 : index
      %get3A_1177 = tpu.vector_load %arg6[%get3A_1175, %get3A_1176] {strides = array<i32>} : memref<4x768xf32, #tpu.memory_space<vmem>>, vector<1x16xf32>,
      %get3A_1178 = vector.shape_cast %get3A_1177 : vector<1x16xf32> to vector<16xf32>
      %mul3A_1179 = arith.mulf %get3A_1173, %get3A_1178 : vector<16xf32>
      %add3A_1180 = arith.addf %add3A_1170, %mul3A_1179 : vector<16xf32>
      %get3A_1181 = arith.constant 112 : index
      %get3A_1182 = tpu.vector_load %arg5[%get3A_1181] {strides = array<i32>} : memref<768xf32, #tpu.memory_space<vmem>>, vector<16xf32>,
      %get3A_1183 = vector.shape_cast %get3A_1182 : vector<16xf32> to vector<16xf32>
      %get3A_1184 = arith.constant 2 : i32
      %get3A_1185 = arith.index_cast %get3A_1184 : i32 to index
      %get3A_1186 = arith.constant 112 : index
      %get3A_1187 = tpu.vector_load %arg6[%get3A_1185, %get3A_1186] {strides = array<i32>} : memref<4x768xf32, #tpu.memory_space<vmem>>, vector<1x16xf32>,
      %get3A_1188 = vector.shape_cast %get3A_1187 : vector<1x16xf32> to vector<16xf32>
      %mul3A_1189 = arith.mulf %get3A_1183, %get3A_1188 : vector<16xf32>
      %add3A_1190 = arith.addf %add3A_1180, %mul3A_1189 : vector<16xf32>
      %get3A_1191 = arith.constant 128 : index
      %get3A_1192 = tpu.vector_load %arg5[%get3A_1191] {strides = array<i32>} : memref<768xf32, #tpu.memory_space<vmem>>, vector<16xf32>,
      %get3A_1193 = vector.shape_cast %get3A_1192 : vector<16xf32> to vector<16xf32>
      %get3A_1194 = arith.constant 2 : i32
      %get3A_1195 = arith.index_cast %get3A_1194 : i32 to index
      %get3A_1196 = arith.constant 128 : index
      %get3A_1197 = tpu.vector_load %arg6[%get3A_1195, %get3A_1196] {strides = array<i32>} : memref<4x768xf32, #tpu.memory_space<vmem>>, vector<1x16xf32>,
      %get3A_1198 = vector.shape_cast %get3A_1197 : vector<1x16xf32> to vector<16xf32>
      %mul3A_1199 = arith.mulf %get3A_1193, %get3A_1198 : vector<16xf32>
      %add3A_1200 = arith.addf %add3A_1190, %mul3A_1199 : vector<16xf32>
      %get3A_1201 = arith.constant 144 : index
      %get3A_1202 = tpu.vector_load %arg5[%get3A_1201] {strides = array<i32>} : memref<768xf32, #tpu.memory_space<vmem>>, vector<16xf32>,
      %get3A_1203 = vector.shape_cast %get3A_1202 : vector<16xf32> to vector<16xf32>
      %get3A_1204 = arith.constant 2 : i32
      %get3A_1205 = arith.index_cast %get3A_1204 : i32 to index
      %get3A_1206 = arith.constant 144 : index
      %get3A_1207 = tpu.vector_load %arg6[%get3A_1205, %get3A_1206] {strides = array<i32>} : memref<4x768xf32, #tpu.memory_space<vmem>>, vector<1x16xf32>,
      %get3A_1208 = vector.shape_cast %get3A_1207 : vector<1x16xf32> to vector<16xf32>
      %mul3A_1209 = arith.mulf %get3A_1203, %get3A_1208 : vector<16xf32>
      %add3A_1210 = arith.addf %add3A_1200, %mul3A_1209 : vector<16xf32>
      %get3A_1211 = arith.constant 160 : index
      %get3A_1212 = tpu.vector_load %arg5[%get3A_1211] {strides = array<i32>} : memref<768xf32, #tpu.memory_space<vmem>>, vector<16xf32>,
      %get3A_1213 = vector.shape_cast %get3A_1212 : vector<16xf32> to vector<16xf32>
      %get3A_1214 = arith.constant 2 : i32
      %get3A_1215 = arith.index_cast %get3A_1214 : i32 to index
      %get3A_1216 = arith.constant 160 : index
      %get3A_1217 = tpu.vector_load %arg6[%get3A_1215, %get3A_1216] {strides = array<i32>} : memref<4x768xf32, #tpu.memory_space<vmem>>, vector<1x16xf32>,
      %get3A_1218 = vector.shape_cast %get3A_1217 : vector<1x16xf32> to vector<16xf32>
      %mul3A_1219 = arith.mulf %get3A_1213, %get3A_1218 : vector<16xf32>
      %add3A_1220 = arith.addf %add3A_1210, %mul3A_1219 : vector<16xf32>
      %get3A_1221 = arith.constant 176 : index
      %get3A_1222 = tpu.vector_load %arg5[%get3A_1221] {strides = array<i32>} : memref<768xf32, #tpu.memory_space<vmem>>, vector<16xf32>,
      %get3A_1223 = vector.shape_cast %get3A_1222 : vector<16xf32> to vector<16xf32>
      %get3A_1224 = arith.constant 2 : i32
      %get3A_1225 = arith.index_cast %get3A_1224 : i32 to index
      %get3A_1226 = arith.constant 176 : index
      %get3A_1227 = tpu.vector_load %arg6[%get3A_1225, %get3A_1226] {strides = array<i32>} : memref<4x768xf32, #tpu.memory_space<vmem>>, vector<1x16xf32>,
      %get3A_1228 = vector.shape_cast %get3A_1227 : vector<1x16xf32> to vector<16xf32>
      %mul3A_1229 = arith.mulf %get3A_1223, %get3A_1228 : vector<16xf32>
      %add3A_1230 = arith.addf %add3A_1220, %mul3A_1229 : vector<16xf32>
      %get3A_1231 = arith.constant 192 : index
      %get3A_1232 = tpu.vector_load %arg5[%get3A_1231] {strides = array<i32>} : memref<768xf32, #tpu.memory_space<vmem>>, vector<16xf32>,
      %get3A_1233 = vector.shape_cast %get3A_1232 : vector<16xf32> to vector<16xf32>
      %get3A_1234 = arith.constant 2 : i32
      %get3A_1235 = arith.index_cast %get3A_1234 : i32 to index
      %get3A_1236 = arith.constant 192 : index
      %get3A_1237 = tpu.vector_load %arg6[%get3A_1235, %get3A_1236] {strides = array<i32>} : memref<4x768xf32, #tpu.memory_space<vmem>>, vector<1x16xf32>,
      %get3A_1238 = vector.shape_cast %get3A_1237 : vector<1x16xf32> to vector<16xf32>
      %mul3A_1239 = arith.mulf %get3A_1233, %get3A_1238 : vector<16xf32>
      %add3A_1240 = arith.addf %add3A_1230, %mul3A_1239 : vector<16xf32>
      %get3A_1241 = arith.constant 208 : index
      %get3A_1242 = tpu.vector_load %arg5[%get3A_1241] {strides = array<i32>} : memref<768xf32, #tpu.memory_space<vmem>>, vector<16xf32>,
      %get3A_1243 = vector.shape_cast %get3A_1242 : vector<16xf32> to vector<16xf32>
      %get3A_1244 = arith.constant 2 : i32
      %get3A_1245 = arith.index_cast %get3A_1244 : i32 to index
      %get3A_1246 = arith.constant 208 : index
      %get3A_1247 = tpu.vector_load %arg6[%get3A_1245, %get3A_1246] {strides = array<i32>} : memref<4x768xf32, #tpu.memory_space<vmem>>, vector<1x16xf32>,
      %get3A_1248 = vector.shape_cast %get3A_1247 : vector<1x16xf32> to vector<16xf32>
      %mul3A_1249 = arith.mulf %get3A_1243, %get3A_1248 : vector<16xf32>
      %add3A_1250 = arith.addf %add3A_1240, %mul3A_1249 : vector<16xf32>
      %get3A_1251 = arith.constant 224 : index
      %get3A_1252 = tpu.vector_load %arg5[%get3A_1251] {strides = array<i32>} : memref<768xf32, #tpu.memory_space<vmem>>, vector<16xf32>,
      %get3A_1253 = vector.shape_cast %get3A_1252 : vector<16xf32> to vector<16xf32>
      %get3A_1254 = arith.constant 2 : i32
      %get3A_1255 = arith.index_cast %get3A_1254 : i32 to index
      %get3A_1256 = arith.constant 224 : index
      %get3A_1257 = tpu.vector_load %arg6[%get3A_1255, %get3A_1256] {strides = array<i32>} : memref<4x768xf32, #tpu.memory_space<vmem>>, vector<1x16xf32>,
      %get3A_1258 = vector.shape_cast %get3A_1257 : vector<1x16xf32> to vector<16xf32>
      %mul3A_1259 = arith.mulf %get3A_1253, %get3A_1258 : vector<16xf32>
      %add3A_1260 = arith.addf %add3A_1250, %mul3A_1259 : vector<16xf32>
      %get3A_1261 = arith.constant 240 : index
      %get3A_1262 = tpu.vector_load %arg5[%get3A_1261] {strides = array<i32>} : memref<768xf32, #tpu.memory_space<vmem>>, vector<16xf32>,
      %get3A_1263 = vector.shape_cast %get3A_1262 : vector<16xf32> to vector<16xf32>
      %get3A_1264 = arith.constant 2 : i32
      %get3A_1265 = arith.index_cast %get3A_1264 : i32 to index
      %get3A_1266 = arith.constant 240 : index
      %get3A_1267 = tpu.vector_load %arg6[%get3A_1265, %get3A_1266] {strides = array<i32>} : memref<4x768xf32, #tpu.memory_space<vmem>>, vector<1x16xf32>,
      %get3A_1268 = vector.shape_cast %get3A_1267 : vector<1x16xf32> to vector<16xf32>
      %mul3A_1269 = arith.mulf %get3A_1263, %get3A_1268 : vector<16xf32>
      %add3A_1270 = arith.addf %add3A_1260, %mul3A_1269 : vector<16xf32>
      %get3A_1271 = arith.constant 256 : index
      %get3A_1272 = tpu.vector_load %arg5[%get3A_1271] {strides = array<i32>} : memref<768xf32, #tpu.memory_space<vmem>>, vector<16xf32>,
      %get3A_1273 = vector.shape_cast %get3A_1272 : vector<16xf32> to vector<16xf32>
      %get3A_1274 = arith.constant 2 : i32
      %get3A_1275 = arith.index_cast %get3A_1274 : i32 to index
      %get3A_1276 = arith.constant 256 : index
      %get3A_1277 = tpu.vector_load %arg6[%get3A_1275, %get3A_1276] {strides = array<i32>} : memref<4x768xf32, #tpu.memory_space<vmem>>, vector<1x16xf32>,
      %get3A_1278 = vector.shape_cast %get3A_1277 : vector<1x16xf32> to vector<16xf32>
      %mul3A_1279 = arith.mulf %get3A_1273, %get3A_1278 : vector<16xf32>
      %add3A_1280 = arith.addf %add3A_1270, %mul3A_1279 : vector<16xf32>
      %get3A_1281 = arith.constant 272 : index
      %get3A_1282 = tpu.vector_load %arg5[%get3A_1281] {strides = array<i32>} : memref<768xf32, #tpu.memory_space<vmem>>, vector<16xf32>,
      %get3A_1283 = vector.shape_cast %get3A_1282 : vector<16xf32> to vector<16xf32>
      %get3A_1284 = arith.constant 2 : i32
      %get3A_1285 = arith.index_cast %get3A_1284 : i32 to index
      %get3A_1286 = arith.constant 272 : index
      %get3A_1287 = tpu.vector_load %arg6[%get3A_1285, %get3A_1286] {strides = array<i32>} : memref<4x768xf32, #tpu.memory_space<vmem>>, vector<1x16xf32>,
      %get3A_1288 = vector.shape_cast %get3A_1287 : vector<1x16xf32> to vector<16xf32>
      %mul3A_1289 = arith.mulf %get3A_1283, %get3A_1288 : vector<16xf32>
      %add3A_1290 = arith.addf %add3A_1280, %mul3A_1289 : vector<16xf32>
      %get3A_1291 = arith.constant 288 : index
      %get3A_1292 = tpu.vector_load %arg5[%get3A_1291] {strides = array<i32>} : memref<768xf32, #tpu.memory_space<vmem>>, vector<16xf32>,
      %get3A_1293 = vector.shape_cast %get3A_1292 : vector<16xf32> to vector<16xf32>
      %get3A_1294 = arith.constant 2 : i32
      %get3A_1295 = arith.index_cast %get3A_1294 : i32 to index
      %get3A_1296 = arith.constant 288 : index
      %get3A_1297 = tpu.vector_load %arg6[%get3A_1295, %get3A_1296] {strides = array<i32>} : memref<4x768xf32, #tpu.memory_space<vmem>>, vector<1x16xf32>,
      %get3A_1298 = vector.shape_cast %get3A_1297 : vector<1x16xf32> to vector<16xf32>
      %mul3A_1299 = arith.mulf %get3A_1293, %get3A_1298 : vector<16xf32>
      %add3A_1300 = arith.addf %add3A_1290, %mul3A_1299 : vector<16xf32>
      %get3A_1301 = arith.constant 304 : index
      %get3A_1302 = tpu.vector_load %arg5[%get3A_1301] {strides = array<i32>} : memref<768xf32, #tpu.memory_space<vmem>>, vector<16xf32>,
      %get3A_1303 = vector.shape_cast %get3A_1302 : vector<16xf32> to vector<16xf32>
      %get3A_1304 = arith.constant 2 : i32
      %get3A_1305 = arith.index_cast %get3A_1304 : i32 to index
      %get3A_1306 = arith.constant 304 : index
      %get3A_1307 = tpu.vector_load %arg6[%get3A_1305, %get3A_1306] {strides = array<i32>} : memref<4x768xf32, #tpu.memory_space<vmem>>, vector<1x16xf32>,
      %get3A_1308 = vector.shape_cast %get3A_1307 : vector<1x16xf32> to vector<16xf32>
      %mul3A_1309 = arith.mulf %get3A_1303, %get3A_1308 : vector<16xf32>
      %add3A_1310 = arith.addf %add3A_1300, %mul3A_1309 : vector<16xf32>
      %get3A_1311 = arith.constant 320 : index
      %get3A_1312 = tpu.vector_load %arg5[%get3A_1311] {strides = array<i32>} : memref<768xf32, #tpu.memory_space<vmem>>, vector<16xf32>,
      %get3A_1313 = vector.shape_cast %get3A_1312 : vector<16xf32> to vector<16xf32>
      %get3A_1314 = arith.constant 2 : i32
      %get3A_1315 = arith.index_cast %get3A_1314 : i32 to index
      %get3A_1316 = arith.constant 320 : index
      %get3A_1317 = tpu.vector_load %arg6[%get3A_1315, %get3A_1316] {strides = array<i32>} : memref<4x768xf32, #tpu.memory_space<vmem>>, vector<1x16xf32>,
      %get3A_1318 = vector.shape_cast %get3A_1317 : vector<1x16xf32> to vector<16xf32>
      %mul3A_1319 = arith.mulf %get3A_1313, %get3A_1318 : vector<16xf32>
      %add3A_1320 = arith.addf %add3A_1310, %mul3A_1319 : vector<16xf32>
      %get3A_1321 = arith.constant 336 : index
      %get3A_1322 = tpu.vector_load %arg5[%get3A_1321] {strides = array<i32>} : memref<768xf32, #tpu.memory_space<vmem>>, vector<16xf32>,
      %get3A_1323 = vector.shape_cast %get3A_1322 : vector<16xf32> to vector<16xf32>
      %get3A_1324 = arith.constant 2 : i32
      %get3A_1325 = arith.index_cast %get3A_1324 : i32 to index
      %get3A_1326 = arith.constant 336 : index
      %get3A_1327 = tpu.vector_load %arg6[%get3A_1325, %get3A_1326] {strides = array<i32>} : memref<4x768xf32, #tpu.memory_space<vmem>>, vector<1x16xf32>,
      %get3A_1328 = vector.shape_cast %get3A_1327 : vector<1x16xf32> to vector<16xf32>
      %mul3A_1329 = arith.mulf %get3A_1323, %get3A_1328 : vector<16xf32>
      %add3A_1330 = arith.addf %add3A_1320, %mul3A_1329 : vector<16xf32>
      %get3A_1331 = arith.constant 352 : index
      %get3A_1332 = tpu.vector_load %arg5[%get3A_1331] {strides = array<i32>} : memref<768xf32, #tpu.memory_space<vmem>>, vector<16xf32>,
      %get3A_1333 = vector.shape_cast %get3A_1332 : vector<16xf32> to vector<16xf32>
      %get3A_1334 = arith.constant 2 : i32
      %get3A_1335 = arith.index_cast %get3A_1334 : i32 to index
      %get3A_1336 = arith.constant 352 : index
      %get3A_1337 = tpu.vector_load %arg6[%get3A_1335, %get3A_1336] {strides = array<i32>} : memref<4x768xf32, #tpu.memory_space<vmem>>, vector<1x16xf32>,
      %get3A_1338 = vector.shape_cast %get3A_1337 : vector<1x16xf32> to vector<16xf32>
      %mul3A_1339 = arith.mulf %get3A_1333, %get3A_1338 : vector<16xf32>
      %add3A_1340 = arith.addf %add3A_1330, %mul3A_1339 : vector<16xf32>
      %get3A_1341 = arith.constant 368 : index
      %get3A_1342 = tpu.vector_load %arg5[%get3A_1341] {strides = array<i32>} : memref<768xf32, #tpu.memory_space<vmem>>, vector<16xf32>,
      %get3A_1343 = vector.shape_cast %get3A_1342 : vector<16xf32> to vector<16xf32>
      %get3A_1344 = arith.constant 2 : i32
      %get3A_1345 = arith.index_cast %get3A_1344 : i32 to index
      %get3A_1346 = arith.constant 368 : index
      %get3A_1347 = tpu.vector_load %arg6[%get3A_1345, %get3A_1346] {strides = array<i32>} : memref<4x768xf32, #tpu.memory_space<vmem>>, vector<1x16xf32>,
      %get3A_1348 = vector.shape_cast %get3A_1347 : vector<1x16xf32> to vector<16xf32>
      %mul3A_1349 = arith.mulf %get3A_1343, %get3A_1348 : vector<16xf32>
      %add3A_1350 = arith.addf %add3A_1340, %mul3A_1349 : vector<16xf32>
      %get3A_1351 = arith.constant 384 : index
      %get3A_1352 = tpu.vector_load %arg5[%get3A_1351] {strides = array<i32>} : memref<768xf32, #tpu.memory_space<vmem>>, vector<16xf32>,
      %get3A_1353 = vector.shape_cast %get3A_1352 : vector<16xf32> to vector<16xf32>
      %get3A_1354 = arith.constant 2 : i32
      %get3A_1355 = arith.index_cast %get3A_1354 : i32 to index
      %get3A_1356 = arith.constant 384 : index
      %get3A_1357 = tpu.vector_load %arg6[%get3A_1355, %get3A_1356] {strides = array<i32>} : memref<4x768xf32, #tpu.memory_space<vmem>>, vector<1x16xf32>,
      %get3A_1358 = vector.shape_cast %get3A_1357 : vector<1x16xf32> to vector<16xf32>
      %mul3A_1359 = arith.mulf %get3A_1353, %get3A_1358 : vector<16xf32>
      %add3A_1360 = arith.addf %add3A_1350, %mul3A_1359 : vector<16xf32>
      %get3A_1361 = arith.constant 400 : index
      %get3A_1362 = tpu.vector_load %arg5[%get3A_1361] {strides = array<i32>} : memref<768xf32, #tpu.memory_space<vmem>>, vector<16xf32>,
      %get3A_1363 = vector.shape_cast %get3A_1362 : vector<16xf32> to vector<16xf32>
      %get3A_1364 = arith.constant 2 : i32
      %get3A_1365 = arith.index_cast %get3A_1364 : i32 to index
      %get3A_1366 = arith.constant 400 : index
      %get3A_1367 = tpu.vector_load %arg6[%get3A_1365, %get3A_1366] {strides = array<i32>} : memref<4x768xf32, #tpu.memory_space<vmem>>, vector<1x16xf32>,
      %get3A_1368 = vector.shape_cast %get3A_1367 : vector<1x16xf32> to vector<16xf32>
      %mul3A_1369 = arith.mulf %get3A_1363, %get3A_1368 : vector<16xf32>
      %add3A_1370 = arith.addf %add3A_1360, %mul3A_1369 : vector<16xf32>
      %get3A_1371 = arith.constant 416 : index
      %get3A_1372 = tpu.vector_load %arg5[%get3A_1371] {strides = array<i32>} : memref<768xf32, #tpu.memory_space<vmem>>, vector<16xf32>,
      %get3A_1373 = vector.shape_cast %get3A_1372 : vector<16xf32> to vector<16xf32>
      %get3A_1374 = arith.constant 2 : i32
      %get3A_1375 = arith.index_cast %get3A_1374 : i32 to index
      %get3A_1376 = arith.constant 416 : index
      %get3A_1377 = tpu.vector_load %arg6[%get3A_1375, %get3A_1376] {strides = array<i32>} : memref<4x768xf32, #tpu.memory_space<vmem>>, vector<1x16xf32>,
      %get3A_1378 = vector.shape_cast %get3A_1377 : vector<1x16xf32> to vector<16xf32>
      %mul3A_1379 = arith.mulf %get3A_1373, %get3A_1378 : vector<16xf32>
      %add3A_1380 = arith.addf %add3A_1370, %mul3A_1379 : vector<16xf32>
      %get3A_1381 = arith.constant 432 : index
      %get3A_1382 = tpu.vector_load %arg5[%get3A_1381] {strides = array<i32>} : memref<768xf32, #tpu.memory_space<vmem>>, vector<16xf32>,
      %get3A_1383 = vector.shape_cast %get3A_1382 : vector<16xf32> to vector<16xf32>
      %get3A_1384 = arith.constant 2 : i32
      %get3A_1385 = arith.index_cast %get3A_1384 : i32 to index
      %get3A_1386 = arith.constant 432 : index
      %get3A_1387 = tpu.vector_load %arg6[%get3A_1385, %get3A_1386] {strides = array<i32>} : memref<4x768xf32, #tpu.memory_space<vmem>>, vector<1x16xf32>,
      %get3A_1388 = vector.shape_cast %get3A_1387 : vector<1x16xf32> to vector<16xf32>
      %mul3A_1389 = arith.mulf %get3A_1383, %get3A_1388 : vector<16xf32>
      %add3A_1390 = arith.addf %add3A_1380, %mul3A_1389 : vector<16xf32>
      %get3A_1391 = arith.constant 448 : index
      %get3A_1392 = tpu.vector_load %arg5[%get3A_1391] {strides = array<i32>} : memref<768xf32, #tpu.memory_space<vmem>>, vector<16xf32>,
      %get3A_1393 = vector.shape_cast %get3A_1392 : vector<16xf32> to vector<16xf32>
      %get3A_1394 = arith.constant 2 : i32
      %get3A_1395 = arith.index_cast %get3A_1394 : i32 to index
      %get3A_1396 = arith.constant 448 : index
      %get3A_1397 = tpu.vector_load %arg6[%get3A_1395, %get3A_1396] {strides = array<i32>} : memref<4x768xf32, #tpu.memory_space<vmem>>, vector<1x16xf32>,
      %get3A_1398 = vector.shape_cast %get3A_1397 : vector<1x16xf32> to vector<16xf32>
      %mul3A_1399 = arith.mulf %get3A_1393, %get3A_1398 : vector<16xf32>
      %add3A_1400 = arith.addf %add3A_1390, %mul3A_1399 : vector<16xf32>
      %get3A_1401 = arith.constant 464 : index
      %get3A_1402 = tpu.vector_load %arg5[%get3A_1401] {strides = array<i32>} : memref<768xf32, #tpu.memory_space<vmem>>, vector<16xf32>,
      %get3A_1403 = vector.shape_cast %get3A_1402 : vector<16xf32> to vector<16xf32>
      %get3A_1404 = arith.constant 2 : i32
      %get3A_1405 = arith.index_cast %get3A_1404 : i32 to index
      %get3A_1406 = arith.constant 464 : index
      %get3A_1407 = tpu.vector_load %arg6[%get3A_1405, %get3A_1406] {strides = array<i32>} : memref<4x768xf32, #tpu.memory_space<vmem>>, vector<1x16xf32>,
      %get3A_1408 = vector.shape_cast %get3A_1407 : vector<1x16xf32> to vector<16xf32>
      %mul3A_1409 = arith.mulf %get3A_1403, %get3A_1408 : vector<16xf32>
      %add3A_1410 = arith.addf %add3A_1400, %mul3A_1409 : vector<16xf32>
      %get3A_1411 = arith.constant 480 : index
      %get3A_1412 = tpu.vector_load %arg5[%get3A_1411] {strides = array<i32>} : memref<768xf32, #tpu.memory_space<vmem>>, vector<16xf32>,
      %get3A_1413 = vector.shape_cast %get3A_1412 : vector<16xf32> to vector<16xf32>
      %get3A_1414 = arith.constant 2 : i32
      %get3A_1415 = arith.index_cast %get3A_1414 : i32 to index
      %get3A_1416 = arith.constant 480 : index
      %get3A_1417 = tpu.vector_load %arg6[%get3A_1415, %get3A_1416] {strides = array<i32>} : memref<4x768xf32, #tpu.memory_space<vmem>>, vector<1x16xf32>,
      %get3A_1418 = vector.shape_cast %get3A_1417 : vector<1x16xf32> to vector<16xf32>
      %mul3A_1419 = arith.mulf %get3A_1413, %get3A_1418 : vector<16xf32>
      %add3A_1420 = arith.addf %add3A_1410, %mul3A_1419 : vector<16xf32>
      %get3A_1421 = arith.constant 496 : index
      %get3A_1422 = tpu.vector_load %arg5[%get3A_1421] {strides = array<i32>} : memref<768xf32, #tpu.memory_space<vmem>>, vector<16xf32>,
      %get3A_1423 = vector.shape_cast %get3A_1422 : vector<16xf32> to vector<16xf32>
      %get3A_1424 = arith.constant 2 : i32
      %get3A_1425 = arith.index_cast %get3A_1424 : i32 to index
      %get3A_1426 = arith.constant 496 : index
      %get3A_1427 = tpu.vector_load %arg6[%get3A_1425, %get3A_1426] {strides = array<i32>} : memref<4x768xf32, #tpu.memory_space<vmem>>, vector<1x16xf32>,
      %get3A_1428 = vector.shape_cast %get3A_1427 : vector<1x16xf32> to vector<16xf32>
      %mul3A_1429 = arith.mulf %get3A_1423, %get3A_1428 : vector<16xf32>
      %add3A_1430 = arith.addf %add3A_1420, %mul3A_1429 : vector<16xf32>
      %get3A_1431 = arith.constant 512 : index
      %get3A_1432 = tpu.vector_load %arg5[%get3A_1431] {strides = array<i32>} : memref<768xf32, #tpu.memory_space<vmem>>, vector<16xf32>,
      %get3A_1433 = vector.shape_cast %get3A_1432 : vector<16xf32> to vector<16xf32>
      %get3A_1434 = arith.constant 2 : i32
      %get3A_1435 = arith.index_cast %get3A_1434 : i32 to index
      %get3A_1436 = arith.constant 512 : index
      %get3A_1437 = tpu.vector_load %arg6[%get3A_1435, %get3A_1436] {strides = array<i32>} : memref<4x768xf32, #tpu.memory_space<vmem>>, vector<1x16xf32>,
      %get3A_1438 = vector.shape_cast %get3A_1437 : vector<1x16xf32> to vector<16xf32>
      %mul3A_1439 = arith.mulf %get3A_1433, %get3A_1438 : vector<16xf32>
      %add3A_1440 = arith.addf %add3A_1430, %mul3A_1439 : vector<16xf32>
      %get3A_1441 = arith.constant 528 : index
      %get3A_1442 = tpu.vector_load %arg5[%get3A_1441] {strides = array<i32>} : memref<768xf32, #tpu.memory_space<vmem>>, vector<16xf32>,
      %get3A_1443 = vector.shape_cast %get3A_1442 : vector<16xf32> to vector<16xf32>
      %get3A_1444 = arith.constant 2 : i32
      %get3A_1445 = arith.index_cast %get3A_1444 : i32 to index
      %get3A_1446 = arith.constant 528 : index
      %get3A_1447 = tpu.vector_load %arg6[%get3A_1445, %get3A_1446] {strides = array<i32>} : memref<4x768xf32, #tpu.memory_space<vmem>>, vector<1x16xf32>,
      %get3A_1448 = vector.shape_cast %get3A_1447 : vector<1x16xf32> to vector<16xf32>
      %mul3A_1449 = arith.mulf %get3A_1443, %get3A_1448 : vector<16xf32>
      %add3A_1450 = arith.addf %add3A_1440, %mul3A_1449 : vector<16xf32>
      %get3A_1451 = arith.constant 544 : index
      %get3A_1452 = tpu.vector_load %arg5[%get3A_1451] {strides = array<i32>} : memref<768xf32, #tpu.memory_space<vmem>>, vector<16xf32>,
      %get3A_1453 = vector.shape_cast %get3A_1452 : vector<16xf32> to vector<16xf32>
      %get3A_1454 = arith.constant 2 : i32
      %get3A_1455 = arith.index_cast %get3A_1454 : i32 to index
      %get3A_1456 = arith.constant 544 : index
      %get3A_1457 = tpu.vector_load %arg6[%get3A_1455, %get3A_1456] {strides = array<i32>} : memref<4x768xf32, #tpu.memory_space<vmem>>, vector<1x16xf32>,
      %get3A_1458 = vector.shape_cast %get3A_1457 : vector<1x16xf32> to vector<16xf32>
      %mul3A_1459 = arith.mulf %get3A_1453, %get3A_1458 : vector<16xf32>
      %add3A_1460 = arith.addf %add3A_1450, %mul3A_1459 : vector<16xf32>
      %get3A_1461 = arith.constant 560 : index
      %get3A_1462 = tpu.vector_load %arg5[%get3A_1461] {strides = array<i32>} : memref<768xf32, #tpu.memory_space<vmem>>, vector<16xf32>,
      %get3A_1463 = vector.shape_cast %get3A_1462 : vector<16xf32> to vector<16xf32>
      %get3A_1464 = arith.constant 2 : i32
      %get3A_1465 = arith.index_cast %get3A_1464 : i32 to index
      %get3A_1466 = arith.constant 560 : index
      %get3A_1467 = tpu.vector_load %arg6[%get3A_1465, %get3A_1466] {strides = array<i32>} : memref<4x768xf32, #tpu.memory_space<vmem>>, vector<1x16xf32>,
      %get3A_1468 = vector.shape_cast %get3A_1467 : vector<1x16xf32> to vector<16xf32>
      %mul3A_1469 = arith.mulf %get3A_1463, %get3A_1468 : vector<16xf32>
      %add3A_1470 = arith.addf %add3A_1460, %mul3A_1469 : vector<16xf32>
      %get3A_1471 = arith.constant 576 : index
      %get3A_1472 = tpu.vector_load %arg5[%get3A_1471] {strides = array<i32>} : memref<768xf32, #tpu.memory_space<vmem>>, vector<16xf32>,
      %get3A_1473 = vector.shape_cast %get3A_1472 : vector<16xf32> to vector<16xf32>
      %get3A_1474 = arith.constant 2 : i32
      %get3A_1475 = arith.index_cast %get3A_1474 : i32 to index
      %get3A_1476 = arith.constant 576 : index
      %get3A_1477 = tpu.vector_load %arg6[%get3A_1475, %get3A_1476] {strides = array<i32>} : memref<4x768xf32, #tpu.memory_space<vmem>>, vector<1x16xf32>,
      %get3A_1478 = vector.shape_cast %get3A_1477 : vector<1x16xf32> to vector<16xf32>
      %mul3A_1479 = arith.mulf %get3A_1473, %get3A_1478 : vector<16xf32>
      %add3A_1480 = arith.addf %add3A_1470, %mul3A_1479 : vector<16xf32>
      %get3A_1481 = arith.constant 592 : index
      %get3A_1482 = tpu.vector_load %arg5[%get3A_1481] {strides = array<i32>} : memref<768xf32, #tpu.memory_space<vmem>>, vector<16xf32>,
      %get3A_1483 = vector.shape_cast %get3A_1482 : vector<16xf32> to vector<16xf32>
      %get3A_1484 = arith.constant 2 : i32
      %get3A_1485 = arith.index_cast %get3A_1484 : i32 to index
      %get3A_1486 = arith.constant 592 : index
      %get3A_1487 = tpu.vector_load %arg6[%get3A_1485, %get3A_1486] {strides = array<i32>} : memref<4x768xf32, #tpu.memory_space<vmem>>, vector<1x16xf32>,
      %get3A_1488 = vector.shape_cast %get3A_1487 : vector<1x16xf32> to vector<16xf32>
      %mul3A_1489 = arith.mulf %get3A_1483, %get3A_1488 : vector<16xf32>
      %add3A_1490 = arith.addf %add3A_1480, %mul3A_1489 : vector<16xf32>
      %get3A_1491 = arith.constant 608 : index
      %get3A_1492 = tpu.vector_load %arg5[%get3A_1491] {strides = array<i32>} : memref<768xf32, #tpu.memory_space<vmem>>, vector<16xf32>,
      %get3A_1493 = vector.shape_cast %get3A_1492 : vector<16xf32> to vector<16xf32>
      %get3A_1494 = arith.constant 2 : i32
      %get3A_1495 = arith.index_cast %get3A_1494 : i32 to index
      %get3A_1496 = arith.constant 608 : index
      %get3A_1497 = tpu.vector_load %arg6[%get3A_1495, %get3A_1496] {strides = array<i32>} : memref<4x768xf32, #tpu.memory_space<vmem>>, vector<1x16xf32>,
      %get3A_1498 = vector.shape_cast %get3A_1497 : vector<1x16xf32> to vector<16xf32>
      %mul3A_1499 = arith.mulf %get3A_1493, %get3A_1498 : vector<16xf32>
      %add3A_1500 = arith.addf %add3A_1490, %mul3A_1499 : vector<16xf32>
      %get3A_1501 = arith.constant 624 : index
      %get3A_1502 = tpu.vector_load %arg5[%get3A_1501] {strides = array<i32>} : memref<768xf32, #tpu.memory_space<vmem>>, vector<16xf32>,
      %get3A_1503 = vector.shape_cast %get3A_1502 : vector<16xf32> to vector<16xf32>
      %get3A_1504 = arith.constant 2 : i32
      %get3A_1505 = arith.index_cast %get3A_1504 : i32 to index
      %get3A_1506 = arith.constant 624 : index
      %get3A_1507 = tpu.vector_load %arg6[%get3A_1505, %get3A_1506] {strides = array<i32>} : memref<4x768xf32, #tpu.memory_space<vmem>>, vector<1x16xf32>,
      %get3A_1508 = vector.shape_cast %get3A_1507 : vector<1x16xf32> to vector<16xf32>
      %mul3A_1509 = arith.mulf %get3A_1503, %get3A_1508 : vector<16xf32>
      %add3A_1510 = arith.addf %add3A_1500, %mul3A_1509 : vector<16xf32>
      %get3A_1511 = arith.constant 640 : index
      %get3A_1512 = tpu.vector_load %arg5[%get3A_1511] {strides = array<i32>} : memref<768xf32, #tpu.memory_space<vmem>>, vector<16xf32>,
      %get3A_1513 = vector.shape_cast %get3A_1512 : vector<16xf32> to vector<16xf32>
      %get3A_1514 = arith.constant 2 : i32
      %get3A_1515 = arith.index_cast %get3A_1514 : i32 to index
      %get3A_1516 = arith.constant 640 : index
      %get3A_1517 = tpu.vector_load %arg6[%get3A_1515, %get3A_1516] {strides = array<i32>} : memref<4x768xf32, #tpu.memory_space<vmem>>, vector<1x16xf32>,
      %get3A_1518 = vector.shape_cast %get3A_1517 : vector<1x16xf32> to vector<16xf32>
      %mul3A_1519 = arith.mulf %get3A_1513, %get3A_1518 : vector<16xf32>
      %add3A_1520 = arith.addf %add3A_1510, %mul3A_1519 : vector<16xf32>
      %get3A_1521 = arith.constant 656 : index
      %get3A_1522 = tpu.vector_load %arg5[%get3A_1521] {strides = array<i32>} : memref<768xf32, #tpu.memory_space<vmem>>, vector<16xf32>,
      %get3A_1523 = vector.shape_cast %get3A_1522 : vector<16xf32> to vector<16xf32>
      %get3A_1524 = arith.constant 2 : i32
      %get3A_1525 = arith.index_cast %get3A_1524 : i32 to index
      %get3A_1526 = arith.constant 656 : index
      %get3A_1527 = tpu.vector_load %arg6[%get3A_1525, %get3A_1526] {strides = array<i32>} : memref<4x768xf32, #tpu.memory_space<vmem>>, vector<1x16xf32>,
      %get3A_1528 = vector.shape_cast %get3A_1527 : vector<1x16xf32> to vector<16xf32>
      %mul3A_1529 = arith.mulf %get3A_1523, %get3A_1528 : vector<16xf32>
      %add3A_1530 = arith.addf %add3A_1520, %mul3A_1529 : vector<16xf32>
      %get3A_1531 = arith.constant 672 : index
      %get3A_1532 = tpu.vector_load %arg5[%get3A_1531] {strides = array<i32>} : memref<768xf32, #tpu.memory_space<vmem>>, vector<16xf32>,
      %get3A_1533 = vector.shape_cast %get3A_1532 : vector<16xf32> to vector<16xf32>
      %get3A_1534 = arith.constant 2 : i32
      %get3A_1535 = arith.index_cast %get3A_1534 : i32 to index
      %get3A_1536 = arith.constant 672 : index
      %get3A_1537 = tpu.vector_load %arg6[%get3A_1535, %get3A_1536] {strides = array<i32>} : memref<4x768xf32, #tpu.memory_space<vmem>>, vector<1x16xf32>,
      %get3A_1538 = vector.shape_cast %get3A_1537 : vector<1x16xf32> to vector<16xf32>
      %mul3A_1539 = arith.mulf %get3A_1533, %get3A_1538 : vector<16xf32>
      %add3A_1540 = arith.addf %add3A_1530, %mul3A_1539 : vector<16xf32>
      %get3A_1541 = arith.constant 688 : index
      %get3A_1542 = tpu.vector_load %arg5[%get3A_1541] {strides = array<i32>} : memref<768xf32, #tpu.memory_space<vmem>>, vector<16xf32>,
      %get3A_1543 = vector.shape_cast %get3A_1542 : vector<16xf32> to vector<16xf32>
      %get3A_1544 = arith.constant 2 : i32
      %get3A_1545 = arith.index_cast %get3A_1544 : i32 to index
      %get3A_1546 = arith.constant 688 : index
      %get3A_1547 = tpu.vector_load %arg6[%get3A_1545, %get3A_1546] {strides = array<i32>} : memref<4x768xf32, #tpu.memory_space<vmem>>, vector<1x16xf32>,
      %get3A_1548 = vector.shape_cast %get3A_1547 : vector<1x16xf32> to vector<16xf32>
      %mul3A_1549 = arith.mulf %get3A_1543, %get3A_1548 : vector<16xf32>
      %add3A_1550 = arith.addf %add3A_1540, %mul3A_1549 : vector<16xf32>
      %get3A_1551 = arith.constant 704 : index
      %get3A_1552 = tpu.vector_load %arg5[%get3A_1551] {strides = array<i32>} : memref<768xf32, #tpu.memory_space<vmem>>, vector<16xf32>,
      %get3A_1553 = vector.shape_cast %get3A_1552 : vector<16xf32> to vector<16xf32>
      %get3A_1554 = arith.constant 2 : i32
      %get3A_1555 = arith.index_cast %get3A_1554 : i32 to index
      %get3A_1556 = arith.constant 704 : index
      %get3A_1557 = tpu.vector_load %arg6[%get3A_1555, %get3A_1556] {strides = array<i32>} : memref<4x768xf32, #tpu.memory_space<vmem>>, vector<1x16xf32>,
      %get3A_1558 = vector.shape_cast %get3A_1557 : vector<1x16xf32> to vector<16xf32>
      %mul3A_1559 = arith.mulf %get3A_1553, %get3A_1558 : vector<16xf32>
      %add3A_1560 = arith.addf %add3A_1550, %mul3A_1559 : vector<16xf32>
      %get3A_1561 = arith.constant 720 : index
      %get3A_1562 = tpu.vector_load %arg5[%get3A_1561] {strides = array<i32>} : memref<768xf32, #tpu.memory_space<vmem>>, vector<16xf32>,
      %get3A_1563 = vector.shape_cast %get3A_1562 : vector<16xf32> to vector<16xf32>
      %get3A_1564 = arith.constant 2 : i32
      %get3A_1565 = arith.index_cast %get3A_1564 : i32 to index
      %get3A_1566 = arith.constant 720 : index
      %get3A_1567 = tpu.vector_load %arg6[%get3A_1565, %get3A_1566] {strides = array<i32>} : memref<4x768xf32, #tpu.memory_space<vmem>>, vector<1x16xf32>,
      %get3A_1568 = vector.shape_cast %get3A_1567 : vector<1x16xf32> to vector<16xf32>
      %mul3A_1569 = arith.mulf %get3A_1563, %get3A_1568 : vector<16xf32>
      %add3A_1570 = arith.addf %add3A_1560, %mul3A_1569 : vector<16xf32>
      %get3A_1571 = arith.constant 736 : index
      %get3A_1572 = tpu.vector_load %arg5[%get3A_1571] {strides = array<i32>} : memref<768xf32, #tpu.memory_space<vmem>>, vector<16xf32>,
      %get3A_1573 = vector.shape_cast %get3A_1572 : vector<16xf32> to vector<16xf32>
      %get3A_1574 = arith.constant 2 : i32
      %get3A_1575 = arith.index_cast %get3A_1574 : i32 to index
      %get3A_1576 = arith.constant 736 : index
      %get3A_1577 = tpu.vector_load %arg6[%get3A_1575, %get3A_1576] {strides = array<i32>} : memref<4x768xf32, #tpu.memory_space<vmem>>, vector<1x16xf32>,
      %get3A_1578 = vector.shape_cast %get3A_1577 : vector<1x16xf32> to vector<16xf32>
      %mul3A_1579 = arith.mulf %get3A_1573, %get3A_1578 : vector<16xf32>
      %add3A_1580 = arith.addf %add3A_1570, %mul3A_1579 : vector<16xf32>
      %get3A_1581 = arith.constant 752 : index
      %get3A_1582 = tpu.vector_load %arg5[%get3A_1581] {strides = array<i32>} : memref<768xf32, #tpu.memory_space<vmem>>, vector<16xf32>,
      %get3A_1583 = vector.shape_cast %get3A_1582 : vector<16xf32> to vector<16xf32>
      %get3A_1584 = arith.constant 2 : i32
      %get3A_1585 = arith.index_cast %get3A_1584 : i32 to index
      %get3A_1586 = arith.constant 752 : index
      %get3A_1587 = tpu.vector_load %arg6[%get3A_1585, %get3A_1586] {strides = array<i32>} : memref<4x768xf32, #tpu.memory_space<vmem>>, vector<1x16xf32>,
      %get3A_1588 = vector.shape_cast %get3A_1587 : vector<1x16xf32> to vector<16xf32>
      %mul3A_1589 = arith.mulf %get3A_1583, %get3A_1588 : vector<16xf32>
      %add3A_1590 = arith.addf %add3A_1580, %mul3A_1589 : vector<16xf32>
      %eq3A_1591 = arith.constant 2 : i32
      %eq3A_1592 = vector.broadcast %eq3A_1591 : i32 to vector<16xi32>
      %eq3A_1593 = arith.cmpi eq, %iota3A, %eq3A_1592 : vector<16xi32>
      %xor3A_1594 = arith.constant 1 : i32
      %xor3A_1595 = vector.broadcast %xor3A_1594 : i32 to vector<16xi32>
      %xor3A_1596 = arith.xori %iota3A, %xor3A_1595 : vector<16xi32>
      %lt3A_1597 = arith.constant 0 : i32
      %lt3A_1598 = vector.broadcast %lt3A_1597 : i32 to vector<16xi32>
      %lt3A_1599 = arith.cmpi slt, %xor3A_1596, %lt3A_1598 : vector<16xi32>
      %add3A_1600 = arith.constant 16 : i32
      %add3A_1601 = vector.broadcast %add3A_1600 : i32 to vector<16xi32>
      %add3A_1602 = arith.addi %xor3A_1596, %add3A_1601 : vector<16xi32>
      %select_n3A_1603 = arith.select %lt3A_1599, %add3A_1602, %xor3A_1596 : vector<16xi1>, vector<16xi32>
      %broadcast_in_dim3A_1604 = vector.shape_cast %select_n3A_1603 : vector<16xi32> to vector<16x1xi32>
      %gather3A_1605 = vector.shape_cast %broadcast_in_dim3A_1604 : vector<16x1xi32> to vector<16xi32>
      %gather3A_1606 = tpu.dynamic_gather %add3A_1590[%gather3A_1605] in [0] : vector<16xf32>, vector<16xi32> -> vector<16xf32>
      %add3A_1607 = arith.addf %add3A_1590, %gather3A_1606 : vector<16xf32>
      %xor3A_1608 = arith.constant 2 : i32
      %xor3A_1609 = vector.broadcast %xor3A_1608 : i32 to vector<16xi32>
      %xor3A_1610 = arith.xori %iota3A, %xor3A_1609 : vector<16xi32>
      %lt3A_1611 = arith.constant 0 : i32
      %lt3A_1612 = vector.broadcast %lt3A_1611 : i32 to vector<16xi32>
      %lt3A_1613 = arith.cmpi slt, %xor3A_1610, %lt3A_1612 : vector<16xi32>
      %add3A_1614 = arith.constant 16 : i32
      %add3A_1615 = vector.broadcast %add3A_1614 : i32 to vector<16xi32>
      %add3A_1616 = arith.addi %xor3A_1610, %add3A_1615 : vector<16xi32>
      %select_n3A_1617 = arith.select %lt3A_1613, %add3A_1616, %xor3A_1610 : vector<16xi1>, vector<16xi32>
      %broadcast_in_dim3A_1618 = vector.shape_cast %select_n3A_1617 : vector<16xi32> to vector<16x1xi32>
      %gather3A_1619 = vector.shape_cast %broadcast_in_dim3A_1618 : vector<16x1xi32> to vector<16xi32>
      %gather3A_1620 = tpu.dynamic_gather %add3A_1607[%gather3A_1619] in [0] : vector<16xf32>, vector<16xi32> -> vector<16xf32>
      %add3A_1621 = arith.addf %add3A_1607, %gather3A_1620 : vector<16xf32>
      %xor3A_1622 = arith.constant 4 : i32
      %xor3A_1623 = vector.broadcast %xor3A_1622 : i32 to vector<16xi32>
      %xor3A_1624 = arith.xori %iota3A, %xor3A_1623 : vector<16xi32>
      %lt3A_1625 = arith.constant 0 : i32
      %lt3A_1626 = vector.broadcast %lt3A_1625 : i32 to vector<16xi32>
      %lt3A_1627 = arith.cmpi slt, %xor3A_1624, %lt3A_1626 : vector<16xi32>
      %add3A_1628 = arith.constant 16 : i32
      %add3A_1629 = vector.broadcast %add3A_1628 : i32 to vector<16xi32>
      %add3A_1630 = arith.addi %xor3A_1624, %add3A_1629 : vector<16xi32>
      %select_n3A_1631 = arith.select %lt3A_1627, %add3A_1630, %xor3A_1624 : vector<16xi1>, vector<16xi32>
      %broadcast_in_dim3A_1632 = vector.shape_cast %select_n3A_1631 : vector<16xi32> to vector<16x1xi32>
      %gather3A_1633 = vector.shape_cast %broadcast_in_dim3A_1632 : vector<16x1xi32> to vector<16xi32>
      %gather3A_1634 = tpu.dynamic_gather %add3A_1621[%gather3A_1633] in [0] : vector<16xf32>, vector<16xi32> -> vector<16xf32>
      %add3A_1635 = arith.addf %add3A_1621, %gather3A_1634 : vector<16xf32>
      %xor3A_1636 = arith.constant 8 : i32
      %xor3A_1637 = vector.broadcast %xor3A_1636 : i32 to vector<16xi32>
      %xor3A_1638 = arith.xori %iota3A, %xor3A_1637 : vector<16xi32>
      %lt3A_1639 = arith.constant 0 : i32
      %lt3A_1640 = vector.broadcast %lt3A_1639 : i32 to vector<16xi32>
      %lt3A_1641 = arith.cmpi slt, %xor3A_1638, %lt3A_1640 : vector<16xi32>
      %add3A_1642 = arith.constant 16 : i32
      %add3A_1643 = vector.broadcast %add3A_1642 : i32 to vector<16xi32>
      %add3A_1644 = arith.addi %xor3A_1638, %add3A_1643 : vector<16xi32>
      %select_n3A_1645 = arith.select %lt3A_1641, %add3A_1644, %xor3A_1638 : vector<16xi1>, vector<16xi32>
      %broadcast_in_dim3A_1646 = vector.shape_cast %select_n3A_1645 : vector<16xi32> to vector<16x1xi32>
      %gather3A_1647 = vector.shape_cast %broadcast_in_dim3A_1646 : vector<16x1xi32> to vector<16xi32>
      %gather3A_1648 = tpu.dynamic_gather %add3A_1635[%gather3A_1647] in [0] : vector<16xf32>, vector<16xi32> -> vector<16xf32>
      %add3A_1649 = arith.addf %add3A_1635, %gather3A_1648 : vector<16xf32>
      %select_n3A_1650 = arith.select %eq3A_1593, %add3A_1649, %select_n3A_1108 : vector<16xi1>, vector<16xf32>
      %broadcast_in_dim3A_1651 = arith.constant 0.000000e+00 : f32
      %broadcast_in_dim3A_1652 = vector.broadcast %broadcast_in_dim3A_1651 : f32 to vector<16xf32>
      %get3A_1653 = arith.constant 0 : index
      %get3A_1654 = tpu.vector_load %arg5[%get3A_1653] {strides = array<i32>} : memref<768xf32, #tpu.memory_space<vmem>>, vector<16xf32>,
      %get3A_1655 = vector.shape_cast %get3A_1654 : vector<16xf32> to vector<16xf32>
      %get3A_1656 = arith.constant 3 : i32
      %get3A_1657 = arith.index_cast %get3A_1656 : i32 to index
      %get3A_1658 = arith.constant 0 : index
      %get3A_1659 = tpu.vector_load %arg6[%get3A_1657, %get3A_1658] {strides = array<i32>} : memref<4x768xf32, #tpu.memory_space<vmem>>, vector<1x16xf32>,
      %get3A_1660 = vector.shape_cast %get3A_1659 : vector<1x16xf32> to vector<16xf32>
      %mul3A_1661 = arith.mulf %get3A_1655, %get3A_1660 : vector<16xf32>
      %add3A_1662 = arith.addf %broadcast_in_dim3A_1652, %mul3A_1661 : vector<16xf32>
      %get3A_1663 = arith.constant 16 : index
      %get3A_1664 = tpu.vector_load %arg5[%get3A_1663] {strides = array<i32>} : memref<768xf32, #tpu.memory_space<vmem>>, vector<16xf32>,
      %get3A_1665 = vector.shape_cast %get3A_1664 : vector<16xf32> to vector<16xf32>
      %get3A_1666 = arith.constant 3 : i32
      %get3A_1667 = arith.index_cast %get3A_1666 : i32 to index
      %get3A_1668 = arith.constant 16 : index
      %get3A_1669 = tpu.vector_load %arg6[%get3A_1667, %get3A_1668] {strides = array<i32>} : memref<4x768xf32, #tpu.memory_space<vmem>>, vector<1x16xf32>,
      %get3A_1670 = vector.shape_cast %get3A_1669 : vector<1x16xf32> to vector<16xf32>
      %mul3A_1671 = arith.mulf %get3A_1665, %get3A_1670 : vector<16xf32>
      %add3A_1672 = arith.addf %add3A_1662, %mul3A_1671 : vector<16xf32>
      %get3A_1673 = arith.constant 32 : index
      %get3A_1674 = tpu.vector_load %arg5[%get3A_1673] {strides = array<i32>} : memref<768xf32, #tpu.memory_space<vmem>>, vector<16xf32>,
      %get3A_1675 = vector.shape_cast %get3A_1674 : vector<16xf32> to vector<16xf32>
      %get3A_1676 = arith.constant 3 : i32
      %get3A_1677 = arith.index_cast %get3A_1676 : i32 to index
      %get3A_1678 = arith.constant 32 : index
      %get3A_1679 = tpu.vector_load %arg6[%get3A_1677, %get3A_1678] {strides = array<i32>} : memref<4x768xf32, #tpu.memory_space<vmem>>, vector<1x16xf32>,
      %get3A_1680 = vector.shape_cast %get3A_1679 : vector<1x16xf32> to vector<16xf32>
      %mul3A_1681 = arith.mulf %get3A_1675, %get3A_1680 : vector<16xf32>
      %add3A_1682 = arith.addf %add3A_1672, %mul3A_1681 : vector<16xf32>
      %get3A_1683 = arith.constant 48 : index
      %get3A_1684 = tpu.vector_load %arg5[%get3A_1683] {strides = array<i32>} : memref<768xf32, #tpu.memory_space<vmem>>, vector<16xf32>,
      %get3A_1685 = vector.shape_cast %get3A_1684 : vector<16xf32> to vector<16xf32>
      %get3A_1686 = arith.constant 3 : i32
      %get3A_1687 = arith.index_cast %get3A_1686 : i32 to index
      %get3A_1688 = arith.constant 48 : index
      %get3A_1689 = tpu.vector_load %arg6[%get3A_1687, %get3A_1688] {strides = array<i32>} : memref<4x768xf32, #tpu.memory_space<vmem>>, vector<1x16xf32>,
      %get3A_1690 = vector.shape_cast %get3A_1689 : vector<1x16xf32> to vector<16xf32>
      %mul3A_1691 = arith.mulf %get3A_1685, %get3A_1690 : vector<16xf32>
      %add3A_1692 = arith.addf %add3A_1682, %mul3A_1691 : vector<16xf32>
      %get3A_1693 = arith.constant 64 : index
      %get3A_1694 = tpu.vector_load %arg5[%get3A_1693] {strides = array<i32>} : memref<768xf32, #tpu.memory_space<vmem>>, vector<16xf32>,
      %get3A_1695 = vector.shape_cast %get3A_1694 : vector<16xf32> to vector<16xf32>
      %get3A_1696 = arith.constant 3 : i32
      %get3A_1697 = arith.index_cast %get3A_1696 : i32 to index
      %get3A_1698 = arith.constant 64 : index
      %get3A_1699 = tpu.vector_load %arg6[%get3A_1697, %get3A_1698] {strides = array<i32>} : memref<4x768xf32, #tpu.memory_space<vmem>>, vector<1x16xf32>,
      %get3A_1700 = vector.shape_cast %get3A_1699 : vector<1x16xf32> to vector<16xf32>
      %mul3A_1701 = arith.mulf %get3A_1695, %get3A_1700 : vector<16xf32>
      %add3A_1702 = arith.addf %add3A_1692, %mul3A_1701 : vector<16xf32>
      %get3A_1703 = arith.constant 80 : index
      %get3A_1704 = tpu.vector_load %arg5[%get3A_1703] {strides = array<i32>} : memref<768xf32, #tpu.memory_space<vmem>>, vector<16xf32>,
      %get3A_1705 = vector.shape_cast %get3A_1704 : vector<16xf32> to vector<16xf32>
      %get3A_1706 = arith.constant 3 : i32
      %get3A_1707 = arith.index_cast %get3A_1706 : i32 to index
      %get3A_1708 = arith.constant 80 : index
      %get3A_1709 = tpu.vector_load %arg6[%get3A_1707, %get3A_1708] {strides = array<i32>} : memref<4x768xf32, #tpu.memory_space<vmem>>, vector<1x16xf32>,
      %get3A_1710 = vector.shape_cast %get3A_1709 : vector<1x16xf32> to vector<16xf32>
      %mul3A_1711 = arith.mulf %get3A_1705, %get3A_1710 : vector<16xf32>
      %add3A_1712 = arith.addf %add3A_1702, %mul3A_1711 : vector<16xf32>
      %get3A_1713 = arith.constant 96 : index
      %get3A_1714 = tpu.vector_load %arg5[%get3A_1713] {strides = array<i32>} : memref<768xf32, #tpu.memory_space<vmem>>, vector<16xf32>,
      %get3A_1715 = vector.shape_cast %get3A_1714 : vector<16xf32> to vector<16xf32>
      %get3A_1716 = arith.constant 3 : i32
      %get3A_1717 = arith.index_cast %get3A_1716 : i32 to index
      %get3A_1718 = arith.constant 96 : index
      %get3A_1719 = tpu.vector_load %arg6[%get3A_1717, %get3A_1718] {strides = array<i32>} : memref<4x768xf32, #tpu.memory_space<vmem>>, vector<1x16xf32>,
      %get3A_1720 = vector.shape_cast %get3A_1719 : vector<1x16xf32> to vector<16xf32>
      %mul3A_1721 = arith.mulf %get3A_1715, %get3A_1720 : vector<16xf32>
      %add3A_1722 = arith.addf %add3A_1712, %mul3A_1721 : vector<16xf32>
      %get3A_1723 = arith.constant 112 : index
      %get3A_1724 = tpu.vector_load %arg5[%get3A_1723] {strides = array<i32>} : memref<768xf32, #tpu.memory_space<vmem>>, vector<16xf32>,
      %get3A_1725 = vector.shape_cast %get3A_1724 : vector<16xf32> to vector<16xf32>
      %get3A_1726 = arith.constant 3 : i32
      %get3A_1727 = arith.index_cast %get3A_1726 : i32 to index
      %get3A_1728 = arith.constant 112 : index
      %get3A_1729 = tpu.vector_load %arg6[%get3A_1727, %get3A_1728] {strides = array<i32>} : memref<4x768xf32, #tpu.memory_space<vmem>>, vector<1x16xf32>,
      %get3A_1730 = vector.shape_cast %get3A_1729 : vector<1x16xf32> to vector<16xf32>
      %mul3A_1731 = arith.mulf %get3A_1725, %get3A_1730 : vector<16xf32>
      %add3A_1732 = arith.addf %add3A_1722, %mul3A_1731 : vector<16xf32>
      %get3A_1733 = arith.constant 128 : index
      %get3A_1734 = tpu.vector_load %arg5[%get3A_1733] {strides = array<i32>} : memref<768xf32, #tpu.memory_space<vmem>>, vector<16xf32>,
      %get3A_1735 = vector.shape_cast %get3A_1734 : vector<16xf32> to vector<16xf32>
      %get3A_1736 = arith.constant 3 : i32
      %get3A_1737 = arith.index_cast %get3A_1736 : i32 to index
      %get3A_1738 = arith.constant 128 : index
      %get3A_1739 = tpu.vector_load %arg6[%get3A_1737, %get3A_1738] {strides = array<i32>} : memref<4x768xf32, #tpu.memory_space<vmem>>, vector<1x16xf32>,
      %get3A_1740 = vector.shape_cast %get3A_1739 : vector<1x16xf32> to vector<16xf32>
      %mul3A_1741 = arith.mulf %get3A_1735, %get3A_1740 : vector<16xf32>
      %add3A_1742 = arith.addf %add3A_1732, %mul3A_1741 : vector<16xf32>
      %get3A_1743 = arith.constant 144 : index
      %get3A_1744 = tpu.vector_load %arg5[%get3A_1743] {strides = array<i32>} : memref<768xf32, #tpu.memory_space<vmem>>, vector<16xf32>,
      %get3A_1745 = vector.shape_cast %get3A_1744 : vector<16xf32> to vector<16xf32>
      %get3A_1746 = arith.constant 3 : i32
      %get3A_1747 = arith.index_cast %get3A_1746 : i32 to index
      %get3A_1748 = arith.constant 144 : index
      %get3A_1749 = tpu.vector_load %arg6[%get3A_1747, %get3A_1748] {strides = array<i32>} : memref<4x768xf32, #tpu.memory_space<vmem>>, vector<1x16xf32>,
      %get3A_1750 = vector.shape_cast %get3A_1749 : vector<1x16xf32> to vector<16xf32>
      %mul3A_1751 = arith.mulf %get3A_1745, %get3A_1750 : vector<16xf32>
      %add3A_1752 = arith.addf %add3A_1742, %mul3A_1751 : vector<16xf32>
      %get3A_1753 = arith.constant 160 : index
      %get3A_1754 = tpu.vector_load %arg5[%get3A_1753] {strides = array<i32>} : memref<768xf32, #tpu.memory_space<vmem>>, vector<16xf32>,
      %get3A_1755 = vector.shape_cast %get3A_1754 : vector<16xf32> to vector<16xf32>
      %get3A_1756 = arith.constant 3 : i32
      %get3A_1757 = arith.index_cast %get3A_1756 : i32 to index
      %get3A_1758 = arith.constant 160 : index
      %get3A_1759 = tpu.vector_load %arg6[%get3A_1757, %get3A_1758] {strides = array<i32>} : memref<4x768xf32, #tpu.memory_space<vmem>>, vector<1x16xf32>,
      %get3A_1760 = vector.shape_cast %get3A_1759 : vector<1x16xf32> to vector<16xf32>
      %mul3A_1761 = arith.mulf %get3A_1755, %get3A_1760 : vector<16xf32>
      %add3A_1762 = arith.addf %add3A_1752, %mul3A_1761 : vector<16xf32>
      %get3A_1763 = arith.constant 176 : index
      %get3A_1764 = tpu.vector_load %arg5[%get3A_1763] {strides = array<i32>} : memref<768xf32, #tpu.memory_space<vmem>>, vector<16xf32>,
      %get3A_1765 = vector.shape_cast %get3A_1764 : vector<16xf32> to vector<16xf32>
      %get3A_1766 = arith.constant 3 : i32
      %get3A_1767 = arith.index_cast %get3A_1766 : i32 to index
      %get3A_1768 = arith.constant 176 : index
      %get3A_1769 = tpu.vector_load %arg6[%get3A_1767, %get3A_1768] {strides = array<i32>} : memref<4x768xf32, #tpu.memory_space<vmem>>, vector<1x16xf32>,
      %get3A_1770 = vector.shape_cast %get3A_1769 : vector<1x16xf32> to vector<16xf32>
      %mul3A_1771 = arith.mulf %get3A_1765, %get3A_1770 : vector<16xf32>
      %add3A_1772 = arith.addf %add3A_1762, %mul3A_1771 : vector<16xf32>
      %get3A_1773 = arith.constant 192 : index
      %get3A_1774 = tpu.vector_load %arg5[%get3A_1773] {strides = array<i32>} : memref<768xf32, #tpu.memory_space<vmem>>, vector<16xf32>,
      %get3A_1775 = vector.shape_cast %get3A_1774 : vector<16xf32> to vector<16xf32>
      %get3A_1776 = arith.constant 3 : i32
      %get3A_1777 = arith.index_cast %get3A_1776 : i32 to index
      %get3A_1778 = arith.constant 192 : index
      %get3A_1779 = tpu.vector_load %arg6[%get3A_1777, %get3A_1778] {strides = array<i32>} : memref<4x768xf32, #tpu.memory_space<vmem>>, vector<1x16xf32>,
      %get3A_1780 = vector.shape_cast %get3A_1779 : vector<1x16xf32> to vector<16xf32>
      %mul3A_1781 = arith.mulf %get3A_1775, %get3A_1780 : vector<16xf32>
      %add3A_1782 = arith.addf %add3A_1772, %mul3A_1781 : vector<16xf32>
      %get3A_1783 = arith.constant 208 : index
      %get3A_1784 = tpu.vector_load %arg5[%get3A_1783] {strides = array<i32>} : memref<768xf32, #tpu.memory_space<vmem>>, vector<16xf32>,
      %get3A_1785 = vector.shape_cast %get3A_1784 : vector<16xf32> to vector<16xf32>
      %get3A_1786 = arith.constant 3 : i32
      %get3A_1787 = arith.index_cast %get3A_1786 : i32 to index
      %get3A_1788 = arith.constant 208 : index
      %get3A_1789 = tpu.vector_load %arg6[%get3A_1787, %get3A_1788] {strides = array<i32>} : memref<4x768xf32, #tpu.memory_space<vmem>>, vector<1x16xf32>,
      %get3A_1790 = vector.shape_cast %get3A_1789 : vector<1x16xf32> to vector<16xf32>
      %mul3A_1791 = arith.mulf %get3A_1785, %get3A_1790 : vector<16xf32>
      %add3A_1792 = arith.addf %add3A_1782, %mul3A_1791 : vector<16xf32>
      %get3A_1793 = arith.constant 224 : index
      %get3A_1794 = tpu.vector_load %arg5[%get3A_1793] {strides = array<i32>} : memref<768xf32, #tpu.memory_space<vmem>>, vector<16xf32>,
      %get3A_1795 = vector.shape_cast %get3A_1794 : vector<16xf32> to vector<16xf32>
      %get3A_1796 = arith.constant 3 : i32
      %get3A_1797 = arith.index_cast %get3A_1796 : i32 to index
      %get3A_1798 = arith.constant 224 : index
      %get3A_1799 = tpu.vector_load %arg6[%get3A_1797, %get3A_1798] {strides = array<i32>} : memref<4x768xf32, #tpu.memory_space<vmem>>, vector<1x16xf32>,
      %get3A_1800 = vector.shape_cast %get3A_1799 : vector<1x16xf32> to vector<16xf32>
      %mul3A_1801 = arith.mulf %get3A_1795, %get3A_1800 : vector<16xf32>
      %add3A_1802 = arith.addf %add3A_1792, %mul3A_1801 : vector<16xf32>
      %get3A_1803 = arith.constant 240 : index
      %get3A_1804 = tpu.vector_load %arg5[%get3A_1803] {strides = array<i32>} : memref<768xf32, #tpu.memory_space<vmem>>, vector<16xf32>,
      %get3A_1805 = vector.shape_cast %get3A_1804 : vector<16xf32> to vector<16xf32>
      %get3A_1806 = arith.constant 3 : i32
      %get3A_1807 = arith.index_cast %get3A_1806 : i32 to index
      %get3A_1808 = arith.constant 240 : index
      %get3A_1809 = tpu.vector_load %arg6[%get3A_1807, %get3A_1808] {strides = array<i32>} : memref<4x768xf32, #tpu.memory_space<vmem>>, vector<1x16xf32>,
      %get3A_1810 = vector.shape_cast %get3A_1809 : vector<1x16xf32> to vector<16xf32>
      %mul3A_1811 = arith.mulf %get3A_1805, %get3A_1810 : vector<16xf32>
      %add3A_1812 = arith.addf %add3A_1802, %mul3A_1811 : vector<16xf32>
      %get3A_1813 = arith.constant 256 : index
      %get3A_1814 = tpu.vector_load %arg5[%get3A_1813] {strides = array<i32>} : memref<768xf32, #tpu.memory_space<vmem>>, vector<16xf32>,
      %get3A_1815 = vector.shape_cast %get3A_1814 : vector<16xf32> to vector<16xf32>
      %get3A_1816 = arith.constant 3 : i32
      %get3A_1817 = arith.index_cast %get3A_1816 : i32 to index
      %get3A_1818 = arith.constant 256 : index
      %get3A_1819 = tpu.vector_load %arg6[%get3A_1817, %get3A_1818] {strides = array<i32>} : memref<4x768xf32, #tpu.memory_space<vmem>>, vector<1x16xf32>,
      %get3A_1820 = vector.shape_cast %get3A_1819 : vector<1x16xf32> to vector<16xf32>
      %mul3A_1821 = arith.mulf %get3A_1815, %get3A_1820 : vector<16xf32>
      %add3A_1822 = arith.addf %add3A_1812, %mul3A_1821 : vector<16xf32>
      %get3A_1823 = arith.constant 272 : index
      %get3A_1824 = tpu.vector_load %arg5[%get3A_1823] {strides = array<i32>} : memref<768xf32, #tpu.memory_space<vmem>>, vector<16xf32>,
      %get3A_1825 = vector.shape_cast %get3A_1824 : vector<16xf32> to vector<16xf32>
      %get3A_1826 = arith.constant 3 : i32
      %get3A_1827 = arith.index_cast %get3A_1826 : i32 to index
      %get3A_1828 = arith.constant 272 : index
      %get3A_1829 = tpu.vector_load %arg6[%get3A_1827, %get3A_1828] {strides = array<i32>} : memref<4x768xf32, #tpu.memory_space<vmem>>, vector<1x16xf32>,
      %get3A_1830 = vector.shape_cast %get3A_1829 : vector<1x16xf32> to vector<16xf32>
      %mul3A_1831 = arith.mulf %get3A_1825, %get3A_1830 : vector<16xf32>
      %add3A_1832 = arith.addf %add3A_1822, %mul3A_1831 : vector<16xf32>
      %get3A_1833 = arith.constant 288 : index
      %get3A_1834 = tpu.vector_load %arg5[%get3A_1833] {strides = array<i32>} : memref<768xf32, #tpu.memory_space<vmem>>, vector<16xf32>,
      %get3A_1835 = vector.shape_cast %get3A_1834 : vector<16xf32> to vector<16xf32>
      %get3A_1836 = arith.constant 3 : i32
      %get3A_1837 = arith.index_cast %get3A_1836 : i32 to index
      %get3A_1838 = arith.constant 288 : index
      %get3A_1839 = tpu.vector_load %arg6[%get3A_1837, %get3A_1838] {strides = array<i32>} : memref<4x768xf32, #tpu.memory_space<vmem>>, vector<1x16xf32>,
      %get3A_1840 = vector.shape_cast %get3A_1839 : vector<1x16xf32> to vector<16xf32>
      %mul3A_1841 = arith.mulf %get3A_1835, %get3A_1840 : vector<16xf32>
      %add3A_1842 = arith.addf %add3A_1832, %mul3A_1841 : vector<16xf32>
      %get3A_1843 = arith.constant 304 : index
      %get3A_1844 = tpu.vector_load %arg5[%get3A_1843] {strides = array<i32>} : memref<768xf32, #tpu.memory_space<vmem>>, vector<16xf32>,
      %get3A_1845 = vector.shape_cast %get3A_1844 : vector<16xf32> to vector<16xf32>
      %get3A_1846 = arith.constant 3 : i32
      %get3A_1847 = arith.index_cast %get3A_1846 : i32 to index
      %get3A_1848 = arith.constant 304 : index
      %get3A_1849 = tpu.vector_load %arg6[%get3A_1847, %get3A_1848] {strides = array<i32>} : memref<4x768xf32, #tpu.memory_space<vmem>>, vector<1x16xf32>,
      %get3A_1850 = vector.shape_cast %get3A_1849 : vector<1x16xf32> to vector<16xf32>
      %mul3A_1851 = arith.mulf %get3A_1845, %get3A_1850 : vector<16xf32>
      %add3A_1852 = arith.addf %add3A_1842, %mul3A_1851 : vector<16xf32>
      %get3A_1853 = arith.constant 320 : index
      %get3A_1854 = tpu.vector_load %arg5[%get3A_1853] {strides = array<i32>} : memref<768xf32, #tpu.memory_space<vmem>>, vector<16xf32>,
      %get3A_1855 = vector.shape_cast %get3A_1854 : vector<16xf32> to vector<16xf32>
      %get3A_1856 = arith.constant 3 : i32
      %get3A_1857 = arith.index_cast %get3A_1856 : i32 to index
      %get3A_1858 = arith.constant 320 : index
      %get3A_1859 = tpu.vector_load %arg6[%get3A_1857, %get3A_1858] {strides = array<i32>} : memref<4x768xf32, #tpu.memory_space<vmem>>, vector<1x16xf32>,
      %get3A_1860 = vector.shape_cast %get3A_1859 : vector<1x16xf32> to vector<16xf32>
      %mul3A_1861 = arith.mulf %get3A_1855, %get3A_1860 : vector<16xf32>
      %add3A_1862 = arith.addf %add3A_1852, %mul3A_1861 : vector<16xf32>
      %get3A_1863 = arith.constant 336 : index
      %get3A_1864 = tpu.vector_load %arg5[%get3A_1863] {strides = array<i32>} : memref<768xf32, #tpu.memory_space<vmem>>, vector<16xf32>,
      %get3A_1865 = vector.shape_cast %get3A_1864 : vector<16xf32> to vector<16xf32>
      %get3A_1866 = arith.constant 3 : i32
      %get3A_1867 = arith.index_cast %get3A_1866 : i32 to index
      %get3A_1868 = arith.constant 336 : index
      %get3A_1869 = tpu.vector_load %arg6[%get3A_1867, %get3A_1868] {strides = array<i32>} : memref<4x768xf32, #tpu.memory_space<vmem>>, vector<1x16xf32>,
      %get3A_1870 = vector.shape_cast %get3A_1869 : vector<1x16xf32> to vector<16xf32>
      %mul3A_1871 = arith.mulf %get3A_1865, %get3A_1870 : vector<16xf32>
      %add3A_1872 = arith.addf %add3A_1862, %mul3A_1871 : vector<16xf32>
      %get3A_1873 = arith.constant 352 : index
      %get3A_1874 = tpu.vector_load %arg5[%get3A_1873] {strides = array<i32>} : memref<768xf32, #tpu.memory_space<vmem>>, vector<16xf32>,
      %get3A_1875 = vector.shape_cast %get3A_1874 : vector<16xf32> to vector<16xf32>
      %get3A_1876 = arith.constant 3 : i32
      %get3A_1877 = arith.index_cast %get3A_1876 : i32 to index
      %get3A_1878 = arith.constant 352 : index
      %get3A_1879 = tpu.vector_load %arg6[%get3A_1877, %get3A_1878] {strides = array<i32>} : memref<4x768xf32, #tpu.memory_space<vmem>>, vector<1x16xf32>,
      %get3A_1880 = vector.shape_cast %get3A_1879 : vector<1x16xf32> to vector<16xf32>
      %mul3A_1881 = arith.mulf %get3A_1875, %get3A_1880 : vector<16xf32>
      %add3A_1882 = arith.addf %add3A_1872, %mul3A_1881 : vector<16xf32>
      %get3A_1883 = arith.constant 368 : index
      %get3A_1884 = tpu.vector_load %arg5[%get3A_1883] {strides = array<i32>} : memref<768xf32, #tpu.memory_space<vmem>>, vector<16xf32>,
      %get3A_1885 = vector.shape_cast %get3A_1884 : vector<16xf32> to vector<16xf32>
      %get3A_1886 = arith.constant 3 : i32
      %get3A_1887 = arith.index_cast %get3A_1886 : i32 to index
      %get3A_1888 = arith.constant 368 : index
      %get3A_1889 = tpu.vector_load %arg6[%get3A_1887, %get3A_1888] {strides = array<i32>} : memref<4x768xf32, #tpu.memory_space<vmem>>, vector<1x16xf32>,
      %get3A_1890 = vector.shape_cast %get3A_1889 : vector<1x16xf32> to vector<16xf32>
      %mul3A_1891 = arith.mulf %get3A_1885, %get3A_1890 : vector<16xf32>
      %add3A_1892 = arith.addf %add3A_1882, %mul3A_1891 : vector<16xf32>
      %get3A_1893 = arith.constant 384 : index
      %get3A_1894 = tpu.vector_load %arg5[%get3A_1893] {strides = array<i32>} : memref<768xf32, #tpu.memory_space<vmem>>, vector<16xf32>,
      %get3A_1895 = vector.shape_cast %get3A_1894 : vector<16xf32> to vector<16xf32>
      %get3A_1896 = arith.constant 3 : i32
      %get3A_1897 = arith.index_cast %get3A_1896 : i32 to index
      %get3A_1898 = arith.constant 384 : index
      %get3A_1899 = tpu.vector_load %arg6[%get3A_1897, %get3A_1898] {strides = array<i32>} : memref<4x768xf32, #tpu.memory_space<vmem>>, vector<1x16xf32>,
      %get3A_1900 = vector.shape_cast %get3A_1899 : vector<1x16xf32> to vector<16xf32>
      %mul3A_1901 = arith.mulf %get3A_1895, %get3A_1900 : vector<16xf32>
      %add3A_1902 = arith.addf %add3A_1892, %mul3A_1901 : vector<16xf32>
      %get3A_1903 = arith.constant 400 : index
      %get3A_1904 = tpu.vector_load %arg5[%get3A_1903] {strides = array<i32>} : memref<768xf32, #tpu.memory_space<vmem>>, vector<16xf32>,
      %get3A_1905 = vector.shape_cast %get3A_1904 : vector<16xf32> to vector<16xf32>
      %get3A_1906 = arith.constant 3 : i32
      %get3A_1907 = arith.index_cast %get3A_1906 : i32 to index
      %get3A_1908 = arith.constant 400 : index
      %get3A_1909 = tpu.vector_load %arg6[%get3A_1907, %get3A_1908] {strides = array<i32>} : memref<4x768xf32, #tpu.memory_space<vmem>>, vector<1x16xf32>,
      %get3A_1910 = vector.shape_cast %get3A_1909 : vector<1x16xf32> to vector<16xf32>
      %mul3A_1911 = arith.mulf %get3A_1905, %get3A_1910 : vector<16xf32>
      %add3A_1912 = arith.addf %add3A_1902, %mul3A_1911 : vector<16xf32>
      %get3A_1913 = arith.constant 416 : index
      %get3A_1914 = tpu.vector_load %arg5[%get3A_1913] {strides = array<i32>} : memref<768xf32, #tpu.memory_space<vmem>>, vector<16xf32>,
      %get3A_1915 = vector.shape_cast %get3A_1914 : vector<16xf32> to vector<16xf32>
      %get3A_1916 = arith.constant 3 : i32
      %get3A_1917 = arith.index_cast %get3A_1916 : i32 to index
      %get3A_1918 = arith.constant 416 : index
      %get3A_1919 = tpu.vector_load %arg6[%get3A_1917, %get3A_1918] {strides = array<i32>} : memref<4x768xf32, #tpu.memory_space<vmem>>, vector<1x16xf32>,
      %get3A_1920 = vector.shape_cast %get3A_1919 : vector<1x16xf32> to vector<16xf32>
      %mul3A_1921 = arith.mulf %get3A_1915, %get3A_1920 : vector<16xf32>
      %add3A_1922 = arith.addf %add3A_1912, %mul3A_1921 : vector<16xf32>
      %get3A_1923 = arith.constant 432 : index
      %get3A_1924 = tpu.vector_load %arg5[%get3A_1923] {strides = array<i32>} : memref<768xf32, #tpu.memory_space<vmem>>, vector<16xf32>,
      %get3A_1925 = vector.shape_cast %get3A_1924 : vector<16xf32> to vector<16xf32>
      %get3A_1926 = arith.constant 3 : i32
      %get3A_1927 = arith.index_cast %get3A_1926 : i32 to index
      %get3A_1928 = arith.constant 432 : index
      %get3A_1929 = tpu.vector_load %arg6[%get3A_1927, %get3A_1928] {strides = array<i32>} : memref<4x768xf32, #tpu.memory_space<vmem>>, vector<1x16xf32>,
      %get3A_1930 = vector.shape_cast %get3A_1929 : vector<1x16xf32> to vector<16xf32>
      %mul3A_1931 = arith.mulf %get3A_1925, %get3A_1930 : vector<16xf32>
      %add3A_1932 = arith.addf %add3A_1922, %mul3A_1931 : vector<16xf32>
      %get3A_1933 = arith.constant 448 : index
      %get3A_1934 = tpu.vector_load %arg5[%get3A_1933] {strides = array<i32>} : memref<768xf32, #tpu.memory_space<vmem>>, vector<16xf32>,
      %get3A_1935 = vector.shape_cast %get3A_1934 : vector<16xf32> to vector<16xf32>
      %get3A_1936 = arith.constant 3 : i32
      %get3A_1937 = arith.index_cast %get3A_1936 : i32 to index
      %get3A_1938 = arith.constant 448 : index
      %get3A_1939 = tpu.vector_load %arg6[%get3A_1937, %get3A_1938] {strides = array<i32>} : memref<4x768xf32, #tpu.memory_space<vmem>>, vector<1x16xf32>,
      %get3A_1940 = vector.shape_cast %get3A_1939 : vector<1x16xf32> to vector<16xf32>
      %mul3A_1941 = arith.mulf %get3A_1935, %get3A_1940 : vector<16xf32>
      %add3A_1942 = arith.addf %add3A_1932, %mul3A_1941 : vector<16xf32>
      %get3A_1943 = arith.constant 464 : index
      %get3A_1944 = tpu.vector_load %arg5[%get3A_1943] {strides = array<i32>} : memref<768xf32, #tpu.memory_space<vmem>>, vector<16xf32>,
      %get3A_1945 = vector.shape_cast %get3A_1944 : vector<16xf32> to vector<16xf32>
      %get3A_1946 = arith.constant 3 : i32
      %get3A_1947 = arith.index_cast %get3A_1946 : i32 to index
      %get3A_1948 = arith.constant 464 : index
      %get3A_1949 = tpu.vector_load %arg6[%get3A_1947, %get3A_1948] {strides = array<i32>} : memref<4x768xf32, #tpu.memory_space<vmem>>, vector<1x16xf32>,
      %get3A_1950 = vector.shape_cast %get3A_1949 : vector<1x16xf32> to vector<16xf32>
      %mul3A_1951 = arith.mulf %get3A_1945, %get3A_1950 : vector<16xf32>
      %add3A_1952 = arith.addf %add3A_1942, %mul3A_1951 : vector<16xf32>
      %get3A_1953 = arith.constant 480 : index
      %get3A_1954 = tpu.vector_load %arg5[%get3A_1953] {strides = array<i32>} : memref<768xf32, #tpu.memory_space<vmem>>, vector<16xf32>,
      %get3A_1955 = vector.shape_cast %get3A_1954 : vector<16xf32> to vector<16xf32>
      %get3A_1956 = arith.constant 3 : i32
      %get3A_1957 = arith.index_cast %get3A_1956 : i32 to index
      %get3A_1958 = arith.constant 480 : index
      %get3A_1959 = tpu.vector_load %arg6[%get3A_1957, %get3A_1958] {strides = array<i32>} : memref<4x768xf32, #tpu.memory_space<vmem>>, vector<1x16xf32>,
      %get3A_1960 = vector.shape_cast %get3A_1959 : vector<1x16xf32> to vector<16xf32>
      %mul3A_1961 = arith.mulf %get3A_1955, %get3A_1960 : vector<16xf32>
      %add3A_1962 = arith.addf %add3A_1952, %mul3A_1961 : vector<16xf32>
      %get3A_1963 = arith.constant 496 : index
      %get3A_1964 = tpu.vector_load %arg5[%get3A_1963] {strides = array<i32>} : memref<768xf32, #tpu.memory_space<vmem>>, vector<16xf32>,
      %get3A_1965 = vector.shape_cast %get3A_1964 : vector<16xf32> to vector<16xf32>
      %get3A_1966 = arith.constant 3 : i32
      %get3A_1967 = arith.index_cast %get3A_1966 : i32 to index
      %get3A_1968 = arith.constant 496 : index
      %get3A_1969 = tpu.vector_load %arg6[%get3A_1967, %get3A_1968] {strides = array<i32>} : memref<4x768xf32, #tpu.memory_space<vmem>>, vector<1x16xf32>,
      %get3A_1970 = vector.shape_cast %get3A_1969 : vector<1x16xf32> to vector<16xf32>
      %mul3A_1971 = arith.mulf %get3A_1965, %get3A_1970 : vector<16xf32>
      %add3A_1972 = arith.addf %add3A_1962, %mul3A_1971 : vector<16xf32>
      %get3A_1973 = arith.constant 512 : index
      %get3A_1974 = tpu.vector_load %arg5[%get3A_1973] {strides = array<i32>} : memref<768xf32, #tpu.memory_space<vmem>>, vector<16xf32>,
      %get3A_1975 = vector.shape_cast %get3A_1974 : vector<16xf32> to vector<16xf32>
      %get3A_1976 = arith.constant 3 : i32
      %get3A_1977 = arith.index_cast %get3A_1976 : i32 to index
      %get3A_1978 = arith.constant 512 : index
      %get3A_1979 = tpu.vector_load %arg6[%get3A_1977, %get3A_1978] {strides = array<i32>} : memref<4x768xf32, #tpu.memory_space<vmem>>, vector<1x16xf32>,
      %get3A_1980 = vector.shape_cast %get3A_1979 : vector<1x16xf32> to vector<16xf32>
      %mul3A_1981 = arith.mulf %get3A_1975, %get3A_1980 : vector<16xf32>
      %add3A_1982 = arith.addf %add3A_1972, %mul3A_1981 : vector<16xf32>
      %get3A_1983 = arith.constant 528 : index
      %get3A_1984 = tpu.vector_load %arg5[%get3A_1983] {strides = array<i32>} : memref<768xf32, #tpu.memory_space<vmem>>, vector<16xf32>,
      %get3A_1985 = vector.shape_cast %get3A_1984 : vector<16xf32> to vector<16xf32>
      %get3A_1986 = arith.constant 3 : i32
      %get3A_1987 = arith.index_cast %get3A_1986 : i32 to index
      %get3A_1988 = arith.constant 528 : index
      %get3A_1989 = tpu.vector_load %arg6[%get3A_1987, %get3A_1988] {strides = array<i32>} : memref<4x768xf32, #tpu.memory_space<vmem>>, vector<1x16xf32>,
      %get3A_1990 = vector.shape_cast %get3A_1989 : vector<1x16xf32> to vector<16xf32>
      %mul3A_1991 = arith.mulf %get3A_1985, %get3A_1990 : vector<16xf32>
      %add3A_1992 = arith.addf %add3A_1982, %mul3A_1991 : vector<16xf32>
      %get3A_1993 = arith.constant 544 : index
      %get3A_1994 = tpu.vector_load %arg5[%get3A_1993] {strides = array<i32>} : memref<768xf32, #tpu.memory_space<vmem>>, vector<16xf32>,
      %get3A_1995 = vector.shape_cast %get3A_1994 : vector<16xf32> to vector<16xf32>
      %get3A_1996 = arith.constant 3 : i32
      %get3A_1997 = arith.index_cast %get3A_1996 : i32 to index
      %get3A_1998 = arith.constant 544 : index
      %get3A_1999 = tpu.vector_load %arg6[%get3A_1997, %get3A_1998] {strides = array<i32>} : memref<4x768xf32, #tpu.memory_space<vmem>>, vector<1x16xf32>,
      %get3A_2000 = vector.shape_cast %get3A_1999 : vector<1x16xf32> to vector<16xf32>
      %mul3A_2001 = arith.mulf %get3A_1995, %get3A_2000 : vector<16xf32>
      %add3A_2002 = arith.addf %add3A_1992, %mul3A_2001 : vector<16xf32>
      %get3A_2003 = arith.constant 560 : index
      %get3A_2004 = tpu.vector_load %arg5[%get3A_2003] {strides = array<i32>} : memref<768xf32, #tpu.memory_space<vmem>>, vector<16xf32>,
      %get3A_2005 = vector.shape_cast %get3A_2004 : vector<16xf32> to vector<16xf32>
      %get3A_2006 = arith.constant 3 : i32
      %get3A_2007 = arith.index_cast %get3A_2006 : i32 to index
      %get3A_2008 = arith.constant 560 : index
      %get3A_2009 = tpu.vector_load %arg6[%get3A_2007, %get3A_2008] {strides = array<i32>} : memref<4x768xf32, #tpu.memory_space<vmem>>, vector<1x16xf32>,
      %get3A_2010 = vector.shape_cast %get3A_2009 : vector<1x16xf32> to vector<16xf32>
      %mul3A_2011 = arith.mulf %get3A_2005, %get3A_2010 : vector<16xf32>
      %add3A_2012 = arith.addf %add3A_2002, %mul3A_2011 : vector<16xf32>
      %get3A_2013 = arith.constant 576 : index
      %get3A_2014 = tpu.vector_load %arg5[%get3A_2013] {strides = array<i32>} : memref<768xf32, #tpu.memory_space<vmem>>, vector<16xf32>,
      %get3A_2015 = vector.shape_cast %get3A_2014 : vector<16xf32> to vector<16xf32>
      %get3A_2016 = arith.constant 3 : i32
      %get3A_2017 = arith.index_cast %get3A_2016 : i32 to index
      %get3A_2018 = arith.constant 576 : index
      %get3A_2019 = tpu.vector_load %arg6[%get3A_2017, %get3A_2018] {strides = array<i32>} : memref<4x768xf32, #tpu.memory_space<vmem>>, vector<1x16xf32>,
      %get3A_2020 = vector.shape_cast %get3A_2019 : vector<1x16xf32> to vector<16xf32>
      %mul3A_2021 = arith.mulf %get3A_2015, %get3A_2020 : vector<16xf32>
      %add3A_2022 = arith.addf %add3A_2012, %mul3A_2021 : vector<16xf32>
      %get3A_2023 = arith.constant 592 : index
      %get3A_2024 = tpu.vector_load %arg5[%get3A_2023] {strides = array<i32>} : memref<768xf32, #tpu.memory_space<vmem>>, vector<16xf32>,
      %get3A_2025 = vector.shape_cast %get3A_2024 : vector<16xf32> to vector<16xf32>
      %get3A_2026 = arith.constant 3 : i32
      %get3A_2027 = arith.index_cast %get3A_2026 : i32 to index
      %get3A_2028 = arith.constant 592 : index
      %get3A_2029 = tpu.vector_load %arg6[%get3A_2027, %get3A_2028] {strides = array<i32>} : memref<4x768xf32, #tpu.memory_space<vmem>>, vector<1x16xf32>,
      %get3A_2030 = vector.shape_cast %get3A_2029 : vector<1x16xf32> to vector<16xf32>
      %mul3A_2031 = arith.mulf %get3A_2025, %get3A_2030 : vector<16xf32>
      %add3A_2032 = arith.addf %add3A_2022, %mul3A_2031 : vector<16xf32>
      %get3A_2033 = arith.constant 608 : index
      %get3A_2034 = tpu.vector_load %arg5[%get3A_2033] {strides = array<i32>} : memref<768xf32, #tpu.memory_space<vmem>>, vector<16xf32>,
      %get3A_2035 = vector.shape_cast %get3A_2034 : vector<16xf32> to vector<16xf32>
      %get3A_2036 = arith.constant 3 : i32
      %get3A_2037 = arith.index_cast %get3A_2036 : i32 to index
      %get3A_2038 = arith.constant 608 : index
      %get3A_2039 = tpu.vector_load %arg6[%get3A_2037, %get3A_2038] {strides = array<i32>} : memref<4x768xf32, #tpu.memory_space<vmem>>, vector<1x16xf32>,
      %get3A_2040 = vector.shape_cast %get3A_2039 : vector<1x16xf32> to vector<16xf32>
      %mul3A_2041 = arith.mulf %get3A_2035, %get3A_2040 : vector<16xf32>
      %add3A_2042 = arith.addf %add3A_2032, %mul3A_2041 : vector<16xf32>
      %get3A_2043 = arith.constant 624 : index
      %get3A_2044 = tpu.vector_load %arg5[%get3A_2043] {strides = array<i32>} : memref<768xf32, #tpu.memory_space<vmem>>, vector<16xf32>,
      %get3A_2045 = vector.shape_cast %get3A_2044 : vector<16xf32> to vector<16xf32>
      %get3A_2046 = arith.constant 3 : i32
      %get3A_2047 = arith.index_cast %get3A_2046 : i32 to index
      %get3A_2048 = arith.constant 624 : index
      %get3A_2049 = tpu.vector_load %arg6[%get3A_2047, %get3A_2048] {strides = array<i32>} : memref<4x768xf32, #tpu.memory_space<vmem>>, vector<1x16xf32>,
      %get3A_2050 = vector.shape_cast %get3A_2049 : vector<1x16xf32> to vector<16xf32>
      %mul3A_2051 = arith.mulf %get3A_2045, %get3A_2050 : vector<16xf32>
      %add3A_2052 = arith.addf %add3A_2042, %mul3A_2051 : vector<16xf32>
      %get3A_2053 = arith.constant 640 : index
      %get3A_2054 = tpu.vector_load %arg5[%get3A_2053] {strides = array<i32>} : memref<768xf32, #tpu.memory_space<vmem>>, vector<16xf32>,
      %get3A_2055 = vector.shape_cast %get3A_2054 : vector<16xf32> to vector<16xf32>
      %get3A_2056 = arith.constant 3 : i32
      %get3A_2057 = arith.index_cast %get3A_2056 : i32 to index
      %get3A_2058 = arith.constant 640 : index
      %get3A_2059 = tpu.vector_load %arg6[%get3A_2057, %get3A_2058] {strides = array<i32>} : memref<4x768xf32, #tpu.memory_space<vmem>>, vector<1x16xf32>,
      %get3A_2060 = vector.shape_cast %get3A_2059 : vector<1x16xf32> to vector<16xf32>
      %mul3A_2061 = arith.mulf %get3A_2055, %get3A_2060 : vector<16xf32>
      %add3A_2062 = arith.addf %add3A_2052, %mul3A_2061 : vector<16xf32>
      %get3A_2063 = arith.constant 656 : index
      %get3A_2064 = tpu.vector_load %arg5[%get3A_2063] {strides = array<i32>} : memref<768xf32, #tpu.memory_space<vmem>>, vector<16xf32>,
      %get3A_2065 = vector.shape_cast %get3A_2064 : vector<16xf32> to vector<16xf32>
      %get3A_2066 = arith.constant 3 : i32
      %get3A_2067 = arith.index_cast %get3A_2066 : i32 to index
      %get3A_2068 = arith.constant 656 : index
      %get3A_2069 = tpu.vector_load %arg6[%get3A_2067, %get3A_2068] {strides = array<i32>} : memref<4x768xf32, #tpu.memory_space<vmem>>, vector<1x16xf32>,
      %get3A_2070 = vector.shape_cast %get3A_2069 : vector<1x16xf32> to vector<16xf32>
      %mul3A_2071 = arith.mulf %get3A_2065, %get3A_2070 : vector<16xf32>
      %add3A_2072 = arith.addf %add3A_2062, %mul3A_2071 : vector<16xf32>
      %get3A_2073 = arith.constant 672 : index
      %get3A_2074 = tpu.vector_load %arg5[%get3A_2073] {strides = array<i32>} : memref<768xf32, #tpu.memory_space<vmem>>, vector<16xf32>,
      %get3A_2075 = vector.shape_cast %get3A_2074 : vector<16xf32> to vector<16xf32>
      %get3A_2076 = arith.constant 3 : i32
      %get3A_2077 = arith.index_cast %get3A_2076 : i32 to index
      %get3A_2078 = arith.constant 672 : index
      %get3A_2079 = tpu.vector_load %arg6[%get3A_2077, %get3A_2078] {strides = array<i32>} : memref<4x768xf32, #tpu.memory_space<vmem>>, vector<1x16xf32>,
      %get3A_2080 = vector.shape_cast %get3A_2079 : vector<1x16xf32> to vector<16xf32>
      %mul3A_2081 = arith.mulf %get3A_2075, %get3A_2080 : vector<16xf32>
      %add3A_2082 = arith.addf %add3A_2072, %mul3A_2081 : vector<16xf32>
      %get3A_2083 = arith.constant 688 : index
      %get3A_2084 = tpu.vector_load %arg5[%get3A_2083] {strides = array<i32>} : memref<768xf32, #tpu.memory_space<vmem>>, vector<16xf32>,
      %get3A_2085 = vector.shape_cast %get3A_2084 : vector<16xf32> to vector<16xf32>
      %get3A_2086 = arith.constant 3 : i32
      %get3A_2087 = arith.index_cast %get3A_2086 : i32 to index
      %get3A_2088 = arith.constant 688 : index
      %get3A_2089 = tpu.vector_load %arg6[%get3A_2087, %get3A_2088] {strides = array<i32>} : memref<4x768xf32, #tpu.memory_space<vmem>>, vector<1x16xf32>,
      %get3A_2090 = vector.shape_cast %get3A_2089 : vector<1x16xf32> to vector<16xf32>
      %mul3A_2091 = arith.mulf %get3A_2085, %get3A_2090 : vector<16xf32>
      %add3A_2092 = arith.addf %add3A_2082, %mul3A_2091 : vector<16xf32>
      %get3A_2093 = arith.constant 704 : index
      %get3A_2094 = tpu.vector_load %arg5[%get3A_2093] {strides = array<i32>} : memref<768xf32, #tpu.memory_space<vmem>>, vector<16xf32>,
      %get3A_2095 = vector.shape_cast %get3A_2094 : vector<16xf32> to vector<16xf32>
      %get3A_2096 = arith.constant 3 : i32
      %get3A_2097 = arith.index_cast %get3A_2096 : i32 to index
      %get3A_2098 = arith.constant 704 : index
      %get3A_2099 = tpu.vector_load %arg6[%get3A_2097, %get3A_2098] {strides = array<i32>} : memref<4x768xf32, #tpu.memory_space<vmem>>, vector<1x16xf32>,
      %get3A_2100 = vector.shape_cast %get3A_2099 : vector<1x16xf32> to vector<16xf32>
      %mul3A_2101 = arith.mulf %get3A_2095, %get3A_2100 : vector<16xf32>
      %add3A_2102 = arith.addf %add3A_2092, %mul3A_2101 : vector<16xf32>
      %get3A_2103 = arith.constant 720 : index
      %get3A_2104 = tpu.vector_load %arg5[%get3A_2103] {strides = array<i32>} : memref<768xf32, #tpu.memory_space<vmem>>, vector<16xf32>,
      %get3A_2105 = vector.shape_cast %get3A_2104 : vector<16xf32> to vector<16xf32>
      %get3A_2106 = arith.constant 3 : i32
      %get3A_2107 = arith.index_cast %get3A_2106 : i32 to index
      %get3A_2108 = arith.constant 720 : index
      %get3A_2109 = tpu.vector_load %arg6[%get3A_2107, %get3A_2108] {strides = array<i32>} : memref<4x768xf32, #tpu.memory_space<vmem>>, vector<1x16xf32>,
      %get3A_2110 = vector.shape_cast %get3A_2109 : vector<1x16xf32> to vector<16xf32>
      %mul3A_2111 = arith.mulf %get3A_2105, %get3A_2110 : vector<16xf32>
      %add3A_2112 = arith.addf %add3A_2102, %mul3A_2111 : vector<16xf32>
      %get3A_2113 = arith.constant 736 : index
      %get3A_2114 = tpu.vector_load %arg5[%get3A_2113] {strides = array<i32>} : memref<768xf32, #tpu.memory_space<vmem>>, vector<16xf32>,
      %get3A_2115 = vector.shape_cast %get3A_2114 : vector<16xf32> to vector<16xf32>
      %get3A_2116 = arith.constant 3 : i32
      %get3A_2117 = arith.index_cast %get3A_2116 : i32 to index
      %get3A_2118 = arith.constant 736 : index
      %get3A_2119 = tpu.vector_load %arg6[%get3A_2117, %get3A_2118] {strides = array<i32>} : memref<4x768xf32, #tpu.memory_space<vmem>>, vector<1x16xf32>,
      %get3A_2120 = vector.shape_cast %get3A_2119 : vector<1x16xf32> to vector<16xf32>
      %mul3A_2121 = arith.mulf %get3A_2115, %get3A_2120 : vector<16xf32>
      %add3A_2122 = arith.addf %add3A_2112, %mul3A_2121 : vector<16xf32>
      %get3A_2123 = arith.constant 752 : index
      %get3A_2124 = tpu.vector_load %arg5[%get3A_2123] {strides = array<i32>} : memref<768xf32, #tpu.memory_space<vmem>>, vector<16xf32>,
      %get3A_2125 = vector.shape_cast %get3A_2124 : vector<16xf32> to vector<16xf32>
      %get3A_2126 = arith.constant 3 : i32
      %get3A_2127 = arith.index_cast %get3A_2126 : i32 to index
      %get3A_2128 = arith.constant 752 : index
      %get3A_2129 = tpu.vector_load %arg6[%get3A_2127, %get3A_2128] {strides = array<i32>} : memref<4x768xf32, #tpu.memory_space<vmem>>, vector<1x16xf32>,
      %get3A_2130 = vector.shape_cast %get3A_2129 : vector<1x16xf32> to vector<16xf32>
      %mul3A_2131 = arith.mulf %get3A_2125, %get3A_2130 : vector<16xf32>
      %add3A_2132 = arith.addf %add3A_2122, %mul3A_2131 : vector<16xf32>
      %eq3A_2133 = arith.constant 3 : i32
      %eq3A_2134 = vector.broadcast %eq3A_2133 : i32 to vector<16xi32>
      %eq3A_2135 = arith.cmpi eq, %iota3A, %eq3A_2134 : vector<16xi32>
      %xor3A_2136 = arith.constant 1 : i32
      %xor3A_2137 = vector.broadcast %xor3A_2136 : i32 to vector<16xi32>
      %xor3A_2138 = arith.xori %iota3A, %xor3A_2137 : vector<16xi32>
      %lt3A_2139 = arith.constant 0 : i32
      %lt3A_2140 = vector.broadcast %lt3A_2139 : i32 to vector<16xi32>
      %lt3A_2141 = arith.cmpi slt, %xor3A_2138, %lt3A_2140 : vector<16xi32>
      %add3A_2142 = arith.constant 16 : i32
      %add3A_2143 = vector.broadcast %add3A_2142 : i32 to vector<16xi32>
      %add3A_2144 = arith.addi %xor3A_2138, %add3A_2143 : vector<16xi32>
      %select_n3A_2145 = arith.select %lt3A_2141, %add3A_2144, %xor3A_2138 : vector<16xi1>, vector<16xi32>
      %broadcast_in_dim3A_2146 = vector.shape_cast %select_n3A_2145 : vector<16xi32> to vector<16x1xi32>
      %gather3A_2147 = vector.shape_cast %broadcast_in_dim3A_2146 : vector<16x1xi32> to vector<16xi32>
      %gather3A_2148 = tpu.dynamic_gather %add3A_2132[%gather3A_2147] in [0] : vector<16xf32>, vector<16xi32> -> vector<16xf32>
      %add3A_2149 = arith.addf %add3A_2132, %gather3A_2148 : vector<16xf32>
      %xor3A_2150 = arith.constant 2 : i32
      %xor3A_2151 = vector.broadcast %xor3A_2150 : i32 to vector<16xi32>
      %xor3A_2152 = arith.xori %iota3A, %xor3A_2151 : vector<16xi32>
      %lt3A_2153 = arith.constant 0 : i32
      %lt3A_2154 = vector.broadcast %lt3A_2153 : i32 to vector<16xi32>
      %lt3A_2155 = arith.cmpi slt, %xor3A_2152, %lt3A_2154 : vector<16xi32>
      %add3A_2156 = arith.constant 16 : i32
      %add3A_2157 = vector.broadcast %add3A_2156 : i32 to vector<16xi32>
      %add3A_2158 = arith.addi %xor3A_2152, %add3A_2157 : vector<16xi32>
      %select_n3A_2159 = arith.select %lt3A_2155, %add3A_2158, %xor3A_2152 : vector<16xi1>, vector<16xi32>
      %broadcast_in_dim3A_2160 = vector.shape_cast %select_n3A_2159 : vector<16xi32> to vector<16x1xi32>
      %gather3A_2161 = vector.shape_cast %broadcast_in_dim3A_2160 : vector<16x1xi32> to vector<16xi32>
      %gather3A_2162 = tpu.dynamic_gather %add3A_2149[%gather3A_2161] in [0] : vector<16xf32>, vector<16xi32> -> vector<16xf32>
      %add3A_2163 = arith.addf %add3A_2149, %gather3A_2162 : vector<16xf32>
      %xor3A_2164 = arith.constant 4 : i32
      %xor3A_2165 = vector.broadcast %xor3A_2164 : i32 to vector<16xi32>
      %xor3A_2166 = arith.xori %iota3A, %xor3A_2165 : vector<16xi32>
      %lt3A_2167 = arith.constant 0 : i32
      %lt3A_2168 = vector.broadcast %lt3A_2167 : i32 to vector<16xi32>
      %lt3A_2169 = arith.cmpi slt, %xor3A_2166, %lt3A_2168 : vector<16xi32>
      %add3A_2170 = arith.constant 16 : i32
      %add3A_2171 = vector.broadcast %add3A_2170 : i32 to vector<16xi32>
      %add3A_2172 = arith.addi %xor3A_2166, %add3A_2171 : vector<16xi32>
      %select_n3A_2173 = arith.select %lt3A_2169, %add3A_2172, %xor3A_2166 : vector<16xi1>, vector<16xi32>
      %broadcast_in_dim3A_2174 = vector.shape_cast %select_n3A_2173 : vector<16xi32> to vector<16x1xi32>
      %gather3A_2175 = vector.shape_cast %broadcast_in_dim3A_2174 : vector<16x1xi32> to vector<16xi32>
      %gather3A_2176 = tpu.dynamic_gather %add3A_2163[%gather3A_2175] in [0] : vector<16xf32>, vector<16xi32> -> vector<16xf32>
      %add3A_2177 = arith.addf %add3A_2163, %gather3A_2176 : vector<16xf32>
      %xor3A_2178 = arith.constant 8 : i32
      %xor3A_2179 = vector.broadcast %xor3A_2178 : i32 to vector<16xi32>
      %xor3A_2180 = arith.xori %iota3A, %xor3A_2179 : vector<16xi32>
      %lt3A_2181 = arith.constant 0 : i32
      %lt3A_2182 = vector.broadcast %lt3A_2181 : i32 to vector<16xi32>
      %lt3A_2183 = arith.cmpi slt, %xor3A_2180, %lt3A_2182 : vector<16xi32>
      %add3A_2184 = arith.constant 16 : i32
      %add3A_2185 = vector.broadcast %add3A_2184 : i32 to vector<16xi32>
      %add3A_2186 = arith.addi %xor3A_2180, %add3A_2185 : vector<16xi32>
      %select_n3A_2187 = arith.select %lt3A_2183, %add3A_2186, %xor3A_2180 : vector<16xi1>, vector<16xi32>
      %broadcast_in_dim3A_2188 = vector.shape_cast %select_n3A_2187 : vector<16xi32> to vector<16x1xi32>
      %gather3A_2189 = vector.shape_cast %broadcast_in_dim3A_2188 : vector<16x1xi32> to vector<16xi32>
      %gather3A_2190 = tpu.dynamic_gather %add3A_2177[%gather3A_2189] in [0] : vector<16xf32>, vector<16xi32> -> vector<16xf32>
      %add3A_2191 = arith.addf %add3A_2177, %gather3A_2190 : vector<16xf32>
      %select_n3A_2192 = arith.select %eq3A_2135, %add3A_2191, %select_n3A_1650 : vector<16xi1>, vector<16xf32>
      %swap3A = arith.constant 0 : index
      %swap3A_2193 = tpu.vector_load %arg7[%swap3A] {strides = array<i32>} : memref<16xf32, #tpu.memory_space<vmem>>, vector<16xf32>,
      %swap3A_2194 = vector.shape_cast %swap3A_2193 : vector<16xf32> to vector<16xf32>
      %swap3A_2195 = vector.shape_cast %select_n3A_2192 : vector<16xf32> to vector<16xf32>
      tpu.vector_store %arg7[%swap3A], %swap3A_2195 {strides = array<i32>} : memref<16xf32, #tpu.memory_space<vmem>>, vector<16xf32>,
      %mul3A_2196 = arith.constant 16 : i32
      %mul3A_2197 = arith.muli %arg1, %mul3A_2196 : i32
      "tpu.region"() ({
        %run_scoped3A = tpu.sem_alloc : memref<!tpu.dma_semaphore, #tpu.memory_space<semaphore_mem>>
        %dma_start3A_2198 = tpu.memref_slice %arg10[%mul3A_2197] : memref<256xf32, #tpu.memory_space<vmem_shared>> -> memref<16xf32, #tpu.memory_space<vmem_shared>>
        %dma_start3A_2199 = tpu.memref_slice %arg10[%mul3A_2197] : memref<256xf32, #tpu.memory_space<vmem_shared>> -> memref<16xf32, #tpu.memory_space<vmem_shared>>
        tpu.enqueue_dma source(%arg7 : memref<16xf32, #tpu.memory_space<vmem>>) target(%dma_start3A_2199 : memref<16xf32, #tpu.memory_space<vmem_shared>>) target_semaphore(%run_scoped3A : memref<!tpu.dma_semaphore, #tpu.memory_space<semaphore_mem>>)
        %dma_wait3A_2200 = tpu.memref_slice %arg10[%mul3A_2197] : memref<256xf32, #tpu.memory_space<vmem_shared>> -> memref<16xf32, #tpu.memory_space<vmem_shared>>
        %dma_wait3A_2201 = tpu.memref_slice %arg10[%mul3A_2197] : memref<256xf32, #tpu.memory_space<vmem_shared>> -> memref<16xf32, #tpu.memory_space<vmem_shared>>
        tpu.wait_dma2 semaphore(%run_scoped3A : memref<!tpu.dma_semaphore, #tpu.memory_space<semaphore_mem>>) src(%arg7 : memref<16xf32, #tpu.memory_space<vmem>>) dst(%dma_wait3A_2201 : memref<16xf32, #tpu.memory_space<vmem_shared>>)
        tpu.yield
      }) : () -> ()
    } else {
    }
    %barrier3A = arith.constant 0 : index
    tpu.barrier barrier_id(%barrier3A)
    %eq3A_2 = arith.constant 0 : i32
    %eq3A_3 = arith.cmpi eq, %arg0, %eq3A_2 : i32
    %eq3A_4 = arith.constant 0 : i32
    %eq3A_5 = arith.cmpi eq, %arg1, %eq3A_4 : i32
    %and3A = arith.andi %eq3A_3, %eq3A_5 : i1
    %convert_element_type3A_6 = arith.extui %and3A : i1 to i32
    %cond3A_7 = arith.constant 0 : i32
    %cond3A_8 = arith.cmpi ne, %convert_element_type3A_6, %cond3A_7 : i32
    scf.if %cond3A_8 {
      "tpu.region"() ({
        %run_scoped3A = tpu.sem_alloc : memref<!tpu.dma_semaphore, #tpu.memory_space<semaphore_mem>>
        tpu.enqueue_dma source(%arg10 : memref<256xf32, #tpu.memory_space<vmem_shared>>) target(%arg8 : memref<256xf32, #tpu.memory_space<vmem>>) target_semaphore(%run_scoped3A : memref<!tpu.dma_semaphore, #tpu.memory_space<semaphore_mem>>)
        tpu.wait_dma2 semaphore(%run_scoped3A : memref<!tpu.dma_semaphore, #tpu.memory_space<semaphore_mem>>) src(%arg10 : memref<256xf32, #tpu.memory_space<vmem_shared>>) dst(%arg8 : memref<256xf32, #tpu.memory_space<vmem>>)
        tpu.yield
      }) : () -> ()
      %lt3A = arith.constant 4 : i32
      %lt3A_9 = vector.broadcast %lt3A : i32 to vector<16xi32>
      %lt3A_10 = arith.cmpi slt, %iota3A, %lt3A_9 : vector<16xi32>
      %broadcast_in_dim3A = arith.constant -3.400000e+38 : f32
      %broadcast_in_dim3A_11 = vector.broadcast %broadcast_in_dim3A : f32 to vector<16xf32>
      %get3A = arith.constant 0 : index
      %get3A_12 = tpu.vector_load %arg8[%get3A] {strides = array<i32>} : memref<256xf32, #tpu.memory_space<vmem>>, vector<16xf32>,
      %get3A_13 = vector.shape_cast %get3A_12 : vector<16xf32> to vector<16xf32>
      %jit3A = arith.constant -3.400000e+38 : f32
      %broadcast_in_dim3A_14 = vector.broadcast %jit3A : f32 to vector<16xf32>
      %select_n3A = arith.select %lt3A_10, %get3A_13, %broadcast_in_dim3A_14 : vector<16xi1>, vector<16xf32>
      %max3A = arith.maximumf %broadcast_in_dim3A_11, %select_n3A : vector<16xf32>
      %get3A_15 = arith.constant 16 : index
      %get3A_16 = tpu.vector_load %arg8[%get3A_15] {strides = array<i32>} : memref<256xf32, #tpu.memory_space<vmem>>, vector<16xf32>,
      %get3A_17 = vector.shape_cast %get3A_16 : vector<16xf32> to vector<16xf32>
      %jit3A_18 = arith.constant -3.400000e+38 : f32
      %broadcast_in_dim3A_19 = vector.broadcast %jit3A_18 : f32 to vector<16xf32>
      %select_n3A_20 = arith.select %lt3A_10, %get3A_17, %broadcast_in_dim3A_19 : vector<16xi1>, vector<16xf32>
      %max3A_21 = arith.maximumf %max3A, %select_n3A_20 : vector<16xf32>
      %get3A_22 = arith.constant 32 : index
      %get3A_23 = tpu.vector_load %arg8[%get3A_22] {strides = array<i32>} : memref<256xf32, #tpu.memory_space<vmem>>, vector<16xf32>,
      %get3A_24 = vector.shape_cast %get3A_23 : vector<16xf32> to vector<16xf32>
      %jit3A_25 = arith.constant -3.400000e+38 : f32
      %broadcast_in_dim3A_26 = vector.broadcast %jit3A_25 : f32 to vector<16xf32>
      %select_n3A_27 = arith.select %lt3A_10, %get3A_24, %broadcast_in_dim3A_26 : vector<16xi1>, vector<16xf32>
      %max3A_28 = arith.maximumf %max3A_21, %select_n3A_27 : vector<16xf32>
      %get3A_29 = arith.constant 48 : index
      %get3A_30 = tpu.vector_load %arg8[%get3A_29] {strides = array<i32>} : memref<256xf32, #tpu.memory_space<vmem>>, vector<16xf32>,
      %get3A_31 = vector.shape_cast %get3A_30 : vector<16xf32> to vector<16xf32>
      %jit3A_32 = arith.constant -3.400000e+38 : f32
      %broadcast_in_dim3A_33 = vector.broadcast %jit3A_32 : f32 to vector<16xf32>
      %select_n3A_34 = arith.select %lt3A_10, %get3A_31, %broadcast_in_dim3A_33 : vector<16xi1>, vector<16xf32>
      %max3A_35 = arith.maximumf %max3A_28, %select_n3A_34 : vector<16xf32>
      %get3A_36 = arith.constant 64 : index
      %get3A_37 = tpu.vector_load %arg8[%get3A_36] {strides = array<i32>} : memref<256xf32, #tpu.memory_space<vmem>>, vector<16xf32>,
      %get3A_38 = vector.shape_cast %get3A_37 : vector<16xf32> to vector<16xf32>
      %jit3A_39 = arith.constant -3.400000e+38 : f32
      %broadcast_in_dim3A_40 = vector.broadcast %jit3A_39 : f32 to vector<16xf32>
      %select_n3A_41 = arith.select %lt3A_10, %get3A_38, %broadcast_in_dim3A_40 : vector<16xi1>, vector<16xf32>
      %max3A_42 = arith.maximumf %max3A_35, %select_n3A_41 : vector<16xf32>
      %get3A_43 = arith.constant 80 : index
      %get3A_44 = tpu.vector_load %arg8[%get3A_43] {strides = array<i32>} : memref<256xf32, #tpu.memory_space<vmem>>, vector<16xf32>,
      %get3A_45 = vector.shape_cast %get3A_44 : vector<16xf32> to vector<16xf32>
      %jit3A_46 = arith.constant -3.400000e+38 : f32
      %broadcast_in_dim3A_47 = vector.broadcast %jit3A_46 : f32 to vector<16xf32>
      %select_n3A_48 = arith.select %lt3A_10, %get3A_45, %broadcast_in_dim3A_47 : vector<16xi1>, vector<16xf32>
      %max3A_49 = arith.maximumf %max3A_42, %select_n3A_48 : vector<16xf32>
      %get3A_50 = arith.constant 96 : index
      %get3A_51 = tpu.vector_load %arg8[%get3A_50] {strides = array<i32>} : memref<256xf32, #tpu.memory_space<vmem>>, vector<16xf32>,
      %get3A_52 = vector.shape_cast %get3A_51 : vector<16xf32> to vector<16xf32>
      %jit3A_53 = arith.constant -3.400000e+38 : f32
      %broadcast_in_dim3A_54 = vector.broadcast %jit3A_53 : f32 to vector<16xf32>
      %select_n3A_55 = arith.select %lt3A_10, %get3A_52, %broadcast_in_dim3A_54 : vector<16xi1>, vector<16xf32>
      %max3A_56 = arith.maximumf %max3A_49, %select_n3A_55 : vector<16xf32>
      %get3A_57 = arith.constant 112 : index
      %get3A_58 = tpu.vector_load %arg8[%get3A_57] {strides = array<i32>} : memref<256xf32, #tpu.memory_space<vmem>>, vector<16xf32>,
      %get3A_59 = vector.shape_cast %get3A_58 : vector<16xf32> to vector<16xf32>
      %jit3A_60 = arith.constant -3.400000e+38 : f32
      %broadcast_in_dim3A_61 = vector.broadcast %jit3A_60 : f32 to vector<16xf32>
      %select_n3A_62 = arith.select %lt3A_10, %get3A_59, %broadcast_in_dim3A_61 : vector<16xi1>, vector<16xf32>
      %max3A_63 = arith.maximumf %max3A_56, %select_n3A_62 : vector<16xf32>
      %get3A_64 = arith.constant 128 : index
      %get3A_65 = tpu.vector_load %arg8[%get3A_64] {strides = array<i32>} : memref<256xf32, #tpu.memory_space<vmem>>, vector<16xf32>,
      %get3A_66 = vector.shape_cast %get3A_65 : vector<16xf32> to vector<16xf32>
      %jit3A_67 = arith.constant -3.400000e+38 : f32
      %broadcast_in_dim3A_68 = vector.broadcast %jit3A_67 : f32 to vector<16xf32>
      %select_n3A_69 = arith.select %lt3A_10, %get3A_66, %broadcast_in_dim3A_68 : vector<16xi1>, vector<16xf32>
      %max3A_70 = arith.maximumf %max3A_63, %select_n3A_69 : vector<16xf32>
      %get3A_71 = arith.constant 144 : index
      %get3A_72 = tpu.vector_load %arg8[%get3A_71] {strides = array<i32>} : memref<256xf32, #tpu.memory_space<vmem>>, vector<16xf32>,
      %get3A_73 = vector.shape_cast %get3A_72 : vector<16xf32> to vector<16xf32>
      %jit3A_74 = arith.constant -3.400000e+38 : f32
      %broadcast_in_dim3A_75 = vector.broadcast %jit3A_74 : f32 to vector<16xf32>
      %select_n3A_76 = arith.select %lt3A_10, %get3A_73, %broadcast_in_dim3A_75 : vector<16xi1>, vector<16xf32>
      %max3A_77 = arith.maximumf %max3A_70, %select_n3A_76 : vector<16xf32>
      %get3A_78 = arith.constant 160 : index
      %get3A_79 = tpu.vector_load %arg8[%get3A_78] {strides = array<i32>} : memref<256xf32, #tpu.memory_space<vmem>>, vector<16xf32>,
      %get3A_80 = vector.shape_cast %get3A_79 : vector<16xf32> to vector<16xf32>
      %jit3A_81 = arith.constant -3.400000e+38 : f32
      %broadcast_in_dim3A_82 = vector.broadcast %jit3A_81 : f32 to vector<16xf32>
      %select_n3A_83 = arith.select %lt3A_10, %get3A_80, %broadcast_in_dim3A_82 : vector<16xi1>, vector<16xf32>
      %max3A_84 = arith.maximumf %max3A_77, %select_n3A_83 : vector<16xf32>
      %get3A_85 = arith.constant 176 : index
      %get3A_86 = tpu.vector_load %arg8[%get3A_85] {strides = array<i32>} : memref<256xf32, #tpu.memory_space<vmem>>, vector<16xf32>,
      %get3A_87 = vector.shape_cast %get3A_86 : vector<16xf32> to vector<16xf32>
      %jit3A_88 = arith.constant -3.400000e+38 : f32
      %broadcast_in_dim3A_89 = vector.broadcast %jit3A_88 : f32 to vector<16xf32>
      %select_n3A_90 = arith.select %lt3A_10, %get3A_87, %broadcast_in_dim3A_89 : vector<16xi1>, vector<16xf32>
      %max3A_91 = arith.maximumf %max3A_84, %select_n3A_90 : vector<16xf32>
      %get3A_92 = arith.constant 192 : index
      %get3A_93 = tpu.vector_load %arg8[%get3A_92] {strides = array<i32>} : memref<256xf32, #tpu.memory_space<vmem>>, vector<16xf32>,
      %get3A_94 = vector.shape_cast %get3A_93 : vector<16xf32> to vector<16xf32>
      %jit3A_95 = arith.constant -3.400000e+38 : f32
      %broadcast_in_dim3A_96 = vector.broadcast %jit3A_95 : f32 to vector<16xf32>
      %select_n3A_97 = arith.select %lt3A_10, %get3A_94, %broadcast_in_dim3A_96 : vector<16xi1>, vector<16xf32>
      %max3A_98 = arith.maximumf %max3A_91, %select_n3A_97 : vector<16xf32>
      %get3A_99 = arith.constant 208 : index
      %get3A_100 = tpu.vector_load %arg8[%get3A_99] {strides = array<i32>} : memref<256xf32, #tpu.memory_space<vmem>>, vector<16xf32>,
      %get3A_101 = vector.shape_cast %get3A_100 : vector<16xf32> to vector<16xf32>
      %jit3A_102 = arith.constant -3.400000e+38 : f32
      %broadcast_in_dim3A_103 = vector.broadcast %jit3A_102 : f32 to vector<16xf32>
      %select_n3A_104 = arith.select %lt3A_10, %get3A_101, %broadcast_in_dim3A_103 : vector<16xi1>, vector<16xf32>
      %max3A_105 = arith.maximumf %max3A_98, %select_n3A_104 : vector<16xf32>
      %get3A_106 = arith.constant 224 : index
      %get3A_107 = tpu.vector_load %arg8[%get3A_106] {strides = array<i32>} : memref<256xf32, #tpu.memory_space<vmem>>, vector<16xf32>,
      %get3A_108 = vector.shape_cast %get3A_107 : vector<16xf32> to vector<16xf32>
      %jit3A_109 = arith.constant -3.400000e+38 : f32
      %broadcast_in_dim3A_110 = vector.broadcast %jit3A_109 : f32 to vector<16xf32>
      %select_n3A_111 = arith.select %lt3A_10, %get3A_108, %broadcast_in_dim3A_110 : vector<16xi1>, vector<16xf32>
      %max3A_112 = arith.maximumf %max3A_105, %select_n3A_111 : vector<16xf32>
      %get3A_113 = arith.constant 240 : index
      %get3A_114 = tpu.vector_load %arg8[%get3A_113] {strides = array<i32>} : memref<256xf32, #tpu.memory_space<vmem>>, vector<16xf32>,
      %get3A_115 = vector.shape_cast %get3A_114 : vector<16xf32> to vector<16xf32>
      %jit3A_116 = arith.constant -3.400000e+38 : f32
      %broadcast_in_dim3A_117 = vector.broadcast %jit3A_116 : f32 to vector<16xf32>
      %select_n3A_118 = arith.select %lt3A_10, %get3A_115, %broadcast_in_dim3A_117 : vector<16xi1>, vector<16xf32>
      %max3A_119 = arith.maximumf %max3A_112, %select_n3A_118 : vector<16xf32>
      %xor3A = arith.constant 1 : i32
      %xor3A_120 = vector.broadcast %xor3A : i32 to vector<16xi32>
      %xor3A_121 = arith.xori %iota3A, %xor3A_120 : vector<16xi32>
      %lt3A_122 = arith.constant 0 : i32
      %lt3A_123 = vector.broadcast %lt3A_122 : i32 to vector<16xi32>
      %lt3A_124 = arith.cmpi slt, %xor3A_121, %lt3A_123 : vector<16xi32>
      %add3A = arith.constant 16 : i32
      %add3A_125 = vector.broadcast %add3A : i32 to vector<16xi32>
      %add3A_126 = arith.addi %xor3A_121, %add3A_125 : vector<16xi32>
      %select_n3A_127 = arith.select %lt3A_124, %add3A_126, %xor3A_121 : vector<16xi1>, vector<16xi32>
      %broadcast_in_dim3A_128 = vector.shape_cast %select_n3A_127 : vector<16xi32> to vector<16x1xi32>
      %gather3A = vector.shape_cast %broadcast_in_dim3A_128 : vector<16x1xi32> to vector<16xi32>
      %gather3A_129 = tpu.dynamic_gather %max3A_119[%gather3A] in [0] : vector<16xf32>, vector<16xi32> -> vector<16xf32>
      %max3A_130 = arith.maximumf %max3A_119, %gather3A_129 : vector<16xf32>
      %xor3A_131 = arith.constant 2 : i32
      %xor3A_132 = vector.broadcast %xor3A_131 : i32 to vector<16xi32>
      %xor3A_133 = arith.xori %iota3A, %xor3A_132 : vector<16xi32>
      %lt3A_134 = arith.constant 0 : i32
      %lt3A_135 = vector.broadcast %lt3A_134 : i32 to vector<16xi32>
      %lt3A_136 = arith.cmpi slt, %xor3A_133, %lt3A_135 : vector<16xi32>
      %add3A_137 = arith.constant 16 : i32
      %add3A_138 = vector.broadcast %add3A_137 : i32 to vector<16xi32>
      %add3A_139 = arith.addi %xor3A_133, %add3A_138 : vector<16xi32>
      %select_n3A_140 = arith.select %lt3A_136, %add3A_139, %xor3A_133 : vector<16xi1>, vector<16xi32>
      %broadcast_in_dim3A_141 = vector.shape_cast %select_n3A_140 : vector<16xi32> to vector<16x1xi32>
      %gather3A_142 = vector.shape_cast %broadcast_in_dim3A_141 : vector<16x1xi32> to vector<16xi32>
      %gather3A_143 = tpu.dynamic_gather %max3A_130[%gather3A_142] in [0] : vector<16xf32>, vector<16xi32> -> vector<16xf32>
      %max3A_144 = arith.maximumf %max3A_130, %gather3A_143 : vector<16xf32>
      %xor3A_145 = arith.constant 4 : i32
      %xor3A_146 = vector.broadcast %xor3A_145 : i32 to vector<16xi32>
      %xor3A_147 = arith.xori %iota3A, %xor3A_146 : vector<16xi32>
      %lt3A_148 = arith.constant 0 : i32
      %lt3A_149 = vector.broadcast %lt3A_148 : i32 to vector<16xi32>
      %lt3A_150 = arith.cmpi slt, %xor3A_147, %lt3A_149 : vector<16xi32>
      %add3A_151 = arith.constant 16 : i32
      %add3A_152 = vector.broadcast %add3A_151 : i32 to vector<16xi32>
      %add3A_153 = arith.addi %xor3A_147, %add3A_152 : vector<16xi32>
      %select_n3A_154 = arith.select %lt3A_150, %add3A_153, %xor3A_147 : vector<16xi1>, vector<16xi32>
      %broadcast_in_dim3A_155 = vector.shape_cast %select_n3A_154 : vector<16xi32> to vector<16x1xi32>
      %gather3A_156 = vector.shape_cast %broadcast_in_dim3A_155 : vector<16x1xi32> to vector<16xi32>
      %gather3A_157 = tpu.dynamic_gather %max3A_144[%gather3A_156] in [0] : vector<16xf32>, vector<16xi32> -> vector<16xf32>
      %max3A_158 = arith.maximumf %max3A_144, %gather3A_157 : vector<16xf32>
      %xor3A_159 = arith.constant 8 : i32
      %xor3A_160 = vector.broadcast %xor3A_159 : i32 to vector<16xi32>
      %xor3A_161 = arith.xori %iota3A, %xor3A_160 : vector<16xi32>
      %lt3A_162 = arith.constant 0 : i32
      %lt3A_163 = vector.broadcast %lt3A_162 : i32 to vector<16xi32>
      %lt3A_164 = arith.cmpi slt, %xor3A_161, %lt3A_163 : vector<16xi32>
      %add3A_165 = arith.constant 16 : i32
      %add3A_166 = vector.broadcast %add3A_165 : i32 to vector<16xi32>
      %add3A_167 = arith.addi %xor3A_161, %add3A_166 : vector<16xi32>
      %select_n3A_168 = arith.select %lt3A_164, %add3A_167, %xor3A_161 : vector<16xi1>, vector<16xi32>
      %broadcast_in_dim3A_169 = vector.shape_cast %select_n3A_168 : vector<16xi32> to vector<16x1xi32>
      %gather3A_170 = vector.shape_cast %broadcast_in_dim3A_169 : vector<16x1xi32> to vector<16xi32>
      %gather3A_171 = tpu.dynamic_gather %max3A_158[%gather3A_170] in [0] : vector<16xf32>, vector<16xi32> -> vector<16xf32>
      %max3A_172 = arith.maximumf %max3A_158, %gather3A_171 : vector<16xf32>
      %broadcast_in_dim3A_173 = arith.constant 0.000000e+00 : f32
      %broadcast_in_dim3A_174 = vector.broadcast %broadcast_in_dim3A_173 : f32 to vector<16xf32>
      %sub3A = arith.subf %select_n3A, %max3A_172 : vector<16xf32>
      %exp3A = math.exp %sub3A : vector<16xf32>
      %jit3A_175 = arith.constant 0.000000e+00 : f32
      %broadcast_in_dim3A_176 = vector.broadcast %jit3A_175 : f32 to vector<16xf32>
      %select_n3A_177 = arith.select %lt3A_10, %exp3A, %broadcast_in_dim3A_176 : vector<16xi1>, vector<16xf32>
      %max3A_178 = arith.maximumf %broadcast_in_dim3A_174, %select_n3A_177 : vector<16xf32>
      %sub3A_179 = arith.subf %select_n3A_20, %max3A_172 : vector<16xf32>
      %exp3A_180 = math.exp %sub3A_179 : vector<16xf32>
      %jit3A_181 = arith.constant 0.000000e+00 : f32
      %broadcast_in_dim3A_182 = vector.broadcast %jit3A_181 : f32 to vector<16xf32>
      %select_n3A_183 = arith.select %lt3A_10, %exp3A_180, %broadcast_in_dim3A_182 : vector<16xi1>, vector<16xf32>
      %max3A_184 = arith.maximumf %max3A_178, %select_n3A_183 : vector<16xf32>
      %sub3A_185 = arith.subf %select_n3A_27, %max3A_172 : vector<16xf32>
      %exp3A_186 = math.exp %sub3A_185 : vector<16xf32>
      %jit3A_187 = arith.constant 0.000000e+00 : f32
      %broadcast_in_dim3A_188 = vector.broadcast %jit3A_187 : f32 to vector<16xf32>
      %select_n3A_189 = arith.select %lt3A_10, %exp3A_186, %broadcast_in_dim3A_188 : vector<16xi1>, vector<16xf32>
      %max3A_190 = arith.maximumf %max3A_184, %select_n3A_189 : vector<16xf32>
      %sub3A_191 = arith.subf %select_n3A_34, %max3A_172 : vector<16xf32>
      %exp3A_192 = math.exp %sub3A_191 : vector<16xf32>
      %jit3A_193 = arith.constant 0.000000e+00 : f32
      %broadcast_in_dim3A_194 = vector.broadcast %jit3A_193 : f32 to vector<16xf32>
      %select_n3A_195 = arith.select %lt3A_10, %exp3A_192, %broadcast_in_dim3A_194 : vector<16xi1>, vector<16xf32>
      %max3A_196 = arith.maximumf %max3A_190, %select_n3A_195 : vector<16xf32>
      %sub3A_197 = arith.subf %select_n3A_41, %max3A_172 : vector<16xf32>
      %exp3A_198 = math.exp %sub3A_197 : vector<16xf32>
      %jit3A_199 = arith.constant 0.000000e+00 : f32
      %broadcast_in_dim3A_200 = vector.broadcast %jit3A_199 : f32 to vector<16xf32>
      %select_n3A_201 = arith.select %lt3A_10, %exp3A_198, %broadcast_in_dim3A_200 : vector<16xi1>, vector<16xf32>
      %max3A_202 = arith.maximumf %max3A_196, %select_n3A_201 : vector<16xf32>
      %sub3A_203 = arith.subf %select_n3A_48, %max3A_172 : vector<16xf32>
      %exp3A_204 = math.exp %sub3A_203 : vector<16xf32>
      %jit3A_205 = arith.constant 0.000000e+00 : f32
      %broadcast_in_dim3A_206 = vector.broadcast %jit3A_205 : f32 to vector<16xf32>
      %select_n3A_207 = arith.select %lt3A_10, %exp3A_204, %broadcast_in_dim3A_206 : vector<16xi1>, vector<16xf32>
      %max3A_208 = arith.maximumf %max3A_202, %select_n3A_207 : vector<16xf32>
      %sub3A_209 = arith.subf %select_n3A_55, %max3A_172 : vector<16xf32>
      %exp3A_210 = math.exp %sub3A_209 : vector<16xf32>
      %jit3A_211 = arith.constant 0.000000e+00 : f32
      %broadcast_in_dim3A_212 = vector.broadcast %jit3A_211 : f32 to vector<16xf32>
      %select_n3A_213 = arith.select %lt3A_10, %exp3A_210, %broadcast_in_dim3A_212 : vector<16xi1>, vector<16xf32>
      %max3A_214 = arith.maximumf %max3A_208, %select_n3A_213 : vector<16xf32>
      %sub3A_215 = arith.subf %select_n3A_62, %max3A_172 : vector<16xf32>
      %exp3A_216 = math.exp %sub3A_215 : vector<16xf32>
      %jit3A_217 = arith.constant 0.000000e+00 : f32
      %broadcast_in_dim3A_218 = vector.broadcast %jit3A_217 : f32 to vector<16xf32>
      %select_n3A_219 = arith.select %lt3A_10, %exp3A_216, %broadcast_in_dim3A_218 : vector<16xi1>, vector<16xf32>
      %max3A_220 = arith.maximumf %max3A_214, %select_n3A_219 : vector<16xf32>
      %sub3A_221 = arith.subf %select_n3A_69, %max3A_172 : vector<16xf32>
      %exp3A_222 = math.exp %sub3A_221 : vector<16xf32>
      %jit3A_223 = arith.constant 0.000000e+00 : f32
      %broadcast_in_dim3A_224 = vector.broadcast %jit3A_223 : f32 to vector<16xf32>
      %select_n3A_225 = arith.select %lt3A_10, %exp3A_222, %broadcast_in_dim3A_224 : vector<16xi1>, vector<16xf32>
      %max3A_226 = arith.maximumf %max3A_220, %select_n3A_225 : vector<16xf32>
      %sub3A_227 = arith.subf %select_n3A_76, %max3A_172 : vector<16xf32>
      %exp3A_228 = math.exp %sub3A_227 : vector<16xf32>
      %jit3A_229 = arith.constant 0.000000e+00 : f32
      %broadcast_in_dim3A_230 = vector.broadcast %jit3A_229 : f32 to vector<16xf32>
      %select_n3A_231 = arith.select %lt3A_10, %exp3A_228, %broadcast_in_dim3A_230 : vector<16xi1>, vector<16xf32>
      %max3A_232 = arith.maximumf %max3A_226, %select_n3A_231 : vector<16xf32>
      %sub3A_233 = arith.subf %select_n3A_83, %max3A_172 : vector<16xf32>
      %exp3A_234 = math.exp %sub3A_233 : vector<16xf32>
      %jit3A_235 = arith.constant 0.000000e+00 : f32
      %broadcast_in_dim3A_236 = vector.broadcast %jit3A_235 : f32 to vector<16xf32>
      %select_n3A_237 = arith.select %lt3A_10, %exp3A_234, %broadcast_in_dim3A_236 : vector<16xi1>, vector<16xf32>
      %max3A_238 = arith.maximumf %max3A_232, %select_n3A_237 : vector<16xf32>
      %sub3A_239 = arith.subf %select_n3A_90, %max3A_172 : vector<16xf32>
      %exp3A_240 = math.exp %sub3A_239 : vector<16xf32>
      %jit3A_241 = arith.constant 0.000000e+00 : f32
      %broadcast_in_dim3A_242 = vector.broadcast %jit3A_241 : f32 to vector<16xf32>
      %select_n3A_243 = arith.select %lt3A_10, %exp3A_240, %broadcast_in_dim3A_242 : vector<16xi1>, vector<16xf32>
      %max3A_244 = arith.maximumf %max3A_238, %select_n3A_243 : vector<16xf32>
      %sub3A_245 = arith.subf %select_n3A_97, %max3A_172 : vector<16xf32>
      %exp3A_246 = math.exp %sub3A_245 : vector<16xf32>
      %jit3A_247 = arith.constant 0.000000e+00 : f32
      %broadcast_in_dim3A_248 = vector.broadcast %jit3A_247 : f32 to vector<16xf32>
      %select_n3A_249 = arith.select %lt3A_10, %exp3A_246, %broadcast_in_dim3A_248 : vector<16xi1>, vector<16xf32>
      %max3A_250 = arith.maximumf %max3A_244, %select_n3A_249 : vector<16xf32>
      %sub3A_251 = arith.subf %select_n3A_104, %max3A_172 : vector<16xf32>
      %exp3A_252 = math.exp %sub3A_251 : vector<16xf32>
      %jit3A_253 = arith.constant 0.000000e+00 : f32
      %broadcast_in_dim3A_254 = vector.broadcast %jit3A_253 : f32 to vector<16xf32>
      %select_n3A_255 = arith.select %lt3A_10, %exp3A_252, %broadcast_in_dim3A_254 : vector<16xi1>, vector<16xf32>
      %max3A_256 = arith.maximumf %max3A_250, %select_n3A_255 : vector<16xf32>
      %sub3A_257 = arith.subf %select_n3A_111, %max3A_172 : vector<16xf32>
      %exp3A_258 = math.exp %sub3A_257 : vector<16xf32>
      %jit3A_259 = arith.constant 0.000000e+00 : f32
      %broadcast_in_dim3A_260 = vector.broadcast %jit3A_259 : f32 to vector<16xf32>
      %select_n3A_261 = arith.select %lt3A_10, %exp3A_258, %broadcast_in_dim3A_260 : vector<16xi1>, vector<16xf32>
      %max3A_262 = arith.maximumf %max3A_256, %select_n3A_261 : vector<16xf32>
      %sub3A_263 = arith.subf %select_n3A_118, %max3A_172 : vector<16xf32>
      %exp3A_264 = math.exp %sub3A_263 : vector<16xf32>
      %jit3A_265 = arith.constant 0.000000e+00 : f32
      %broadcast_in_dim3A_266 = vector.broadcast %jit3A_265 : f32 to vector<16xf32>
      %select_n3A_267 = arith.select %lt3A_10, %exp3A_264, %broadcast_in_dim3A_266 : vector<16xi1>, vector<16xf32>
      %max3A_268 = arith.maximumf %max3A_262, %select_n3A_267 : vector<16xf32>
      %xor3A_269 = arith.constant 1 : i32
      %xor3A_270 = vector.broadcast %xor3A_269 : i32 to vector<16xi32>
      %xor3A_271 = arith.xori %iota3A, %xor3A_270 : vector<16xi32>
      %lt3A_272 = arith.constant 0 : i32
      %lt3A_273 = vector.broadcast %lt3A_272 : i32 to vector<16xi32>
      %lt3A_274 = arith.cmpi slt, %xor3A_271, %lt3A_273 : vector<16xi32>
      %add3A_275 = arith.constant 16 : i32
      %add3A_276 = vector.broadcast %add3A_275 : i32 to vector<16xi32>
      %add3A_277 = arith.addi %xor3A_271, %add3A_276 : vector<16xi32>
      %select_n3A_278 = arith.select %lt3A_274, %add3A_277, %xor3A_271 : vector<16xi1>, vector<16xi32>
      %broadcast_in_dim3A_279 = vector.shape_cast %select_n3A_278 : vector<16xi32> to vector<16x1xi32>
      %gather3A_280 = vector.shape_cast %broadcast_in_dim3A_279 : vector<16x1xi32> to vector<16xi32>
      %gather3A_281 = tpu.dynamic_gather %max3A_268[%gather3A_280] in [0] : vector<16xf32>, vector<16xi32> -> vector<16xf32>
      %max3A_282 = arith.maximumf %max3A_268, %gather3A_281 : vector<16xf32>
      %xor3A_283 = arith.constant 2 : i32
      %xor3A_284 = vector.broadcast %xor3A_283 : i32 to vector<16xi32>
      %xor3A_285 = arith.xori %iota3A, %xor3A_284 : vector<16xi32>
      %lt3A_286 = arith.constant 0 : i32
      %lt3A_287 = vector.broadcast %lt3A_286 : i32 to vector<16xi32>
      %lt3A_288 = arith.cmpi slt, %xor3A_285, %lt3A_287 : vector<16xi32>
      %add3A_289 = arith.constant 16 : i32
      %add3A_290 = vector.broadcast %add3A_289 : i32 to vector<16xi32>
      %add3A_291 = arith.addi %xor3A_285, %add3A_290 : vector<16xi32>
      %select_n3A_292 = arith.select %lt3A_288, %add3A_291, %xor3A_285 : vector<16xi1>, vector<16xi32>
      %broadcast_in_dim3A_293 = vector.shape_cast %select_n3A_292 : vector<16xi32> to vector<16x1xi32>
      %gather3A_294 = vector.shape_cast %broadcast_in_dim3A_293 : vector<16x1xi32> to vector<16xi32>
      %gather3A_295 = tpu.dynamic_gather %max3A_282[%gather3A_294] in [0] : vector<16xf32>, vector<16xi32> -> vector<16xf32>
      %max3A_296 = arith.maximumf %max3A_282, %gather3A_295 : vector<16xf32>
      %xor3A_297 = arith.constant 4 : i32
      %xor3A_298 = vector.broadcast %xor3A_297 : i32 to vector<16xi32>
      %xor3A_299 = arith.xori %iota3A, %xor3A_298 : vector<16xi32>
      %lt3A_300 = arith.constant 0 : i32
      %lt3A_301 = vector.broadcast %lt3A_300 : i32 to vector<16xi32>
      %lt3A_302 = arith.cmpi slt, %xor3A_299, %lt3A_301 : vector<16xi32>
      %add3A_303 = arith.constant 16 : i32
      %add3A_304 = vector.broadcast %add3A_303 : i32 to vector<16xi32>
      %add3A_305 = arith.addi %xor3A_299, %add3A_304 : vector<16xi32>
      %select_n3A_306 = arith.select %lt3A_302, %add3A_305, %xor3A_299 : vector<16xi1>, vector<16xi32>
      %broadcast_in_dim3A_307 = vector.shape_cast %select_n3A_306 : vector<16xi32> to vector<16x1xi32>
      %gather3A_308 = vector.shape_cast %broadcast_in_dim3A_307 : vector<16x1xi32> to vector<16xi32>
      %gather3A_309 = tpu.dynamic_gather %max3A_296[%gather3A_308] in [0] : vector<16xf32>, vector<16xi32> -> vector<16xf32>
      %max3A_310 = arith.maximumf %max3A_296, %gather3A_309 : vector<16xf32>
      %xor3A_311 = arith.constant 8 : i32
      %xor3A_312 = vector.broadcast %xor3A_311 : i32 to vector<16xi32>
      %xor3A_313 = arith.xori %iota3A, %xor3A_312 : vector<16xi32>
      %lt3A_314 = arith.constant 0 : i32
      %lt3A_315 = vector.broadcast %lt3A_314 : i32 to vector<16xi32>
      %lt3A_316 = arith.cmpi slt, %xor3A_313, %lt3A_315 : vector<16xi32>
      %add3A_317 = arith.constant 16 : i32
      %add3A_318 = vector.broadcast %add3A_317 : i32 to vector<16xi32>
      %add3A_319 = arith.addi %xor3A_313, %add3A_318 : vector<16xi32>
      %select_n3A_320 = arith.select %lt3A_316, %add3A_319, %xor3A_313 : vector<16xi1>, vector<16xi32>
      %broadcast_in_dim3A_321 = vector.shape_cast %select_n3A_320 : vector<16xi32> to vector<16x1xi32>
      %gather3A_322 = vector.shape_cast %broadcast_in_dim3A_321 : vector<16x1xi32> to vector<16xi32>
      %gather3A_323 = tpu.dynamic_gather %max3A_310[%gather3A_322] in [0] : vector<16xf32>, vector<16xi32> -> vector<16xf32>
      %max3A_324 = arith.maximumf %max3A_310, %gather3A_323 : vector<16xf32>
      %broadcast_in_dim3A_325 = arith.constant 64 : i32
      %broadcast_in_dim3A_326 = vector.broadcast %broadcast_in_dim3A_325 : i32 to vector<16xi32>
      %ge3A = arith.cmpf oge, %select_n3A_177, %max3A_324 : vector<16xf32>
      %and3A_327 = arith.andi %ge3A, %lt3A_10 : vector<16xi1>
      %add3A_328 = arith.constant 0 : i32
      %add3A_329 = vector.broadcast %add3A_328 : i32 to vector<16xi32>
      %add3A_330 = arith.addi %add3A_329, %iota3A : vector<16xi32>
      %jit3A_331 = arith.constant 64 : i32
      %broadcast_in_dim3A_332 = vector.broadcast %jit3A_331 : i32 to vector<16xi32>
      %select_n3A_333 = arith.select %and3A_327, %add3A_330, %broadcast_in_dim3A_332 : vector<16xi1>, vector<16xi32>
      %min3A = arith.minsi %broadcast_in_dim3A_326, %select_n3A_333 : vector<16xi32>
      %ge3A_334 = arith.cmpf oge, %select_n3A_183, %max3A_324 : vector<16xf32>
      %and3A_335 = arith.andi %ge3A_334, %lt3A_10 : vector<16xi1>
      %add3A_336 = arith.constant 4 : i32
      %add3A_337 = vector.broadcast %add3A_336 : i32 to vector<16xi32>
      %add3A_338 = arith.addi %add3A_337, %iota3A : vector<16xi32>
      %jit3A_339 = arith.constant 64 : i32
      %broadcast_in_dim3A_340 = vector.broadcast %jit3A_339 : i32 to vector<16xi32>
      %select_n3A_341 = arith.select %and3A_335, %add3A_338, %broadcast_in_dim3A_340 : vector<16xi1>, vector<16xi32>
      %min3A_342 = arith.minsi %min3A, %select_n3A_341 : vector<16xi32>
      %ge3A_343 = arith.cmpf oge, %select_n3A_189, %max3A_324 : vector<16xf32>
      %and3A_344 = arith.andi %ge3A_343, %lt3A_10 : vector<16xi1>
      %add3A_345 = arith.constant 8 : i32
      %add3A_346 = vector.broadcast %add3A_345 : i32 to vector<16xi32>
      %add3A_347 = arith.addi %add3A_346, %iota3A : vector<16xi32>
      %jit3A_348 = arith.constant 64 : i32
      %broadcast_in_dim3A_349 = vector.broadcast %jit3A_348 : i32 to vector<16xi32>
      %select_n3A_350 = arith.select %and3A_344, %add3A_347, %broadcast_in_dim3A_349 : vector<16xi1>, vector<16xi32>
      %min3A_351 = arith.minsi %min3A_342, %select_n3A_350 : vector<16xi32>
      %ge3A_352 = arith.cmpf oge, %select_n3A_195, %max3A_324 : vector<16xf32>
      %and3A_353 = arith.andi %ge3A_352, %lt3A_10 : vector<16xi1>
      %add3A_354 = arith.constant 12 : i32
      %add3A_355 = vector.broadcast %add3A_354 : i32 to vector<16xi32>
      %add3A_356 = arith.addi %add3A_355, %iota3A : vector<16xi32>
      %jit3A_357 = arith.constant 64 : i32
      %broadcast_in_dim3A_358 = vector.broadcast %jit3A_357 : i32 to vector<16xi32>
      %select_n3A_359 = arith.select %and3A_353, %add3A_356, %broadcast_in_dim3A_358 : vector<16xi1>, vector<16xi32>
      %min3A_360 = arith.minsi %min3A_351, %select_n3A_359 : vector<16xi32>
      %ge3A_361 = arith.cmpf oge, %select_n3A_201, %max3A_324 : vector<16xf32>
      %and3A_362 = arith.andi %ge3A_361, %lt3A_10 : vector<16xi1>
      %add3A_363 = arith.constant 16 : i32
      %add3A_364 = vector.broadcast %add3A_363 : i32 to vector<16xi32>
      %add3A_365 = arith.addi %add3A_364, %iota3A : vector<16xi32>
      %jit3A_366 = arith.constant 64 : i32
      %broadcast_in_dim3A_367 = vector.broadcast %jit3A_366 : i32 to vector<16xi32>
      %select_n3A_368 = arith.select %and3A_362, %add3A_365, %broadcast_in_dim3A_367 : vector<16xi1>, vector<16xi32>
      %min3A_369 = arith.minsi %min3A_360, %select_n3A_368 : vector<16xi32>
      %ge3A_370 = arith.cmpf oge, %select_n3A_207, %max3A_324 : vector<16xf32>
      %and3A_371 = arith.andi %ge3A_370, %lt3A_10 : vector<16xi1>
      %add3A_372 = arith.constant 20 : i32
      %add3A_373 = vector.broadcast %add3A_372 : i32 to vector<16xi32>
      %add3A_374 = arith.addi %add3A_373, %iota3A : vector<16xi32>
      %jit3A_375 = arith.constant 64 : i32
      %broadcast_in_dim3A_376 = vector.broadcast %jit3A_375 : i32 to vector<16xi32>
      %select_n3A_377 = arith.select %and3A_371, %add3A_374, %broadcast_in_dim3A_376 : vector<16xi1>, vector<16xi32>
      %min3A_378 = arith.minsi %min3A_369, %select_n3A_377 : vector<16xi32>
      %ge3A_379 = arith.cmpf oge, %select_n3A_213, %max3A_324 : vector<16xf32>
      %and3A_380 = arith.andi %ge3A_379, %lt3A_10 : vector<16xi1>
      %add3A_381 = arith.constant 24 : i32
      %add3A_382 = vector.broadcast %add3A_381 : i32 to vector<16xi32>
      %add3A_383 = arith.addi %add3A_382, %iota3A : vector<16xi32>
      %jit3A_384 = arith.constant 64 : i32
      %broadcast_in_dim3A_385 = vector.broadcast %jit3A_384 : i32 to vector<16xi32>
      %select_n3A_386 = arith.select %and3A_380, %add3A_383, %broadcast_in_dim3A_385 : vector<16xi1>, vector<16xi32>
      %min3A_387 = arith.minsi %min3A_378, %select_n3A_386 : vector<16xi32>
      %ge3A_388 = arith.cmpf oge, %select_n3A_219, %max3A_324 : vector<16xf32>
      %and3A_389 = arith.andi %ge3A_388, %lt3A_10 : vector<16xi1>
      %add3A_390 = arith.constant 28 : i32
      %add3A_391 = vector.broadcast %add3A_390 : i32 to vector<16xi32>
      %add3A_392 = arith.addi %add3A_391, %iota3A : vector<16xi32>
      %jit3A_393 = arith.constant 64 : i32
      %broadcast_in_dim3A_394 = vector.broadcast %jit3A_393 : i32 to vector<16xi32>
      %select_n3A_395 = arith.select %and3A_389, %add3A_392, %broadcast_in_dim3A_394 : vector<16xi1>, vector<16xi32>
      %min3A_396 = arith.minsi %min3A_387, %select_n3A_395 : vector<16xi32>
      %ge3A_397 = arith.cmpf oge, %select_n3A_225, %max3A_324 : vector<16xf32>
      %and3A_398 = arith.andi %ge3A_397, %lt3A_10 : vector<16xi1>
      %add3A_399 = arith.constant 32 : i32
      %add3A_400 = vector.broadcast %add3A_399 : i32 to vector<16xi32>
      %add3A_401 = arith.addi %add3A_400, %iota3A : vector<16xi32>
      %jit3A_402 = arith.constant 64 : i32
      %broadcast_in_dim3A_403 = vector.broadcast %jit3A_402 : i32 to vector<16xi32>
      %select_n3A_404 = arith.select %and3A_398, %add3A_401, %broadcast_in_dim3A_403 : vector<16xi1>, vector<16xi32>
      %min3A_405 = arith.minsi %min3A_396, %select_n3A_404 : vector<16xi32>
      %ge3A_406 = arith.cmpf oge, %select_n3A_231, %max3A_324 : vector<16xf32>
      %and3A_407 = arith.andi %ge3A_406, %lt3A_10 : vector<16xi1>
      %add3A_408 = arith.constant 36 : i32
      %add3A_409 = vector.broadcast %add3A_408 : i32 to vector<16xi32>
      %add3A_410 = arith.addi %add3A_409, %iota3A : vector<16xi32>
      %jit3A_411 = arith.constant 64 : i32
      %broadcast_in_dim3A_412 = vector.broadcast %jit3A_411 : i32 to vector<16xi32>
      %select_n3A_413 = arith.select %and3A_407, %add3A_410, %broadcast_in_dim3A_412 : vector<16xi1>, vector<16xi32>
      %min3A_414 = arith.minsi %min3A_405, %select_n3A_413 : vector<16xi32>
      %ge3A_415 = arith.cmpf oge, %select_n3A_237, %max3A_324 : vector<16xf32>
      %and3A_416 = arith.andi %ge3A_415, %lt3A_10 : vector<16xi1>
      %add3A_417 = arith.constant 40 : i32
      %add3A_418 = vector.broadcast %add3A_417 : i32 to vector<16xi32>
      %add3A_419 = arith.addi %add3A_418, %iota3A : vector<16xi32>
      %jit3A_420 = arith.constant 64 : i32
      %broadcast_in_dim3A_421 = vector.broadcast %jit3A_420 : i32 to vector<16xi32>
      %select_n3A_422 = arith.select %and3A_416, %add3A_419, %broadcast_in_dim3A_421 : vector<16xi1>, vector<16xi32>
      %min3A_423 = arith.minsi %min3A_414, %select_n3A_422 : vector<16xi32>
      %ge3A_424 = arith.cmpf oge, %select_n3A_243, %max3A_324 : vector<16xf32>
      %and3A_425 = arith.andi %ge3A_424, %lt3A_10 : vector<16xi1>
      %add3A_426 = arith.constant 44 : i32
      %add3A_427 = vector.broadcast %add3A_426 : i32 to vector<16xi32>
      %add3A_428 = arith.addi %add3A_427, %iota3A : vector<16xi32>
      %jit3A_429 = arith.constant 64 : i32
      %broadcast_in_dim3A_430 = vector.broadcast %jit3A_429 : i32 to vector<16xi32>
      %select_n3A_431 = arith.select %and3A_425, %add3A_428, %broadcast_in_dim3A_430 : vector<16xi1>, vector<16xi32>
      %min3A_432 = arith.minsi %min3A_423, %select_n3A_431 : vector<16xi32>
      %ge3A_433 = arith.cmpf oge, %select_n3A_249, %max3A_324 : vector<16xf32>
      %and3A_434 = arith.andi %ge3A_433, %lt3A_10 : vector<16xi1>
      %add3A_435 = arith.constant 48 : i32
      %add3A_436 = vector.broadcast %add3A_435 : i32 to vector<16xi32>
      %add3A_437 = arith.addi %add3A_436, %iota3A : vector<16xi32>
      %jit3A_438 = arith.constant 64 : i32
      %broadcast_in_dim3A_439 = vector.broadcast %jit3A_438 : i32 to vector<16xi32>
      %select_n3A_440 = arith.select %and3A_434, %add3A_437, %broadcast_in_dim3A_439 : vector<16xi1>, vector<16xi32>
      %min3A_441 = arith.minsi %min3A_432, %select_n3A_440 : vector<16xi32>
      %ge3A_442 = arith.cmpf oge, %select_n3A_255, %max3A_324 : vector<16xf32>
      %and3A_443 = arith.andi %ge3A_442, %lt3A_10 : vector<16xi1>
      %add3A_444 = arith.constant 52 : i32
      %add3A_445 = vector.broadcast %add3A_444 : i32 to vector<16xi32>
      %add3A_446 = arith.addi %add3A_445, %iota3A : vector<16xi32>
      %jit3A_447 = arith.constant 64 : i32
      %broadcast_in_dim3A_448 = vector.broadcast %jit3A_447 : i32 to vector<16xi32>
      %select_n3A_449 = arith.select %and3A_443, %add3A_446, %broadcast_in_dim3A_448 : vector<16xi1>, vector<16xi32>
      %min3A_450 = arith.minsi %min3A_441, %select_n3A_449 : vector<16xi32>
      %ge3A_451 = arith.cmpf oge, %select_n3A_261, %max3A_324 : vector<16xf32>
      %and3A_452 = arith.andi %ge3A_451, %lt3A_10 : vector<16xi1>
      %add3A_453 = arith.constant 56 : i32
      %add3A_454 = vector.broadcast %add3A_453 : i32 to vector<16xi32>
      %add3A_455 = arith.addi %add3A_454, %iota3A : vector<16xi32>
      %jit3A_456 = arith.constant 64 : i32
      %broadcast_in_dim3A_457 = vector.broadcast %jit3A_456 : i32 to vector<16xi32>
      %select_n3A_458 = arith.select %and3A_452, %add3A_455, %broadcast_in_dim3A_457 : vector<16xi1>, vector<16xi32>
      %min3A_459 = arith.minsi %min3A_450, %select_n3A_458 : vector<16xi32>
      %ge3A_460 = arith.cmpf oge, %select_n3A_267, %max3A_324 : vector<16xf32>
      %and3A_461 = arith.andi %ge3A_460, %lt3A_10 : vector<16xi1>
      %add3A_462 = arith.constant 60 : i32
      %add3A_463 = vector.broadcast %add3A_462 : i32 to vector<16xi32>
      %add3A_464 = arith.addi %add3A_463, %iota3A : vector<16xi32>
      %jit3A_465 = arith.constant 64 : i32
      %broadcast_in_dim3A_466 = vector.broadcast %jit3A_465 : i32 to vector<16xi32>
      %select_n3A_467 = arith.select %and3A_461, %add3A_464, %broadcast_in_dim3A_466 : vector<16xi1>, vector<16xi32>
      %min3A_468 = arith.minsi %min3A_459, %select_n3A_467 : vector<16xi32>
      %xor3A_469 = arith.constant 1 : i32
      %xor3A_470 = vector.broadcast %xor3A_469 : i32 to vector<16xi32>
      %xor3A_471 = arith.xori %iota3A, %xor3A_470 : vector<16xi32>
      %lt3A_472 = arith.constant 0 : i32
      %lt3A_473 = vector.broadcast %lt3A_472 : i32 to vector<16xi32>
      %lt3A_474 = arith.cmpi slt, %xor3A_471, %lt3A_473 : vector<16xi32>
      %add3A_475 = arith.constant 16 : i32
      %add3A_476 = vector.broadcast %add3A_475 : i32 to vector<16xi32>
      %add3A_477 = arith.addi %xor3A_471, %add3A_476 : vector<16xi32>
      %select_n3A_478 = arith.select %lt3A_474, %add3A_477, %xor3A_471 : vector<16xi1>, vector<16xi32>
      %broadcast_in_dim3A_479 = vector.shape_cast %select_n3A_478 : vector<16xi32> to vector<16x1xi32>
      %gather3A_480 = vector.shape_cast %broadcast_in_dim3A_479 : vector<16x1xi32> to vector<16xi32>
      %gather3A_481 = tpu.dynamic_gather %min3A_468[%gather3A_480] in [0] : vector<16xi32>, vector<16xi32> -> vector<16xi32>
      %min3A_482 = arith.minsi %min3A_468, %gather3A_481 : vector<16xi32>
      %xor3A_483 = arith.constant 2 : i32
      %xor3A_484 = vector.broadcast %xor3A_483 : i32 to vector<16xi32>
      %xor3A_485 = arith.xori %iota3A, %xor3A_484 : vector<16xi32>
      %lt3A_486 = arith.constant 0 : i32
      %lt3A_487 = vector.broadcast %lt3A_486 : i32 to vector<16xi32>
      %lt3A_488 = arith.cmpi slt, %xor3A_485, %lt3A_487 : vector<16xi32>
      %add3A_489 = arith.constant 16 : i32
      %add3A_490 = vector.broadcast %add3A_489 : i32 to vector<16xi32>
      %add3A_491 = arith.addi %xor3A_485, %add3A_490 : vector<16xi32>
      %select_n3A_492 = arith.select %lt3A_488, %add3A_491, %xor3A_485 : vector<16xi1>, vector<16xi32>
      %broadcast_in_dim3A_493 = vector.shape_cast %select_n3A_492 : vector<16xi32> to vector<16x1xi32>
      %gather3A_494 = vector.shape_cast %broadcast_in_dim3A_493 : vector<16x1xi32> to vector<16xi32>
      %gather3A_495 = tpu.dynamic_gather %min3A_482[%gather3A_494] in [0] : vector<16xi32>, vector<16xi32> -> vector<16xi32>
      %min3A_496 = arith.minsi %min3A_482, %gather3A_495 : vector<16xi32>
      %xor3A_497 = arith.constant 4 : i32
      %xor3A_498 = vector.broadcast %xor3A_497 : i32 to vector<16xi32>
      %xor3A_499 = arith.xori %iota3A, %xor3A_498 : vector<16xi32>
      %lt3A_500 = arith.constant 0 : i32
      %lt3A_501 = vector.broadcast %lt3A_500 : i32 to vector<16xi32>
      %lt3A_502 = arith.cmpi slt, %xor3A_499, %lt3A_501 : vector<16xi32>
      %add3A_503 = arith.constant 16 : i32
      %add3A_504 = vector.broadcast %add3A_503 : i32 to vector<16xi32>
      %add3A_505 = arith.addi %xor3A_499, %add3A_504 : vector<16xi32>
      %select_n3A_506 = arith.select %lt3A_502, %add3A_505, %xor3A_499 : vector<16xi1>, vector<16xi32>
      %broadcast_in_dim3A_507 = vector.shape_cast %select_n3A_506 : vector<16xi32> to vector<16x1xi32>
      %gather3A_508 = vector.shape_cast %broadcast_in_dim3A_507 : vector<16x1xi32> to vector<16xi32>
      %gather3A_509 = tpu.dynamic_gather %min3A_496[%gather3A_508] in [0] : vector<16xi32>, vector<16xi32> -> vector<16xi32>
      %min3A_510 = arith.minsi %min3A_496, %gather3A_509 : vector<16xi32>
      %xor3A_511 = arith.constant 8 : i32
      %xor3A_512 = vector.broadcast %xor3A_511 : i32 to vector<16xi32>
      %xor3A_513 = arith.xori %iota3A, %xor3A_512 : vector<16xi32>
      %lt3A_514 = arith.constant 0 : i32
      %lt3A_515 = vector.broadcast %lt3A_514 : i32 to vector<16xi32>
      %lt3A_516 = arith.cmpi slt, %xor3A_513, %lt3A_515 : vector<16xi32>
      %add3A_517 = arith.constant 16 : i32
      %add3A_518 = vector.broadcast %add3A_517 : i32 to vector<16xi32>
      %add3A_519 = arith.addi %xor3A_513, %add3A_518 : vector<16xi32>
      %select_n3A_520 = arith.select %lt3A_516, %add3A_519, %xor3A_513 : vector<16xi1>, vector<16xi32>
      %broadcast_in_dim3A_521 = vector.shape_cast %select_n3A_520 : vector<16xi32> to vector<16x1xi32>
      %gather3A_522 = vector.shape_cast %broadcast_in_dim3A_521 : vector<16x1xi32> to vector<16xi32>
      %gather3A_523 = tpu.dynamic_gather %min3A_510[%gather3A_522] in [0] : vector<16xi32>, vector<16xi32> -> vector<16xi32>
      %min3A_524 = arith.minsi %min3A_510, %gather3A_523 : vector<16xi32>
      %eq3A_525 = arith.constant 0 : i32
      %eq3A_526 = vector.broadcast %eq3A_525 : i32 to vector<16xi32>
      %eq3A_527 = arith.cmpi eq, %iota3A, %eq3A_526 : vector<16xi32>
      %jit3A_528 = arith.constant 0 : i32
      %broadcast_in_dim3A_529 = vector.broadcast %jit3A_528 : i32 to vector<16xi32>
      %select_n3A_530 = arith.select %eq3A_527, %min3A_524, %broadcast_in_dim3A_529 : vector<16xi1>, vector<16xi32>
      %swap3A = arith.constant 0 : index
      %swap3A_531 = tpu.vector_load %arg9[%swap3A] {strides = array<i32>} : memref<16xi32, #tpu.memory_space<vmem>>, vector<16xi32>,
      %swap3A_532 = vector.shape_cast %swap3A_531 : vector<16xi32> to vector<16xi32>
      %swap3A_533 = vector.shape_cast %select_n3A_530 : vector<16xi32> to vector<16xi32>
      tpu.vector_store %arg9[%swap3A], %swap3A_533 {strides = array<i32>} : memref<16xi32, #tpu.memory_space<vmem>>, vector<16xi32>,
      "tpu.region"() ({
        %run_scoped3A = tpu.sem_alloc : memref<!tpu.dma_semaphore, #tpu.memory_space<semaphore_mem>>
        tpu.enqueue_dma source(%arg9 : memref<16xi32, #tpu.memory_space<vmem>>) target(%arg4 : memref<16xi32, #tpu.memory_space<hbm>>) target_semaphore(%run_scoped3A : memref<!tpu.dma_semaphore, #tpu.memory_space<semaphore_mem>>)
        tpu.wait_dma2 semaphore(%run_scoped3A : memref<!tpu.dma_semaphore, #tpu.memory_space<semaphore_mem>>) src(%arg9 : memref<16xi32, #tpu.memory_space<vmem>>) dst(%arg4 : memref<16xi32, #tpu.memory_space<hbm>>)
        tpu.yield
      }) : () -> ()
    } else {
    }
    return
  }
}

module attributes {stable_mosaic.version = 14 : i64} {
  func.func @_main_body(%arg0: i32, %arg1: memref<16xi32, #tpu.memory_space<smem>>, %arg2: memref<64x1x128xf32, #tpu.memory_space<vmem>>, %arg3: memref<2048x768xf32, #tpu.memory_space<vmem>>, %arg4: memref<1x2048xf32, #tpu.memory_space<smem>>, %arg5: memref<1x768x128xf32, #tpu.memory_space<vmem>>, %arg6: memref<64x128xf32, #tpu.memory_space<vmem>>, %arg7: memref<1x128x384xf32, #tpu.memory_space<vmem>>, %arg8: memref<1x128x384xf32, #tpu.memory_space<vmem>>, %arg9: memref<64x384xf32, #tpu.memory_space<vmem>>, %arg10: memref<64x384xf32, #tpu.memory_space<vmem>>, %arg11: memref<1x128x128xf32, #tpu.memory_space<vmem>>, %arg12: memref<64x128xf32, #tpu.memory_space<vmem>>, %arg13: memref<1x6x128xf32, #tpu.memory_space<vmem>>, %arg14: memref<64x6xf32, #tpu.memory_space<vmem>>, %arg15: memref<1x128x128xf32, #tpu.memory_space<vmem>>, %arg16: memref<64x128xf32, #tpu.memory_space<vmem>>, %arg17: memref<64x128x1xf32, #tpu.memory_space<vmem>>, %arg18: memref<64x1xf32, #tpu.memory_space<smem>>, %arg19: memref<64x1x128xf32, #tpu.memory_space<vmem>>, %arg20: memref<2048x6xf32, #tpu.memory_space<vmem>>, %arg21: memref<2048x1xf32, #tpu.memory_space<vmem>>, %arg22: memref<2048x384xf32, #tpu.memory_space<vmem>>, %arg23: memref<2048x128xf32, #tpu.memory_space<vmem>>) attributes {dimension_semantics = [#tpu.dimension_semantics<arbitrary>], iteration_bounds = array<i64: 1>, scalar_prefetch = 1 : i64, scratch_operands = 2 : i64, tpu.core_type = #tpu.core_type<tc>, window_params = [{pipeline_mode = #tpu.pipeline_mode<synchronous>, transform_indices = @transform_0, window_bounds = array<i64: 64, 1, 128>}, {pipeline_mode = #tpu.pipeline_mode<synchronous>, transform_indices = @transform_1, window_bounds = array<i64: 2048, 768>}, {transform_indices = @transform_2, window_bounds = array<i64: 1, 2048>}, {transform_indices = @transform_3, window_bounds = array<i64: 1, 768, 128>}, {pipeline_mode = #tpu.pipeline_mode<synchronous>, transform_indices = @transform_4, window_bounds = array<i64: 64, 128>}, {transform_indices = @transform_5, window_bounds = array<i64: 1, 128, 384>}, {transform_indices = @transform_6, window_bounds = array<i64: 1, 128, 384>}, {pipeline_mode = #tpu.pipeline_mode<synchronous>, transform_indices = @transform_7, window_bounds = array<i64: 64, 384>}, {pipeline_mode = #tpu.pipeline_mode<synchronous>, transform_indices = @transform_8, window_bounds = array<i64: 64, 384>}, {transform_indices = @transform_9, window_bounds = array<i64: 1, 128, 128>}, {pipeline_mode = #tpu.pipeline_mode<synchronous>, transform_indices = @transform_10, window_bounds = array<i64: 64, 128>}, {transform_indices = @transform_11, window_bounds = array<i64: 1, 6, 128>}, {pipeline_mode = #tpu.pipeline_mode<synchronous>, transform_indices = @transform_12, window_bounds = array<i64: 64, 6>}, {transform_indices = @transform_13, window_bounds = array<i64: 1, 128, 128>}, {pipeline_mode = #tpu.pipeline_mode<synchronous>, transform_indices = @transform_14, window_bounds = array<i64: 64, 128>}, {pipeline_mode = #tpu.pipeline_mode<synchronous>, transform_indices = @transform_15, window_bounds = array<i64: 64, 128, 1>}, {transform_indices = @transform_16, window_bounds = array<i64: 64, 1>}, {pipeline_mode = #tpu.pipeline_mode<synchronous>, transform_indices = @transform_17, window_bounds = array<i64: 64, 1, 128>}, {pipeline_mode = #tpu.pipeline_mode<synchronous>, transform_indices = @transform_18, window_bounds = array<i64: 2048, 6>}, {pipeline_mode = #tpu.pipeline_mode<synchronous>, transform_indices = @transform_19, window_bounds = array<i64: 2048, 1>}]} {
    %get3A = arith.constant 0 : index
    %get3A_0 = memref.load %arg1[%get3A] : memref<16xi32, #tpu.memory_space<smem>>
    %get3A_1 = arith.constant 0 : index
    %get3A_2 = arith.constant 0 : index
    %get3A_3 = vector.load %arg3[%get3A_1, %get3A_2] : memref<2048x768xf32, #tpu.memory_space<vmem>>, vector<2048x768xf32>
    %get3A_4 = arith.constant 0 : index
    %get3A_5 = arith.constant 0 : index
    %get3A_6 = arith.constant 0 : index
    %get3A_7 = vector.load %arg5[%get3A_4, %get3A_5, %get3A_6] : memref<1x768x128xf32, #tpu.memory_space<vmem>>, vector<1x768x128xf32>
    %get3A_8 = vector.shape_cast %get3A_7 : vector<1x768x128xf32> to vector<768x128xf32>
    %dot_general3A = arith.constant dense<0.000000e+00> : vector<2048x128xf32>
    %dot_general3A_9 = tpu.matmul %get3A_3, %get3A_8, %dot_general3A {dimension_numbers = #tpu.dot_dimension_numbers<[1], [0], [0], [1], [0, 0, 1, 1], [], []>, transpose_lhs_hint = false} : vector<2048x768xf32>, vector<768x128xf32>, vector<2048x128xf32> -> vector<2048x128xf32>
    %get3A_10 = arith.index_cast %get3A_0 : i32 to index
    %get3A_11 = arith.constant 0 : index
    %get3A_12 = vector.load %arg6[%get3A_10, %get3A_11] : memref<64x128xf32, #tpu.memory_space<vmem>>, vector<1x128xf32>
    %add3A = vector.broadcast %get3A_12 : vector<1x128xf32> to vector<2048x128xf32>
    %add3A_13 = arith.addf %dot_general3A_9, %add3A : vector<2048x128xf32>
    %max3A = arith.constant 0.000000e+00 : f32
    %max3A_14 = vector.broadcast %max3A : f32 to vector<2048x128xf32>
    %max3A_15 = arith.maximumf %add3A_13, %max3A_14 : vector<2048x128xf32>
    %iota3A = tpu.iota {dimensions = array<i32: 1>} : vector<1x384xi32>
    %lt3A = arith.constant 256 : i32
    %lt3A_16 = vector.broadcast %lt3A : i32 to vector<1x384xi32>
    %lt3A_17 = arith.cmpi slt, %iota3A, %lt3A_16 : vector<1x384xi32>
    %jit3A = arith.constant 5.000000e-01 : f32
    %jit3A_18 = arith.constant 1.000000e+00 : f32
    %broadcast_in_dim3A = vector.broadcast %jit3A : f32 to vector<1x384xf32>
    %broadcast_in_dim3A_19 = vector.broadcast %jit3A_18 : f32 to vector<1x384xf32>
    %select_n3A = arith.select %lt3A_17, %broadcast_in_dim3A, %broadcast_in_dim3A_19 : vector<1x384xi1>, vector<1x384xf32>
    %get3A_20 = arith.constant 0 : index
    %get3A_21 = arith.constant 0 : index
    %get3A_22 = arith.constant 0 : index
    %get3A_23 = vector.load %arg7[%get3A_20, %get3A_21, %get3A_22] : memref<1x128x384xf32, #tpu.memory_space<vmem>>, vector<1x128x384xf32>
    %get3A_24 = vector.shape_cast %get3A_23 : vector<1x128x384xf32> to vector<128x384xf32>
    %dot_general3A_25 = arith.constant dense<0.000000e+00> : vector<2048x384xf32>
    %dot_general3A_26 = tpu.matmul %max3A_15, %get3A_24, %dot_general3A_25 {dimension_numbers = #tpu.dot_dimension_numbers<[1], [0], [0], [1], [0, 0, 1, 1], [], []>, transpose_lhs_hint = false} : vector<2048x128xf32>, vector<128x384xf32>, vector<2048x384xf32> -> vector<2048x384xf32>
    %get3A_27 = arith.index_cast %get3A_0 : i32 to index
    %get3A_28 = arith.constant 0 : index
    %get3A_29 = vector.load %arg9[%get3A_27, %get3A_28] : memref<64x384xf32, #tpu.memory_space<vmem>>, vector<1x384xf32>
    %add3A_30 = vector.broadcast %get3A_29 : vector<1x384xf32> to vector<2048x384xf32>
    %add3A_31 = arith.addf %dot_general3A_26, %add3A_30 : vector<2048x384xf32>
    %mul3A = vector.broadcast %select_n3A : vector<1x384xf32> to vector<2048x384xf32>
    %mul3A_32 = arith.mulf %add3A_31, %mul3A : vector<2048x384xf32>
    %swap3A = arith.constant 0 : index
    %swap3A_33 = arith.constant 0 : index
    %swap3A_34 = vector.load %arg22[%swap3A, %swap3A_33] : memref<2048x384xf32, #tpu.memory_space<vmem>>, vector<2048x384xf32>
    tpu.vector_store %arg22[%swap3A, %swap3A_33], %mul3A_32 {strides = array<i32>} : memref<2048x384xf32, #tpu.memory_space<vmem>>, vector<2048x384xf32>,
    %get3A_35 = arith.constant 0 : index
    %get3A_36 = arith.constant 0 : index
    %get3A_37 = arith.constant 0 : index
    %get3A_38 = vector.load %arg8[%get3A_35, %get3A_36, %get3A_37] : memref<1x128x384xf32, #tpu.memory_space<vmem>>, vector<1x128x384xf32>
    %get3A_39 = vector.shape_cast %get3A_38 : vector<1x128x384xf32> to vector<128x384xf32>
    %get3A_40 = arith.index_cast %get3A_0 : i32 to index
    %get3A_41 = arith.constant 0 : index
    %get3A_42 = vector.load %arg10[%get3A_40, %get3A_41] : memref<64x384xf32, #tpu.memory_space<vmem>>, vector<1x384xf32>
    %mul3A_43 = arith.constant 5.000000e-01 : f32
    %mul3A_44 = vector.broadcast %mul3A_43 : f32 to vector<1x384xf32>
    %mul3A_45 = arith.mulf %mul3A_44, %get3A_42 : vector<1x384xf32>
    %get3A_46 = arith.index_cast %get3A_0 : i32 to index
    %get3A_47 = arith.constant 0 : index
    %get3A_48 = arith.constant 0 : index
    %get3A_49 = vector.load %arg2[%get3A_46, %get3A_47, %get3A_48] : memref<64x1x128xf32, #tpu.memory_space<vmem>>, vector<1x1x128xf32>
    %get3A_50 = vector.shape_cast %get3A_49 : vector<1x1x128xf32> to vector<1x128xf32>
    %scan3A = arith.constant 0 : i32
    %scan3A_51 = arith.constant 2048 : i32
    %scan3A_52 = arith.addi %scan3A, %scan3A_51 : i32
    %scan3A_53 = arith.constant 8 : i32
    %scan3A_54 = scf.for %scan3A_132 = %scan3A to %scan3A_52 step %scan3A_53 iter_args(%scan3A_133 = %get3A_50) -> (vector<1x128xf32>)  : i32 {
      %get3A_134 = arith.constant 0 : index
      %get3A_135 = arith.index_cast %scan3A_132 : i32 to index
      %get3A_136 = memref.load %arg4[%get3A_134, %get3A_135] : memref<1x2048xf32, #tpu.memory_space<smem>>
      %sub3A = arith.constant 1.000000e+00 : f32
      %sub3A_137 = arith.subf %sub3A, %get3A_136 : f32
      %mul3A_138 = arith.constant 5.000000e-01 : f32
      %mul3A_139 = arith.mulf %mul3A_138, %sub3A_137 : f32
      %mul3A_140 = vector.broadcast %mul3A_139 : f32 to vector<1x128xf32>
      %mul3A_141 = arith.mulf %mul3A_140, %scan3A_133 : vector<1x128xf32>
      %reshape3A = vector.shape_cast %scan3A_133 : vector<1x128xf32> to vector<128x1xf32>
      %mul3A_142 = vector.broadcast %reshape3A : vector<128x1xf32> to vector<128x384xf32>
      %mul3A_143 = arith.mulf %mul3A_142, %get3A_39 : vector<128x384xf32>
      %reduce_sum3A = arith.constant dense<0.000000e+00> : vector<384xf32>
      %reduce_sum3A_144 = vector.multi_reduction <add>, %mul3A_143, %reduce_sum3A [0] : vector<128x384xf32> to vector<384xf32>
      %broadcast_in_dim3A_145 = vector.shape_cast %reduce_sum3A_144 : vector<384xf32> to vector<1x384xf32>
      %mul3A_146 = vector.broadcast %mul3A_139 : f32 to vector<1x384xf32>
      %mul3A_147 = arith.mulf %broadcast_in_dim3A_145, %mul3A_146 : vector<1x384xf32>
      %add3A_148 = arith.addf %mul3A_147, %mul3A_45 : vector<1x384xf32>
      %get3A_149 = arith.index_cast %scan3A_132 : i32 to index
      %get3A_150 = arith.constant 0 : index
      %get3A_151 = vector.load %arg22[%get3A_149, %get3A_150] : memref<2048x384xf32, #tpu.memory_space<vmem>>, vector<1x384xf32>
      %add3A_152 = arith.addf %get3A_151, %add3A_148 : vector<1x384xf32>
      %slice3A = vector.extract_strided_slice %add3A_152 {offsets = [0, 0], sizes = [1, 256], strides = [1, 1]} : vector<1x384xf32> to vector<1x256xf32>
      %tanh3A = math.tanh %slice3A : vector<1x256xf32>
      %slice3A_153 = vector.extract_strided_slice %tanh3A {offsets = [0, 128], sizes = [1, 128], strides = [1, 1]} : vector<1x256xf32> to vector<1x128xf32>
      %add3A_154 = arith.constant 1.000000e+00 : f32
      %add3A_155 = vector.broadcast %add3A_154 : f32 to vector<1x128xf32>
      %add3A_156 = arith.addf %add3A_155, %slice3A_153 : vector<1x128xf32>
      %mul3A_157 = arith.mulf %mul3A_141, %add3A_156 : vector<1x128xf32>
      %sub3A_158 = arith.constant 1.000000e+00 : f32
      %sub3A_159 = vector.broadcast %sub3A_158 : f32 to vector<1x128xf32>
      %sub3A_160 = arith.subf %sub3A_159, %slice3A_153 : vector<1x128xf32>
      %mul3A_161 = arith.constant 5.000000e-01 : f32
      %mul3A_162 = vector.broadcast %mul3A_161 : f32 to vector<1x128xf32>
      %mul3A_163 = arith.mulf %mul3A_162, %sub3A_160 : vector<1x128xf32>
      %slice3A_164 = vector.extract_strided_slice %add3A_152 {offsets = [0, 256], sizes = [1, 128], strides = [1, 1]} : vector<1x384xf32> to vector<1x128xf32>
      %slice3A_165 = vector.extract_strided_slice %tanh3A {offsets = [0, 0], sizes = [1, 128], strides = [1, 1]} : vector<1x256xf32> to vector<1x128xf32>
      %slice3A_166 = vector.extract_strided_slice %add3A_148 {offsets = [0, 256], sizes = [1, 128], strides = [1, 1]} : vector<1x384xf32> to vector<1x128xf32>
      %mul3A_167 = arith.mulf %slice3A_165, %slice3A_166 : vector<1x128xf32>
      %add3A_168 = arith.addf %slice3A_164, %mul3A_167 : vector<1x128xf32>
      %tanh3A_169 = math.tanh %add3A_168 : vector<1x128xf32>
      %mul3A_170 = arith.mulf %tanh3A_169, %mul3A_163 : vector<1x128xf32>
      %add3A_171 = arith.addf %mul3A_157, %mul3A_170 : vector<1x128xf32>
      %swap3A_172 = arith.index_cast %scan3A_132 : i32 to index
      %swap3A_173 = arith.constant 0 : index
      %swap3A_174 = vector.load %arg23[%swap3A_172, %swap3A_173] : memref<2048x128xf32, #tpu.memory_space<vmem>>, vector<1x128xf32>
      tpu.vector_store %arg23[%swap3A_172, %swap3A_173], %add3A_171 {strides = array<i32>} : memref<2048x128xf32, #tpu.memory_space<vmem>>, vector<1x128xf32>,
      %scan3A_175 = arith.constant 1 : i32
      %scan3A_176 = arith.addi %scan3A_132, %scan3A_175 : i32
      %get3A_177 = arith.constant 0 : index
      %get3A_178 = arith.index_cast %scan3A_176 : i32 to index
      %get3A_179 = memref.load %arg4[%get3A_177, %get3A_178] : memref<1x2048xf32, #tpu.memory_space<smem>>
      %sub3A_180 = arith.constant 1.000000e+00 : f32
      %sub3A_181 = arith.subf %sub3A_180, %get3A_179 : f32
      %mul3A_182 = arith.constant 5.000000e-01 : f32
      %mul3A_183 = arith.mulf %mul3A_182, %sub3A_181 : f32
      %mul3A_184 = vector.broadcast %mul3A_183 : f32 to vector<1x128xf32>
      %mul3A_185 = arith.mulf %mul3A_184, %add3A_171 : vector<1x128xf32>
      %reshape3A_186 = vector.shape_cast %add3A_171 : vector<1x128xf32> to vector<128x1xf32>
      %mul3A_187 = vector.broadcast %reshape3A_186 : vector<128x1xf32> to vector<128x384xf32>
      %mul3A_188 = arith.mulf %mul3A_187, %get3A_39 : vector<128x384xf32>
      %reduce_sum3A_189 = arith.constant dense<0.000000e+00> : vector<384xf32>
      %reduce_sum3A_190 = vector.multi_reduction <add>, %mul3A_188, %reduce_sum3A_189 [0] : vector<128x384xf32> to vector<384xf32>
      %broadcast_in_dim3A_191 = vector.shape_cast %reduce_sum3A_190 : vector<384xf32> to vector<1x384xf32>
      %mul3A_192 = vector.broadcast %mul3A_183 : f32 to vector<1x384xf32>
      %mul3A_193 = arith.mulf %broadcast_in_dim3A_191, %mul3A_192 : vector<1x384xf32>
      %add3A_194 = arith.addf %mul3A_193, %mul3A_45 : vector<1x384xf32>
      %get3A_195 = arith.index_cast %scan3A_176 : i32 to index
      %get3A_196 = arith.constant 0 : index
      %get3A_197 = vector.load %arg22[%get3A_195, %get3A_196] : memref<2048x384xf32, #tpu.memory_space<vmem>>, vector<1x384xf32>
      %add3A_198 = arith.addf %get3A_197, %add3A_194 : vector<1x384xf32>
      %slice3A_199 = vector.extract_strided_slice %add3A_198 {offsets = [0, 0], sizes = [1, 256], strides = [1, 1]} : vector<1x384xf32> to vector<1x256xf32>
      %tanh3A_200 = math.tanh %slice3A_199 : vector<1x256xf32>
      %slice3A_201 = vector.extract_strided_slice %tanh3A_200 {offsets = [0, 128], sizes = [1, 128], strides = [1, 1]} : vector<1x256xf32> to vector<1x128xf32>
      %add3A_202 = arith.constant 1.000000e+00 : f32
      %add3A_203 = vector.broadcast %add3A_202 : f32 to vector<1x128xf32>
      %add3A_204 = arith.addf %add3A_203, %slice3A_201 : vector<1x128xf32>
      %mul3A_205 = arith.mulf %mul3A_185, %add3A_204 : vector<1x128xf32>
      %sub3A_206 = arith.constant 1.000000e+00 : f32
      %sub3A_207 = vector.broadcast %sub3A_206 : f32 to vector<1x128xf32>
      %sub3A_208 = arith.subf %sub3A_207, %slice3A_201 : vector<1x128xf32>
      %mul3A_209 = arith.constant 5.000000e-01 : f32
      %mul3A_210 = vector.broadcast %mul3A_209 : f32 to vector<1x128xf32>
      %mul3A_211 = arith.mulf %mul3A_210, %sub3A_208 : vector<1x128xf32>
      %slice3A_212 = vector.extract_strided_slice %add3A_198 {offsets = [0, 256], sizes = [1, 128], strides = [1, 1]} : vector<1x384xf32> to vector<1x128xf32>
      %slice3A_213 = vector.extract_strided_slice %tanh3A_200 {offsets = [0, 0], sizes = [1, 128], strides = [1, 1]} : vector<1x256xf32> to vector<1x128xf32>
      %slice3A_214 = vector.extract_strided_slice %add3A_194 {offsets = [0, 256], sizes = [1, 128], strides = [1, 1]} : vector<1x384xf32> to vector<1x128xf32>
      %mul3A_215 = arith.mulf %slice3A_213, %slice3A_214 : vector<1x128xf32>
      %add3A_216 = arith.addf %slice3A_212, %mul3A_215 : vector<1x128xf32>
      %tanh3A_217 = math.tanh %add3A_216 : vector<1x128xf32>
      %mul3A_218 = arith.mulf %tanh3A_217, %mul3A_211 : vector<1x128xf32>
      %add3A_219 = arith.addf %mul3A_205, %mul3A_218 : vector<1x128xf32>
      %swap3A_220 = arith.index_cast %scan3A_176 : i32 to index
      %swap3A_221 = arith.constant 0 : index
      %swap3A_222 = vector.load %arg23[%swap3A_220, %swap3A_221] : memref<2048x128xf32, #tpu.memory_space<vmem>>, vector<1x128xf32>
      tpu.vector_store %arg23[%swap3A_220, %swap3A_221], %add3A_219 {strides = array<i32>} : memref<2048x128xf32, #tpu.memory_space<vmem>>, vector<1x128xf32>,
      %scan3A_223 = arith.constant 2 : i32
      %scan3A_224 = arith.addi %scan3A_132, %scan3A_223 : i32
      %get3A_225 = arith.constant 0 : index
      %get3A_226 = arith.index_cast %scan3A_224 : i32 to index
      %get3A_227 = memref.load %arg4[%get3A_225, %get3A_226] : memref<1x2048xf32, #tpu.memory_space<smem>>
      %sub3A_228 = arith.constant 1.000000e+00 : f32
      %sub3A_229 = arith.subf %sub3A_228, %get3A_227 : f32
      %mul3A_230 = arith.constant 5.000000e-01 : f32
      %mul3A_231 = arith.mulf %mul3A_230, %sub3A_229 : f32
      %mul3A_232 = vector.broadcast %mul3A_231 : f32 to vector<1x128xf32>
      %mul3A_233 = arith.mulf %mul3A_232, %add3A_219 : vector<1x128xf32>
      %reshape3A_234 = vector.shape_cast %add3A_219 : vector<1x128xf32> to vector<128x1xf32>
      %mul3A_235 = vector.broadcast %reshape3A_234 : vector<128x1xf32> to vector<128x384xf32>
      %mul3A_236 = arith.mulf %mul3A_235, %get3A_39 : vector<128x384xf32>
      %reduce_sum3A_237 = arith.constant dense<0.000000e+00> : vector<384xf32>
      %reduce_sum3A_238 = vector.multi_reduction <add>, %mul3A_236, %reduce_sum3A_237 [0] : vector<128x384xf32> to vector<384xf32>
      %broadcast_in_dim3A_239 = vector.shape_cast %reduce_sum3A_238 : vector<384xf32> to vector<1x384xf32>
      %mul3A_240 = vector.broadcast %mul3A_231 : f32 to vector<1x384xf32>
      %mul3A_241 = arith.mulf %broadcast_in_dim3A_239, %mul3A_240 : vector<1x384xf32>
      %add3A_242 = arith.addf %mul3A_241, %mul3A_45 : vector<1x384xf32>
      %get3A_243 = arith.index_cast %scan3A_224 : i32 to index
      %get3A_244 = arith.constant 0 : index
      %get3A_245 = vector.load %arg22[%get3A_243, %get3A_244] : memref<2048x384xf32, #tpu.memory_space<vmem>>, vector<1x384xf32>
      %add3A_246 = arith.addf %get3A_245, %add3A_242 : vector<1x384xf32>
      %slice3A_247 = vector.extract_strided_slice %add3A_246 {offsets = [0, 0], sizes = [1, 256], strides = [1, 1]} : vector<1x384xf32> to vector<1x256xf32>
      %tanh3A_248 = math.tanh %slice3A_247 : vector<1x256xf32>
      %slice3A_249 = vector.extract_strided_slice %tanh3A_248 {offsets = [0, 128], sizes = [1, 128], strides = [1, 1]} : vector<1x256xf32> to vector<1x128xf32>
      %add3A_250 = arith.constant 1.000000e+00 : f32
      %add3A_251 = vector.broadcast %add3A_250 : f32 to vector<1x128xf32>
      %add3A_252 = arith.addf %add3A_251, %slice3A_249 : vector<1x128xf32>
      %mul3A_253 = arith.mulf %mul3A_233, %add3A_252 : vector<1x128xf32>
      %sub3A_254 = arith.constant 1.000000e+00 : f32
      %sub3A_255 = vector.broadcast %sub3A_254 : f32 to vector<1x128xf32>
      %sub3A_256 = arith.subf %sub3A_255, %slice3A_249 : vector<1x128xf32>
      %mul3A_257 = arith.constant 5.000000e-01 : f32
      %mul3A_258 = vector.broadcast %mul3A_257 : f32 to vector<1x128xf32>
      %mul3A_259 = arith.mulf %mul3A_258, %sub3A_256 : vector<1x128xf32>
      %slice3A_260 = vector.extract_strided_slice %add3A_246 {offsets = [0, 256], sizes = [1, 128], strides = [1, 1]} : vector<1x384xf32> to vector<1x128xf32>
      %slice3A_261 = vector.extract_strided_slice %tanh3A_248 {offsets = [0, 0], sizes = [1, 128], strides = [1, 1]} : vector<1x256xf32> to vector<1x128xf32>
      %slice3A_262 = vector.extract_strided_slice %add3A_242 {offsets = [0, 256], sizes = [1, 128], strides = [1, 1]} : vector<1x384xf32> to vector<1x128xf32>
      %mul3A_263 = arith.mulf %slice3A_261, %slice3A_262 : vector<1x128xf32>
      %add3A_264 = arith.addf %slice3A_260, %mul3A_263 : vector<1x128xf32>
      %tanh3A_265 = math.tanh %add3A_264 : vector<1x128xf32>
      %mul3A_266 = arith.mulf %tanh3A_265, %mul3A_259 : vector<1x128xf32>
      %add3A_267 = arith.addf %mul3A_253, %mul3A_266 : vector<1x128xf32>
      %swap3A_268 = arith.index_cast %scan3A_224 : i32 to index
      %swap3A_269 = arith.constant 0 : index
      %swap3A_270 = vector.load %arg23[%swap3A_268, %swap3A_269] : memref<2048x128xf32, #tpu.memory_space<vmem>>, vector<1x128xf32>
      tpu.vector_store %arg23[%swap3A_268, %swap3A_269], %add3A_267 {strides = array<i32>} : memref<2048x128xf32, #tpu.memory_space<vmem>>, vector<1x128xf32>,
      %scan3A_271 = arith.constant 3 : i32
      %scan3A_272 = arith.addi %scan3A_132, %scan3A_271 : i32
      %get3A_273 = arith.constant 0 : index
      %get3A_274 = arith.index_cast %scan3A_272 : i32 to index
      %get3A_275 = memref.load %arg4[%get3A_273, %get3A_274] : memref<1x2048xf32, #tpu.memory_space<smem>>
      %sub3A_276 = arith.constant 1.000000e+00 : f32
      %sub3A_277 = arith.subf %sub3A_276, %get3A_275 : f32
      %mul3A_278 = arith.constant 5.000000e-01 : f32
      %mul3A_279 = arith.mulf %mul3A_278, %sub3A_277 : f32
      %mul3A_280 = vector.broadcast %mul3A_279 : f32 to vector<1x128xf32>
      %mul3A_281 = arith.mulf %mul3A_280, %add3A_267 : vector<1x128xf32>
      %reshape3A_282 = vector.shape_cast %add3A_267 : vector<1x128xf32> to vector<128x1xf32>
      %mul3A_283 = vector.broadcast %reshape3A_282 : vector<128x1xf32> to vector<128x384xf32>
      %mul3A_284 = arith.mulf %mul3A_283, %get3A_39 : vector<128x384xf32>
      %reduce_sum3A_285 = arith.constant dense<0.000000e+00> : vector<384xf32>
      %reduce_sum3A_286 = vector.multi_reduction <add>, %mul3A_284, %reduce_sum3A_285 [0] : vector<128x384xf32> to vector<384xf32>
      %broadcast_in_dim3A_287 = vector.shape_cast %reduce_sum3A_286 : vector<384xf32> to vector<1x384xf32>
      %mul3A_288 = vector.broadcast %mul3A_279 : f32 to vector<1x384xf32>
      %mul3A_289 = arith.mulf %broadcast_in_dim3A_287, %mul3A_288 : vector<1x384xf32>
      %add3A_290 = arith.addf %mul3A_289, %mul3A_45 : vector<1x384xf32>
      %get3A_291 = arith.index_cast %scan3A_272 : i32 to index
      %get3A_292 = arith.constant 0 : index
      %get3A_293 = vector.load %arg22[%get3A_291, %get3A_292] : memref<2048x384xf32, #tpu.memory_space<vmem>>, vector<1x384xf32>
      %add3A_294 = arith.addf %get3A_293, %add3A_290 : vector<1x384xf32>
      %slice3A_295 = vector.extract_strided_slice %add3A_294 {offsets = [0, 0], sizes = [1, 256], strides = [1, 1]} : vector<1x384xf32> to vector<1x256xf32>
      %tanh3A_296 = math.tanh %slice3A_295 : vector<1x256xf32>
      %slice3A_297 = vector.extract_strided_slice %tanh3A_296 {offsets = [0, 128], sizes = [1, 128], strides = [1, 1]} : vector<1x256xf32> to vector<1x128xf32>
      %add3A_298 = arith.constant 1.000000e+00 : f32
      %add3A_299 = vector.broadcast %add3A_298 : f32 to vector<1x128xf32>
      %add3A_300 = arith.addf %add3A_299, %slice3A_297 : vector<1x128xf32>
      %mul3A_301 = arith.mulf %mul3A_281, %add3A_300 : vector<1x128xf32>
      %sub3A_302 = arith.constant 1.000000e+00 : f32
      %sub3A_303 = vector.broadcast %sub3A_302 : f32 to vector<1x128xf32>
      %sub3A_304 = arith.subf %sub3A_303, %slice3A_297 : vector<1x128xf32>
      %mul3A_305 = arith.constant 5.000000e-01 : f32
      %mul3A_306 = vector.broadcast %mul3A_305 : f32 to vector<1x128xf32>
      %mul3A_307 = arith.mulf %mul3A_306, %sub3A_304 : vector<1x128xf32>
      %slice3A_308 = vector.extract_strided_slice %add3A_294 {offsets = [0, 256], sizes = [1, 128], strides = [1, 1]} : vector<1x384xf32> to vector<1x128xf32>
      %slice3A_309 = vector.extract_strided_slice %tanh3A_296 {offsets = [0, 0], sizes = [1, 128], strides = [1, 1]} : vector<1x256xf32> to vector<1x128xf32>
      %slice3A_310 = vector.extract_strided_slice %add3A_290 {offsets = [0, 256], sizes = [1, 128], strides = [1, 1]} : vector<1x384xf32> to vector<1x128xf32>
      %mul3A_311 = arith.mulf %slice3A_309, %slice3A_310 : vector<1x128xf32>
      %add3A_312 = arith.addf %slice3A_308, %mul3A_311 : vector<1x128xf32>
      %tanh3A_313 = math.tanh %add3A_312 : vector<1x128xf32>
      %mul3A_314 = arith.mulf %tanh3A_313, %mul3A_307 : vector<1x128xf32>
      %add3A_315 = arith.addf %mul3A_301, %mul3A_314 : vector<1x128xf32>
      %swap3A_316 = arith.index_cast %scan3A_272 : i32 to index
      %swap3A_317 = arith.constant 0 : index
      %swap3A_318 = vector.load %arg23[%swap3A_316, %swap3A_317] : memref<2048x128xf32, #tpu.memory_space<vmem>>, vector<1x128xf32>
      tpu.vector_store %arg23[%swap3A_316, %swap3A_317], %add3A_315 {strides = array<i32>} : memref<2048x128xf32, #tpu.memory_space<vmem>>, vector<1x128xf32>,
      %scan3A_319 = arith.constant 4 : i32
      %scan3A_320 = arith.addi %scan3A_132, %scan3A_319 : i32
      %get3A_321 = arith.constant 0 : index
      %get3A_322 = arith.index_cast %scan3A_320 : i32 to index
      %get3A_323 = memref.load %arg4[%get3A_321, %get3A_322] : memref<1x2048xf32, #tpu.memory_space<smem>>
      %sub3A_324 = arith.constant 1.000000e+00 : f32
      %sub3A_325 = arith.subf %sub3A_324, %get3A_323 : f32
      %mul3A_326 = arith.constant 5.000000e-01 : f32
      %mul3A_327 = arith.mulf %mul3A_326, %sub3A_325 : f32
      %mul3A_328 = vector.broadcast %mul3A_327 : f32 to vector<1x128xf32>
      %mul3A_329 = arith.mulf %mul3A_328, %add3A_315 : vector<1x128xf32>
      %reshape3A_330 = vector.shape_cast %add3A_315 : vector<1x128xf32> to vector<128x1xf32>
      %mul3A_331 = vector.broadcast %reshape3A_330 : vector<128x1xf32> to vector<128x384xf32>
      %mul3A_332 = arith.mulf %mul3A_331, %get3A_39 : vector<128x384xf32>
      %reduce_sum3A_333 = arith.constant dense<0.000000e+00> : vector<384xf32>
      %reduce_sum3A_334 = vector.multi_reduction <add>, %mul3A_332, %reduce_sum3A_333 [0] : vector<128x384xf32> to vector<384xf32>
      %broadcast_in_dim3A_335 = vector.shape_cast %reduce_sum3A_334 : vector<384xf32> to vector<1x384xf32>
      %mul3A_336 = vector.broadcast %mul3A_327 : f32 to vector<1x384xf32>
      %mul3A_337 = arith.mulf %broadcast_in_dim3A_335, %mul3A_336 : vector<1x384xf32>
      %add3A_338 = arith.addf %mul3A_337, %mul3A_45 : vector<1x384xf32>
      %get3A_339 = arith.index_cast %scan3A_320 : i32 to index
      %get3A_340 = arith.constant 0 : index
      %get3A_341 = vector.load %arg22[%get3A_339, %get3A_340] : memref<2048x384xf32, #tpu.memory_space<vmem>>, vector<1x384xf32>
      %add3A_342 = arith.addf %get3A_341, %add3A_338 : vector<1x384xf32>
      %slice3A_343 = vector.extract_strided_slice %add3A_342 {offsets = [0, 0], sizes = [1, 256], strides = [1, 1]} : vector<1x384xf32> to vector<1x256xf32>
      %tanh3A_344 = math.tanh %slice3A_343 : vector<1x256xf32>
      %slice3A_345 = vector.extract_strided_slice %tanh3A_344 {offsets = [0, 128], sizes = [1, 128], strides = [1, 1]} : vector<1x256xf32> to vector<1x128xf32>
      %add3A_346 = arith.constant 1.000000e+00 : f32
      %add3A_347 = vector.broadcast %add3A_346 : f32 to vector<1x128xf32>
      %add3A_348 = arith.addf %add3A_347, %slice3A_345 : vector<1x128xf32>
      %mul3A_349 = arith.mulf %mul3A_329, %add3A_348 : vector<1x128xf32>
      %sub3A_350 = arith.constant 1.000000e+00 : f32
      %sub3A_351 = vector.broadcast %sub3A_350 : f32 to vector<1x128xf32>
      %sub3A_352 = arith.subf %sub3A_351, %slice3A_345 : vector<1x128xf32>
      %mul3A_353 = arith.constant 5.000000e-01 : f32
      %mul3A_354 = vector.broadcast %mul3A_353 : f32 to vector<1x128xf32>
      %mul3A_355 = arith.mulf %mul3A_354, %sub3A_352 : vector<1x128xf32>
      %slice3A_356 = vector.extract_strided_slice %add3A_342 {offsets = [0, 256], sizes = [1, 128], strides = [1, 1]} : vector<1x384xf32> to vector<1x128xf32>
      %slice3A_357 = vector.extract_strided_slice %tanh3A_344 {offsets = [0, 0], sizes = [1, 128], strides = [1, 1]} : vector<1x256xf32> to vector<1x128xf32>
      %slice3A_358 = vector.extract_strided_slice %add3A_338 {offsets = [0, 256], sizes = [1, 128], strides = [1, 1]} : vector<1x384xf32> to vector<1x128xf32>
      %mul3A_359 = arith.mulf %slice3A_357, %slice3A_358 : vector<1x128xf32>
      %add3A_360 = arith.addf %slice3A_356, %mul3A_359 : vector<1x128xf32>
      %tanh3A_361 = math.tanh %add3A_360 : vector<1x128xf32>
      %mul3A_362 = arith.mulf %tanh3A_361, %mul3A_355 : vector<1x128xf32>
      %add3A_363 = arith.addf %mul3A_349, %mul3A_362 : vector<1x128xf32>
      %swap3A_364 = arith.index_cast %scan3A_320 : i32 to index
      %swap3A_365 = arith.constant 0 : index
      %swap3A_366 = vector.load %arg23[%swap3A_364, %swap3A_365] : memref<2048x128xf32, #tpu.memory_space<vmem>>, vector<1x128xf32>
      tpu.vector_store %arg23[%swap3A_364, %swap3A_365], %add3A_363 {strides = array<i32>} : memref<2048x128xf32, #tpu.memory_space<vmem>>, vector<1x128xf32>,
      %scan3A_367 = arith.constant 5 : i32
      %scan3A_368 = arith.addi %scan3A_132, %scan3A_367 : i32
      %get3A_369 = arith.constant 0 : index
      %get3A_370 = arith.index_cast %scan3A_368 : i32 to index
      %get3A_371 = memref.load %arg4[%get3A_369, %get3A_370] : memref<1x2048xf32, #tpu.memory_space<smem>>
      %sub3A_372 = arith.constant 1.000000e+00 : f32
      %sub3A_373 = arith.subf %sub3A_372, %get3A_371 : f32
      %mul3A_374 = arith.constant 5.000000e-01 : f32
      %mul3A_375 = arith.mulf %mul3A_374, %sub3A_373 : f32
      %mul3A_376 = vector.broadcast %mul3A_375 : f32 to vector<1x128xf32>
      %mul3A_377 = arith.mulf %mul3A_376, %add3A_363 : vector<1x128xf32>
      %reshape3A_378 = vector.shape_cast %add3A_363 : vector<1x128xf32> to vector<128x1xf32>
      %mul3A_379 = vector.broadcast %reshape3A_378 : vector<128x1xf32> to vector<128x384xf32>
      %mul3A_380 = arith.mulf %mul3A_379, %get3A_39 : vector<128x384xf32>
      %reduce_sum3A_381 = arith.constant dense<0.000000e+00> : vector<384xf32>
      %reduce_sum3A_382 = vector.multi_reduction <add>, %mul3A_380, %reduce_sum3A_381 [0] : vector<128x384xf32> to vector<384xf32>
      %broadcast_in_dim3A_383 = vector.shape_cast %reduce_sum3A_382 : vector<384xf32> to vector<1x384xf32>
      %mul3A_384 = vector.broadcast %mul3A_375 : f32 to vector<1x384xf32>
      %mul3A_385 = arith.mulf %broadcast_in_dim3A_383, %mul3A_384 : vector<1x384xf32>
      %add3A_386 = arith.addf %mul3A_385, %mul3A_45 : vector<1x384xf32>
      %get3A_387 = arith.index_cast %scan3A_368 : i32 to index
      %get3A_388 = arith.constant 0 : index
      %get3A_389 = vector.load %arg22[%get3A_387, %get3A_388] : memref<2048x384xf32, #tpu.memory_space<vmem>>, vector<1x384xf32>
      %add3A_390 = arith.addf %get3A_389, %add3A_386 : vector<1x384xf32>
      %slice3A_391 = vector.extract_strided_slice %add3A_390 {offsets = [0, 0], sizes = [1, 256], strides = [1, 1]} : vector<1x384xf32> to vector<1x256xf32>
      %tanh3A_392 = math.tanh %slice3A_391 : vector<1x256xf32>
      %slice3A_393 = vector.extract_strided_slice %tanh3A_392 {offsets = [0, 128], sizes = [1, 128], strides = [1, 1]} : vector<1x256xf32> to vector<1x128xf32>
      %add3A_394 = arith.constant 1.000000e+00 : f32
      %add3A_395 = vector.broadcast %add3A_394 : f32 to vector<1x128xf32>
      %add3A_396 = arith.addf %add3A_395, %slice3A_393 : vector<1x128xf32>
      %mul3A_397 = arith.mulf %mul3A_377, %add3A_396 : vector<1x128xf32>
      %sub3A_398 = arith.constant 1.000000e+00 : f32
      %sub3A_399 = vector.broadcast %sub3A_398 : f32 to vector<1x128xf32>
      %sub3A_400 = arith.subf %sub3A_399, %slice3A_393 : vector<1x128xf32>
      %mul3A_401 = arith.constant 5.000000e-01 : f32
      %mul3A_402 = vector.broadcast %mul3A_401 : f32 to vector<1x128xf32>
      %mul3A_403 = arith.mulf %mul3A_402, %sub3A_400 : vector<1x128xf32>
      %slice3A_404 = vector.extract_strided_slice %add3A_390 {offsets = [0, 256], sizes = [1, 128], strides = [1, 1]} : vector<1x384xf32> to vector<1x128xf32>
      %slice3A_405 = vector.extract_strided_slice %tanh3A_392 {offsets = [0, 0], sizes = [1, 128], strides = [1, 1]} : vector<1x256xf32> to vector<1x128xf32>
      %slice3A_406 = vector.extract_strided_slice %add3A_386 {offsets = [0, 256], sizes = [1, 128], strides = [1, 1]} : vector<1x384xf32> to vector<1x128xf32>
      %mul3A_407 = arith.mulf %slice3A_405, %slice3A_406 : vector<1x128xf32>
      %add3A_408 = arith.addf %slice3A_404, %mul3A_407 : vector<1x128xf32>
      %tanh3A_409 = math.tanh %add3A_408 : vector<1x128xf32>
      %mul3A_410 = arith.mulf %tanh3A_409, %mul3A_403 : vector<1x128xf32>
      %add3A_411 = arith.addf %mul3A_397, %mul3A_410 : vector<1x128xf32>
      %swap3A_412 = arith.index_cast %scan3A_368 : i32 to index
      %swap3A_413 = arith.constant 0 : index
      %swap3A_414 = vector.load %arg23[%swap3A_412, %swap3A_413] : memref<2048x128xf32, #tpu.memory_space<vmem>>, vector<1x128xf32>
      tpu.vector_store %arg23[%swap3A_412, %swap3A_413], %add3A_411 {strides = array<i32>} : memref<2048x128xf32, #tpu.memory_space<vmem>>, vector<1x128xf32>,
      %scan3A_415 = arith.constant 6 : i32
      %scan3A_416 = arith.addi %scan3A_132, %scan3A_415 : i32
      %get3A_417 = arith.constant 0 : index
      %get3A_418 = arith.index_cast %scan3A_416 : i32 to index
      %get3A_419 = memref.load %arg4[%get3A_417, %get3A_418] : memref<1x2048xf32, #tpu.memory_space<smem>>
      %sub3A_420 = arith.constant 1.000000e+00 : f32
      %sub3A_421 = arith.subf %sub3A_420, %get3A_419 : f32
      %mul3A_422 = arith.constant 5.000000e-01 : f32
      %mul3A_423 = arith.mulf %mul3A_422, %sub3A_421 : f32
      %mul3A_424 = vector.broadcast %mul3A_423 : f32 to vector<1x128xf32>
      %mul3A_425 = arith.mulf %mul3A_424, %add3A_411 : vector<1x128xf32>
      %reshape3A_426 = vector.shape_cast %add3A_411 : vector<1x128xf32> to vector<128x1xf32>
      %mul3A_427 = vector.broadcast %reshape3A_426 : vector<128x1xf32> to vector<128x384xf32>
      %mul3A_428 = arith.mulf %mul3A_427, %get3A_39 : vector<128x384xf32>
      %reduce_sum3A_429 = arith.constant dense<0.000000e+00> : vector<384xf32>
      %reduce_sum3A_430 = vector.multi_reduction <add>, %mul3A_428, %reduce_sum3A_429 [0] : vector<128x384xf32> to vector<384xf32>
      %broadcast_in_dim3A_431 = vector.shape_cast %reduce_sum3A_430 : vector<384xf32> to vector<1x384xf32>
      %mul3A_432 = vector.broadcast %mul3A_423 : f32 to vector<1x384xf32>
      %mul3A_433 = arith.mulf %broadcast_in_dim3A_431, %mul3A_432 : vector<1x384xf32>
      %add3A_434 = arith.addf %mul3A_433, %mul3A_45 : vector<1x384xf32>
      %get3A_435 = arith.index_cast %scan3A_416 : i32 to index
      %get3A_436 = arith.constant 0 : index
      %get3A_437 = vector.load %arg22[%get3A_435, %get3A_436] : memref<2048x384xf32, #tpu.memory_space<vmem>>, vector<1x384xf32>
      %add3A_438 = arith.addf %get3A_437, %add3A_434 : vector<1x384xf32>
      %slice3A_439 = vector.extract_strided_slice %add3A_438 {offsets = [0, 0], sizes = [1, 256], strides = [1, 1]} : vector<1x384xf32> to vector<1x256xf32>
      %tanh3A_440 = math.tanh %slice3A_439 : vector<1x256xf32>
      %slice3A_441 = vector.extract_strided_slice %tanh3A_440 {offsets = [0, 128], sizes = [1, 128], strides = [1, 1]} : vector<1x256xf32> to vector<1x128xf32>
      %add3A_442 = arith.constant 1.000000e+00 : f32
      %add3A_443 = vector.broadcast %add3A_442 : f32 to vector<1x128xf32>
      %add3A_444 = arith.addf %add3A_443, %slice3A_441 : vector<1x128xf32>
      %mul3A_445 = arith.mulf %mul3A_425, %add3A_444 : vector<1x128xf32>
      %sub3A_446 = arith.constant 1.000000e+00 : f32
      %sub3A_447 = vector.broadcast %sub3A_446 : f32 to vector<1x128xf32>
      %sub3A_448 = arith.subf %sub3A_447, %slice3A_441 : vector<1x128xf32>
      %mul3A_449 = arith.constant 5.000000e-01 : f32
      %mul3A_450 = vector.broadcast %mul3A_449 : f32 to vector<1x128xf32>
      %mul3A_451 = arith.mulf %mul3A_450, %sub3A_448 : vector<1x128xf32>
      %slice3A_452 = vector.extract_strided_slice %add3A_438 {offsets = [0, 256], sizes = [1, 128], strides = [1, 1]} : vector<1x384xf32> to vector<1x128xf32>
      %slice3A_453 = vector.extract_strided_slice %tanh3A_440 {offsets = [0, 0], sizes = [1, 128], strides = [1, 1]} : vector<1x256xf32> to vector<1x128xf32>
      %slice3A_454 = vector.extract_strided_slice %add3A_434 {offsets = [0, 256], sizes = [1, 128], strides = [1, 1]} : vector<1x384xf32> to vector<1x128xf32>
      %mul3A_455 = arith.mulf %slice3A_453, %slice3A_454 : vector<1x128xf32>
      %add3A_456 = arith.addf %slice3A_452, %mul3A_455 : vector<1x128xf32>
      %tanh3A_457 = math.tanh %add3A_456 : vector<1x128xf32>
      %mul3A_458 = arith.mulf %tanh3A_457, %mul3A_451 : vector<1x128xf32>
      %add3A_459 = arith.addf %mul3A_445, %mul3A_458 : vector<1x128xf32>
      %swap3A_460 = arith.index_cast %scan3A_416 : i32 to index
      %swap3A_461 = arith.constant 0 : index
      %swap3A_462 = vector.load %arg23[%swap3A_460, %swap3A_461] : memref<2048x128xf32, #tpu.memory_space<vmem>>, vector<1x128xf32>
      tpu.vector_store %arg23[%swap3A_460, %swap3A_461], %add3A_459 {strides = array<i32>} : memref<2048x128xf32, #tpu.memory_space<vmem>>, vector<1x128xf32>,
      %scan3A_463 = arith.constant 7 : i32
      %scan3A_464 = arith.addi %scan3A_132, %scan3A_463 : i32
      %get3A_465 = arith.constant 0 : index
      %get3A_466 = arith.index_cast %scan3A_464 : i32 to index
      %get3A_467 = memref.load %arg4[%get3A_465, %get3A_466] : memref<1x2048xf32, #tpu.memory_space<smem>>
      %sub3A_468 = arith.constant 1.000000e+00 : f32
      %sub3A_469 = arith.subf %sub3A_468, %get3A_467 : f32
      %mul3A_470 = arith.constant 5.000000e-01 : f32
      %mul3A_471 = arith.mulf %mul3A_470, %sub3A_469 : f32
      %mul3A_472 = vector.broadcast %mul3A_471 : f32 to vector<1x128xf32>
      %mul3A_473 = arith.mulf %mul3A_472, %add3A_459 : vector<1x128xf32>
      %reshape3A_474 = vector.shape_cast %add3A_459 : vector<1x128xf32> to vector<128x1xf32>
      %mul3A_475 = vector.broadcast %reshape3A_474 : vector<128x1xf32> to vector<128x384xf32>
      %mul3A_476 = arith.mulf %mul3A_475, %get3A_39 : vector<128x384xf32>
      %reduce_sum3A_477 = arith.constant dense<0.000000e+00> : vector<384xf32>
      %reduce_sum3A_478 = vector.multi_reduction <add>, %mul3A_476, %reduce_sum3A_477 [0] : vector<128x384xf32> to vector<384xf32>
      %broadcast_in_dim3A_479 = vector.shape_cast %reduce_sum3A_478 : vector<384xf32> to vector<1x384xf32>
      %mul3A_480 = vector.broadcast %mul3A_471 : f32 to vector<1x384xf32>
      %mul3A_481 = arith.mulf %broadcast_in_dim3A_479, %mul3A_480 : vector<1x384xf32>
      %add3A_482 = arith.addf %mul3A_481, %mul3A_45 : vector<1x384xf32>
      %get3A_483 = arith.index_cast %scan3A_464 : i32 to index
      %get3A_484 = arith.constant 0 : index
      %get3A_485 = vector.load %arg22[%get3A_483, %get3A_484] : memref<2048x384xf32, #tpu.memory_space<vmem>>, vector<1x384xf32>
      %add3A_486 = arith.addf %get3A_485, %add3A_482 : vector<1x384xf32>
      %slice3A_487 = vector.extract_strided_slice %add3A_486 {offsets = [0, 0], sizes = [1, 256], strides = [1, 1]} : vector<1x384xf32> to vector<1x256xf32>
      %tanh3A_488 = math.tanh %slice3A_487 : vector<1x256xf32>
      %slice3A_489 = vector.extract_strided_slice %tanh3A_488 {offsets = [0, 128], sizes = [1, 128], strides = [1, 1]} : vector<1x256xf32> to vector<1x128xf32>
      %add3A_490 = arith.constant 1.000000e+00 : f32
      %add3A_491 = vector.broadcast %add3A_490 : f32 to vector<1x128xf32>
      %add3A_492 = arith.addf %add3A_491, %slice3A_489 : vector<1x128xf32>
      %mul3A_493 = arith.mulf %mul3A_473, %add3A_492 : vector<1x128xf32>
      %sub3A_494 = arith.constant 1.000000e+00 : f32
      %sub3A_495 = vector.broadcast %sub3A_494 : f32 to vector<1x128xf32>
      %sub3A_496 = arith.subf %sub3A_495, %slice3A_489 : vector<1x128xf32>
      %mul3A_497 = arith.constant 5.000000e-01 : f32
      %mul3A_498 = vector.broadcast %mul3A_497 : f32 to vector<1x128xf32>
      %mul3A_499 = arith.mulf %mul3A_498, %sub3A_496 : vector<1x128xf32>
      %slice3A_500 = vector.extract_strided_slice %add3A_486 {offsets = [0, 256], sizes = [1, 128], strides = [1, 1]} : vector<1x384xf32> to vector<1x128xf32>
      %slice3A_501 = vector.extract_strided_slice %tanh3A_488 {offsets = [0, 0], sizes = [1, 128], strides = [1, 1]} : vector<1x256xf32> to vector<1x128xf32>
      %slice3A_502 = vector.extract_strided_slice %add3A_482 {offsets = [0, 256], sizes = [1, 128], strides = [1, 1]} : vector<1x384xf32> to vector<1x128xf32>
      %mul3A_503 = arith.mulf %slice3A_501, %slice3A_502 : vector<1x128xf32>
      %add3A_504 = arith.addf %slice3A_500, %mul3A_503 : vector<1x128xf32>
      %tanh3A_505 = math.tanh %add3A_504 : vector<1x128xf32>
      %mul3A_506 = arith.mulf %tanh3A_505, %mul3A_499 : vector<1x128xf32>
      %add3A_507 = arith.addf %mul3A_493, %mul3A_506 : vector<1x128xf32>
      %swap3A_508 = arith.index_cast %scan3A_464 : i32 to index
      %swap3A_509 = arith.constant 0 : index
      %swap3A_510 = vector.load %arg23[%swap3A_508, %swap3A_509] : memref<2048x128xf32, #tpu.memory_space<vmem>>, vector<1x128xf32>
      tpu.vector_store %arg23[%swap3A_508, %swap3A_509], %add3A_507 {strides = array<i32>} : memref<2048x128xf32, #tpu.memory_space<vmem>>, vector<1x128xf32>,
      scf.yield %add3A_507 : vector<1x128xf32>
    }
    %scan3A_55 = arith.constant 2048 : i32
    %get3A_56 = arith.constant 0 : index
    %get3A_57 = arith.constant 0 : index
    %get3A_58 = vector.load %arg23[%get3A_56, %get3A_57] : memref<2048x128xf32, #tpu.memory_space<vmem>>, vector<2048x128xf32>
    %get3A_59 = arith.constant 0 : index
    %get3A_60 = arith.constant 0 : index
    %get3A_61 = arith.constant 0 : index
    %get3A_62 = vector.load %arg11[%get3A_59, %get3A_60, %get3A_61] : memref<1x128x128xf32, #tpu.memory_space<vmem>>, vector<1x128x128xf32>
    %get3A_63 = vector.shape_cast %get3A_62 : vector<1x128x128xf32> to vector<128x128xf32>
    %dot_general3A_64 = arith.constant dense<0.000000e+00> : vector<2048x128xf32>
    %dot_general3A_65 = tpu.matmul %get3A_58, %get3A_63, %dot_general3A_64 {dimension_numbers = #tpu.dot_dimension_numbers<[1], [0], [0], [1], [0, 0, 1, 1], [], []>, transpose_lhs_hint = false} : vector<2048x128xf32>, vector<128x128xf32>, vector<2048x128xf32> -> vector<2048x128xf32>
    %get3A_66 = arith.index_cast %get3A_0 : i32 to index
    %get3A_67 = arith.constant 0 : index
    %get3A_68 = vector.load %arg12[%get3A_66, %get3A_67] : memref<64x128xf32, #tpu.memory_space<vmem>>, vector<1x128xf32>
    %add3A_69 = vector.broadcast %get3A_68 : vector<1x128xf32> to vector<2048x128xf32>
    %add3A_70 = arith.addf %dot_general3A_65, %add3A_69 : vector<2048x128xf32>
    %max3A_71 = arith.constant 0.000000e+00 : f32
    %max3A_72 = vector.broadcast %max3A_71 : f32 to vector<2048x128xf32>
    %max3A_73 = arith.maximumf %add3A_70, %max3A_72 : vector<2048x128xf32>
    %get3A_74 = arith.constant 0 : index
    %get3A_75 = arith.constant 0 : index
    %get3A_76 = arith.constant 0 : index
    %get3A_77 = vector.load %arg13[%get3A_74, %get3A_75, %get3A_76] : memref<1x6x128xf32, #tpu.memory_space<vmem>>, vector<1x6x128xf32>
    %get3A_78 = vector.shape_cast %get3A_77 : vector<1x6x128xf32> to vector<6x128xf32>
    %dot_general3A_79 = arith.constant dense<0.000000e+00> : vector<2048x6xf32>
    %dot_general3A_80 = tpu.matmul %max3A_73, %get3A_78, %dot_general3A_79 {dimension_numbers = #tpu.dot_dimension_numbers<[1], [1], [0], [0], [0, 0, 1, 0], [], []>, transpose_lhs_hint = false} : vector<2048x128xf32>, vector<6x128xf32>, vector<2048x6xf32> -> vector<2048x6xf32>
    %get3A_81 = arith.index_cast %get3A_0 : i32 to index
    %get3A_82 = arith.constant 0 : index
    %get3A_83 = vector.load %arg14[%get3A_81, %get3A_82] : memref<64x6xf32, #tpu.memory_space<vmem>>, vector<1x6xf32>
    %add3A_84 = vector.broadcast %get3A_83 : vector<1x6xf32> to vector<2048x6xf32>
    %add3A_85 = arith.addf %dot_general3A_80, %add3A_84 : vector<2048x6xf32>
    %swap3A_86 = arith.constant 0 : index
    %swap3A_87 = arith.constant 0 : index
    %swap3A_88 = vector.load %arg20[%swap3A_86, %swap3A_87] : memref<2048x6xf32, #tpu.memory_space<vmem>>, vector<2048x6xf32>
    tpu.vector_store %arg20[%swap3A_86, %swap3A_87], %add3A_85 {strides = array<i32>} : memref<2048x6xf32, #tpu.memory_space<vmem>>, vector<2048x6xf32>,
    %get3A_89 = arith.constant 0 : index
    %get3A_90 = arith.constant 0 : index
    %get3A_91 = arith.constant 0 : index
    %get3A_92 = vector.load %arg15[%get3A_89, %get3A_90, %get3A_91] : memref<1x128x128xf32, #tpu.memory_space<vmem>>, vector<1x128x128xf32>
    %get3A_93 = vector.shape_cast %get3A_92 : vector<1x128x128xf32> to vector<128x128xf32>
    %dot_general3A_94 = arith.constant dense<0.000000e+00> : vector<2048x128xf32>
    %dot_general3A_95 = tpu.matmul %get3A_58, %get3A_93, %dot_general3A_94 {dimension_numbers = #tpu.dot_dimension_numbers<[1], [0], [0], [1], [0, 0, 1, 1], [], []>, transpose_lhs_hint = false} : vector<2048x128xf32>, vector<128x128xf32>, vector<2048x128xf32> -> vector<2048x128xf32>
    %get3A_96 = arith.index_cast %get3A_0 : i32 to index
    %get3A_97 = arith.constant 0 : index
    %get3A_98 = vector.load %arg16[%get3A_96, %get3A_97] : memref<64x128xf32, #tpu.memory_space<vmem>>, vector<1x128xf32>
    %add3A_99 = vector.broadcast %get3A_98 : vector<1x128xf32> to vector<2048x128xf32>
    %add3A_100 = arith.addf %dot_general3A_95, %add3A_99 : vector<2048x128xf32>
    %max3A_101 = arith.constant 0.000000e+00 : f32
    %max3A_102 = vector.broadcast %max3A_101 : f32 to vector<2048x128xf32>
    %max3A_103 = arith.maximumf %add3A_100, %max3A_102 : vector<2048x128xf32>
    %get3A_104 = arith.index_cast %get3A_0 : i32 to index
    %get3A_105 = arith.constant 0 : index
    %get3A_106 = arith.constant 0 : index
    %get3A_107 = vector.load %arg17[%get3A_104, %get3A_105, %get3A_106] : memref<64x128x1xf32, #tpu.memory_space<vmem>>, vector<1x128x1xf32>
    %squeeze3A = vector.shape_cast %get3A_107 : vector<1x128x1xf32> to vector<128x1xf32>
    %dot_general3A_108 = arith.constant dense<0.000000e+00> : vector<2048x1xf32>
    %dot_general3A_109 = tpu.matmul %max3A_103, %squeeze3A, %dot_general3A_108 {dimension_numbers = #tpu.dot_dimension_numbers<[1], [0], [0], [1], [0, 0, 1, 1], [], []>, transpose_lhs_hint = false} : vector<2048x128xf32>, vector<128x1xf32>, vector<2048x1xf32> -> vector<2048x1xf32>
    %get3A_110 = arith.index_cast %get3A_0 : i32 to index
    %get3A_111 = arith.constant 0 : index
    %get3A_112 = memref.load %arg18[%get3A_110, %get3A_111] : memref<64x1xf32, #tpu.memory_space<smem>>
    %add3A_113 = vector.broadcast %get3A_112 : f32 to vector<2048x1xf32>
    %add3A_114 = arith.addf %dot_general3A_109, %add3A_113 : vector<2048x1xf32>
    %swap3A_115 = arith.constant 0 : index
    %swap3A_116 = arith.constant 0 : index
    %swap3A_117 = vector.load %arg21[%swap3A_115, %swap3A_116] : memref<2048x1xf32, #tpu.memory_space<vmem>>, vector<2048x1xf32>
    tpu.vector_store %arg21[%swap3A_115, %swap3A_116], %add3A_114 {strides = array<i32>} : memref<2048x1xf32, #tpu.memory_space<vmem>>, vector<2048x1xf32>,
    %get3A_118 = arith.constant 0 : index
    %get3A_119 = arith.constant 0 : index
    %get3A_120 = arith.constant 0 : index
    %get3A_121 = vector.load %arg2[%get3A_118, %get3A_119, %get3A_120] : memref<64x1x128xf32, #tpu.memory_space<vmem>>, vector<64x1x128xf32>
    %swap3A_122 = arith.constant 0 : index
    %swap3A_123 = arith.constant 0 : index
    %swap3A_124 = arith.constant 0 : index
    %swap3A_125 = vector.load %arg19[%swap3A_122, %swap3A_123, %swap3A_124] : memref<64x1x128xf32, #tpu.memory_space<vmem>>, vector<64x1x128xf32>
    tpu.vector_store %arg19[%swap3A_122, %swap3A_123, %swap3A_124], %get3A_121 {strides = array<i32>} : memref<64x1x128xf32, #tpu.memory_space<vmem>>, vector<64x1x128xf32>,
    %swap3A_126 = arith.index_cast %get3A_0 : i32 to index
    %swap3A_127 = arith.constant 0 : index
    %swap3A_128 = arith.constant 0 : index
    %swap3A_129 = vector.load %arg19[%swap3A_126, %swap3A_127, %swap3A_128] : memref<64x1x128xf32, #tpu.memory_space<vmem>>, vector<1x1x128xf32>
    %swap3A_130 = vector.shape_cast %swap3A_129 : vector<1x1x128xf32> to vector<1x128xf32>
    %swap3A_131 = vector.shape_cast %scan3A_54 : vector<1x128xf32> to vector<1x1x128xf32>
    tpu.vector_store %arg19[%swap3A_126, %swap3A_127, %swap3A_128], %swap3A_131 {strides = array<i32>} : memref<64x1x128xf32, #tpu.memory_space<vmem>>, vector<1x1x128xf32>,
    return
  }
  func.func @transform_0(%arg0: i32, %arg1: memref<16xi32, #tpu.memory_space<smem>>) -> (i32, i32, i32) {
    %c0_i32 = arith.constant 0 : i32
    %c0_i32_0 = arith.constant 0 : i32
    %c0_i32_1 = arith.constant 0 : i32
    %c0_i32_2 = arith.constant 0 : i32
    return %c0_i32, %c0_i32_0, %c0_i32_1 : i32, i32, i32
  }
  func.func @transform_1(%arg0: i32, %arg1: memref<16xi32, #tpu.memory_space<smem>>) -> (i32, i32) {
    %c0_i32 = arith.constant 0 : i32
    %c0_i32_0 = arith.constant 0 : i32
    %c0_i32_1 = arith.constant 0 : i32
    return %c0_i32, %c0_i32_0 : i32, i32
  }
  func.func @transform_2(%arg0: i32, %arg1: memref<16xi32, #tpu.memory_space<smem>>) -> (i32, i32) {
    %c0_i32 = arith.constant 0 : i32
    %c0_i32_0 = arith.constant 0 : i32
    %c0_i32_1 = arith.constant 0 : i32
    return %c0_i32, %c0_i32_0 : i32, i32
  }
  func.func @transform_3(%arg0: i32, %arg1: memref<16xi32, #tpu.memory_space<smem>>) -> (i32, i32, i32) {
    %get3A = arith.constant 0 : index
    %get3A_0 = memref.load %arg1[%get3A] : memref<16xi32, #tpu.memory_space<smem>>
    %c0_i32 = arith.constant 0 : i32
    %c0_i32_1 = arith.constant 0 : i32
    %c0_i32_2 = arith.constant 0 : i32
    return %get3A_0, %c0_i32, %c0_i32_1 : i32, i32, i32
  }
  func.func @transform_4(%arg0: i32, %arg1: memref<16xi32, #tpu.memory_space<smem>>) -> (i32, i32) {
    %c0_i32 = arith.constant 0 : i32
    %c0_i32_0 = arith.constant 0 : i32
    %c0_i32_1 = arith.constant 0 : i32
    return %c0_i32, %c0_i32_0 : i32, i32
  }
  func.func @transform_5(%arg0: i32, %arg1: memref<16xi32, #tpu.memory_space<smem>>) -> (i32, i32, i32) {
    %get3A = arith.constant 0 : index
    %get3A_0 = memref.load %arg1[%get3A] : memref<16xi32, #tpu.memory_space<smem>>
    %c0_i32 = arith.constant 0 : i32
    %c0_i32_1 = arith.constant 0 : i32
    %c0_i32_2 = arith.constant 0 : i32
    return %get3A_0, %c0_i32, %c0_i32_1 : i32, i32, i32
  }
  func.func @transform_6(%arg0: i32, %arg1: memref<16xi32, #tpu.memory_space<smem>>) -> (i32, i32, i32) {
    %get3A = arith.constant 0 : index
    %get3A_0 = memref.load %arg1[%get3A] : memref<16xi32, #tpu.memory_space<smem>>
    %c0_i32 = arith.constant 0 : i32
    %c0_i32_1 = arith.constant 0 : i32
    %c0_i32_2 = arith.constant 0 : i32
    return %get3A_0, %c0_i32, %c0_i32_1 : i32, i32, i32
  }
  func.func @transform_7(%arg0: i32, %arg1: memref<16xi32, #tpu.memory_space<smem>>) -> (i32, i32) {
    %c0_i32 = arith.constant 0 : i32
    %c0_i32_0 = arith.constant 0 : i32
    %c0_i32_1 = arith.constant 0 : i32
    return %c0_i32, %c0_i32_0 : i32, i32
  }
  func.func @transform_8(%arg0: i32, %arg1: memref<16xi32, #tpu.memory_space<smem>>) -> (i32, i32) {
    %c0_i32 = arith.constant 0 : i32
    %c0_i32_0 = arith.constant 0 : i32
    %c0_i32_1 = arith.constant 0 : i32
    return %c0_i32, %c0_i32_0 : i32, i32
  }
  func.func @transform_9(%arg0: i32, %arg1: memref<16xi32, #tpu.memory_space<smem>>) -> (i32, i32, i32) {
    %get3A = arith.constant 0 : index
    %get3A_0 = memref.load %arg1[%get3A] : memref<16xi32, #tpu.memory_space<smem>>
    %c0_i32 = arith.constant 0 : i32
    %c0_i32_1 = arith.constant 0 : i32
    %c0_i32_2 = arith.constant 0 : i32
    return %get3A_0, %c0_i32, %c0_i32_1 : i32, i32, i32
  }
  func.func @transform_10(%arg0: i32, %arg1: memref<16xi32, #tpu.memory_space<smem>>) -> (i32, i32) {
    %c0_i32 = arith.constant 0 : i32
    %c0_i32_0 = arith.constant 0 : i32
    %c0_i32_1 = arith.constant 0 : i32
    return %c0_i32, %c0_i32_0 : i32, i32
  }
  func.func @transform_11(%arg0: i32, %arg1: memref<16xi32, #tpu.memory_space<smem>>) -> (i32, i32, i32) {
    %get3A = arith.constant 0 : index
    %get3A_0 = memref.load %arg1[%get3A] : memref<16xi32, #tpu.memory_space<smem>>
    %c0_i32 = arith.constant 0 : i32
    %c0_i32_1 = arith.constant 0 : i32
    %c0_i32_2 = arith.constant 0 : i32
    return %get3A_0, %c0_i32, %c0_i32_1 : i32, i32, i32
  }
  func.func @transform_12(%arg0: i32, %arg1: memref<16xi32, #tpu.memory_space<smem>>) -> (i32, i32) {
    %c0_i32 = arith.constant 0 : i32
    %c0_i32_0 = arith.constant 0 : i32
    %c0_i32_1 = arith.constant 0 : i32
    return %c0_i32, %c0_i32_0 : i32, i32
  }
  func.func @transform_13(%arg0: i32, %arg1: memref<16xi32, #tpu.memory_space<smem>>) -> (i32, i32, i32) {
    %get3A = arith.constant 0 : index
    %get3A_0 = memref.load %arg1[%get3A] : memref<16xi32, #tpu.memory_space<smem>>
    %c0_i32 = arith.constant 0 : i32
    %c0_i32_1 = arith.constant 0 : i32
    %c0_i32_2 = arith.constant 0 : i32
    return %get3A_0, %c0_i32, %c0_i32_1 : i32, i32, i32
  }
  func.func @transform_14(%arg0: i32, %arg1: memref<16xi32, #tpu.memory_space<smem>>) -> (i32, i32) {
    %c0_i32 = arith.constant 0 : i32
    %c0_i32_0 = arith.constant 0 : i32
    %c0_i32_1 = arith.constant 0 : i32
    return %c0_i32, %c0_i32_0 : i32, i32
  }
  func.func @transform_15(%arg0: i32, %arg1: memref<16xi32, #tpu.memory_space<smem>>) -> (i32, i32, i32) {
    %c0_i32 = arith.constant 0 : i32
    %c0_i32_0 = arith.constant 0 : i32
    %c0_i32_1 = arith.constant 0 : i32
    %c0_i32_2 = arith.constant 0 : i32
    return %c0_i32, %c0_i32_0, %c0_i32_1 : i32, i32, i32
  }
  func.func @transform_16(%arg0: i32, %arg1: memref<16xi32, #tpu.memory_space<smem>>) -> (i32, i32) {
    %c0_i32 = arith.constant 0 : i32
    %c0_i32_0 = arith.constant 0 : i32
    %c0_i32_1 = arith.constant 0 : i32
    return %c0_i32, %c0_i32_0 : i32, i32
  }
  func.func @transform_17(%arg0: i32, %arg1: memref<16xi32, #tpu.memory_space<smem>>) -> (i32, i32, i32) {
    %c0_i32 = arith.constant 0 : i32
    %c0_i32_0 = arith.constant 0 : i32
    %c0_i32_1 = arith.constant 0 : i32
    %c0_i32_2 = arith.constant 0 : i32
    return %c0_i32, %c0_i32_0, %c0_i32_1 : i32, i32, i32
  }
  func.func @transform_18(%arg0: i32, %arg1: memref<16xi32, #tpu.memory_space<smem>>) -> (i32, i32) {
    %c0_i32 = arith.constant 0 : i32
    %c0_i32_0 = arith.constant 0 : i32
    %c0_i32_1 = arith.constant 0 : i32
    return %c0_i32, %c0_i32_0 : i32, i32
  }
  func.func @transform_19(%arg0: i32, %arg1: memref<16xi32, #tpu.memory_space<smem>>) -> (i32, i32) {
    %c0_i32 = arith.constant 0 : i32
    %c0_i32_0 = arith.constant 0 : i32
    %c0_i32_1 = arith.constant 0 : i32
    return %c0_i32, %c0_i32_0 : i32, i32
  }
}

</mosaic_0001>

<sc_bundles>
// kernel: kernel.4.cloned.1.call-start
scs
__scs_entry_jumppad:
0x0: {  	(pc) =	sbr.rel $0x88, $3  }
0x1: {  	(tag) =	ssettag $0x0;
	lr =	simm.s32 $0x1  }
0x2: {  	[smem:$0x3F8F] =	sst lr;
	_ =	strace $0xD0000000  }
0x3: {  	_ = 	snop  }
0x4: {  	_ = 	snop  }
0x5: {  	_ = 	snop  }
0x6: {  	_ = 	snop  }
0x7: {  	_ = 	snop  }
__scs_overlays_trampoline_lowered:
0x8: {  	[smem:$0x3F9E] =	sst s0  }
0x9: {  	[smem:$0x3F9F] =	sst s1  }
0xa: {  	[smem:$0x3FA0] =	sst s2  }
0xb: {  	[smem:$0x3FA1] =	sst s3  }
0xc: {  	[smem:$0x3FA2] =	sst s4  }
0xd: {  	[smem:$0x3FA3] =	sst s5  }
0xe: {  	[smem:$0x3FA4] =	sst s6  }
0xf: {  	[smem:$0x3FA5] =	sst s7  }
0x10: {  	[smem:$0x3FA6] =	sst s8  }
0x11: {  	[smem:$0x3FA7] =	sst s9;
	s0 =	simm.s32 @!p0 $0x0  }
0x12: {  	s1 =	sld [smem:$0x3F8D];
	s0 =	simm.s32 @p0 $0x1  }
0x13: {  	[smem:$0x3FA8] =	sst s0;
	s0 =	simm.s32 @!p1 $0x0  }
0x14: {  	s2 =	sld [smem:$0x3F8C];
	s0 =	simm.s32 @p1 $0x1  }
0x15: {  	[smem:$0x3FA9] =	sst s0;
	s0 =	simm.s32 @!p2 $0x0  }
0x16: {  	s3 =	sld [smem:$0x3FDB];
	s0 =	simm.s32 @p2 $0x1  }
0x17: {  	s4 =	simm.s32 $0x1BF5;
	[smem:$0x3FAB] =	sst s0  }
0x18: {  	s0 =	sld [smem:$0x3F8E];
	_ =	swait.ge [sflag:s4], $0x0  }
0x19: {  	s7 =	sld [smem:$0x3F8F]  }
0x1a: {  	s8 =	sadd.s32 $0xFFFFE003, lr  }
0x1b: {  	s9 =	sadd.s32 $0xFFFFFEF7, lr;
	s5 =	simm.s32 $0xFFFFFFFF;
	p2 =	slt.u32 s8, $0xFFFFF086  }
0x1c: {  	p1 =	slt.u32 s9, $0xF7A;
	s5 =	simm.s32 @!p2 $0x0  }
0x1d: {  	s5 =	simm.s32 @p1 $0x1;
	p0 =	seq.s32 s7, s2  }
0x1e: {  	s7 =	smul.u32 @!p0 $0xF7A, s2;
	p2 =	seq.s32 @!p0 s5, $0x0  }
0x1f: {  	s9 =	smul.u32 $0xF7A, s1;
	s8 =	simm.s32 @!p0 $0x1BF5;
	p2 =	por !p2, p0  }
0x20: {  	[sflag:s8] =	ssyncset.s32 @!p0 $0xFFFFF086;
	s6 =	sadd.s32 @!p0 s3, s7;
	s7 =	simm.s32 @!p0 $0x108  }
0x21: {  	s3 =	sadd.s32 s3, s9;
	s6 =	sadd.s32 @!p0 $0x88, s6;
	s7 =	simm.s32 @p2 $0x1082  }
0x22: {  	[simem:s7], [sflag:s8] =	dma.local @!p0 [hbm:s6], $0xF7A  }
0x23: {  	s9 =	sor.u32 $0xD0000000, s2;
	s6 =	simm.s32 $0x108;
	_ =	swait.ge @!p0 [sflag:s8], $0x0  }
0x24: {  	s3 =	sadd.s32 $0x88, s3;
	s6 =	simm.s32 @!p1 $0x1082;
	[sflag:s4] =	ssyncset.s32 $0xFFFFF086  }
0x25: {  	[simem:s6], [sflag:s4] =	dma.local [hbm:s3], $0xF7A  }
0x26: {  	[smem:$0x3F8F] =	sst s1;
	(tag) =	ssettag s2;
	_ =	strace s9  }
0x27: {  	s1 =	sld [smem:$0x3F9F]  }
0x28: {  	s2 =	sld [smem:$0x3FA0]  }
0x29: {  	s4 =	sld [smem:$0x3FA2]  }
0x2a: {  	p0 =	seq.s32 s5, $0x0;
	s5 =	sld [smem:$0x3FA3]  }
0x2b: {  	s6 =	sld [smem:$0x3FA4]  }
0x2c: {  	s7 =	sld [smem:$0x3FA5]  }
0x2d: {  	s3 =	simm.s32 $0x108;
	s8 =	sld [smem:$0x3FA6]  }
0x2e: {  	s3 =	simm.s32 @!p0 $0x1082;
	s9 =	sld [smem:$0x3FA7]  }
0x2f: {  	lr =	sadd.s32 s0, s3;
	s0 =	sld [smem:$0x3F9E]  }
0x30: {  	s3 =	sld [smem:$0x3FA1]  }
0x31: {  	[smem:$0x3FAA] =	sst s10  }
0x32: {  	s10 =	sld [smem:$0x3FA8];
	_ =	sdelay $0x3  }
0x33: {  	p0 =	seq.s32 s10, $0x1;
	s10 =	sld [smem:$0x3FAA];
	_ =	sdelay $0x3  }
0x34: {  	[smem:$0x3FAA] =	sst s10  }
0x35: {  	s10 =	sld [smem:$0x3FA9];
	_ =	sdelay $0x3  }
0x36: {  	p1 =	seq.s32 s10, $0x1;
	s10 =	sld [smem:$0x3FAA];
	_ =	sdelay $0x3  }
0x37: {  	[smem:$0x3FAA] =	sst s10  }
0x38: {  	s10 =	sld [smem:$0x3FAB]  }
0x39: {  	_ = 	snop;
	(pc) =	sbr.ind lr, $3  }
0x3a: {  	_ = 	snop  }
0x3b: {  	_ = 	snop  }
0x3c: {  	p2 =	seq.s32 s10, $0x1;
	s10 =	sld [smem:$0x3FAA]  }
0x3d: {  	_ =	shalt  }
0x3e: {  	_ =	shalt  }
0x3f: {  	_ =	shalt  }
0x40: {  	_ =	shalt  }
0x41: {  	_ =	shalt  }
0x42: {  	_ =	shalt  }
0x43: {  	_ =	shalt  }
0x44: {  	_ =	shalt  }
0x45: {  	_ =	shalt  }
0x46: {  	_ =	shalt  }
0x47: {  	_ =	shalt  }
0x48: {  	_ =	shalt  }
0x49: {  	_ =	shalt  }
0x4a: {  	_ =	shalt  }
0x4b: {  	_ =	shalt  }
0x4c: {  	_ =	shalt  }
0x4d: {  	_ =	shalt  }
0x4e: {  	_ =	shalt  }
0x4f: {  	_ =	shalt  }
0x50: {  	_ =	shalt  }
0x51: {  	_ =	shalt  }
0x52: {  	_ =	shalt  }
0x53: {  	_ =	shalt  }
0x54: {  	_ =	shalt  }
0x55: {  	_ =	shalt  }
0x56: {  	_ =	shalt  }
0x57: {  	_ =	shalt  }
0x58: {  	_ =	shalt  }
0x59: {  	_ =	shalt  }
0x5a: {  	_ =	shalt  }
0x5b: {  	_ =	shalt  }
0x5c: {  	_ =	shalt  }
0x5d: {  	_ =	shalt  }
0x5e: {  	_ =	shalt  }
0x5f: {  	_ =	shalt  }
0x60: {  	_ =	shalt  }
0x61: {  	_ =	shalt  }
0x62: {  	_ =	shalt  }
0x63: {  	_ =	shalt  }
0x64: {  	_ =	shalt  }
0x65: {  	_ =	shalt  }
0x66: {  	_ =	shalt  }
0x67: {  	_ =	shalt  }
0x68: {  	_ =	shalt  }
0x69: {  	_ =	shalt  }
0x6a: {  	_ =	shalt  }
0x6b: {  	_ =	shalt  }
0x6c: {  	_ =	shalt  }
0x6d: {  	_ =	shalt  }
0x6e: {  	_ =	shalt  }
0x6f: {  	_ =	shalt  }
0x70: {  	_ =	shalt  }
0x71: {  	_ =	shalt  }
0x72: {  	_ =	shalt  }
0x73: {  	_ =	shalt  }
0x74: {  	_ =	shalt  }
0x75: {  	_ =	shalt  }
0x76: {  	_ =	shalt  }
0x77: {  	_ =	shalt  }
0x78: {  	_ =	shalt  }
0x79: {  	_ =	shalt  }
0x7a: {  	_ =	shalt  }
0x7b: {  	_ =	shalt  }
0x7c: {  	_ =	shalt  }
0x7d: {  	_ =	shalt  }
0x7e: {  	_ =	shalt  }
0x7f: {  	_ =	shalt  }
0x80: {  	_ =	shalt  }
0x81: {  	_ =	shalt  }
0x82: {  	_ =	shalt  }
0x83: {  	_ =	shalt  }
0x84: {  	_ =	shalt  }
0x85: {  	_ =	shalt  }
0x86: {  	_ =	shalt  }
0x87: {  	_ =	shalt  }
.Lfunc_end0:
.L_simem_size_0:
called_computation_lowered:
.L_overlay_start_0:
0x88: {  	s2 =	sld [smem:$0x3FD9]  }
0x89: {  	s3 =	sld [smem:$0x3FFE];
	_ =	sdelay $0x1  }
0x8a: {  	s1 =	srdreg.scid  }
0x8b: {  	s0 =	sand.u32 $0x1, s1  }
0x8c: {  	s15 =	sshll.u32 s0, $0xA;
	s2 =	sadd.s32 s3, s2  }
0x8d: {  	s2 =	sadd.s32 s2, s15  }
0x8e: {  	[smem:$0x3FB6] =	sst s2  }
0x8f: {  	_ = 	snop  }
0x90: {  	s2 =	sld [smem:$0x3FD0];
	_ =	sdelay $0x1  }
0x91: {  	s16 =	sld [smem:$0x3FC8]  }
0x92: {  	s5 =	simm.s32 $0xA;
	s6 =	simm.s32 $0x10;
	s4 =	sld [smem:$0x3FC6]  }
0x93: {  	[smem:s6], [sflag:s5] =	dma.local [hbm:s2], $0x1  }
0x94: {  	_ =	swait.eq [sflag:s5], $0x1  }
0x95: {  	[sflag:s5] =	ssyncset.done $0x0  }
0x96: {  	[sflag:s5] =	ssyncadd.s32 $0xFFFFFFFF  }
0x97: {  	s17 =	sld [smem:$0x12];
	(tm) =	ssettm $0x1  }
0x98: {  	s18 =	sld [smem:$0x3FFB];
	_ =	sdelay $0x3  }
0x99: {  	_ =	strace s18  }
0x9a: {  	s5 =	sld [smem:$0x3FFC];
	_ =	sdelay $0x3  }
0x9b: {  	_ =	strace s5  }
0x9c: {  	s5 =	sld [smem:$0x3FFD];
	_ =	sdelay $0x3  }
0x9d: {  	_ =	strace s5  }
0x9e: {  	_ =	strace $0x8FFFFFFF  }
0x9f: {  	s19 =	sld [smem:$0x3FDB];
	_ =	sdelay $0x1  }
0xa0: {  	s20 =	simm.s32 $_scs_section_size  }
0xa1: {  	s7 =	simm.s32 $_size__tile_overlayer_lowered;
	s8 =	simm.s32 $_tile_overlayer_lowered  }
0xa2: {  	s23 =	simm.s32 $0x1BFF;
	s22 =	sshll.u32 s8, $0x1;
	s5 =	sadd.s32 s20, s19  }
0xa3: {  	s9 =	simm.s32 $0x0;
	s21 =	sshll.u32 s7, $0x1;
	s7 =	sadd.s32 s22, s5  }
0xa4: {  	[timem:s9], [sflag:s23] =	dma.local [hbm:s7], s21  }
0xa5: {  	_ =	swait.ge [sflag:s23], s21  }
0xa6: {  	s6 =	ssub.s32 $0x0, s21;
	[sflag:s23] =	ssyncset.done $0x0  }
0xa7: {  	[sflag:s23] =	ssyncadd.s32 s6;
	_ =	sdelay $0x1  }
0xa8: {  	s24 =	simm.s32 $0x1B8B  }
0xa9: {  	_ =	swait.ge [sflag:s24], $0x1  }
0xaa: {  	[sflag:s24] =	ssyncset.done $0x0  }
0xab: {  	s25 =	simm.s32 $0x1B8E;
	[sflag:s24] =	ssyncadd.s32 $0xFFFFFFFF  }
0xac: {  	s26 =	simm.s32 $execute0_lowered;
	[smem:$0x3FD2] =	sst s25  }
0xad: {  	s6 =	sshll.u32 s26, $0x1;
	_ =	strace $0x80000046;
	[dreg:$0x1] =	wrdreg $0xFFFFFFFF  }
0xae: {  	s28 =	simm.s32 $_size_execute0_lowered;
	s5 =	sadd.s32 s5, s6;
	[dreg:$0x0] =	wrdreg $0x0  }
0xaf: {  	s6 =	sshll.u32 s28, $0x1;
	[dreg:$0x2] =	wrdreg s5  }
0xb0: {  	[dreg:$0x3] =	wrdreg s6  }
0xb1: {  	[dreg:$0x4] =	wrdreg $0xC0  }
0xb2: {  	_ =	task [dreg:s9], $0x5FFFF  }
0xb3: {  	[dreg:$0x1] =	wrdreg $0xFFFFFFFF  }
0xb4: {  	[dreg:$0x0] =	wrdreg $0x60  }
0xb5: {  	[dreg:$0x2] =	wrdreg s16  }
0xb6: {  	[dreg:$0x3] =	wrdreg s4  }
0xb7: {  	[dreg:$0x4] =	wrdreg s17  }
0xb8: {  	[dreg:$0x5] =	wrdreg $0x11000  }
0xb9: {  	[dreg:$0x6] =	wrdreg $0x9  }
0xba: {  	_ =	task.clear_ibuf [dreg:s9], $0x7FFFF;
	_ =	strace $0x90000046  }
0xbb: {  	s29 =	simm.s32 $0x9;
	_ =	strace $0x80000048  }
0xbc: {  	_ =	swait.ge [sflag:s29], $0x1  }
0xbd: {  	[sflag:s29] =	ssyncadd.s32 $0xFFFFFFFF  }
0xbe: {  	_ =	strace $0x90000048  }
0xbf: {  	_ =	sfence  }
0xc0: {  	s30 =	sld [smem:$0x0];
	_ =	sdelay $0x2  }
0xc1: {  	s31 =	sshll.u32 s1, $0xD;
	s1 =	sshrl.u32 s1, $0x2  }
0xc2: {  	s3 =	sand.u32 $0x4000, s31;
	s1 =	sadd.s32 s1, s30  }
0xc3: {  	s0 =	sor.u32 s3, s0;
	s1 =	sshll.u32 s1, $0x11  }
0xc4: {  	s0 =	sor.u32 s1, s0  }
0xc5: {  	s0 =	sadd.s32 $0x8F2B, s0  }
0xc6: {  	[sflag:s0] =	ssyncadd.remote.s32 $0x1  }
0xc7: {  	_ =	sfence.sel $0xFFFF  }
0xc8: {  	[dreg:$0x0] =	wrdreg $0xFFFFFFFF;
	(pc) =	sbr.abs _section_cstart, $3  }
0xc9: {  	[dreg:$0x1] =	wrdreg $0xFFFFFFFF  }
0xca: {  	_ =	task.clear_ibuf [dreg:s9], $0x2FFFF;
	_ =	strace $0x9FFFFFFF  }
0xcb: {  	(tm) =	ssettm $0x7FFFFFFF  }
tec
execute0_lowered:
.L_overlay_start_1:
0x0: {  	(tag) =	ssettag $0x1  }
0x1: {  	v0 =	vimm.s32 $0xEFCDAB89;
	v1 =	vimm.s32 $0x67452301;
	v2 =	vimm.s32 $0xDCFE98BA  }
0x2: {  	v3 =	vimm.s32 $0x54761032;
	v4 =	vimm.s32 $0xBA98FEDC;
	v5 =	vimm.s32 $0x32107654  }
0x3: {  	v6 =	vimm.s32 $0xFEDCBA98;
	v7 =	vimm.s32 $0x76543210;
	vm5 =	vcmask $0xF00  }
0x4: {  	v36 =	vimm.s32 $0x3B3A3938;
	v0 =	vunpack.c.l.s4.s8 v0;
	v1 =	vunpack.c.l.s4.s8 v1  }
0x5: {  	v2 =	vunpack.c.l.s4.s8 v2;
	v3 =	vunpack.c.l.s4.s8 v3;
	v4 =	vunpack.c.l.s4.s8 v4  }
0x6: {  	v5 =	vunpack.c.l.s4.s8 v5;
	v0 =	vunpack.c.0.s8.s32 v0;
	v1 =	vunpack.c.0.s8.s32 v1  }
0x7: {  	v6 =	vunpack.c.l.s4.s8 v6;
	v2 =	vunpack.c.0.s8.s32 v2;
	v3 =	vunpack.c.0.s8.s32 v3  }
0x8: {  	v4 =	vunpack.c.0.s8.s32 v4;
	v5 =	vunpack.c.0.s8.s32 v5;
	v0 =	vcombine.low v1, v0  }
0x9: {  	v37 =	vimm.s32 $0x37363534;
	v7 =	vunpack.c.l.s4.s8 v7;
	v2 =	vcombine.low v3, v2  }
0xa: {  	v29 =	vunpack.c.0.s8.s32 v6;
	v30 =	vcombine.low v5, v4;
	v0 =	vand.u32 $0xF, v0  }
0xb: {  	v31 =	vunpack.c.0.s8.s32 v7;
	v1 =	vunpack.c.0.s8.s32 v36;
	v33 =	vand.u32 $0xF, v2;
	[tilespmem:$0x1FEC0] =	vst v0  }
0xc: {  	v38 =	vimm.s32 $0x33323130;
	v32 =	vand.u32 $0xF, v29;
	v34 =	vand.u32 $0xF, v30;
	[tilespmem:$0x1FED0] =	vst v33  }
0xd: {  	v3 =	vunpack.c.0.s8.s32 v38;
	v39 =	vnsel vm5, $0x40, v1;
	[tilespmem:$0x1FEE0] =	vst v34;
	v0 =	vcombine.low v32, v31  }
0xe: {  	v35 =	vimm.s32 $0x3F3E3D3C;
	v42 =	vimm.s32 $0x2F2E2D2C;
	v2 =	vunpack.c.0.s8.s32 v37;
	[tilespmem:$0x1FF10] =	vst v39  }
0xf: {  	v43 =	vimm.s32 $0x2B2A2928;
	v41 =	vnsel vm5, $0x40, v3;
	[tilespmem:$0x1FEF0] =	vst v0;
	v0 =	vunpack.c.0.s8.s32 v35  }
0x10: {  	s0 =	rddreg [dreg:$0x0];
	v44 =	vimm.s32 $0x27262524;
	v1 =	vunpack.c.0.s8.s32 v43;
	[tilespmem:$0x1FF30] =	vst v41;
	v40 =	vnsel vm5, $0x40, v2  }
0x11: {  	s6 =	rddreg [dreg:$0x1];
	v45 =	vimm.s32 $0x23222120;
	v2 =	vunpack.c.0.s8.s32 v44;
	[tilespmem:$0x1FF20] =	vst v40;
	v0 =	vnsel vm5, $0x40, v0  }
0x12: {  	s2 =	rddreg [dreg:$0x2];
	v46 =	vimm.s32 $0x1F1E1D1C;
	v48 =	vnsel vm5, $0x40, v1;
	[tilespmem:$0x1FF00] =	vst v0;
	v0 =	vunpack.c.0.s8.s32 v42  }
0x13: {  	s1 =	stileid.u32;
	s4 =	rddreg [dreg:$0x3];
	v47 =	vimm.s32 $0x1B1A1918;
	v3 =	vunpack.c.0.s8.s32 v45;
	[tilespmem:$0x1FF50] =	vst v48;
	v49 =	vnsel vm5, $0x40, v2  }
0x14: {  	s9 =	srdreg.scid;
	s5 =	simm.s32 $0x0;
	v54 =	vimm.s32 $0x13121110;
	s11 =	simm.s32 $0x200;
	v4 =	vunpack.c.0.s8.s32 v46;
	[tilespmem:$0x1FF60] =	vst v49;
	v0 =	vnsel vm5, $0x40, v0  }
0x15: {  	v55 =	vimm.s32 $0xF0E0D0C;
	s12 =	simm.s32 $0x300;
	s3 =	sshrl.u32 s1, $0x1;
	[smem:$0x7FF] =	sst s5;
	v5 =	vunpack.c.0.s8.s32 v47;
	v50 =	vnsel vm5, $0x40, v3;
	[tilespmem:$0x1FF40] =	vst v0  }
0x16: {  	s7 =	smul.u32 $0x1800, s3;
	s3 =	rddreg [dreg:$0x4];
	v51 =	vnsel vm5, $0x40, v4;
	v1 =	vunpack.c.0.s8.s32 v54;
	_ =	strace $0x80000047;
	[tilespmem:$0x1FF70] =	vst v50  }
0x17: {  	v56 =	vimm.s32 $0xB0A0908;
	s13 =	simm.s32 $0x1;
	s14 =	simm.s32 $0x2;
	s15 =	simm.s32 $0xF00;
	v52 =	vnsel vm5, $0x40, v5;
	v2 =	vunpack.c.0.s8.s32 v55;
	[tilespmem:$0x1FF80] =	vst v51  }
0x18: {  	v57 =	vimm.s32 $0x7060504;
	s16 =	simm.s32 $0x3;
	s18 =	simm.s32 $0x1080;
	s8 =	sshll.u32 s1, $0x9;
	v3 =	vunpack.c.0.s8.s32 v56;
	v59 =	vnsel vm5, $0x40, v1;
	[tilespmem:$0x1FF90] =	vst v52  }
0x19: {  	v58 =	vimm.s32 $0x3020100;
	s10 =	sand.u32 $0x1, s9;
	s31 =	sshll.u32 s1, $0x4;
	s8 =	sand.u32 $0x200, s8;
	v4 =	vunpack.c.0.s8.s32 v57;
	v60 =	vnsel vm5, $0x40, v2;
	[tilespmem:$0x1FFB0] =	vst v59  }
.Ltmp0:
0x1a: {  	v53 =	vimm.s32 $0x17161514;
	s9 =	ssub.s32 $0x2, s10;
	s17 =	sor.u32 s1, s10;
	v5 =	vunpack.c.0.s8.s32 v58;
	v61 =	vnsel vm5, $0x40, v3;
	[tilespmem:$0x1FFC0] =	vst v60;
	(pc) =	sbr.rel .LBB2_1-.Ltmp0, $4  }
0x1b: {  	p0 =	sne.s32 s10, $0x0;
	s10 =	simm.s32 $0x80;
	s30 =	sshrl.u32 s9, $0x1;
	v62 =	vnsel vm5, $0x40, v4;
	v0 =	vunpack.c.0.s8.s32 v53;
	[tilespmem:$0x1FFD0] =	vst v61  }
0x1c: {  	p1 =	sne.s32 s17, $0x0;
	s17 =	simm.s32 $0xF80;
	s7 =	sor.u32 s8, s7;
	v63 =	vnsel vm5, $0x40, v5;
	[tilespmem:$0x1FFE0] =	vst v62  }
0x1d: {  	vm0 =	vmmov $0x1;
	vm1 =	vcmask $0x310;
	s9 =	ssub.s32 s9, s30;
	s8 =	simm.s32 $0x400;
	s7 =	sshrl.u32 s7, $0x3;
	[tilespmem:$0x1FFF0] =	vst v63;
	v0 =	vnsel vm5, $0x40, v0  }
0x1e: {  	vm2 =	vcmask $0x710;
	vm3 =	vcmask $0xB10;
	vm4 =	vmmov $0xf;
	s9 =	smax.u32 s9, $0x1;
	s6 =	sadd.s32 s6, s7;
	s7 =	sadd.s32 s31, s4;
	[tilespmem:$0x1FFA0] =	vst v0  }
.LBB2_3:
.Ltmp1:
0x1f: {  	(pc) =	sbr.rel @!p1 .LBB2_4-.Ltmp1, $2  }
0x20: {  	_ =	sdelay $0x1  }
0x21: {  	[bflag:$0x0] =	sbarrier.arrive $0xFFFF;
	_ =	sdelay $0x1  }
.LBB2_5:
0x22: {  	s9 =	sadd.s32 $0xFFFFFFFF, s9  }
0x23: {  	p2 =	sne.s32 s9, $0x0  }
.Ltmp2:
0x24: {  	_ = 	snop;
	(pc) =	sbr.rel @!p2 .LBB2_6-.Ltmp2, $1  }
0x25: {  	_ =	sdelay $0x3  }
.LBB2_1:
.Ltmp3:
0x26: {  	(pc) =	sbr.rel @p0 .LBB2_3-.Ltmp3, $1  }
0x27: {  	_ =	sdelay $0x3  }
0x28: {  	[tilespmem:s5], [sflag:$0x1] =	stream.strided.gather [hbm4b:s0+s10], $0x300, s8, s10, $0x38;
	[tilespmem:$0x1110] =	vst v63  }
0x29: {  	_ = 	snop  }
0x2a: {  	[tilespmem:s12], [sflag:$0x2] =	stream.strided.gather [hbm4b:s6+s11], $0xC00, s8, s11, $0x38;
	[tilespmem:$0x1110] =	vst v63  }
0x2b: {  	_ =	swait.ge [sflag:s13], $0x300  }
0x2c: {  	[sflag:s13] =	ssyncset.done $0x0  }
0x2d: {  	[sflag:s13] =	ssyncadd.s32 $0xFFFFFD00  }
0x2e: {  	_ =	swait.ge [sflag:s14], $0xC00  }
0x2f: {  	[sflag:s14] =	ssyncset.done $0x0  }
0x30: {  	[sflag:s14] =	ssyncadd.s32 $0xFFFFF400  }
0x31: {  	v14 =	vld [tilespmem:$0x0]  }
0x32: {  	v20 =	vld [tilespmem:$0x300]  }
0x33: {  	v15 =	vld [tilespmem:$0x10]  }
0x34: {  	v56 =	vld [tilespmem:$0x310]  }
0x35: {  	v63 =	vld [tilespmem:$0x20]  }
0x36: {  	v3 =	vld [tilespmem:$0x320]  }
0x37: {  	v62 =	vld [tilespmem:$0x30]  }
0x38: {  	v5 =	vld [tilespmem:$0x330]  }
0x39: {  	v57 =	vld [tilespmem:$0x40]  }
0x3a: {  	v7 =	vld [tilespmem:$0x340]  }
0x3b: {  	v54 =	vld [tilespmem:$0x50]  }
0x3c: {  	v10 =	vld [tilespmem:$0x350]  }
0x3d: {  	v51 =	vld [tilespmem:$0x60]  }
0x3e: {  	v13 =	vld [tilespmem:$0x360]  }
0x3f: {  	v38 =	vld [tilespmem:$0x70]  }
0x40: {  	v16 =	vld [tilespmem:$0x370]  }
0x41: {  	v33 =	vld [tilespmem:$0x80]  }
0x42: {  	v22 =	vld [tilespmem:$0x500]  }
0x43: {  	v17 =	vld [tilespmem:$0x90]  }
0x44: {  	v24 =	vld [tilespmem:$0x510]  }
0x45: {  	v18 =	vld [tilespmem:$0xA0]  }
0x46: {  	v27 =	vld [tilespmem:$0x520]  }
0x47: {  	v19 =	vld [tilespmem:$0xB0]  }
0x48: {  	v29 =	vld [tilespmem:$0x530]  }
0x49: {  	v21 =	vld [tilespmem:$0xC0]  }
0x4a: {  	v31 =	vld [tilespmem:$0x540]  }
0x4b: {  	v23 =	vld [tilespmem:$0xD0]  }
0x4c: {  	v32 =	vld [tilespmem:$0x550]  }
0x4d: {  	v25 =	vld [tilespmem:$0xE0]  }
0x4e: {  	v34 =	vld [tilespmem:$0x560]  }
0x4f: {  	v26 =	vld [tilespmem:$0xF0]  }
0x50: {  	v35 =	vld [tilespmem:$0x570]  }
0x51: {  	v28 =	vld [tilespmem:$0x100]  }
0x52: {  	v36 =	vld [tilespmem:$0x700]  }
0x53: {  	v30 =	vld [tilespmem:$0x110]  }
0x54: {  	v37 =	vld [tilespmem:$0x710]  }
0x55: {  	v61 =	vld [tilespmem:$0x120]  }
0x56: {  	v39 =	vld [tilespmem:$0x720]  }
0x57: {  	v59 =	vld [tilespmem:$0x130]  }
0x58: {  	v40 =	vld [tilespmem:$0x730]  }
0x59: {  	v58 =	vld [tilespmem:$0x140]  }
0x5a: {  	v47 =	vld [tilespmem:$0x740]  }
0x5b: {  	v55 =	vld [tilespmem:$0x150]  }
0x5c: {  	v0 =	vld [tilespmem:$0x750]  }
0x5d: {  	v53 =	vld [tilespmem:$0x160]  }
0x5e: {  	v60 =	vld [tilespmem:$0x760]  }
0x5f: {  	v50 =	vld [tilespmem:$0x170]  }
0x60: {  	v4 =	vld [tilespmem:$0x770]  }
0x61: {  	v49 =	vld [tilespmem:$0x180]  }
0x62: {  	v6 =	vld [tilespmem:$0x900]  }
0x63: {  	v48 =	vld [tilespmem:$0x190]  }
0x64: {  	v8 =	vld [tilespmem:$0x910]  }
0x65: {  	v46 =	vld [tilespmem:$0x1A0]  }
0x66: {  	v9 =	vld [tilespmem:$0x920]  }
0x67: {  	v45 =	vld [tilespmem:$0x1B0]  }
0x68: {  	v11 =	vld [tilespmem:$0x930]  }
0x69: {  	v44 =	vld [tilespmem:$0x1C0]  }
0x6a: {  	v12 =	vld [tilespmem:$0x940]  }
0x6b: {  	v42 =	vld [tilespmem:$0x1D0]  }
0x6c: {  	v41 =	vld [tilespmem:$0x950]  }
0x6d: {  	v43 =	vld [tilespmem:$0x960]  }
0x6e: {  	v52 =	vld [tilespmem:$0x970]  }
0x6f: {  	v1 =	vld [tilespmem:$0x390]  }
0x70: {  	v2 =	vld [tilespmem:$0x3A0]  }
0x71: {  	[tilespmem:$0x1FC00] =	vst v41;
	v41 =	vld [tilespmem:$0x1E0]  }
0x72: {  	[tilespmem:$0x1FC10] =	vst v43;
	v43 =	vld [tilespmem:$0x1F0]  }
0x73: {  	[tilespmem:$0x1FC20] =	vst v52;
	v52 =	vld [tilespmem:$0x200]  }
0x74: {  	[tilespmem:$0x1FB90] =	vst v60;
	v60 =	vld [tilespmem:$0xB00]  }
0x75: {  	[tilespmem:$0x1FBA0] =	vst v4;
	v4 =	vld [tilespmem:$0xB10]  }
0x76: {  	[tilespmem:$0x1FBB0] =	vst v6;
	v6 =	vld [tilespmem:$0x220]  }
0x77: {  	[tilespmem:$0x1FBC0] =	vst v8;
	v8 =	vld [tilespmem:$0xB20]  }
0x78: {  	[tilespmem:$0x1FBD0] =	vst v9;
	v9 =	vld [tilespmem:$0x230];
	v20 =	vmul.f32 v20, v14  }
0x79: {  	[tilespmem:$0x1FBE0] =	vst v11;
	v11 =	vld [tilespmem:$0xB30]  }
0x7a: {  	[tilespmem:$0x1FBF0] =	vst v12;
	v12 =	vld [tilespmem:$0x240];
	v56 =	vmul.f32 v56, v15;
	v20 =	vadd.f32 $0.0e+00, v20  }
0x7b: {  	[tilespmem:$0x1FB80] =	vst v0;
	v0 =	vld [tilespmem:$0x380]  }
0x7c: {  	v20 =	vadd.f32 v56, v20;
	v56 =	vld [tilespmem:$0x3B0]  }
0x7d: {  	[tilespmem:$0x1FC30] =	vst v60;
	v60 =	vld [tilespmem:$0x210]  }
0x7e: {  	[tilespmem:$0x1FC40] =	vst v4;
	v4 =	vld [tilespmem:$0xB40]  }
0x7f: {  	[tilespmem:$0x1FC50] =	vst v6;
	v6 =	vld [tilespmem:$0x250]  }
0x80: {  	[tilespmem:$0x1FC60] =	vst v8;
	v8 =	vld [tilespmem:$0xB50]  }
0x81: {  	v3 =	vmul.f32 v3, v63;
	[tilespmem:$0x1FC70] =	vst v9;
	v9 =	vld [tilespmem:$0x260]  }
0x82: {  	[tilespmem:$0x1FC80] =	vst v11;
	v11 =	vld [tilespmem:$0xB60];
	v0 =	vmul.f32 v0, v14  }
0x83: {  	v5 =	vmul.f32 v5, v62;
	[tilespmem:$0x1FCA0] =	vst v12;
	v12 =	vld [tilespmem:$0x270];
	v3 =	vadd.f32 v3, v20  }
0x84: {  	v1 =	vmul.f32 v1, v15;
	v20 =	vld [tilespmem:$0x3D0];
	v0 =	vadd.f32 $0.0e+00, v0  }
0x85: {  	v3 =	vadd.f32 v5, v3;
	v5 =	vmul.f32 v13, v51;
	v13 =	vld [tilespmem:$0x5B0]  }
0x86: {  	v0 =	vadd.f32 v1, v0;
	v1 =	vmul.f32 v2, v63;
	v2 =	vld [tilespmem:$0x780]  }
0x87: {  	[tilespmem:$0x1FCB0] =	vst v4;
	v4 =	vld [tilespmem:$0xB70]  }
0x88: {  	[tilespmem:$0x1FCD0] =	vst v6;
	v6 =	vld [tilespmem:$0x280]  }
0x89: {  	[tilespmem:$0x1FCE0] =	vst v8;
	v8 =	vld [tilespmem:$0xD00]  }
0x8a: {  	[tilespmem:$0x1FD00] =	vst v9;
	v9 =	vld [tilespmem:$0x290]  }
0x8b: {  	[tilespmem:$0x1FD10] =	vst v11;
	v11 =	vld [tilespmem:$0xD10]  }
0x8c: {  	[tilespmem:$0x1FD30] =	vst v12;
	v12 =	vld [tilespmem:$0x2A0]  }
0x8d: {  	v0 =	vadd.f32 v1, v0;
	v1 =	vmul.f32 v56, v62;
	v56 =	vld [tilespmem:$0x7A0];
	[tilespmem:$0x1FD40] =	vst v4  }
0x8e: {  	[tilespmem:$0x1FD60] =	vst v6;
	v4 =	vld [tilespmem:$0xD20]  }
0x8f: {  	[tilespmem:$0x1FD70] =	vst v8;
	v6 =	vld [tilespmem:$0x2B0]  }
0x90: {  	[tilespmem:$0x1FD90] =	vst v9;
	v8 =	vld [tilespmem:$0xD30]  }
0x91: {  	[tilespmem:$0x1FDD0] =	vst v12;
	v12 =	vld [tilespmem:$0x2D0]  }
0x92: {  	[tilespmem:$0x1FDA0] =	vst v11;
	v9 =	vld [tilespmem:$0x2C0]  }
0x93: {  	v11 =	vld [tilespmem:$0xD40];
	[tilespmem:$0x1FDE0] =	vst v4  }
0x94: {  	[tilespmem:$0x1FE10] =	vst v6;
	v4 =	vld [tilespmem:$0xD50]  }
0x95: {  	[tilespmem:$0x1FE20] =	vst v8;
	v6 =	vld [tilespmem:$0x2E0]  }
0x96: {  	[tilespmem:$0x1FE60] =	vst v12;
	v8 =	vld [tilespmem:$0xD60];
	v12 =	vmul.f32 v7, v57  }
0x97: {  	[tilespmem:$0x1FE40] =	vst v9;
	v9 =	vld [tilespmem:$0x2F0]  }
0x98: {  	[tilespmem:$0x1FE50] =	vst v11;
	v11 =	vld [tilespmem:$0xD70];
	v3 =	vadd.f32 v12, v3;
	v12 =	vmul.f32 v10, v54  }
0x99: {  	v7 =	vld [tilespmem:$0x3F0]  }
0x9a: {  	v10 =	vld [tilespmem:$0x590];
	v3 =	vadd.f32 v12, v3  }
0x9b: {  	v12 =	vld [tilespmem:$0x5E0]  }
0x9c: {  	[tilespmem:$0x1FE70] =	vst v4;
	v4 =	vld [tilespmem:$0x3C0];
	v3 =	vadd.f32 v5, v3;
	v5 =	vmul.f32 v16, v38  }
0x9d: {  	[tilespmem:$0x1FE80] =	vst v6;
	v6 =	vld [tilespmem:$0x3E0]  }
0x9e: {  	[tilespmem:$0x1FE90] =	vst v8;
	v8 =	vld [tilespmem:$0x580];
	v3 =	vadd.f32 v5, v3;
	v5 =	vmul.f32 v22, v33  }
0x9f: {  	[tilespmem:$0x1FEA0] =	vst v9;
	v9 =	vld [tilespmem:$0x5A0]  }
0xa0: {  	[tilespmem:$0x1FEB0] =	vst v11;
	v11 =	vld [tilespmem:$0x5C0];
	v3 =	vadd.f32 v5, v3;
	v5 =	vmul.f32 v24, v17  }
0xa1: {  	v0 =	vadd.f32 v1, v0;
	v16 =	vld [tilespmem:$0x5D0];
	v1 =	vmul.f32 v4, v57  }
0xa2: {  	v22 =	vld [tilespmem:$0x5F0];
	v3 =	vadd.f32 v5, v3;
	v5 =	vmul.f32 v27, v18  }
0xa3: {  	v24 =	vld [tilespmem:$0x790];
	v0 =	vadd.f32 v1, v0;
	v1 =	vmul.f32 v20, v54  }
0xa4: {  	v4 =	vld [tilespmem:$0x7C0];
	v3 =	vadd.f32 v5, v3;
	v5 =	vmul.f32 v29, v19  }
0xa5: {  	v6 =	vmul.f32 v6, v51;
	v27 =	vld [tilespmem:$0x7B0];
	v1 =	vadd.f32 v1, v0  }
0xa6: {  	v20 =	vld [tilespmem:$0x7E0];
	v3 =	vadd.f32 v5, v3;
	v5 =	vmul.f32 v31, v21  }
0xa7: {  	v7 =	vmul.f32 v7, v38;
	v29 =	vld [tilespmem:$0x7D0];
	v1 =	vadd.f32 v6, v1  }
0xa8: {  	v0 =	vld [tilespmem:$0x980];
	v3 =	vadd.f32 v5, v3;
	v5 =	vmul.f32 v32, v23  }
0xa9: {  	v8 =	vmul.f32 v8, v33;
	v31 =	vld [tilespmem:$0x7F0];
	v7 =	vadd.f32 v7, v1  }
0xaa: {  	v34 =	vmul.f32 v34, v25;
	v6 =	vld [tilespmem:$0x9A0];
	v5 =	vadd.f32 v5, v3  }
0xab: {  	v7 =	vadd.f32 v8, v7;
	v8 =	vmul.f32 v10, v17;
	v10 =	vmul.f32 v36, v28;
	v36 =	vld [tilespmem:$0x9F0]  }
0xac: {  	v32 =	vld [tilespmem:$0x990]  }
0xad: {  	v5 =	vadd.f32 v34, v5;
	v34 =	vmul.f32 v35, v26;
	v35 =	vld [tilespmem:$0x9D0]  }
0xae: {  	v1 =	vld [tilespmem:$0x9C0]  }
0xaf: {  	v3 =	vld [tilespmem:$0x9B0];
	v7 =	vadd.f32 v8, v7;
	v5 =	vadd.f32 v34, v5;
	v34 =	vmul.f32 v9, v18  }
0xb0: {  	[tilespmem:$0x1FCF0] =	vst v36;
	v36 =	vmul.f32 v37, v30;
	v37 =	vld [tilespmem:$0xB90]  }
0xb1: {  	v5 =	vadd.f32 v10, v5;
	v7 =	vadd.f32 v34, v7;
	v34 =	vld [tilespmem:$0xBA0]  }
0xb2: {  	v13 =	vmul.f32 v13, v19;
	[tilespmem:$0x1FC90] =	vst v35;
	v35 =	vld [tilespmem:$0x9E0]  }
0xb3: {  	v5 =	vadd.f32 v36, v5;
	v36 =	vld [tilespmem:$0xBB0]  }
0xb4: {  	v7 =	vadd.f32 v13, v7;
	v13 =	vld [tilespmem:$0xBD0]  }
0xb5: {  	[tilespmem:$0x1FD50] =	vst v37;
	v37 =	vmul.f32 v11, v21;
	v11 =	vld [tilespmem:$0x410]  }
0xb6: {  	[tilespmem:$0x1FD80] =	vst v34;
	v34 =	vld [tilespmem:$0xBE0]  }
0xb7: {  	v16 =	vmul.f32 v16, v23;
	[tilespmem:$0x1FCC0] =	vst v35;
	v35 =	vld [tilespmem:$0xB80];
	v7 =	vadd.f32 v37, v7;
	v37 =	vmul.f32 v12, v25  }
0xb8: {  	v12 =	vmul.f32 v22, v26;
	v22 =	vmul.f32 v24, v30;
	v24 =	vld [tilespmem:$0x1FBB0]  }
0xb9: {  	[tilespmem:$0x1FDB0] =	vst v36;
	v36 =	vld [tilespmem:$0xBF0]  }
0xba: {  	[tilespmem:$0x1FDF0] =	vst v13;
	v13 =	vld [tilespmem:$0x1FB90];
	v7 =	vadd.f32 v16, v7  }
0xbb: {  	v16 =	vld [tilespmem:$0x1FBA0]  }
0xbc: {  	[tilespmem:$0x1FE00] =	vst v34;
	v7 =	vadd.f32 v37, v7;
	v37 =	vld [tilespmem:$0xDB0]  }
0xbd: {  	v34 =	vld [tilespmem:$0xDE0];
	[tilespmem:$0x1FD20] =	vst v35;
	v35 =	vmul.f32 v39, v61  }
0xbe: {  	v39 =	vld [tilespmem:$0xBC0]  }
0xbf: {  	v40 =	vmul.f32 v40, v59;
	[tilespmem:$0x1FE30] =	vst v36;
	v36 =	vld [tilespmem:$0xDC0];
	v5 =	vadd.f32 v35, v5  }
0xc0: {  	v7 =	vadd.f32 v12, v7;
	v12 =	vmul.f32 v56, v61;
	v56 =	vld [tilespmem:$0x490]  }
0xc1: {  	v2 =	vmul.f32 v2, v28;
	v5 =	vadd.f32 v40, v5;
	v40 =	vld [tilespmem:$0x1FB80]  }
0xc2: {  	v35 =	vmul.f32 v47, v58;
	v47 =	vld [tilespmem:$0xD80]  }
0xc3: {  	v8 =	vmul.f32 v16, v50;
	v16 =	vld [tilespmem:$0x480];
	v2 =	vadd.f32 v2, v7  }
0xc4: {  	v7 =	vld [tilespmem:$0x420]  }
0xc5: {  	[tilespmem:$0x1FDC0] =	vst v39;
	v39 =	vld [tilespmem:$0xDA0];
	v2 =	vadd.f32 v22, v2  }
0xc6: {  	v22 =	vmul.f32 v27, v59;
	v27 =	vld [tilespmem:$0x1FBD0];
	v5 =	vadd.f32 v35, v5;
	v9 =	vmul.f32 v40, v55  }
0xc7: {  	v35 =	vld [tilespmem:$0xDD0]  }
0xc8: {  	v2 =	vadd.f32 v12, v2;
	v12 =	vld [tilespmem:$0x440];
	v5 =	vadd.f32 v9, v5;
	v9 =	vmul.f32 v13, v53  }
0xc9: {  	v13 =	vld [tilespmem:$0x1FBC0]  }
0xca: {  	v4 =	vmul.f32 v4, v58;
	v40 =	vld [tilespmem:$0xD90];
	v5 =	vadd.f32 v9, v5  }
0xcb: {  	v16 =	vmul.f32 v16, v14;
	v2 =	vadd.f32 v22, v2;
	v22 =	vmul.f32 v29, v55;
	v9 =	vld [tilespmem:$0x400]  }
0xcc: {  	v29 =	vmul.f32 v11, v15;
	v11 =	vld [tilespmem:$0x4B0];
	v5 =	vadd.f32 v8, v5;
	v8 =	vmul.f32 v24, v49  }
0xcd: {  	v2 =	vadd.f32 v4, v2;
	v4 =	vadd.f32 $0.0e+00, v16;
	v16 =	vld [tilespmem:$0x1FBF0]  }
0xce: {  	v56 =	vmul.f32 v56, v15;
	v5 =	vadd.f32 v8, v5;
	v8 =	vmul.f32 v13, v48;
	v13 =	vld [tilespmem:$0x1FBE0]  }
0xcf: {  	v15 =	vld [tilespmem:$0x4C0]  }
0xd0: {  	v4 =	vadd.f32 v56, v4;
	v9 =	vmul.f32 v9, v14;
	v14 =	vld [tilespmem:$0x430]  }
0xd1: {  	v56 =	vmul.f32 v11, v62;
	v11 =	vld [tilespmem:$0x460];
	v5 =	vadd.f32 v8, v5;
	v8 =	vmul.f32 v27, v46  }
0xd2: {  	v24 =	vld [tilespmem:$0xDF0];
	v27 =	vadd.f32 $0.0e+00, v9  }
0xd3: {  	v9 =	vmul.f32 v16, v44;
	v16 =	vld [tilespmem:$0x450];
	v5 =	vadd.f32 v8, v5;
	v8 =	vmul.f32 v13, v45  }
0xd4: {  	v12 =	vmul.f32 v12, v57;
	v13 =	vld [tilespmem:$0x4A0]  }
0xd5: {  	v5 =	vadd.f32 v8, v5;
	v8 =	vadd.f32 v29, v27;
	v29 =	vmul.f32 v14, v62;
	v62 =	vld [tilespmem:$0x1FC00]  }
0xd6: {  	v27 =	vmul.f32 v20, v53;
	v20 =	vmul.f32 v15, v57;
	v57 =	vld [tilespmem:$0x680]  }
0xd7: {  	v14 =	vld [tilespmem:$0x800]  }
0xd8: {  	v2 =	vadd.f32 v22, v2;
	v15 =	vld [tilespmem:$0x840]  }
0xd9: {  	v7 =	vmul.f32 v7, v63;
	v5 =	vadd.f32 v9, v5;
	v9 =	vld [tilespmem:$0x4D0]  }
0xda: {  	v2 =	vadd.f32 v27, v2;
	v27 =	vld [tilespmem:$0x470]  }
0xdb: {  	v7 =	vadd.f32 v7, v8;
	v22 =	vmul.f32 v13, v63;
	v63 =	vld [tilespmem:$0x4E0]  }
0xdc: {  	v13 =	vld [tilespmem:$0x8B0]  }
0xdd: {  	v7 =	vadd.f32 v29, v7;
	v4 =	vadd.f32 v22, v4;
	v22 =	vmul.f32 v31, v50;
	v31 =	vld [tilespmem:$0x4F0]  }
0xde: {  	v29 =	vmul.f32 v16, v54;
	v9 =	vmul.f32 v9, v54;
	v54 =	vld [tilespmem:$0x600]  }
0xdf: {  	v7 =	vadd.f32 v12, v7;
	v4 =	vadd.f32 v56, v4;
	v56 =	vld [tilespmem:$0x1FC10]  }
0xe0: {  	v8 =	vmul.f32 v62, v42;
	v62 =	vmul.f32 v63, v51;
	v63 =	vld [tilespmem:$0x610]  }
0xe1: {  	v7 =	vadd.f32 v29, v7;
	v29 =	vld [tilespmem:$0x620]  }
0xe2: {  	v11 =	vmul.f32 v11, v51;
	v4 =	vadd.f32 v20, v4;
	v20 =	vld [tilespmem:$0x690]  }
0xe3: {  	v16 =	vmul.f32 v27, v38;
	v27 =	vmul.f32 v31, v38;
	v31 =	vld [tilespmem:$0x1FC20]  }
0xe4: {  	v7 =	vadd.f32 v11, v7;
	v38 =	vld [tilespmem:$0x6A0]  }
0xe5: {  	v5 =	vadd.f32 v8, v5;
	v8 =	vmul.f32 v56, v41;
	v56 =	vld [tilespmem:$0x630]  }
0xe6: {  	v0 =	vmul.f32 v0, v49;
	v4 =	vadd.f32 v9, v4;
	v7 =	vadd.f32 v16, v7;
	v16 =	vld [tilespmem:$0x640]  }
0xe7: {  	v2 =	vadd.f32 v22, v2;
	v51 =	vmul.f32 v57, v33;
	v10 =	vmul.f32 v54, v33;
	v33 =	vld [tilespmem:$0x660]  }
0xe8: {  	v54 =	vmul.f32 v32, v48;
	v22 =	vadd.f32 v62, v4;
	v62 =	vld [tilespmem:$0x6B0]  }
0xe9: {  	v0 =	vadd.f32 v0, v2;
	v57 =	vmul.f32 v63, v17;
	v63 =	vmul.f32 v20, v17;
	v17 =	vld [tilespmem:$0x1FC30]  }
0xea: {  	v20 =	vld [tilespmem:$0x6C0]  }
0xeb: {  	v0 =	vadd.f32 v54, v0;
	v54 =	vld [tilespmem:$0x6E0]  }
0xec: {  	v2 =	vadd.f32 v27, v22;
	v27 =	vld [tilespmem:$0x650]  }
0xed: {  	v5 =	vadd.f32 v8, v5;
	v8 =	vmul.f32 v31, v43;
	v31 =	vld [tilespmem:$0x6D0]  }
0xee: {  	v7 =	vadd.f32 v10, v7;
	v22 =	vmul.f32 v38, v18;
	v38 =	vld [tilespmem:$0x1FC40]  }
0xef: {  	v9 =	vmul.f32 v29, v18;
	v18 =	vld [tilespmem:$0x1FCA0]  }
0xf0: {  	v7 =	vadd.f32 v57, v7;
	v57 =	vld [tilespmem:$0x670]  }
0xf1: {  	v2 =	vadd.f32 v51, v2;
	v51 =	vmul.f32 v16, v21;
	v16 =	vld [tilespmem:$0x1FC70]  }
0xf2: {  	v29 =	vmul.f32 v56, v19;
	v32 =	vmul.f32 v62, v19;
	v19 =	vld [tilespmem:$0x8C0]  }
0xf3: {  	v6 =	vmul.f32 v6, v46;
	v2 =	vadd.f32 v63, v2;
	v63 =	vld [tilespmem:$0x6F0]  }
0xf4: {  	v56 =	vmul.f32 v20, v21;
	v21 =	vld [tilespmem:$0x1FC60]  }
0xf5: {  	v0 =	vadd.f32 v6, v0;
	v6 =	vmul.f32 v33, v25;
	v25 =	vmul.f32 v54, v25;
	v54 =	vld [tilespmem:$0x8A0]  }
0xf6: {  	v5 =	vadd.f32 v8, v5;
	v8 =	vmul.f32 v17, v52;
	v17 =	vld [tilespmem:$0x1FCB0]  }
0xf7: {  	v20 =	vld [tilespmem:$0x1FD30]  }
0xf8: {  	v62 =	vmul.f32 v27, v23;
	v12 =	vmul.f32 v31, v23;
	v23 =	vld [tilespmem:$0x1FC50]  }
0xf9: {  	v7 =	vadd.f32 v9, v7;
	v27 =	vld [tilespmem:$0x810]  }
0xfa: {  	v31 =	vld [tilespmem:$0x890]  }
0xfb: {  	v7 =	vadd.f32 v29, v7;
	v2 =	vadd.f32 v22, v2;
	v22 =	vld [tilespmem:$0x880]  }
0xfc: {  	v5 =	vadd.f32 v8, v5;
	v8 =	vmul.f32 v38, v60;
	v38 =	vld [tilespmem:$0x820]  }
0xfd: {  	v29 =	vmul.f32 v57, v26;
	v57 =	vld [tilespmem:$0x1FC90];
	v7 =	vadd.f32 v51, v7  }
0xfe: {  	v51 =	vld [tilespmem:$0x1FC80]  }
0xff: {  	v7 =	vadd.f32 v62, v7;
	v62 =	vld [tilespmem:$0x830]  }
0x100: {  	v33 =	vmul.f32 v63, v26;
	v63 =	vmul.f32 v27, v30;
	v27 =	vld [tilespmem:$0x8D0]  }
0x101: {  	v4 =	vmul.f32 v14, v28;
	v14 =	vmul.f32 v31, v30;
	v30 =	vld [tilespmem:$0x1FCE0]  }
0x102: {  	v3 =	vmul.f32 v3, v45;
	v2 =	vadd.f32 v32, v2;
	v31 =	vld [tilespmem:$0x8E0]  }
0x103: {  	v5 =	vadd.f32 v8, v5;
	v8 =	vmul.f32 v21, v23;
	v21 =	vmul.f32 v54, v61;
	v54 =	vld [tilespmem:$0x8F0]  }
0x104: {  	v2 =	vadd.f32 v56, v2;
	v56 =	vmul.f32 v22, v28;
	v22 =	vld [tilespmem:$0x1FCC0]  }
0x105: {  	v0 =	vadd.f32 v3, v0;
	v3 =	vmul.f32 v38, v61;
	v38 =	vld [tilespmem:$0x870]  }
0x106: {  	v9 =	vmul.f32 v57, v42;
	v57 =	vld [tilespmem:$0xA00]  }
0x107: {  	v6 =	vadd.f32 v6, v7;
	v61 =	vld [tilespmem:$0xA80]  }
0x108: {  	v2 =	vadd.f32 v12, v2;
	v5 =	vadd.f32 v8, v5;
	v8 =	vmul.f32 v15, v58;
	v15 =	vld [tilespmem:$0x1FD90]  }
0x109: {  	v6 =	vadd.f32 v29, v6;
	v29 =	vld [tilespmem:$0x860]  }
0x10a: {  	v32 =	vadd.f32 v25, v2;
	v25 =	vld [tilespmem:$0x850]  }
0x10b: {  	v1 =	vmul.f32 v1, v44;
	v26 =	vmul.f32 v62, v59;
	v62 =	vld [tilespmem:$0x1FD20]  }
0x10c: {  	v10 =	vmul.f32 v22, v41;
	v22 =	vld [tilespmem:$0x1FCD0]  }
0x10d: {  	v0 =	vadd.f32 v1, v0;
	v1 =	vadd.f32 v33, v32;
	v33 =	vld [tilespmem:$0x1FCF0]  }
0x10e: {  	v7 =	vmul.f32 v51, v16;
	v32 =	vmul.f32 v19, v58;
	v58 =	vld [tilespmem:$0x1FD10]  }
0x10f: {  	v4 =	vadd.f32 v4, v6;
	v6 =	vmul.f32 v17, v18;
	v17 =	vmul.f32 v38, v50;
	v38 =	vld [tilespmem:$0xAB0]  }
0x110: {  	v19 =	vld [tilespmem:$0x1FD60]  }
0x111: {  	v5 =	vadd.f32 v7, v5;
	v7 =	vmul.f32 v61, v49;
	v61 =	vld [tilespmem:$0x1FDA0]  }
0x112: {  	v0 =	vadd.f32 v9, v0;
	v4 =	vadd.f32 v63, v4;
	v63 =	vld [tilespmem:$0xA10]  }
0x113: {  	v1 =	vadd.f32 v56, v1;
	v56 =	vmul.f32 v27, v55;
	v27 =	vld [tilespmem:$0xA20]  }
0x114: {  	v28 =	vmul.f32 v13, v59;
	v0 =	vadd.f32 v10, v0;
	v10 =	vmul.f32 v31, v53;
	v31 =	vld [tilespmem:$0x1FD50]  }
0x115: {  	v59 =	vmul.f32 v29, v53;
	v29 =	vmul.f32 v57, v49;
	v49 =	vld [tilespmem:$0xA40]  }
0x116: {  	v53 =	vld [tilespmem:$0xAC0]  }
0x117: {  	v57 =	vld [tilespmem:$0xAD0]  }
0x118: {  	v51 =	vmul.f32 v25, v55;
	v25 =	vld [tilespmem:$0xA90]  }
0x119: {  	v55 =	vld [tilespmem:$0xA50]  }
0x11a: {  	v3 =	vadd.f32 v3, v4;
	v1 =	vadd.f32 v14, v1;
	v14 =	vld [tilespmem:$0x1FDD0]  }
0x11b: {  	v4 =	vmul.f32 v30, v22;
	v30 =	vld [tilespmem:$0xAA0]  }
0x11c: {  	v3 =	vadd.f32 v26, v3;
	v26 =	vmul.f32 v54, v50;
	v50 =	vld [tilespmem:$0x1FD70]  }
0x11d: {  	v54 =	vld [tilespmem:$0x1FD80]  }
0x11e: {  	v2 =	vmul.f32 v62, v52;
	v1 =	vadd.f32 v21, v1;
	v21 =	vld [tilespmem:$0x1FD00]  }
0x11f: {  	v9 =	vmul.f32 v33, v43;
	v33 =	vmul.f32 v63, v48;
	v63 =	vld [tilespmem:$0xAE0]  }
0x120: {  	v3 =	vadd.f32 v8, v3;
	v62 =	vmul.f32 v49, v44;
	v8 =	vmul.f32 v53, v44;
	v44 =	vld [tilespmem:$0xC20]  }
0x121: {  	v49 =	vld [tilespmem:$0xC30]  }
0x122: {  	v53 =	vld [tilespmem:$0x1FE20]  }
0x123: {  	v1 =	vadd.f32 v28, v1;
	v28 =	vld [tilespmem:$0x1FD40]  }
0x124: {  	v5 =	vadd.f32 v6, v5;
	v48 =	vmul.f32 v25, v48;
	v25 =	vld [tilespmem:$0xA70]  }
0x125: {  	v3 =	vadd.f32 v51, v3;
	v51 =	vmul.f32 v27, v46;
	v27 =	vld [tilespmem:$0xAF0];
	v1 =	vadd.f32 v32, v1  }
0x126: {  	v0 =	vadd.f32 v9, v0;
	v32 =	vld [tilespmem:$0xA30]  }
0x127: {  	v4 =	vadd.f32 v4, v5;
	v6 =	vmul.f32 v30, v46;
	v30 =	vld [tilespmem:$0x1FDC0];
	v1 =	vadd.f32 v56, v1  }
0x128: {  	v0 =	vadd.f32 v2, v0;
	v2 =	vmul.f32 v31, v60;
	v3 =	vadd.f32 v59, v3;
	v59 =	vld [tilespmem:$0xA60]  }
0x129: {  	v9 =	vmul.f32 v58, v21;
	v58 =	vmul.f32 v38, v45;
	v38 =	vld [tilespmem:$0xC10];
	v1 =	vadd.f32 v10, v1  }
0x12a: {  	v0 =	vadd.f32 v2, v0;
	v2 =	vmul.f32 v54, v23;
	v54 =	vld [tilespmem:$0xC40];
	v3 =	vadd.f32 v17, v3  }
0x12b: {  	v17 =	vld [tilespmem:$0x1FDB0];
	v1 =	vadd.f32 v26, v1  }
0x12c: {  	v4 =	vadd.f32 v9, v4;
	v9 =	vmul.f32 v50, v19;
	v50 =	vld [tilespmem:$0x1FE00];
	v3 =	vadd.f32 v29, v3  }
0x12d: {  	v10 =	vmul.f32 v28, v20;
	v28 =	vld [tilespmem:$0xC00];
	v1 =	vadd.f32 v7, v1  }
0x12e: {  	v56 =	vmul.f32 v32, v45;
	v32 =	vld [tilespmem:$0xC80];
	v3 =	vadd.f32 v33, v3  }
0x12f: {  	v29 =	vmul.f32 v57, v42;
	v57 =	vld [tilespmem:$0x1FE30];
	v1 =	vadd.f32 v48, v1  }
0x130: {  	v45 =	vmul.f32 v27, v43;
	v27 =	vld [tilespmem:$0x1FE50];
	v3 =	vadd.f32 v51, v3  }
0x131: {  	v0 =	vadd.f32 v2, v0;
	v2 =	vmul.f32 v25, v43;
	v43 =	vld [tilespmem:$0xE10];
	v1 =	vadd.f32 v6, v1  }
0x132: {  	v26 =	vmul.f32 v55, v42;
	v42 =	vld [tilespmem:$0x1FDF0];
	v3 =	vadd.f32 v56, v3  }
0x133: {  	v4 =	vadd.f32 v10, v4;
	v10 =	vmul.f32 v61, v15;
	v61 =	vld [tilespmem:$0xCD0];
	v1 =	vadd.f32 v58, v1  }
0x134: {  	v33 =	vld [tilespmem:$0x1FDE0];
	v3 =	vadd.f32 v62, v3  }
0x135: {  	v31 =	vmul.f32 v59, v41;
	v7 =	vmul.f32 v63, v41;
	v41 =	vld [tilespmem:$0xC90];
	v1 =	vadd.f32 v8, v1  }
0x136: {  	v55 =	vmul.f32 v44, v23;
	v12 =	vmul.f32 v17, v16;
	v17 =	vld [tilespmem:$0x1FE10];
	v3 =	vadd.f32 v26, v3  }
0x137: {  	v25 =	vmul.f32 v54, v18;
	v46 =	vmul.f32 v28, v52;
	v28 =	vld [tilespmem:$0xC70];
	v1 =	vadd.f32 v29, v1  }
0x138: {  	v4 =	vadd.f32 v9, v4;
	v51 =	vmul.f32 v38, v60;
	v38 =	vld [tilespmem:$0xE00];
	v3 =	vadd.f32 v31, v3  }
0x139: {  	v9 =	vmul.f32 v30, v18;
	v0 =	vadd.f32 v12, v0;
	v48 =	vld [tilespmem:$0xCA0];
	v1 =	vadd.f32 v7, v1  }
0x13a: {  	v4 =	vadd.f32 v10, v4;
	v56 =	vld [tilespmem:$0xCC0];
	v12 =	vmul.f32 v33, v14;
	v2 =	vadd.f32 v2, v3  }
0x13b: {  	v0 =	vadd.f32 v9, v0;
	v6 =	vmul.f32 v32, v52;
	v52 =	vld [tilespmem:$0xCB0];
	v1 =	vadd.f32 v45, v1  }
0x13c: {  	v32 =	vmul.f32 v40, v15;
	v40 =	vmul.f32 v61, v22;
	v62 =	vld [tilespmem:$0xC60];
	v2 =	vadd.f32 v46, v2  }
0x13d: {  	v5 =	vmul.f32 v41, v60;
	v60 =	vmul.f32 v49, v16;
	v49 =	vld [tilespmem:$0x1FE70];
	v1 =	vadd.f32 v6, v1  }
0x13e: {  	v54 =	vmul.f32 v37, v17;
	v4 =	vadd.f32 v12, v4;
	v58 =	vld [tilespmem:$0xC50];
	v2 =	vadd.f32 v51, v2  }
0x13f: {  	v12 =	vmul.f32 v53, v17;
	v53 =	vld [tilespmem:$0xEA0];
	v59 =	vmul.f32 v48, v23;
	v1 =	vadd.f32 v5, v1  }
0x140: {  	v23 =	vmul.f32 v47, v19;
	v26 =	vld [tilespmem:$0xCE0];
	v8 =	vmul.f32 v42, v22;
	v2 =	vadd.f32 v55, v2  }
0x141: {  	v4 =	vadd.f32 v12, v4;
	v42 =	vld [tilespmem:$0xE80];
	v63 =	vmul.f32 v52, v16;
	v1 =	vadd.f32 v59, v1  }
0x142: {  	v16 =	vld [tilespmem:$0x1FE40];
	v52 =	vmul.f32 v38, v19;
	v0 =	vadd.f32 v8, v0;
	v2 =	vadd.f32 v60, v2  }
0x143: {  	v47 =	vld [tilespmem:$0xE90];
	v29 =	vmul.f32 v56, v18;
	v41 =	vmul.f32 v62, v21;
	v1 =	vadd.f32 v63, v1  }
0x144: {  	v31 =	vld [tilespmem:$0xCF0];
	v30 =	vmul.f32 v58, v22;
	v7 =	vmul.f32 v50, v21;
	v2 =	vadd.f32 v25, v2  }
0x145: {  	v48 =	vld [tilespmem:$0x1FE60];
	v44 =	vmul.f32 v26, v21;
	v46 =	vmul.f32 v28, v20;
	v1 =	vadd.f32 v29, v1  }
0x146: {  	v38 =	vld [tilespmem:$0x1FEA0];
	v56 =	vmul.f32 v42, v19;
	v0 =	vadd.f32 v7, v0;
	v2 =	vadd.f32 v30, v2  }
0x147: {  	v33 =	vmovc v15;
	v58 =	vld [tilespmem:$0xEB0];
	v7 =	vmul.f32 v57, v20;
	v12 =	vmul.f32 v27, v16;
	v1 =	vadd.f32 v40, v1  }
0x148: {  	v22 =	vld [tilespmem:$0xE50];
	v45 =	vmul.f32 v39, v14;
	v57 =	vmul.f32 v43, v33;
	v2 =	vadd.f32 v41, v2  }
0x149: {  	v50 =	vld [tilespmem:$0xE20];
	v51 =	vmul.f32 v31, v20;
	v0 =	vadd.f32 v7, v0;
	v1 =	vadd.f32 v44, v1  }
0x14a: {  	v21 =	vld [tilespmem:$0x1FE90];
	v61 =	vmul.f32 v36, v16;
	v27 =	vmul.f32 v35, v48;
	v2 =	vadd.f32 v46, v2  }
0x14b: {  	v42 =	vmul.f32 v24, v38;
	v55 =	vld [tilespmem:$0xE30];
	v0 =	vadd.f32 v23, v0;
	v1 =	vadd.f32 v51, v1  }
0x14c: {  	v20 =	vld [tilespmem:$0x1FE80];
	v4 =	vadd.f32 v12, v4;
	v12 =	vmul.f32 v49, v48;
	v2 =	vadd.f32 v52, v2  }
0x14d: {  	v60 =	vmul.f32 v47, v33;
	v0 =	vadd.f32 v32, v0;
	v59 =	vld [tilespmem:$0xE40];
	v1 =	vadd.f32 v56, v1  }
0x14e: {  	v19 =	vld [tilespmem:$0xEC0];
	v36 =	vmul.f32 v22, v48;
	v62 =	vmul.f32 v50, v14;
	v63 =	vmovc v14;
	v2 =	vadd.f32 v57, v2  }
0x14f: {  	v26 =	vld [tilespmem:$0xED0];
	v0 =	vadd.f32 v45, v0;
	v23 =	vmul.f32 v53, v63;
	v1 =	vadd.f32 v60, v1  }
0x150: {  	v28 =	vld [tilespmem:$0xE60];
	v4 =	vadd.f32 v12, v4;
	v25 =	vmul.f32 v55, v17;
	v2 =	vadd.f32 v62, v2  }
0x151: {  	v39 =	vld [tilespmem:$0x1FEB0];
	v0 =	vadd.f32 v54, v0;
	v29 =	vmul.f32 v58, v17;
	v1 =	vadd.f32 v23, v1  }
0x152: {  	v31 =	vld [tilespmem:$0xEE0];
	v12 =	vmul.f32 v21, v20;
	v30 =	vmul.f32 v59, v16;
	v2 =	vadd.f32 v25, v2  }
0x153: {  	v33 =	vmul.f32 v19, v16;
	v32 =	vld [tilespmem:$0xE70];
	v0 =	vadd.f32 v61, v0;
	v1 =	vadd.f32 v29, v1  }
0x154: {  	v37 =	vld [tilespmem:$0xEF0];
	v35 =	vmul.f32 v34, v20;
	v4 =	vadd.f32 v12, v4;
	v2 =	vadd.f32 v30, v2  }
0x155: {  	v40 =	vmul.f32 v26, v48;
	v46 =	vld [tilespmem:$0x1FEC0];
	v0 =	vadd.f32 v27, v0;
	v1 =	vadd.f32 v33, v1  }
0x156: {  	v12 =	vmul.f32 v39, v38;
	v41 =	vmul.f32 v28, v20;
	v2 =	vadd.f32 v36, v2  }
0x157: {  	v43 =	vmul.f32 v31, v20;
	v0 =	vadd.f32 v35, v0;
	v1 =	vadd.f32 v40, v1  }
0x158: {  	v4 =	vadd.f32 v12, v4;
	v44 =	vmul.f32 v32, v38;
	v2 =	vadd.f32 v41, v2  }
0x159: {  	v45 =	vmul.f32 v37, v38;
	v51 =	vld [tilespmem:$0x1FED0];
	v0 =	vadd.f32 v42, v0;
	v1 =	vadd.f32 v43, v1  }
0x15a: {  	v47 =	vperm.xlane v4, v46;
	v2 =	vadd.f32 v44, v2  }
0x15b: {  	v48 =	vperm.xlane v0, v46;
	v1 =	vadd.f32 v45, v1  }
0x15c: {  	v4 =	vadd.f32 v4, v47;
	v49 =	vperm.xlane v2, v46  }
0x15d: {  	v56 =	vld [tilespmem:$0x1FEE0];
	v0 =	vadd.f32 v0, v48;
	v50 =	vperm.xlane v1, v46  }
0x15e: {  	v6 =	vperm.xlane v4, v51;
	v2 =	vadd.f32 v2, v49  }
0x15f: {  	v52 =	vperm.xlane v0, v51;
	v1 =	vadd.f32 v1, v50  }
0x160: {  	v53 =	vadd.f32 v4, v6;
	v54 =	vperm.xlane v2, v51  }
0x161: {  	v60 =	vld [tilespmem:$0x1FEF0];
	v0 =	vadd.f32 v0, v52;
	v55 =	vperm.xlane v1, v51  }
0x162: {  	v6 =	vperm.xlane v53, v56;
	v2 =	vadd.f32 v2, v54  }
0x163: {  	v57 =	vperm.xlane v0, v56;
	v1 =	vadd.f32 v1, v55  }
0x164: {  	v3 =	vadd.f32 v53, v6;
	v58 =	vperm.xlane v2, v56  }
0x165: {  	v0 =	vadd.f32 v0, v57;
	v59 =	vperm.xlane v1, v56  }
0x166: {  	v6 =	vperm.xlane v3, v60;
	v2 =	vadd.f32 v2, v58  }
0x167: {  	v61 =	vperm.xlane v0, v60;
	v1 =	vadd.f32 v1, v59  }
0x168: {  	v3 =	vadd.f32 v3, v6;
	v62 =	vperm.xlane v2, v60  }
0x169: {  	v0 =	vadd.f32 v0, v61;
	v63 =	vperm.xlane v1, v60  }
0x16a: {  	v3 =	vnsel vm0, $0x0, v3;
	v2 =	vadd.f32 v2, v62  }
0x16b: {  	v0 =	vsel vm1, v3, v0;
	v1 =	vadd.f32 v1, v63  }
0x16c: {  	v0 =	vsel vm2, v0, v2  }
0x16d: {  	v0 =	vsel vm3, v0, v1  }
.Ltmp4:
0x16e: {  	[tilespmem:$0xF00] =	vst v0;
	(pc) =	sbr.rel .LBB2_3-.Ltmp4, $4  }
0x16f: {  	[spmem:s7] =	stream.linear.scatter [tilespmem:s15], [sflag:$0x3], $0x10, $0x38;
	[tilespmem:$0x1110] =	vst v63  }
0x170: {  	_ =	swait.ge [sflag:s16], $0x10  }
0x171: {  	[sflag:s16] =	ssyncset.done $0x0  }
0x172: {  	[sflag:s16] =	ssyncadd.s32 $0xFFFFFFF0  }
.LBB2_4:
0x173: {  	[tilespmem:s17], [sflag:$0x3] =	stream.linear.gather [spmem:s4], $0x100, $0x38;
	[tilespmem:$0x1110] =	vst v63  }
0x174: {  	_ =	swait.ge [sflag:s16], $0x100  }
0x175: {  	[sflag:s16] =	ssyncset.done $0x0  }
0x176: {  	[sflag:s16] =	ssyncadd.s32 $0xFFFFFF00  }
0x177: {  	v0 =	vld [tilespmem:$0xF80]  }
0x178: {  	v1 =	vld [tilespmem:$0xF90]  }
0x179: {  	v2 =	vld [tilespmem:$0xFA0]  }
0x17a: {  	v3 =	vld [tilespmem:$0xFB0]  }
0x17b: {  	v4 =	vld [tilespmem:$0xFC0]  }
0x17c: {  	v5 =	vld [tilespmem:$0xFD0];
	v0 =	vnsel vm4, $0xFF7FC99E, v0  }
0x17d: {  	v7 =	vld [tilespmem:$0xFE0];
	v1 =	vnsel vm4, $0xFF7FC99E, v1;
	v6 =	vmax.f32 v0, $-3.399999950e+38  }
0x17e: {  	v8 =	vld [tilespmem:$0xFF0];
	v2 =	vnsel vm4, $0xFF7FC99E, v2;
	v6 =	vmax.f32 v6, v1  }
0x17f: {  	v9 =	vld [tilespmem:$0x1000];
	v3 =	vnsel vm4, $0xFF7FC99E, v3;
	v6 =	vmax.f32 v6, v2  }
0x180: {  	v10 =	vld [tilespmem:$0x1010];
	v4 =	vnsel vm4, $0xFF7FC99E, v4;
	v6 =	vmax.f32 v6, v3  }
0x181: {  	v11 =	vld [tilespmem:$0x1020];
	v5 =	vnsel vm4, $0xFF7FC99E, v5;
	v6 =	vmax.f32 v6, v4  }
0x182: {  	v12 =	vld [tilespmem:$0x1030];
	v7 =	vnsel vm4, $0xFF7FC99E, v7;
	v6 =	vmax.f32 v6, v5  }
0x183: {  	v13 =	vld [tilespmem:$0x1040];
	v8 =	vnsel vm4, $0xFF7FC99E, v8;
	v6 =	vmax.f32 v6, v7  }
0x184: {  	v14 =	vld [tilespmem:$0x1050];
	v9 =	vnsel vm4, $0xFF7FC99E, v9;
	v6 =	vmax.f32 v6, v8  }
0x185: {  	v15 =	vld [tilespmem:$0x1060];
	v10 =	vnsel vm4, $0xFF7FC99E, v10;
	v6 =	vmax.f32 v6, v9  }
0x186: {  	v16 =	vld [tilespmem:$0x1070];
	v11 =	vnsel vm4, $0xFF7FC99E, v11;
	v6 =	vmax.f32 v6, v10  }
0x187: {  	v12 =	vnsel vm4, $0xFF7FC99E, v12;
	v6 =	vmax.f32 v6, v11  }
0x188: {  	v18 =	vld [tilespmem:$0x1FEC0];
	v13 =	vnsel vm4, $0xFF7FC99E, v13;
	v6 =	vmax.f32 v6, v12  }
0x189: {  	v14 =	vnsel vm4, $0xFF7FC99E, v14;
	v6 =	vmax.f32 v6, v13  }
0x18a: {  	v15 =	vnsel vm4, $0xFF7FC99E, v15;
	v6 =	vmax.f32 v6, v14  }
0x18b: {  	v19 =	vld [tilespmem:$0x1FED0];
	v16 =	vnsel vm4, $0xFF7FC99E, v16;
	v6 =	vmax.f32 v6, v15  }
0x18c: {  	v6 =	vmax.f32 v6, v16  }
0x18d: {  	v17 =	vperm.xlane v6, v18  }
0x18e: {  	v20 =	vld [tilespmem:$0x1FEE0]  }
0x18f: {  	v6 =	vmax.f32 v6, v17  }
0x190: {  	v17 =	vperm.xlane v6, v19  }
0x191: {  	v21 =	vld [tilespmem:$0x1FEF0]  }
0x192: {  	v6 =	vmax.f32 v6, v17  }
0x193: {  	v17 =	vperm.xlane v6, v20;
	_ =	sdelay $0x1  }
0x194: {  	v6 =	vmax.f32 v6, v17  }
0x195: {  	v17 =	vperm.xlane v6, v21;
	_ =	sdelay $0x1  }
0x196: {  	v6 =	vmax.f32 v6, v17  }
0x197: {  	v0 =	vsub.f32 v0, v6  }
0x198: {  	v1 =	vsub.f32 v1, v6  }
0x199: {  	v2 =	vsub.f32 v2, v6;
	v0 =	vmul.f32 $1.442695020e+00, v0  }
0x19a: {  	v1 =	vmul.f32 $1.442695020e+00, v1  }
0x19b: {  	v53 =	vmul.f32 $1.442695020e+00, v2;
	(erf) = vpow2.f32 v0  }
0x19c: {  	(erf) = vpow2.f32 v1  }
0x19d: {  	(erf) = vpow2.f32 v53;
	_ =	sdelay $0x1  }
0x19e: {  	v55 =	vsub.f32 v3, v6  }
0x19f: {  	v4 =	vsub.f32 v4, v6;
	v5 =	vsub.f32 v5, v6  }
0x1a0: {  	v7 =	vsub.f32 v7, v6;
	v59 =	vsub.f32 v8, v6;
	v2 =	vmul.f32 $1.442695020e+00, v55  }
0x1a1: {  	v61 =	vsub.f32 v9, v6;
	v4 =	vmul.f32 $1.442695020e+00, v4;
	v58 =	vmul.f32 $1.442695020e+00, v5  }
0x1a2: {  	v63 =	vsub.f32 v10, v6;
	v60 =	vmul.f32 $1.442695020e+00, v7;
	v62 =	vmul.f32 $1.442695020e+00, v59  }
0x1a3: {  	v10 =	vsub.f32 v11, v6;
	v9 =	vmul.f32 $1.442695020e+00, v61;
	v54 =	vpop (erf);
	(erf) = vpow2.f32 v2  }
0x1a4: {  	v12 =	vsub.f32 v12, v6;
	v11 =	vmul.f32 $1.442695020e+00, v63;
	v1 =	vpop (erf);
	(erf) = vpow2.f32 v4  }
0x1a5: {  	v23 =	vsub.f32 v13, v6;
	v22 =	vmul.f32 $1.442695020e+00, v10;
	v57 =	vpop (erf);
	(erf) = vpow2.f32 v58  }
0x1a6: {  	v25 =	vsub.f32 v14, v6;
	v24 =	vmul.f32 $1.442695020e+00, v12;
	(erf) = vpow2.f32 v60  }
0x1a7: {  	v27 =	vsub.f32 v15, v6;
	v26 =	vmul.f32 $1.442695020e+00, v23;
	(erf) = vpow2.f32 v62  }
0x1a8: {  	v29 =	vsub.f32 v16, v6;
	v28 =	vmul.f32 $1.442695020e+00, v25;
	(erf) = vpow2.f32 v9  }
0x1a9: {  	v31 =	vmul.f32 $1.442695020e+00, v27;
	(erf) = vpow2.f32 v11  }
0x1aa: {  	v33 =	vmul.f32 $1.442695020e+00, v29;
	v0 =	vnsel vm4, $0x0, v54;
	(erf) = vpow2.f32 v22  }
0x1ab: {  	v56 =	vmax.f32 v0, $0.0e+00;
	v1 =	vnsel vm4, $0x0, v1;
	(erf) = vpow2.f32 v24  }
0x1ac: {  	v3 =	vmax.f32 v56, v1;
	v17 =	vnsel vm4, $0x0, v57;
	v30 =	vpop (erf);
	(erf) = vpow2.f32 v26  }
0x1ad: {  	v3 =	vmax.f32 v3, v17;
	v6 =	vnsel vm4, $0x0, v30;
	v32 =	vpop (erf);
	(erf) = vpow2.f32 v28  }
0x1ae: {  	v3 =	vmax.f32 v3, v6;
	v34 =	vnsel vm4, $0x0, v32;
	v35 =	vpop (erf);
	(erf) = vpow2.f32 v31  }
0x1af: {  	v3 =	vmax.f32 v3, v34;
	v36 =	vnsel vm4, $0x0, v35;
	v37 =	vpop (erf);
	(erf) = vpow2.f32 v33  }
0x1b0: {  	v38 =	vpop (erf);
	v3 =	vmax.f32 v3, v36;
	v7 =	vnsel vm4, $0x0, v37  }
0x1b1: {  	v39 =	vpop (erf);
	v3 =	vmax.f32 v3, v7;
	v2 =	vnsel vm4, $0x0, v38  }
0x1b2: {  	v40 =	vpop (erf);
	v3 =	vmax.f32 v3, v2;
	v8 =	vnsel vm4, $0x0, v39  }
0x1b3: {  	v41 =	vpop (erf);
	v3 =	vmax.f32 v3, v8;
	v9 =	vnsel vm4, $0x0, v40  }
0x1b4: {  	v42 =	vpop (erf);
	v3 =	vmax.f32 v3, v9;
	v10 =	vnsel vm4, $0x0, v41  }
0x1b5: {  	v43 =	vpop (erf);
	v3 =	vmax.f32 v3, v10;
	v11 =	vnsel vm4, $0x0, v42  }
0x1b6: {  	v44 =	vpop (erf);
	v3 =	vmax.f32 v3, v11;
	v12 =	vnsel vm4, $0x0, v43  }
0x1b7: {  	v45 =	vpop (erf);
	v3 =	vmax.f32 v3, v12;
	v13 =	vnsel vm4, $0x0, v44  }
0x1b8: {  	v3 =	vmax.f32 v3, v13;
	v14 =	vnsel vm4, $0x0, v45;
	v46 =	vpop (erf)  }
0x1b9: {  	v3 =	vmax.f32 v3, v14;
	v15 =	vnsel vm4, $0x0, v46  }
0x1ba: {  	v3 =	vmax.f32 v3, v15  }
0x1bb: {  	v47 =	vperm.xlane v3, v18;
	_ =	sdelay $0x1  }
0x1bc: {  	v3 =	vmax.f32 v3, v47  }
0x1bd: {  	v16 =	vperm.xlane v3, v19;
	_ =	sdelay $0x1  }
0x1be: {  	v3 =	vmax.f32 v3, v16  }
0x1bf: {  	v16 =	vperm.xlane v3, v20;
	_ =	sdelay $0x1  }
0x1c0: {  	v48 =	vld [tilespmem:$0x1FF00];
	v3 =	vmax.f32 v3, v16  }
0x1c1: {  	v49 =	vld [tilespmem:$0x1FF10];
	v16 =	vperm.xlane v3, v21  }
0x1c2: {  	v50 =	vld [tilespmem:$0x1FF20]  }
0x1c3: {  	v51 =	vld [tilespmem:$0x1FF30];
	v3 =	vmax.f32 v3, v16  }
0x1c4: {  	v52 =	vld [tilespmem:$0x1FF40];
	vm5 =	vge.f32 v15, v3  }
0x1c5: {  	v53 =	vld [tilespmem:$0x1FF50];
	v15 =	vnsel vm5, $0x40, v48;
	vm5 =	vge.f32 v14, v3  }
0x1c6: {  	v54 =	vld [tilespmem:$0x1FF60];
	v14 =	vsel vm5, v49, v15;
	vm5 =	vge.f32 v13, v3  }
0x1c7: {  	v55 =	vld [tilespmem:$0x1FF70];
	v13 =	vsel vm5, v50, v14;
	vm5 =	vge.f32 v12, v3  }
0x1c8: {  	v56 =	vld [tilespmem:$0x1FF80];
	v12 =	vsel vm5, v51, v13;
	vm5 =	vge.f32 v11, v3  }
0x1c9: {  	v57 =	vld [tilespmem:$0x1FF90];
	v11 =	vsel vm5, v52, v12;
	vm5 =	vge.f32 v10, v3  }
0x1ca: {  	v58 =	vld [tilespmem:$0x1FFA0];
	v10 =	vsel vm5, v53, v11;
	vm5 =	vge.f32 v9, v3  }
0x1cb: {  	v59 =	vld [tilespmem:$0x1FFB0];
	v9 =	vsel vm5, v54, v10;
	vm5 =	vge.f32 v8, v3  }
0x1cc: {  	v60 =	vld [tilespmem:$0x1FFC0];
	v8 =	vsel vm5, v55, v9;
	vm5 =	vge.f32 v2, v3  }
0x1cd: {  	v61 =	vld [tilespmem:$0x1FFD0];
	v2 =	vsel vm5, v56, v8;
	vm5 =	vge.f32 v7, v3  }
0x1ce: {  	v62 =	vld [tilespmem:$0x1FFE0];
	v2 =	vsel vm5, v57, v2;
	vm5 =	vge.f32 v36, v3  }
0x1cf: {  	v63 =	vld [tilespmem:$0x1FFF0];
	v2 =	vsel vm5, v58, v2;
	vm5 =	vge.f32 v34, v3  }
0x1d0: {  	v2 =	vsel vm5, v59, v2;
	vm5 =	vge.f32 v6, v3  }
0x1d1: {  	v2 =	vsel vm5, v60, v2;
	vm5 =	vge.f32 v17, v3  }
0x1d2: {  	v2 =	vsel vm5, v61, v2;
	vm5 =	vge.f32 v1, v3  }
0x1d3: {  	v1 =	vsel vm5, v62, v2;
	vm5 =	vge.f32 v0, v3  }
0x1d4: {  	v0 =	vsel vm5, v63, v1  }
0x1d5: {  	v1 =	vperm.xlane v0, v18;
	_ =	sdelay $0x1  }
0x1d6: {  	vm5 =	vlt.s32 v0, v1  }
0x1d7: {  	v0 =	vsel vm5, v0, v1  }
0x1d8: {  	v1 =	vperm.xlane v0, v19;
	_ =	sdelay $0x1  }
0x1d9: {  	vm5 =	vlt.s32 v0, v1  }
0x1da: {  	v0 =	vsel vm5, v0, v1  }
0x1db: {  	v1 =	vperm.xlane v0, v20;
	_ =	sdelay $0x1  }
0x1dc: {  	vm5 =	vlt.s32 v0, v1  }
0x1dd: {  	v0 =	vsel vm5, v0, v1  }
0x1de: {  	v1 =	vperm.xlane v0, v21;
	_ =	sdelay $0x1  }
0x1df: {  	vm5 =	vlt.s32 v0, v1  }
0x1e0: {  	v0 =	vsel vm5, v0, v1  }
0x1e1: {  	v0 =	vnsel vm0, $0x0, v0  }
.Ltmp5:
0x1e2: {  	[tilespmem:$0x1080] =	vst v0;
	(pc) =	sbr.rel .LBB2_5-.Ltmp5, $4  }
0x1e3: {  	[hbm4b:s2+s5] =	stream.linear.scatter [tilespmem:s18], [sflag:$0x3], $0x80, $0x38;
	[tilespmem:$0x1110] =	vst v63  }
0x1e4: {  	_ =	swait.ge [sflag:s16], $0x80  }
0x1e5: {  	[sflag:s16] =	ssyncset.done $0x0  }
0x1e6: {  	[sflag:s16] =	ssyncadd.s32 $0xFFFFFF80  }
.LBB2_6:
0x1e7: {  	_ =	sfence.sel $0x180000  }
0x1e8: {  	[bflag:$0x0] =	sbarrier.arrive $0xFFFF  }
0x1e9: {  	p0 =	sne.s32 s1, $0x0;
	_ =	strace $0x90000047  }
0x1ea: {  	s0 =	sadd.s32 @!p0 $0x100000, s3;
	[bflag:$0x2] =	sbarrier.arrive $0xFFFF  }
0x1eb: {  	[sflag:s0] =	ssyncadd.tile.s32 @!p0 $0x1;
	_ =	shalt  }
.Lfunc_end2:
_tile_overlayer_lowered:
.L_overlay_start_2:
0x1ec: {  	(tag) =	ssettag $0x2  }
0x1ed: {  	s0 =	rddreg [dreg:$0x0];
	s2 =	stileid.u32  }
0x1ee: {  	s1 =	rddreg [dreg:$0x1];
	p0 =	sne.s32 s2, $0x0  }
0x1ef: {  	s3 =	rddreg [dreg:$0x2];
	[bflag:$0x3] =	sbarrier.arrive $0xFFFF;
	s2 =	simm.s32 @!p0 $0x1C03  }
0x1f0: {  	[timem:s3], [sflag:s2] =	dma.local @!p0 [hbm:s0], s1  }
0x1f1: {  	s0 =	simm.s32 @!p0 $0x3  }
0x1f2: {  	_ =	swait.ge @!p0 [sflag:s0], s1  }
0x1f3: {  	s1 =	ssub.s32 @!p0 $0x0, s1;
	[sflag:s0] =	ssyncset.done @!p0 $0x0  }
0x1f4: {  	[sflag:s0] =	ssyncadd.s32 @!p0 s1  }
0x1f5: {  	[bflag:$0x3] =	sbarrier.arrive $0xFFFF  }
0x1f6: {  	_ =	shalt  }

</sc_bundles>
